<compile_context>
chip_gen: v7x
topology: tpu7x:2x2x1
jax: 0.10.2.dev20260603
libtpu: 0.0.44.dev20260713+nightly
codegen_flags: <defaults>
</compile_context>

<pallas_src>
import functools

import jax
import jax.numpy as jnp
from jax import lax
from jax.experimental import pallas as pl
from jax.experimental.pallas import tpu as pltpu
from jax.experimental.pallas import tpu_sc as plsc

L = 16
NC = 2
NS = 16
NW = NC * NS
S = 4096
T = 200
D = 64
AB = S // NW
TP = AB + 1
SCALE = 8.0

_mesh = plsc.VectorSubcoreMesh(core_axis_name="c", subcore_axis_name="s")


@functools.partial(
    pl.kernel,
    mesh=_mesh,
    out_type=jax.ShapeDtypeStruct((T, D // 8, S // AB, 8, AB), jnp.float32),
    scratch_types=[
        pltpu.VMEM((T, AB), jnp.int32),
        pltpu.VMEM((2 * AB, D), jnp.float32),
        pltpu.VMEM((2 * AB, D), jnp.float32),
        pltpu.VMEM((2, D // 8, 8, TP), jnp.float32),
        pltpu.VMEM((2, D // 8, 8, TP), jnp.float32),
        pltpu.SemaphoreType.DMA,
        pltpu.SemaphoreType.DMA,
        pltpu.SemaphoreType.DMA,
        pltpu.SemaphoreType.DMA,
    ],
    compiler_params=pltpu.CompilerParams(
        use_tc_tiling_on_sc=False, needs_layout_passes=False),
)
def _embed_lookup(table_hbm, idxT_hbm, out_hbm, idx_v, rows0, rows1,
                  tout0, tout1, g0, g1, o0, o1):
    wid = lax.axis_index("s") * NC + lax.axis_index("c")
    a0 = wid * AB
    rows = (rows0, rows1)
    tout = (tout0, tout1)
    gsem = (g0, g1)
    osem = (o0, o1)

    pltpu.sync_copy(idxT_hbm.at[:, pl.ds(a0, AB)], idx_v)

    iota16 = lax.broadcasted_iota(jnp.int32, (L,), 0)

    @plsc.parallel_loop(0, T, unroll=2)
    def _dbl(b):
        for c in range(AB // L):
            sl = pl.ds(c * L, L)
            idx_v[b, sl] = idx_v[b, sl] * 2

    def start_gather(b, p):
        pltpu.async_copy(
            table_hbm.at[idx_v.at[b]], rows[p].at[pl.ds(0, AB)], gsem[p])
        pltpu.async_copy(
            table_hbm.at[idx_v.at[b + 1]], rows[p].at[pl.ds(AB, AB)],
            gsem[p])

    def wait_gather(b, p):
        pltpu.make_async_copy(
            table_hbm.at[idx_v.at[b]], rows[p].at[pl.ds(0, AB)],
            gsem[p]).wait()
        pltpu.make_async_copy(
            table_hbm.at[idx_v.at[b + 1]], rows[p].at[pl.ds(AB, AB)],
            gsem[p]).wait()

    def start_out(b, p):
        pltpu.async_copy(
            tout[p].at[:, :, :, pl.ds(0, AB)],
            out_hbm.at[pl.ds(b, 2), :, wid], osem[p])

    def wait_out(b, p):
        pltpu.make_async_copy(
            tout[p].at[:, :, :, pl.ds(0, AB)],
            out_hbm.at[pl.ds(b, 2), :, wid], osem[p]).wait()

    dhdl = []
    for j in range(D // L):
        d = j * L + iota16
        dhdl.append((d // 8, d % 8))

    def transpose_scale(p):
        @plsc.parallel_loop(0, 2 * AB // 4, unroll=4)
        def _body(i):
            for u in range(4):
                a = i * 4 + u
                half = a // AB
                cols = jnp.full((L,), a % AB, dtype=jnp.int32)
                halves = jnp.full((L,), half, dtype=jnp.int32)
                for j in range(D // L):
                    vals = rows[p][a, pl.ds(j * L, L)] * SCALE
                    plsc.store_scatter(
                        tout[p], [halves, dhdl[j][0], dhdl[j][1], cols],
                        vals)

    start_gather(0, 0)
    start_gather(2, 1)

    wait_gather(0, 0)
    transpose_scale(0)
    start_out(0, 0)
    wait_gather(2, 1)
    transpose_scale(1)
    start_out(2, 1)

    def superstep(k, carry):
        b0 = 4 * k
        b1 = 4 * k + 2
        wait_out(b0, 0)
        start_gather(b0, 0)
        wait_out(b1, 1)
        start_gather(b1, 1)
        wait_gather(b0, 0)
        transpose_scale(0)
        start_out(b0, 0)
        wait_gather(b1, 1)
        transpose_scale(1)
        start_out(b1, 1)
        return carry

    lax.fori_loop(1, T // 4, superstep, 0)
    wait_out(T - 4, 0)
    wait_out(T - 2, 1)


def kernel(token_ids, embed_table):
    idxT = token_ids.T
    tab2 = jnp.pad(embed_table, ((0, 0), (0, D))).reshape(2 * 1000000, D)
    out5 = _embed_lookup(tab2, idxT)
    out = out5.transpose(2, 4, 0, 1, 3).reshape(S, T, D)
    return out

# --- scband reference (transcript-rebuilt; emitter-appended) ---
"""Pipeline reference for scband-token-embedding-6399501271334 (READ-ONLY COPY).

The authoritative reference and input builder live on the scoring server;
editing this copy changes nothing except your own understanding.
"""

import jax, jax.numpy as jnp
import numpy as np

VOCAB_SIZE = 1000000
EMBED_DIM = 64
SCALE = True


def setup_inputs(seed: int = 0) -> dict:
    key = jax.random.key(seed)
    k_idx, k_tab = jax.random.split(key)
    token_ids = jax.random.randint(k_idx, (4096, 200), 0, VOCAB_SIZE, dtype=jnp.int64 if jax.config.jax_enable_x64 else jnp.int32)
    embed_table = jax.random.normal(k_tab, (VOCAB_SIZE, EMBED_DIM), dtype=jnp.float32)
    return {"token_ids": token_ids, "embed_table": embed_table}


def reference(token_ids, embed_table):
    out = jnp.take(embed_table, token_ids, axis=0)
    if SCALE:
        out = out * (EMBED_DIM ** 0.5)
    return out

if __name__ == "__main__":
    import jax
    _d = setup_inputs()
    print(jax.jit(kernel)(*tuple(_d.values())))

</pallas_src>

<mosaic_0001>
#map = affine_map<(d0, d1) -> (0, 0)>
#map1 = affine_map<(d0, d1) -> (0, 0, 0, 0, 0)>
module attributes {stable_mosaic.version = 14 : i64} {
  func.func @_embed_lookup(%arg0: i32, %arg1: i32, %arg2: memref<2000000x64xf32, #tpu.memory_space<hbm>>, %arg3: memref<200x4096xi32, #tpu.memory_space<hbm>>, %arg4: memref<200x8x32x8x128xf32, #tpu.memory_space<hbm>>, %arg5: memref<200x128xi32, #tpu.memory_space<vmem>>, %arg6: memref<256x64xf32, #tpu.memory_space<vmem>>, %arg7: memref<256x64xf32, #tpu.memory_space<vmem>>, %arg8: memref<2x8x8x129xf32, #tpu.memory_space<vmem>>, %arg9: memref<2x8x8x129xf32, #tpu.memory_space<vmem>>, %arg10: memref<!tpu.dma_semaphore, #tpu.memory_space<semaphore_mem>>, %arg11: memref<!tpu.dma_semaphore, #tpu.memory_space<semaphore_mem>>, %arg12: memref<!tpu.dma_semaphore, #tpu.memory_space<semaphore_mem>>, %arg13: memref<!tpu.dma_semaphore, #tpu.memory_space<semaphore_mem>>) attributes {dimension_semantics = [#tpu.dimension_semantics<core_parallel>, #tpu.dimension_semantics<subcore_parallel>], iteration_bounds = array<i64: 2, 16>, scalar_prefetch = 0 : i64, scratch_operands = 9 : i64, tpu.core_type = #tpu.core_type<sc_vector_subcore>, window_params = [{transform_indices = #map}, {transform_indices = #map}, {transform_indices = #map1}]} {
    %mul3A = arith.constant 2 : i32
    %mul3A_0 = arith.muli %arg1, %mul3A : i32
    %add3A = arith.addi %mul3A_0, %arg0 : i32
    %mul3A_1 = arith.constant 128 : i32
    %mul3A_2 = arith.muli %add3A, %mul3A_1 : i32
    "tpu.region"() ({
      %run_scoped3A = tpu.sem_alloc : memref<!tpu.dma_semaphore, #tpu.memory_space<semaphore_mem>>
      %dma_start3A_396 = arith.constant 0 : i32
      %dma_start3A_397 = tpu.memref_slice %arg3[%dma_start3A_396, %mul3A_2] : memref<200x4096xi32, #tpu.memory_space<hbm>> -> memref<200x128xi32, #tpu.memory_space<hbm>>
      %dma_start3A_398 = arith.constant 0 : i32
      %dma_start3A_399 = tpu.memref_slice %arg3[%dma_start3A_398, %mul3A_2] : memref<200x4096xi32, #tpu.memory_space<hbm>> -> memref<200x128xi32, #tpu.memory_space<hbm>>
      tpu.enqueue_dma source(%dma_start3A_399 : memref<200x128xi32, #tpu.memory_space<hbm>>) target(%arg5 : memref<200x128xi32, #tpu.memory_space<vmem>>) target_semaphore(%run_scoped3A : memref<!tpu.dma_semaphore, #tpu.memory_space<semaphore_mem>>)
      %dma_wait3A_400 = arith.constant 0 : i32
      %dma_wait3A_401 = tpu.memref_slice %arg3[%dma_wait3A_400, %mul3A_2] : memref<200x4096xi32, #tpu.memory_space<hbm>> -> memref<200x128xi32, #tpu.memory_space<hbm>>
      %dma_wait3A_402 = arith.constant 0 : i32
      %dma_wait3A_403 = tpu.memref_slice %arg3[%dma_wait3A_402, %mul3A_2] : memref<200x4096xi32, #tpu.memory_space<hbm>> -> memref<200x128xi32, #tpu.memory_space<hbm>>
      tpu.wait_dma2 semaphore(%run_scoped3A : memref<!tpu.dma_semaphore, #tpu.memory_space<semaphore_mem>>) src(%dma_wait3A_403 : memref<200x128xi32, #tpu.memory_space<hbm>>) dst(%arg5 : memref<200x128xi32, #tpu.memory_space<vmem>>)
      tpu.yield
    }) : () -> ()
    %iota3A = tpu.iota {dimensions = array<i32: 0>} : vector<16xi32>
    %parallel_loop3A = arith.constant 0 : i32
    %parallel_loop3A_3 = arith.constant 200 : i32
    %parallel_loop3A_4 = arith.constant 1 : i32
    scf.for %parallel_loop3A_396 = %parallel_loop3A to %parallel_loop3A_3 step %parallel_loop3A_4  : i32 {
      %parallel_loop3A_397 = arith.index_cast %parallel_loop3A_396 : i32 to index
      %parallel_loop3A_398 = arith.constant 0 : index
      %parallel_loop3A_399 = tpu.vector_load %arg5[%parallel_loop3A_397, %parallel_loop3A_398] {strides = array<i32>} : memref<200x128xi32, #tpu.memory_space<vmem>>, vector<16xi32>,
      %parallel_loop3A_400 = arith.constant 2 : i32
      %parallel_loop3A_401 = vector.broadcast %parallel_loop3A_400 : i32 to vector<16xi32>
      %parallel_loop3A_402 = arith.muli %parallel_loop3A_399, %parallel_loop3A_401 : vector<16xi32>
      %parallel_loop3A_403 = arith.index_cast %parallel_loop3A_396 : i32 to index
      %parallel_loop3A_404 = arith.constant 0 : index
      %parallel_loop3A_405 = tpu.vector_load %arg5[%parallel_loop3A_403, %parallel_loop3A_404] {strides = array<i32>} : memref<200x128xi32, #tpu.memory_space<vmem>>, vector<16xi32>,
      tpu.vector_store %arg5[%parallel_loop3A_403, %parallel_loop3A_404], %parallel_loop3A_402 {strides = array<i32>} : memref<200x128xi32, #tpu.memory_space<vmem>>, vector<16xi32>,
      %parallel_loop3A_406 = arith.index_cast %parallel_loop3A_396 : i32 to index
      %parallel_loop3A_407 = arith.constant 16 : index
      %parallel_loop3A_408 = tpu.vector_load %arg5[%parallel_loop3A_406, %parallel_loop3A_407] {strides = array<i32>} : memref<200x128xi32, #tpu.memory_space<vmem>>, vector<16xi32>,
      %parallel_loop3A_409 = arith.constant 2 : i32
      %parallel_loop3A_410 = vector.broadcast %parallel_loop3A_409 : i32 to vector<16xi32>
      %parallel_loop3A_411 = arith.muli %parallel_loop3A_408, %parallel_loop3A_410 : vector<16xi32>
      %parallel_loop3A_412 = arith.index_cast %parallel_loop3A_396 : i32 to index
      %parallel_loop3A_413 = arith.constant 16 : index
      %parallel_loop3A_414 = tpu.vector_load %arg5[%parallel_loop3A_412, %parallel_loop3A_413] {strides = array<i32>} : memref<200x128xi32, #tpu.memory_space<vmem>>, vector<16xi32>,
      tpu.vector_store %arg5[%parallel_loop3A_412, %parallel_loop3A_413], %parallel_loop3A_411 {strides = array<i32>} : memref<200x128xi32, #tpu.memory_space<vmem>>, vector<16xi32>,
      %parallel_loop3A_415 = arith.index_cast %parallel_loop3A_396 : i32 to index
      %parallel_loop3A_416 = arith.constant 32 : index
      %parallel_loop3A_417 = tpu.vector_load %arg5[%parallel_loop3A_415, %parallel_loop3A_416] {strides = array<i32>} : memref<200x128xi32, #tpu.memory_space<vmem>>, vector<16xi32>,
      %parallel_loop3A_418 = arith.constant 2 : i32
      %parallel_loop3A_419 = vector.broadcast %parallel_loop3A_418 : i32 to vector<16xi32>
      %parallel_loop3A_420 = arith.muli %parallel_loop3A_417, %parallel_loop3A_419 : vector<16xi32>
      %parallel_loop3A_421 = arith.index_cast %parallel_loop3A_396 : i32 to index
      %parallel_loop3A_422 = arith.constant 32 : index
      %parallel_loop3A_423 = tpu.vector_load %arg5[%parallel_loop3A_421, %parallel_loop3A_422] {strides = array<i32>} : memref<200x128xi32, #tpu.memory_space<vmem>>, vector<16xi32>,
      tpu.vector_store %arg5[%parallel_loop3A_421, %parallel_loop3A_422], %parallel_loop3A_420 {strides = array<i32>} : memref<200x128xi32, #tpu.memory_space<vmem>>, vector<16xi32>,
      %parallel_loop3A_424 = arith.index_cast %parallel_loop3A_396 : i32 to index
      %parallel_loop3A_425 = arith.constant 48 : index
      %parallel_loop3A_426 = tpu.vector_load %arg5[%parallel_loop3A_424, %parallel_loop3A_425] {strides = array<i32>} : memref<200x128xi32, #tpu.memory_space<vmem>>, vector<16xi32>,
      %parallel_loop3A_427 = arith.constant 2 : i32
      %parallel_loop3A_428 = vector.broadcast %parallel_loop3A_427 : i32 to vector<16xi32>
      %parallel_loop3A_429 = arith.muli %parallel_loop3A_426, %parallel_loop3A_428 : vector<16xi32>
      %parallel_loop3A_430 = arith.index_cast %parallel_loop3A_396 : i32 to index
      %parallel_loop3A_431 = arith.constant 48 : index
      %parallel_loop3A_432 = tpu.vector_load %arg5[%parallel_loop3A_430, %parallel_loop3A_431] {strides = array<i32>} : memref<200x128xi32, #tpu.memory_space<vmem>>, vector<16xi32>,
      tpu.vector_store %arg5[%parallel_loop3A_430, %parallel_loop3A_431], %parallel_loop3A_429 {strides = array<i32>} : memref<200x128xi32, #tpu.memory_space<vmem>>, vector<16xi32>,
      %parallel_loop3A_433 = arith.index_cast %parallel_loop3A_396 : i32 to index
      %parallel_loop3A_434 = arith.constant 64 : index
      %parallel_loop3A_435 = tpu.vector_load %arg5[%parallel_loop3A_433, %parallel_loop3A_434] {strides = array<i32>} : memref<200x128xi32, #tpu.memory_space<vmem>>, vector<16xi32>,
      %parallel_loop3A_436 = arith.constant 2 : i32
      %parallel_loop3A_437 = vector.broadcast %parallel_loop3A_436 : i32 to vector<16xi32>
      %parallel_loop3A_438 = arith.muli %parallel_loop3A_435, %parallel_loop3A_437 : vector<16xi32>
      %parallel_loop3A_439 = arith.index_cast %parallel_loop3A_396 : i32 to index
      %parallel_loop3A_440 = arith.constant 64 : index
      %parallel_loop3A_441 = tpu.vector_load %arg5[%parallel_loop3A_439, %parallel_loop3A_440] {strides = array<i32>} : memref<200x128xi32, #tpu.memory_space<vmem>>, vector<16xi32>,
      tpu.vector_store %arg5[%parallel_loop3A_439, %parallel_loop3A_440], %parallel_loop3A_438 {strides = array<i32>} : memref<200x128xi32, #tpu.memory_space<vmem>>, vector<16xi32>,
      %parallel_loop3A_442 = arith.index_cast %parallel_loop3A_396 : i32 to index
      %parallel_loop3A_443 = arith.constant 80 : index
      %parallel_loop3A_444 = tpu.vector_load %arg5[%parallel_loop3A_442, %parallel_loop3A_443] {strides = array<i32>} : memref<200x128xi32, #tpu.memory_space<vmem>>, vector<16xi32>,
      %parallel_loop3A_445 = arith.constant 2 : i32
      %parallel_loop3A_446 = vector.broadcast %parallel_loop3A_445 : i32 to vector<16xi32>
      %parallel_loop3A_447 = arith.muli %parallel_loop3A_444, %parallel_loop3A_446 : vector<16xi32>
      %parallel_loop3A_448 = arith.index_cast %parallel_loop3A_396 : i32 to index
      %parallel_loop3A_449 = arith.constant 80 : index
      %parallel_loop3A_450 = tpu.vector_load %arg5[%parallel_loop3A_448, %parallel_loop3A_449] {strides = array<i32>} : memref<200x128xi32, #tpu.memory_space<vmem>>, vector<16xi32>,
      tpu.vector_store %arg5[%parallel_loop3A_448, %parallel_loop3A_449], %parallel_loop3A_447 {strides = array<i32>} : memref<200x128xi32, #tpu.memory_space<vmem>>, vector<16xi32>,
      %parallel_loop3A_451 = arith.index_cast %parallel_loop3A_396 : i32 to index
      %parallel_loop3A_452 = arith.constant 96 : index
      %parallel_loop3A_453 = tpu.vector_load %arg5[%parallel_loop3A_451, %parallel_loop3A_452] {strides = array<i32>} : memref<200x128xi32, #tpu.memory_space<vmem>>, vector<16xi32>,
      %parallel_loop3A_454 = arith.constant 2 : i32
      %parallel_loop3A_455 = vector.broadcast %parallel_loop3A_454 : i32 to vector<16xi32>
      %parallel_loop3A_456 = arith.muli %parallel_loop3A_453, %parallel_loop3A_455 : vector<16xi32>
      %parallel_loop3A_457 = arith.index_cast %parallel_loop3A_396 : i32 to index
      %parallel_loop3A_458 = arith.constant 96 : index
      %parallel_loop3A_459 = tpu.vector_load %arg5[%parallel_loop3A_457, %parallel_loop3A_458] {strides = array<i32>} : memref<200x128xi32, #tpu.memory_space<vmem>>, vector<16xi32>,
      tpu.vector_store %arg5[%parallel_loop3A_457, %parallel_loop3A_458], %parallel_loop3A_456 {strides = array<i32>} : memref<200x128xi32, #tpu.memory_space<vmem>>, vector<16xi32>,
      %parallel_loop3A_460 = arith.index_cast %parallel_loop3A_396 : i32 to index
      %parallel_loop3A_461 = arith.constant 112 : index
      %parallel_loop3A_462 = tpu.vector_load %arg5[%parallel_loop3A_460, %parallel_loop3A_461] {strides = array<i32>} : memref<200x128xi32, #tpu.memory_space<vmem>>, vector<16xi32>,
      %parallel_loop3A_463 = arith.constant 2 : i32
      %parallel_loop3A_464 = vector.broadcast %parallel_loop3A_463 : i32 to vector<16xi32>
      %parallel_loop3A_465 = arith.muli %parallel_loop3A_462, %parallel_loop3A_464 : vector<16xi32>
      %parallel_loop3A_466 = arith.index_cast %parallel_loop3A_396 : i32 to index
      %parallel_loop3A_467 = arith.constant 112 : index
      %parallel_loop3A_468 = tpu.vector_load %arg5[%parallel_loop3A_466, %parallel_loop3A_467] {strides = array<i32>} : memref<200x128xi32, #tpu.memory_space<vmem>>, vector<16xi32>,
      tpu.vector_store %arg5[%parallel_loop3A_466, %parallel_loop3A_467], %parallel_loop3A_465 {strides = array<i32>} : memref<200x128xi32, #tpu.memory_space<vmem>>, vector<16xi32>,
    } {sc.loop_unroll_factor = 2 : i64, sc.parallel_access}
    %add3A_5 = arith.constant 0 : i32
    %add3A_6 = vector.broadcast %add3A_5 : i32 to vector<16xi32>
    %add3A_7 = arith.addi %add3A_6, %iota3A : vector<16xi32>
    %jit3A = arith.constant 8 : i32
    %div3A = vector.broadcast %jit3A : i32 to vector<16xi32>
    %div3A_8 = arith.divsi %add3A_7, %div3A : vector<16xi32>
    %sign3A = arith.constant 0 : i32
    %sign3A_9 = vector.broadcast %sign3A : i32 to vector<16xi32>
    %sign3A_10 = arith.cmpi sgt, %add3A_7, %sign3A_9 : vector<16xi32>
    %sign3A_11 = arith.extui %sign3A_10 : vector<16xi1> to vector<16xi32>
    %sign3A_12 = arith.constant 0 : i32
    %sign3A_13 = vector.broadcast %sign3A_12 : i32 to vector<16xi32>
    %sign3A_14 = arith.cmpi slt, %add3A_7, %sign3A_13 : vector<16xi32>
    %sign3A_15 = arith.extui %sign3A_14 : vector<16xi1> to vector<16xi32>
    %sign3A_16 = arith.subi %sign3A_11, %sign3A_15 : vector<16xi32>
    %sign3A_17 = arith.constant 0 : i32
    %sign3A_18 = arith.cmpi sgt, %jit3A, %sign3A_17 : i32
    %sign3A_19 = arith.extui %sign3A_18 : i1 to i32
    %sign3A_20 = arith.constant 0 : i32
    %sign3A_21 = arith.cmpi slt, %jit3A, %sign3A_20 : i32
    %sign3A_22 = arith.extui %sign3A_21 : i1 to i32
    %sign3A_23 = arith.subi %sign3A_19, %sign3A_22 : i32
    %ne3A = vector.broadcast %sign3A_23 : i32 to vector<16xi32>
    %ne3A_24 = arith.cmpi ne, %sign3A_16, %ne3A : vector<16xi32>
    %rem3A = vector.broadcast %jit3A : i32 to vector<16xi32>
    %rem3A_25 = arith.remsi %add3A_7, %rem3A : vector<16xi32>
    %ne3A_26 = arith.constant 0 : i32
    %ne3A_27 = vector.broadcast %ne3A_26 : i32 to vector<16xi32>
    %ne3A_28 = arith.cmpi ne, %rem3A_25, %ne3A_27 : vector<16xi32>
    %and3A = arith.andi %ne3A_24, %ne3A_28 : vector<16xi1>
    %sub3A = arith.constant 1 : i32
    %sub3A_29 = vector.broadcast %sub3A : i32 to vector<16xi32>
    %sub3A_30 = arith.subi %div3A_8, %sub3A_29 : vector<16xi32>
    %select_n3A = arith.select %and3A, %sub3A_30, %div3A_8 : vector<16xi1>, vector<16xi32>
    %jit3A_31 = arith.constant 8 : i32
    %eq3A = arith.constant 0 : i32
    %eq3A_32 = arith.cmpi eq, %jit3A_31, %eq3A : i32
    %jit3A_33 = arith.constant 1 : i32
    %select_n3A_34 = arith.select %eq3A_32, %jit3A_33, %jit3A_31 : i32
    %rem3A_35 = vector.broadcast %select_n3A_34 : i32 to vector<16xi32>
    %rem3A_36 = arith.remsi %add3A_7, %rem3A_35 : vector<16xi32>
    %ne3A_37 = arith.constant 0 : i32
    %ne3A_38 = vector.broadcast %ne3A_37 : i32 to vector<16xi32>
    %ne3A_39 = arith.cmpi ne, %rem3A_36, %ne3A_38 : vector<16xi32>
    %lt3A = arith.constant 0 : i32
    %lt3A_40 = vector.broadcast %lt3A : i32 to vector<16xi32>
    %lt3A_41 = arith.cmpi slt, %rem3A_36, %lt3A_40 : vector<16xi32>
    %lt3A_42 = arith.constant 0 : i32
    %lt3A_43 = arith.cmpi slt, %select_n3A_34, %lt3A_42 : i32
    %ne3A_44 = vector.broadcast %lt3A_43 : i1 to vector<16xi1>
    %ne3A_45 = vector.broadcast %ne3A_44 : vector<16xi1> to vector<16xi1>
    %ne3A_46 = arith.xori %lt3A_41, %ne3A_45 : vector<16xi1>
    %and3A_47 = arith.andi %ne3A_46, %ne3A_39 : vector<16xi1>
    %add3A_48 = vector.broadcast %select_n3A_34 : i32 to vector<16xi32>
    %add3A_49 = arith.addi %rem3A_36, %add3A_48 : vector<16xi32>
    %select_n3A_50 = arith.select %and3A_47, %add3A_49, %rem3A_36 : vector<16xi1>, vector<16xi32>
    %add3A_51 = arith.constant 16 : i32
    %add3A_52 = vector.broadcast %add3A_51 : i32 to vector<16xi32>
    %add3A_53 = arith.addi %add3A_52, %iota3A : vector<16xi32>
    %jit3A_54 = arith.constant 8 : i32
    %div3A_55 = vector.broadcast %jit3A_54 : i32 to vector<16xi32>
    %div3A_56 = arith.divsi %add3A_53, %div3A_55 : vector<16xi32>
    %sign3A_57 = arith.constant 0 : i32
    %sign3A_58 = vector.broadcast %sign3A_57 : i32 to vector<16xi32>
    %sign3A_59 = arith.cmpi sgt, %add3A_53, %sign3A_58 : vector<16xi32>
    %sign3A_60 = arith.extui %sign3A_59 : vector<16xi1> to vector<16xi32>
    %sign3A_61 = arith.constant 0 : i32
    %sign3A_62 = vector.broadcast %sign3A_61 : i32 to vector<16xi32>
    %sign3A_63 = arith.cmpi slt, %add3A_53, %sign3A_62 : vector<16xi32>
    %sign3A_64 = arith.extui %sign3A_63 : vector<16xi1> to vector<16xi32>
    %sign3A_65 = arith.subi %sign3A_60, %sign3A_64 : vector<16xi32>
    %sign3A_66 = arith.constant 0 : i32
    %sign3A_67 = arith.cmpi sgt, %jit3A_54, %sign3A_66 : i32
    %sign3A_68 = arith.extui %sign3A_67 : i1 to i32
    %sign3A_69 = arith.constant 0 : i32
    %sign3A_70 = arith.cmpi slt, %jit3A_54, %sign3A_69 : i32
    %sign3A_71 = arith.extui %sign3A_70 : i1 to i32
    %sign3A_72 = arith.subi %sign3A_68, %sign3A_71 : i32
    %ne3A_73 = vector.broadcast %sign3A_72 : i32 to vector<16xi32>
    %ne3A_74 = arith.cmpi ne, %sign3A_65, %ne3A_73 : vector<16xi32>
    %rem3A_75 = vector.broadcast %jit3A_54 : i32 to vector<16xi32>
    %rem3A_76 = arith.remsi %add3A_53, %rem3A_75 : vector<16xi32>
    %ne3A_77 = arith.constant 0 : i32
    %ne3A_78 = vector.broadcast %ne3A_77 : i32 to vector<16xi32>
    %ne3A_79 = arith.cmpi ne, %rem3A_76, %ne3A_78 : vector<16xi32>
    %and3A_80 = arith.andi %ne3A_74, %ne3A_79 : vector<16xi1>
    %sub3A_81 = arith.constant 1 : i32
    %sub3A_82 = vector.broadcast %sub3A_81 : i32 to vector<16xi32>
    %sub3A_83 = arith.subi %div3A_56, %sub3A_82 : vector<16xi32>
    %select_n3A_84 = arith.select %and3A_80, %sub3A_83, %div3A_56 : vector<16xi1>, vector<16xi32>
    %jit3A_85 = arith.constant 8 : i32
    %eq3A_86 = arith.constant 0 : i32
    %eq3A_87 = arith.cmpi eq, %jit3A_85, %eq3A_86 : i32
    %jit3A_88 = arith.constant 1 : i32
    %select_n3A_89 = arith.select %eq3A_87, %jit3A_88, %jit3A_85 : i32
    %rem3A_90 = vector.broadcast %select_n3A_89 : i32 to vector<16xi32>
    %rem3A_91 = arith.remsi %add3A_53, %rem3A_90 : vector<16xi32>
    %ne3A_92 = arith.constant 0 : i32
    %ne3A_93 = vector.broadcast %ne3A_92 : i32 to vector<16xi32>
    %ne3A_94 = arith.cmpi ne, %rem3A_91, %ne3A_93 : vector<16xi32>
    %lt3A_95 = arith.constant 0 : i32
    %lt3A_96 = vector.broadcast %lt3A_95 : i32 to vector<16xi32>
    %lt3A_97 = arith.cmpi slt, %rem3A_91, %lt3A_96 : vector<16xi32>
    %lt3A_98 = arith.constant 0 : i32
    %lt3A_99 = arith.cmpi slt, %select_n3A_89, %lt3A_98 : i32
    %ne3A_100 = vector.broadcast %lt3A_99 : i1 to vector<16xi1>
    %ne3A_101 = vector.broadcast %ne3A_100 : vector<16xi1> to vector<16xi1>
    %ne3A_102 = arith.xori %lt3A_97, %ne3A_101 : vector<16xi1>
    %and3A_103 = arith.andi %ne3A_102, %ne3A_94 : vector<16xi1>
    %add3A_104 = vector.broadcast %select_n3A_89 : i32 to vector<16xi32>
    %add3A_105 = arith.addi %rem3A_91, %add3A_104 : vector<16xi32>
    %select_n3A_106 = arith.select %and3A_103, %add3A_105, %rem3A_91 : vector<16xi1>, vector<16xi32>
    %add3A_107 = arith.constant 32 : i32
    %add3A_108 = vector.broadcast %add3A_107 : i32 to vector<16xi32>
    %add3A_109 = arith.addi %add3A_108, %iota3A : vector<16xi32>
    %jit3A_110 = arith.constant 8 : i32
    %div3A_111 = vector.broadcast %jit3A_110 : i32 to vector<16xi32>
    %div3A_112 = arith.divsi %add3A_109, %div3A_111 : vector<16xi32>
    %sign3A_113 = arith.constant 0 : i32
    %sign3A_114 = vector.broadcast %sign3A_113 : i32 to vector<16xi32>
    %sign3A_115 = arith.cmpi sgt, %add3A_109, %sign3A_114 : vector<16xi32>
    %sign3A_116 = arith.extui %sign3A_115 : vector<16xi1> to vector<16xi32>
    %sign3A_117 = arith.constant 0 : i32
    %sign3A_118 = vector.broadcast %sign3A_117 : i32 to vector<16xi32>
    %sign3A_119 = arith.cmpi slt, %add3A_109, %sign3A_118 : vector<16xi32>
    %sign3A_120 = arith.extui %sign3A_119 : vector<16xi1> to vector<16xi32>
    %sign3A_121 = arith.subi %sign3A_116, %sign3A_120 : vector<16xi32>
    %sign3A_122 = arith.constant 0 : i32
    %sign3A_123 = arith.cmpi sgt, %jit3A_110, %sign3A_122 : i32
    %sign3A_124 = arith.extui %sign3A_123 : i1 to i32
    %sign3A_125 = arith.constant 0 : i32
    %sign3A_126 = arith.cmpi slt, %jit3A_110, %sign3A_125 : i32
    %sign3A_127 = arith.extui %sign3A_126 : i1 to i32
    %sign3A_128 = arith.subi %sign3A_124, %sign3A_127 : i32
    %ne3A_129 = vector.broadcast %sign3A_128 : i32 to vector<16xi32>
    %ne3A_130 = arith.cmpi ne, %sign3A_121, %ne3A_129 : vector<16xi32>
    %rem3A_131 = vector.broadcast %jit3A_110 : i32 to vector<16xi32>
    %rem3A_132 = arith.remsi %add3A_109, %rem3A_131 : vector<16xi32>
    %ne3A_133 = arith.constant 0 : i32
    %ne3A_134 = vector.broadcast %ne3A_133 : i32 to vector<16xi32>
    %ne3A_135 = arith.cmpi ne, %rem3A_132, %ne3A_134 : vector<16xi32>
    %and3A_136 = arith.andi %ne3A_130, %ne3A_135 : vector<16xi1>
    %sub3A_137 = arith.constant 1 : i32
    %sub3A_138 = vector.broadcast %sub3A_137 : i32 to vector<16xi32>
    %sub3A_139 = arith.subi %div3A_112, %sub3A_138 : vector<16xi32>
    %select_n3A_140 = arith.select %and3A_136, %sub3A_139, %div3A_112 : vector<16xi1>, vector<16xi32>
    %jit3A_141 = arith.constant 8 : i32
    %eq3A_142 = arith.constant 0 : i32
    %eq3A_143 = arith.cmpi eq, %jit3A_141, %eq3A_142 : i32
    %jit3A_144 = arith.constant 1 : i32
    %select_n3A_145 = arith.select %eq3A_143, %jit3A_144, %jit3A_141 : i32
    %rem3A_146 = vector.broadcast %select_n3A_145 : i32 to vector<16xi32>
    %rem3A_147 = arith.remsi %add3A_109, %rem3A_146 : vector<16xi32>
    %ne3A_148 = arith.constant 0 : i32
    %ne3A_149 = vector.broadcast %ne3A_148 : i32 to vector<16xi32>
    %ne3A_150 = arith.cmpi ne, %rem3A_147, %ne3A_149 : vector<16xi32>
    %lt3A_151 = arith.constant 0 : i32
    %lt3A_152 = vector.broadcast %lt3A_151 : i32 to vector<16xi32>
    %lt3A_153 = arith.cmpi slt, %rem3A_147, %lt3A_152 : vector<16xi32>
    %lt3A_154 = arith.constant 0 : i32
    %lt3A_155 = arith.cmpi slt, %select_n3A_145, %lt3A_154 : i32
    %ne3A_156 = vector.broadcast %lt3A_155 : i1 to vector<16xi1>
    %ne3A_157 = vector.broadcast %ne3A_156 : vector<16xi1> to vector<16xi1>
    %ne3A_158 = arith.xori %lt3A_153, %ne3A_157 : vector<16xi1>
    %and3A_159 = arith.andi %ne3A_158, %ne3A_150 : vector<16xi1>
    %add3A_160 = vector.broadcast %select_n3A_145 : i32 to vector<16xi32>
    %add3A_161 = arith.addi %rem3A_147, %add3A_160 : vector<16xi32>
    %select_n3A_162 = arith.select %and3A_159, %add3A_161, %rem3A_147 : vector<16xi1>, vector<16xi32>
    %add3A_163 = arith.constant 48 : i32
    %add3A_164 = vector.broadcast %add3A_163 : i32 to vector<16xi32>
    %add3A_165 = arith.addi %add3A_164, %iota3A : vector<16xi32>
    %jit3A_166 = arith.constant 8 : i32
    %div3A_167 = vector.broadcast %jit3A_166 : i32 to vector<16xi32>
    %div3A_168 = arith.divsi %add3A_165, %div3A_167 : vector<16xi32>
    %sign3A_169 = arith.constant 0 : i32
    %sign3A_170 = vector.broadcast %sign3A_169 : i32 to vector<16xi32>
    %sign3A_171 = arith.cmpi sgt, %add3A_165, %sign3A_170 : vector<16xi32>
    %sign3A_172 = arith.extui %sign3A_171 : vector<16xi1> to vector<16xi32>
    %sign3A_173 = arith.constant 0 : i32
    %sign3A_174 = vector.broadcast %sign3A_173 : i32 to vector<16xi32>
    %sign3A_175 = arith.cmpi slt, %add3A_165, %sign3A_174 : vector<16xi32>
    %sign3A_176 = arith.extui %sign3A_175 : vector<16xi1> to vector<16xi32>
    %sign3A_177 = arith.subi %sign3A_172, %sign3A_176 : vector<16xi32>
    %sign3A_178 = arith.constant 0 : i32
    %sign3A_179 = arith.cmpi sgt, %jit3A_166, %sign3A_178 : i32
    %sign3A_180 = arith.extui %sign3A_179 : i1 to i32
    %sign3A_181 = arith.constant 0 : i32
    %sign3A_182 = arith.cmpi slt, %jit3A_166, %sign3A_181 : i32
    %sign3A_183 = arith.extui %sign3A_182 : i1 to i32
    %sign3A_184 = arith.subi %sign3A_180, %sign3A_183 : i32
    %ne3A_185 = vector.broadcast %sign3A_184 : i32 to vector<16xi32>
    %ne3A_186 = arith.cmpi ne, %sign3A_177, %ne3A_185 : vector<16xi32>
    %rem3A_187 = vector.broadcast %jit3A_166 : i32 to vector<16xi32>
    %rem3A_188 = arith.remsi %add3A_165, %rem3A_187 : vector<16xi32>
    %ne3A_189 = arith.constant 0 : i32
    %ne3A_190 = vector.broadcast %ne3A_189 : i32 to vector<16xi32>
    %ne3A_191 = arith.cmpi ne, %rem3A_188, %ne3A_190 : vector<16xi32>
    %and3A_192 = arith.andi %ne3A_186, %ne3A_191 : vector<16xi1>
    %sub3A_193 = arith.constant 1 : i32
    %sub3A_194 = vector.broadcast %sub3A_193 : i32 to vector<16xi32>
    %sub3A_195 = arith.subi %div3A_168, %sub3A_194 : vector<16xi32>
    %select_n3A_196 = arith.select %and3A_192, %sub3A_195, %div3A_168 : vector<16xi1>, vector<16xi32>
    %jit3A_197 = arith.constant 8 : i32
    %eq3A_198 = arith.constant 0 : i32
    %eq3A_199 = arith.cmpi eq, %jit3A_197, %eq3A_198 : i32
    %jit3A_200 = arith.constant 1 : i32
    %select_n3A_201 = arith.select %eq3A_199, %jit3A_200, %jit3A_197 : i32
    %rem3A_202 = vector.broadcast %select_n3A_201 : i32 to vector<16xi32>
    %rem3A_203 = arith.remsi %add3A_165, %rem3A_202 : vector<16xi32>
    %ne3A_204 = arith.constant 0 : i32
    %ne3A_205 = vector.broadcast %ne3A_204 : i32 to vector<16xi32>
    %ne3A_206 = arith.cmpi ne, %rem3A_203, %ne3A_205 : vector<16xi32>
    %lt3A_207 = arith.constant 0 : i32
    %lt3A_208 = vector.broadcast %lt3A_207 : i32 to vector<16xi32>
    %lt3A_209 = arith.cmpi slt, %rem3A_203, %lt3A_208 : vector<16xi32>
    %lt3A_210 = arith.constant 0 : i32
    %lt3A_211 = arith.cmpi slt, %select_n3A_201, %lt3A_210 : i32
    %ne3A_212 = vector.broadcast %lt3A_211 : i1 to vector<16xi1>
    %ne3A_213 = vector.broadcast %ne3A_212 : vector<16xi1> to vector<16xi1>
    %ne3A_214 = arith.xori %lt3A_209, %ne3A_213 : vector<16xi1>
    %and3A_215 = arith.andi %ne3A_214, %ne3A_206 : vector<16xi1>
    %add3A_216 = vector.broadcast %select_n3A_201 : i32 to vector<16xi32>
    %add3A_217 = arith.addi %rem3A_203, %add3A_216 : vector<16xi32>
    %select_n3A_218 = arith.select %and3A_215, %add3A_217, %rem3A_203 : vector<16xi1>, vector<16xi32>
    %dma_start3A = arith.constant 0 : i32
    %dma_start3A_219 = arith.constant 0 : i32
    %dma_start3A_220 = arith.constant 0 : i32
    %dma_start3A_221 = tpu.memref_slice %arg6[%dma_start3A_219, %dma_start3A_220] : memref<256x64xf32, #tpu.memory_space<vmem>> -> memref<128x64xf32, #tpu.memory_space<vmem>>
    %dma_start3A_222 = arith.constant 0 : i32
    %dma_start3A_223 = tpu.memref_slice %arg5[%dma_start3A, %dma_start3A_222] : memref<200x128xi32, #tpu.memory_space<vmem>> -> memref<1x128xi32, #tpu.memory_space<vmem>>
    %dma_start3A_224 = tpu.memref_squeeze %dma_start3A_223 : memref<1x128xi32, #tpu.memory_space<vmem>> -> memref<128xi32, #tpu.memory_space<vmem>>
    %dma_start3A_225 = arith.constant 0 : i32
    %dma_start3A_226 = arith.constant 0 : i32
    %dma_start3A_227 = tpu.memref_slice %arg2[%dma_start3A_225, %dma_start3A_226] : memref<2000000x64xf32, #tpu.memory_space<hbm>> -> memref<2000000x64xf32, #tpu.memory_space<hbm>>
    tpu.enqueue_indirect_dma source(%dma_start3A_227 : memref<2000000x64xf32, #tpu.memory_space<hbm>>) target(%dma_start3A_221 : memref<128x64xf32, #tpu.memory_space<vmem>>) offsets(%dma_start3A_224 : memref<128xi32, #tpu.memory_space<vmem>>) semaphore(%arg10 : memref<!tpu.dma_semaphore, #tpu.memory_space<semaphore_mem>>)
    %dma_start3A_228 = arith.constant 1 : i32
    %dma_start3A_229 = arith.constant 128 : i32
    %dma_start3A_230 = arith.constant 0 : i32
    %dma_start3A_231 = tpu.memref_slice %arg6[%dma_start3A_229, %dma_start3A_230] : memref<256x64xf32, #tpu.memory_space<vmem>> -> memref<128x64xf32, #tpu.memory_space<vmem>>
    %dma_start3A_232 = arith.constant 0 : i32
    %dma_start3A_233 = tpu.memref_slice %arg5[%dma_start3A_228, %dma_start3A_232] : memref<200x128xi32, #tpu.memory_space<vmem>> -> memref<1x128xi32, #tpu.memory_space<vmem>>
    %dma_start3A_234 = tpu.memref_squeeze %dma_start3A_233 : memref<1x128xi32, #tpu.memory_space<vmem>> -> memref<128xi32, #tpu.memory_space<vmem>>
    %dma_start3A_235 = arith.constant 0 : i32
    %dma_start3A_236 = arith.constant 0 : i32
    %dma_start3A_237 = tpu.memref_slice %arg2[%dma_start3A_235, %dma_start3A_236] : memref<2000000x64xf32, #tpu.memory_space<hbm>> -> memref<2000000x64xf32, #tpu.memory_space<hbm>>
    tpu.enqueue_indirect_dma source(%dma_start3A_237 : memref<2000000x64xf32, #tpu.memory_space<hbm>>) target(%dma_start3A_231 : memref<128x64xf32, #tpu.memory_space<vmem>>) offsets(%dma_start3A_234 : memref<128xi32, #tpu.memory_space<vmem>>) semaphore(%arg10 : memref<!tpu.dma_semaphore, #tpu.memory_space<semaphore_mem>>)
    %dma_start3A_238 = arith.constant 2 : i32
    %dma_start3A_239 = arith.constant 0 : i32
    %dma_start3A_240 = arith.constant 0 : i32
    %dma_start3A_241 = tpu.memref_slice %arg7[%dma_start3A_239, %dma_start3A_240] : memref<256x64xf32, #tpu.memory_space<vmem>> -> memref<128x64xf32, #tpu.memory_space<vmem>>
    %dma_start3A_242 = arith.constant 0 : i32
    %dma_start3A_243 = tpu.memref_slice %arg5[%dma_start3A_238, %dma_start3A_242] : memref<200x128xi32, #tpu.memory_space<vmem>> -> memref<1x128xi32, #tpu.memory_space<vmem>>
    %dma_start3A_244 = tpu.memref_squeeze %dma_start3A_243 : memref<1x128xi32, #tpu.memory_space<vmem>> -> memref<128xi32, #tpu.memory_space<vmem>>
    %dma_start3A_245 = arith.constant 0 : i32
    %dma_start3A_246 = arith.constant 0 : i32
    %dma_start3A_247 = tpu.memref_slice %arg2[%dma_start3A_245, %dma_start3A_246] : memref<2000000x64xf32, #tpu.memory_space<hbm>> -> memref<2000000x64xf32, #tpu.memory_space<hbm>>
    tpu.enqueue_indirect_dma source(%dma_start3A_247 : memref<2000000x64xf32, #tpu.memory_space<hbm>>) target(%dma_start3A_241 : memref<128x64xf32, #tpu.memory_space<vmem>>) offsets(%dma_start3A_244 : memref<128xi32, #tpu.memory_space<vmem>>) semaphore(%arg11 : memref<!tpu.dma_semaphore, #tpu.memory_space<semaphore_mem>>)
    %dma_start3A_248 = arith.constant 3 : i32
    %dma_start3A_249 = arith.constant 128 : i32
    %dma_start3A_250 = arith.constant 0 : i32
    %dma_start3A_251 = tpu.memref_slice %arg7[%dma_start3A_249, %dma_start3A_250] : memref<256x64xf32, #tpu.memory_space<vmem>> -> memref<128x64xf32, #tpu.memory_space<vmem>>
    %dma_start3A_252 = arith.constant 0 : i32
    %dma_start3A_253 = tpu.memref_slice %arg5[%dma_start3A_248, %dma_start3A_252] : memref<200x128xi32, #tpu.memory_space<vmem>> -> memref<1x128xi32, #tpu.memory_space<vmem>>
    %dma_start3A_254 = tpu.memref_squeeze %dma_start3A_253 : memref<1x128xi32, #tpu.memory_space<vmem>> -> memref<128xi32, #tpu.memory_space<vmem>>
    %dma_start3A_255 = arith.constant 0 : i32
    %dma_start3A_256 = arith.constant 0 : i32
    %dma_start3A_257 = tpu.memref_slice %arg2[%dma_start3A_255, %dma_start3A_256] : memref<2000000x64xf32, #tpu.memory_space<hbm>> -> memref<2000000x64xf32, #tpu.memory_space<hbm>>
    tpu.enqueue_indirect_dma source(%dma_start3A_257 : memref<2000000x64xf32, #tpu.memory_space<hbm>>) target(%dma_start3A_251 : memref<128x64xf32, #tpu.memory_space<vmem>>) offsets(%dma_start3A_254 : memref<128xi32, #tpu.memory_space<vmem>>) semaphore(%arg11 : memref<!tpu.dma_semaphore, #tpu.memory_space<semaphore_mem>>)
    %dma_wait3A = arith.constant 0 : i32
    %dma_wait3A_258 = arith.constant 0 : i32
    %dma_wait3A_259 = arith.constant 0 : i32
    %dma_wait3A_260 = tpu.memref_slice %arg6[%dma_wait3A_258, %dma_wait3A_259] : memref<256x64xf32, #tpu.memory_space<vmem>> -> memref<128x64xf32, #tpu.memory_space<vmem>>
    %dma_wait3A_261 = arith.constant 0 : i32
    %dma_wait3A_262 = tpu.memref_slice %arg5[%dma_wait3A, %dma_wait3A_261] : memref<200x128xi32, #tpu.memory_space<vmem>> -> memref<1x128xi32, #tpu.memory_space<vmem>>
    %dma_wait3A_263 = tpu.memref_squeeze %dma_wait3A_262 : memref<1x128xi32, #tpu.memory_space<vmem>> -> memref<128xi32, #tpu.memory_space<vmem>>
    %dma_wait3A_264 = arith.constant 0 : i32
    %dma_wait3A_265 = arith.constant 0 : i32
    %dma_wait3A_266 = tpu.memref_slice %arg2[%dma_wait3A_264, %dma_wait3A_265] : memref<2000000x64xf32, #tpu.memory_space<hbm>> -> memref<2000000x64xf32, #tpu.memory_space<hbm>>
    tpu.wait_indirect_dma semaphore(%arg10 : memref<!tpu.dma_semaphore, #tpu.memory_space<semaphore_mem>>) src(%dma_wait3A_266 : memref<2000000x64xf32, #tpu.memory_space<hbm>>) dst(%dma_wait3A_260 : memref<128x64xf32, #tpu.memory_space<vmem>>)
    %dma_wait3A_267 = arith.constant 1 : i32
    %dma_wait3A_268 = arith.constant 128 : i32
    %dma_wait3A_269 = arith.constant 0 : i32
    %dma_wait3A_270 = tpu.memref_slice %arg6[%dma_wait3A_268, %dma_wait3A_269] : memref<256x64xf32, #tpu.memory_space<vmem>> -> memref<128x64xf32, #tpu.memory_space<vmem>>
    %dma_wait3A_271 = arith.constant 0 : i32
    %dma_wait3A_272 = tpu.memref_slice %arg5[%dma_wait3A_267, %dma_wait3A_271] : memref<200x128xi32, #tpu.memory_space<vmem>> -> memref<1x128xi32, #tpu.memory_space<vmem>>
    %dma_wait3A_273 = tpu.memref_squeeze %dma_wait3A_272 : memref<1x128xi32, #tpu.memory_space<vmem>> -> memref<128xi32, #tpu.memory_space<vmem>>
    %dma_wait3A_274 = arith.constant 0 : i32
    %dma_wait3A_275 = arith.constant 0 : i32
    %dma_wait3A_276 = tpu.memref_slice %arg2[%dma_wait3A_274, %dma_wait3A_275] : memref<2000000x64xf32, #tpu.memory_space<hbm>> -> memref<2000000x64xf32, #tpu.memory_space<hbm>>
    tpu.wait_indirect_dma semaphore(%arg10 : memref<!tpu.dma_semaphore, #tpu.memory_space<semaphore_mem>>) src(%dma_wait3A_276 : memref<2000000x64xf32, #tpu.memory_space<hbm>>) dst(%dma_wait3A_270 : memref<128x64xf32, #tpu.memory_space<vmem>>)
    %parallel_loop3A_277 = arith.constant 0 : i32
    %parallel_loop3A_278 = arith.constant 64 : i32
    %parallel_loop3A_279 = arith.constant 1 : i32
    scf.for %parallel_loop3A_396 = %parallel_loop3A_277 to %parallel_loop3A_278 step %parallel_loop3A_279  : i32 {
      %parallel_loop3A_397 = arith.constant 4 : i32
      %parallel_loop3A_398 = arith.muli %parallel_loop3A_396, %parallel_loop3A_397 : i32
      %parallel_loop3A_399 = arith.constant 0 : i32
      %parallel_loop3A_400 = arith.addi %parallel_loop3A_398, %parallel_loop3A_399 : i32
      %parallel_loop3A_401 = arith.constant 128 : i32
      %parallel_loop3A_402 = arith.divsi %parallel_loop3A_400, %parallel_loop3A_401 : i32
      %parallel_loop3A_403 = arith.constant 0 : i32
      %parallel_loop3A_404 = arith.cmpi sgt, %parallel_loop3A_400, %parallel_loop3A_403 : i32
      %parallel_loop3A_405 = arith.extui %parallel_loop3A_404 : i1 to i32
      %parallel_loop3A_406 = arith.constant 0 : i32
      %parallel_loop3A_407 = arith.cmpi slt, %parallel_loop3A_400, %parallel_loop3A_406 : i32
      %parallel_loop3A_408 = arith.extui %parallel_loop3A_407 : i1 to i32
      %parallel_loop3A_409 = arith.subi %parallel_loop3A_405, %parallel_loop3A_408 : i32
      %parallel_loop3A_410 = arith.constant 0 : i32
      %parallel_loop3A_411 = arith.cmpi sgt, %parallel_loop3A_401, %parallel_loop3A_410 : i32
      %parallel_loop3A_412 = arith.extui %parallel_loop3A_411 : i1 to i32
      %parallel_loop3A_413 = arith.constant 0 : i32
      %parallel_loop3A_414 = arith.cmpi slt, %parallel_loop3A_401, %parallel_loop3A_413 : i32
      %parallel_loop3A_415 = arith.extui %parallel_loop3A_414 : i1 to i32
      %parallel_loop3A_416 = arith.subi %parallel_loop3A_412, %parallel_loop3A_415 : i32
      %parallel_loop3A_417 = arith.cmpi ne, %parallel_loop3A_409, %parallel_loop3A_416 : i32
      %parallel_loop3A_418 = arith.remsi %parallel_loop3A_400, %parallel_loop3A_401 : i32
      %parallel_loop3A_419 = arith.constant 0 : i32
      %parallel_loop3A_420 = arith.cmpi ne, %parallel_loop3A_418, %parallel_loop3A_419 : i32
      %parallel_loop3A_421 = arith.andi %parallel_loop3A_417, %parallel_loop3A_420 : i1
      %parallel_loop3A_422 = arith.constant 1 : i32
      %parallel_loop3A_423 = arith.subi %parallel_loop3A_402, %parallel_loop3A_422 : i32
      %parallel_loop3A_424 = arith.select %parallel_loop3A_421, %parallel_loop3A_423, %parallel_loop3A_402 : i32
      %parallel_loop3A_425 = arith.constant 128 : i32
      %parallel_loop3A_426 = arith.constant 0 : i32
      %parallel_loop3A_427 = arith.cmpi eq, %parallel_loop3A_425, %parallel_loop3A_426 : i32
      %parallel_loop3A_428 = arith.constant 1 : i32
      %parallel_loop3A_429 = arith.select %parallel_loop3A_427, %parallel_loop3A_428, %parallel_loop3A_425 : i32
      %parallel_loop3A_430 = arith.remsi %parallel_loop3A_400, %parallel_loop3A_429 : i32
      %parallel_loop3A_431 = arith.constant 0 : i32
      %parallel_loop3A_432 = arith.cmpi ne, %parallel_loop3A_430, %parallel_loop3A_431 : i32
      %parallel_loop3A_433 = arith.constant 0 : i32
      %parallel_loop3A_434 = arith.cmpi slt, %parallel_loop3A_430, %parallel_loop3A_433 : i32
      %parallel_loop3A_435 = arith.constant 0 : i32
      %parallel_loop3A_436 = arith.cmpi slt, %parallel_loop3A_429, %parallel_loop3A_435 : i32
      %parallel_loop3A_437 = arith.xori %parallel_loop3A_434, %parallel_loop3A_436 : i1
      %parallel_loop3A_438 = arith.andi %parallel_loop3A_437, %parallel_loop3A_432 : i1
      %parallel_loop3A_439 = arith.addi %parallel_loop3A_430, %parallel_loop3A_429 : i32
      %parallel_loop3A_440 = arith.select %parallel_loop3A_438, %parallel_loop3A_439, %parallel_loop3A_430 : i32
      %parallel_loop3A_441 = vector.broadcast %parallel_loop3A_440 : i32 to vector<16xi32>
      %parallel_loop3A_442 = vector.broadcast %parallel_loop3A_424 : i32 to vector<16xi32>
      %parallel_loop3A_443 = arith.index_cast %parallel_loop3A_400 : i32 to index
      %parallel_loop3A_444 = arith.constant 0 : index
      %parallel_loop3A_445 = tpu.vector_load %arg6[%parallel_loop3A_443, %parallel_loop3A_444] {strides = array<i32>} : memref<256x64xf32, #tpu.memory_space<vmem>>, vector<16xf32>,
      %parallel_loop3A_446 = arith.constant 1.000000e+00 : f32
      %parallel_loop3A_447 = vector.broadcast %parallel_loop3A_446 : f32 to vector<16xf32>
      %parallel_loop3A_448 = arith.mulf %parallel_loop3A_445, %parallel_loop3A_447 : vector<16xf32>
      tpu.vector_store_idx %arg8[%parallel_loop3A_442, %select_n3A, %select_n3A_50, %parallel_loop3A_441], %parallel_loop3A_448 : memref<2x8x8x129xf32, #tpu.memory_space<vmem>>[vector<16xi32>, vector<16xi32>, vector<16xi32>, vector<16xi32>], vector<16xf32>,
      %parallel_loop3A_449 = arith.index_cast %parallel_loop3A_400 : i32 to index
      %parallel_loop3A_450 = arith.constant 16 : index
      %parallel_loop3A_451 = tpu.vector_load %arg6[%parallel_loop3A_449, %parallel_loop3A_450] {strides = array<i32>} : memref<256x64xf32, #tpu.memory_space<vmem>>, vector<16xf32>,
      %parallel_loop3A_452 = arith.constant 1.000000e+00 : f32
      %parallel_loop3A_453 = vector.broadcast %parallel_loop3A_452 : f32 to vector<16xf32>
      %parallel_loop3A_454 = arith.mulf %parallel_loop3A_451, %parallel_loop3A_453 : vector<16xf32>
      tpu.vector_store_idx %arg8[%parallel_loop3A_442, %select_n3A_84, %select_n3A_106, %parallel_loop3A_441], %parallel_loop3A_454 : memref<2x8x8x129xf32, #tpu.memory_space<vmem>>[vector<16xi32>, vector<16xi32>, vector<16xi32>, vector<16xi32>], vector<16xf32>,
      %parallel_loop3A_455 = arith.index_cast %parallel_loop3A_400 : i32 to index
      %parallel_loop3A_456 = arith.constant 32 : index
      %parallel_loop3A_457 = tpu.vector_load %arg6[%parallel_loop3A_455, %parallel_loop3A_456] {strides = array<i32>} : memref<256x64xf32, #tpu.memory_space<vmem>>, vector<16xf32>,
      %parallel_loop3A_458 = arith.constant 1.000000e+00 : f32
      %parallel_loop3A_459 = vector.broadcast %parallel_loop3A_458 : f32 to vector<16xf32>
      %parallel_loop3A_460 = arith.mulf %parallel_loop3A_457, %parallel_loop3A_459 : vector<16xf32>
      tpu.vector_store_idx %arg8[%parallel_loop3A_442, %select_n3A_140, %select_n3A_162, %parallel_loop3A_441], %parallel_loop3A_460 : memref<2x8x8x129xf32, #tpu.memory_space<vmem>>[vector<16xi32>, vector<16xi32>, vector<16xi32>, vector<16xi32>], vector<16xf32>,
      %parallel_loop3A_461 = arith.index_cast %parallel_loop3A_400 : i32 to index
      %parallel_loop3A_462 = arith.constant 48 : index
      %parallel_loop3A_463 = tpu.vector_load %arg6[%parallel_loop3A_461, %parallel_loop3A_462] {strides = array<i32>} : memref<256x64xf32, #tpu.memory_space<vmem>>, vector<16xf32>,
      %parallel_loop3A_464 = arith.constant 1.000000e+00 : f32
      %parallel_loop3A_465 = vector.broadcast %parallel_loop3A_464 : f32 to vector<16xf32>
      %parallel_loop3A_466 = arith.mulf %parallel_loop3A_463, %parallel_loop3A_465 : vector<16xf32>
      tpu.vector_store_idx %arg8[%parallel_loop3A_442, %select_n3A_196, %select_n3A_218, %parallel_loop3A_441], %parallel_loop3A_466 : memref<2x8x8x129xf32, #tpu.memory_space<vmem>>[vector<16xi32>, vector<16xi32>, vector<16xi32>, vector<16xi32>], vector<16xf32>,
      %parallel_loop3A_467 = arith.constant 4 : i32
      %parallel_loop3A_468 = arith.muli %parallel_loop3A_396, %parallel_loop3A_467 : i32
      %parallel_loop3A_469 = arith.constant 1 : i32
      %parallel_loop3A_470 = arith.addi %parallel_loop3A_468, %parallel_loop3A_469 : i32
      %parallel_loop3A_471 = arith.constant 128 : i32
      %parallel_loop3A_472 = arith.divsi %parallel_loop3A_470, %parallel_loop3A_471 : i32
      %parallel_loop3A_473 = arith.constant 0 : i32
      %parallel_loop3A_474 = arith.cmpi sgt, %parallel_loop3A_470, %parallel_loop3A_473 : i32
      %parallel_loop3A_475 = arith.extui %parallel_loop3A_474 : i1 to i32
      %parallel_loop3A_476 = arith.constant 0 : i32
      %parallel_loop3A_477 = arith.cmpi slt, %parallel_loop3A_470, %parallel_loop3A_476 : i32
      %parallel_loop3A_478 = arith.extui %parallel_loop3A_477 : i1 to i32
      %parallel_loop3A_479 = arith.subi %parallel_loop3A_475, %parallel_loop3A_478 : i32
      %parallel_loop3A_480 = arith.constant 0 : i32
      %parallel_loop3A_481 = arith.cmpi sgt, %parallel_loop3A_471, %parallel_loop3A_480 : i32
      %parallel_loop3A_482 = arith.extui %parallel_loop3A_481 : i1 to i32
      %parallel_loop3A_483 = arith.constant 0 : i32
      %parallel_loop3A_484 = arith.cmpi slt, %parallel_loop3A_471, %parallel_loop3A_483 : i32
      %parallel_loop3A_485 = arith.extui %parallel_loop3A_484 : i1 to i32
      %parallel_loop3A_486 = arith.subi %parallel_loop3A_482, %parallel_loop3A_485 : i32
      %parallel_loop3A_487 = arith.cmpi ne, %parallel_loop3A_479, %parallel_loop3A_486 : i32
      %parallel_loop3A_488 = arith.remsi %parallel_loop3A_470, %parallel_loop3A_471 : i32
      %parallel_loop3A_489 = arith.constant 0 : i32
      %parallel_loop3A_490 = arith.cmpi ne, %parallel_loop3A_488, %parallel_loop3A_489 : i32
      %parallel_loop3A_491 = arith.andi %parallel_loop3A_487, %parallel_loop3A_490 : i1
      %parallel_loop3A_492 = arith.constant 1 : i32
      %parallel_loop3A_493 = arith.subi %parallel_loop3A_472, %parallel_loop3A_492 : i32
      %parallel_loop3A_494 = arith.select %parallel_loop3A_491, %parallel_loop3A_493, %parallel_loop3A_472 : i32
      %parallel_loop3A_495 = arith.constant 128 : i32
      %parallel_loop3A_496 = arith.constant 0 : i32
      %parallel_loop3A_497 = arith.cmpi eq, %parallel_loop3A_495, %parallel_loop3A_496 : i32
      %parallel_loop3A_498 = arith.constant 1 : i32
      %parallel_loop3A_499 = arith.select %parallel_loop3A_497, %parallel_loop3A_498, %parallel_loop3A_495 : i32
      %parallel_loop3A_500 = arith.remsi %parallel_loop3A_470, %parallel_loop3A_499 : i32
      %parallel_loop3A_501 = arith.constant 0 : i32
      %parallel_loop3A_502 = arith.cmpi ne, %parallel_loop3A_500, %parallel_loop3A_501 : i32
      %parallel_loop3A_503 = arith.constant 0 : i32
      %parallel_loop3A_504 = arith.cmpi slt, %parallel_loop3A_500, %parallel_loop3A_503 : i32
      %parallel_loop3A_505 = arith.constant 0 : i32
      %parallel_loop3A_506 = arith.cmpi slt, %parallel_loop3A_499, %parallel_loop3A_505 : i32
      %parallel_loop3A_507 = arith.xori %parallel_loop3A_504, %parallel_loop3A_506 : i1
      %parallel_loop3A_508 = arith.andi %parallel_loop3A_507, %parallel_loop3A_502 : i1
      %parallel_loop3A_509 = arith.addi %parallel_loop3A_500, %parallel_loop3A_499 : i32
      %parallel_loop3A_510 = arith.select %parallel_loop3A_508, %parallel_loop3A_509, %parallel_loop3A_500 : i32
      %parallel_loop3A_511 = vector.broadcast %parallel_loop3A_510 : i32 to vector<16xi32>
      %parallel_loop3A_512 = vector.broadcast %parallel_loop3A_494 : i32 to vector<16xi32>
      %parallel_loop3A_513 = arith.index_cast %parallel_loop3A_470 : i32 to index
      %parallel_loop3A_514 = arith.constant 0 : index
      %parallel_loop3A_515 = tpu.vector_load %arg6[%parallel_loop3A_513, %parallel_loop3A_514] {strides = array<i32>} : memref<256x64xf32, #tpu.memory_space<vmem>>, vector<16xf32>,
      %parallel_loop3A_516 = arith.constant 1.000000e+00 : f32
      %parallel_loop3A_517 = vector.broadcast %parallel_loop3A_516 : f32 to vector<16xf32>
      %parallel_loop3A_518 = arith.mulf %parallel_loop3A_515, %parallel_loop3A_517 : vector<16xf32>
      tpu.vector_store_idx %arg8[%parallel_loop3A_512, %select_n3A, %select_n3A_50, %parallel_loop3A_511], %parallel_loop3A_518 : memref<2x8x8x129xf32, #tpu.memory_space<vmem>>[vector<16xi32>, vector<16xi32>, vector<16xi32>, vector<16xi32>], vector<16xf32>,
      %parallel_loop3A_519 = arith.index_cast %parallel_loop3A_470 : i32 to index
      %parallel_loop3A_520 = arith.constant 16 : index
      %parallel_loop3A_521 = tpu.vector_load %arg6[%parallel_loop3A_519, %parallel_loop3A_520] {strides = array<i32>} : memref<256x64xf32, #tpu.memory_space<vmem>>, vector<16xf32>,
      %parallel_loop3A_522 = arith.constant 1.000000e+00 : f32
      %parallel_loop3A_523 = vector.broadcast %parallel_loop3A_522 : f32 to vector<16xf32>
      %parallel_loop3A_524 = arith.mulf %parallel_loop3A_521, %parallel_loop3A_523 : vector<16xf32>
      tpu.vector_store_idx %arg8[%parallel_loop3A_512, %select_n3A_84, %select_n3A_106, %parallel_loop3A_511], %parallel_loop3A_524 : memref<2x8x8x129xf32, #tpu.memory_space<vmem>>[vector<16xi32>, vector<16xi32>, vector<16xi32>, vector<16xi32>], vector<16xf32>,
      %parallel_loop3A_525 = arith.index_cast %parallel_loop3A_470 : i32 to index
      %parallel_loop3A_526 = arith.constant 32 : index
      %parallel_loop3A_527 = tpu.vector_load %arg6[%parallel_loop3A_525, %parallel_loop3A_526] {strides = array<i32>} : memref<256x64xf32, #tpu.memory_space<vmem>>, vector<16xf32>,
      %parallel_loop3A_528 = arith.constant 1.000000e+00 : f32
      %parallel_loop3A_529 = vector.broadcast %parallel_loop3A_528 : f32 to vector<16xf32>
      %parallel_loop3A_530 = arith.mulf %parallel_loop3A_527, %parallel_loop3A_529 : vector<16xf32>
      tpu.vector_store_idx %arg8[%parallel_loop3A_512, %select_n3A_140, %select_n3A_162, %parallel_loop3A_511], %parallel_loop3A_530 : memref<2x8x8x129xf32, #tpu.memory_space<vmem>>[vector<16xi32>, vector<16xi32>, vector<16xi32>, vector<16xi32>], vector<16xf32>,
      %parallel_loop3A_531 = arith.index_cast %parallel_loop3A_470 : i32 to index
      %parallel_loop3A_532 = arith.constant 48 : index
      %parallel_loop3A_533 = tpu.vector_load %arg6[%parallel_loop3A_531, %parallel_loop3A_532] {strides = array<i32>} : memref<256x64xf32, #tpu.memory_space<vmem>>, vector<16xf32>,
      %parallel_loop3A_534 = arith.constant 1.000000e+00 : f32
      %parallel_loop3A_535 = vector.broadcast %parallel_loop3A_534 : f32 to vector<16xf32>
      %parallel_loop3A_536 = arith.mulf %parallel_loop3A_533, %parallel_loop3A_535 : vector<16xf32>
      tpu.vector_store_idx %arg8[%parallel_loop3A_512, %select_n3A_196, %select_n3A_218, %parallel_loop3A_511], %parallel_loop3A_536 : memref<2x8x8x129xf32, #tpu.memory_space<vmem>>[vector<16xi32>, vector<16xi32>, vector<16xi32>, vector<16xi32>], vector<16xf32>,
      %parallel_loop3A_537 = arith.constant 4 : i32
      %parallel_loop3A_538 = arith.muli %parallel_loop3A_396, %parallel_loop3A_537 : i32
      %parallel_loop3A_539 = arith.constant 2 : i32
      %parallel_loop3A_540 = arith.addi %parallel_loop3A_538, %parallel_loop3A_539 : i32
      %parallel_loop3A_541 = arith.constant 128 : i32
      %parallel_loop3A_542 = arith.divsi %parallel_loop3A_540, %parallel_loop3A_541 : i32
      %parallel_loop3A_543 = arith.constant 0 : i32
      %parallel_loop3A_544 = arith.cmpi sgt, %parallel_loop3A_540, %parallel_loop3A_543 : i32
      %parallel_loop3A_545 = arith.extui %parallel_loop3A_544 : i1 to i32
      %parallel_loop3A_546 = arith.constant 0 : i32
      %parallel_loop3A_547 = arith.cmpi slt, %parallel_loop3A_540, %parallel_loop3A_546 : i32
      %parallel_loop3A_548 = arith.extui %parallel_loop3A_547 : i1 to i32
      %parallel_loop3A_549 = arith.subi %parallel_loop3A_545, %parallel_loop3A_548 : i32
      %parallel_loop3A_550 = arith.constant 0 : i32
      %parallel_loop3A_551 = arith.cmpi sgt, %parallel_loop3A_541, %parallel_loop3A_550 : i32
      %parallel_loop3A_552 = arith.extui %parallel_loop3A_551 : i1 to i32
      %parallel_loop3A_553 = arith.constant 0 : i32
      %parallel_loop3A_554 = arith.cmpi slt, %parallel_loop3A_541, %parallel_loop3A_553 : i32
      %parallel_loop3A_555 = arith.extui %parallel_loop3A_554 : i1 to i32
      %parallel_loop3A_556 = arith.subi %parallel_loop3A_552, %parallel_loop3A_555 : i32
      %parallel_loop3A_557 = arith.cmpi ne, %parallel_loop3A_549, %parallel_loop3A_556 : i32
      %parallel_loop3A_558 = arith.remsi %parallel_loop3A_540, %parallel_loop3A_541 : i32
      %parallel_loop3A_559 = arith.constant 0 : i32
      %parallel_loop3A_560 = arith.cmpi ne, %parallel_loop3A_558, %parallel_loop3A_559 : i32
      %parallel_loop3A_561 = arith.andi %parallel_loop3A_557, %parallel_loop3A_560 : i1
      %parallel_loop3A_562 = arith.constant 1 : i32
      %parallel_loop3A_563 = arith.subi %parallel_loop3A_542, %parallel_loop3A_562 : i32
      %parallel_loop3A_564 = arith.select %parallel_loop3A_561, %parallel_loop3A_563, %parallel_loop3A_542 : i32
      %parallel_loop3A_565 = arith.constant 128 : i32
      %parallel_loop3A_566 = arith.constant 0 : i32
      %parallel_loop3A_567 = arith.cmpi eq, %parallel_loop3A_565, %parallel_loop3A_566 : i32
      %parallel_loop3A_568 = arith.constant 1 : i32
      %parallel_loop3A_569 = arith.select %parallel_loop3A_567, %parallel_loop3A_568, %parallel_loop3A_565 : i32
      %parallel_loop3A_570 = arith.remsi %parallel_loop3A_540, %parallel_loop3A_569 : i32
      %parallel_loop3A_571 = arith.constant 0 : i32
      %parallel_loop3A_572 = arith.cmpi ne, %parallel_loop3A_570, %parallel_loop3A_571 : i32
      %parallel_loop3A_573 = arith.constant 0 : i32
      %parallel_loop3A_574 = arith.cmpi slt, %parallel_loop3A_570, %parallel_loop3A_573 : i32
      %parallel_loop3A_575 = arith.constant 0 : i32
      %parallel_loop3A_576 = arith.cmpi slt, %parallel_loop3A_569, %parallel_loop3A_575 : i32
      %parallel_loop3A_577 = arith.xori %parallel_loop3A_574, %parallel_loop3A_576 : i1
      %parallel_loop3A_578 = arith.andi %parallel_loop3A_577, %parallel_loop3A_572 : i1
      %parallel_loop3A_579 = arith.addi %parallel_loop3A_570, %parallel_loop3A_569 : i32
      %parallel_loop3A_580 = arith.select %parallel_loop3A_578, %parallel_loop3A_579, %parallel_loop3A_570 : i32
      %parallel_loop3A_581 = vector.broadcast %parallel_loop3A_580 : i32 to vector<16xi32>
      %parallel_loop3A_582 = vector.broadcast %parallel_loop3A_564 : i32 to vector<16xi32>
      %parallel_loop3A_583 = arith.index_cast %parallel_loop3A_540 : i32 to index
      %parallel_loop3A_584 = arith.constant 0 : index
      %parallel_loop3A_585 = tpu.vector_load %arg6[%parallel_loop3A_583, %parallel_loop3A_584] {strides = array<i32>} : memref<256x64xf32, #tpu.memory_space<vmem>>, vector<16xf32>,
      %parallel_loop3A_586 = arith.constant 1.000000e+00 : f32
      %parallel_loop3A_587 = vector.broadcast %parallel_loop3A_586 : f32 to vector<16xf32>
      %parallel_loop3A_588 = arith.mulf %parallel_loop3A_585, %parallel_loop3A_587 : vector<16xf32>
      tpu.vector_store_idx %arg8[%parallel_loop3A_582, %select_n3A, %select_n3A_50, %parallel_loop3A_581], %parallel_loop3A_588 : memref<2x8x8x129xf32, #tpu.memory_space<vmem>>[vector<16xi32>, vector<16xi32>, vector<16xi32>, vector<16xi32>], vector<16xf32>,
      %parallel_loop3A_589 = arith.index_cast %parallel_loop3A_540 : i32 to index
      %parallel_loop3A_590 = arith.constant 16 : index
      %parallel_loop3A_591 = tpu.vector_load %arg6[%parallel_loop3A_589, %parallel_loop3A_590] {strides = array<i32>} : memref<256x64xf32, #tpu.memory_space<vmem>>, vector<16xf32>,
      %parallel_loop3A_592 = arith.constant 1.000000e+00 : f32
      %parallel_loop3A_593 = vector.broadcast %parallel_loop3A_592 : f32 to vector<16xf32>
      %parallel_loop3A_594 = arith.mulf %parallel_loop3A_591, %parallel_loop3A_593 : vector<16xf32>
      tpu.vector_store_idx %arg8[%parallel_loop3A_582, %select_n3A_84, %select_n3A_106, %parallel_loop3A_581], %parallel_loop3A_594 : memref<2x8x8x129xf32, #tpu.memory_space<vmem>>[vector<16xi32>, vector<16xi32>, vector<16xi32>, vector<16xi32>], vector<16xf32>,
      %parallel_loop3A_595 = arith.index_cast %parallel_loop3A_540 : i32 to index
      %parallel_loop3A_596 = arith.constant 32 : index
      %parallel_loop3A_597 = tpu.vector_load %arg6[%parallel_loop3A_595, %parallel_loop3A_596] {strides = array<i32>} : memref<256x64xf32, #tpu.memory_space<vmem>>, vector<16xf32>,
      %parallel_loop3A_598 = arith.constant 1.000000e+00 : f32
      %parallel_loop3A_599 = vector.broadcast %parallel_loop3A_598 : f32 to vector<16xf32>
      %parallel_loop3A_600 = arith.mulf %parallel_loop3A_597, %parallel_loop3A_599 : vector<16xf32>
      tpu.vector_store_idx %arg8[%parallel_loop3A_582, %select_n3A_140, %select_n3A_162, %parallel_loop3A_581], %parallel_loop3A_600 : memref<2x8x8x129xf32, #tpu.memory_space<vmem>>[vector<16xi32>, vector<16xi32>, vector<16xi32>, vector<16xi32>], vector<16xf32>,
      %parallel_loop3A_601 = arith.index_cast %parallel_loop3A_540 : i32 to index
      %parallel_loop3A_602 = arith.constant 48 : index
      %parallel_loop3A_603 = tpu.vector_load %arg6[%parallel_loop3A_601, %parallel_loop3A_602] {strides = array<i32>} : memref<256x64xf32, #tpu.memory_space<vmem>>, vector<16xf32>,
      %parallel_loop3A_604 = arith.constant 1.000000e+00 : f32
      %parallel_loop3A_605 = vector.broadcast %parallel_loop3A_604 : f32 to vector<16xf32>
      %parallel_loop3A_606 = arith.mulf %parallel_loop3A_603, %parallel_loop3A_605 : vector<16xf32>
      tpu.vector_store_idx %arg8[%parallel_loop3A_582, %select_n3A_196, %select_n3A_218, %parallel_loop3A_581], %parallel_loop3A_606 : memref<2x8x8x129xf32, #tpu.memory_space<vmem>>[vector<16xi32>, vector<16xi32>, vector<16xi32>, vector<16xi32>], vector<16xf32>,
      %parallel_loop3A_607 = arith.constant 4 : i32
      %parallel_loop3A_608 = arith.muli %parallel_loop3A_396, %parallel_loop3A_607 : i32
      %parallel_loop3A_609 = arith.constant 3 : i32
      %parallel_loop3A_610 = arith.addi %parallel_loop3A_608, %parallel_loop3A_609 : i32
      %parallel_loop3A_611 = arith.constant 128 : i32
      %parallel_loop3A_612 = arith.divsi %parallel_loop3A_610, %parallel_loop3A_611 : i32
      %parallel_loop3A_613 = arith.constant 0 : i32
      %parallel_loop3A_614 = arith.cmpi sgt, %parallel_loop3A_610, %parallel_loop3A_613 : i32
      %parallel_loop3A_615 = arith.extui %parallel_loop3A_614 : i1 to i32
      %parallel_loop3A_616 = arith.constant 0 : i32
      %parallel_loop3A_617 = arith.cmpi slt, %parallel_loop3A_610, %parallel_loop3A_616 : i32
      %parallel_loop3A_618 = arith.extui %parallel_loop3A_617 : i1 to i32
      %parallel_loop3A_619 = arith.subi %parallel_loop3A_615, %parallel_loop3A_618 : i32
      %parallel_loop3A_620 = arith.constant 0 : i32
      %parallel_loop3A_621 = arith.cmpi sgt, %parallel_loop3A_611, %parallel_loop3A_620 : i32
      %parallel_loop3A_622 = arith.extui %parallel_loop3A_621 : i1 to i32
      %parallel_loop3A_623 = arith.constant 0 : i32
      %parallel_loop3A_624 = arith.cmpi slt, %parallel_loop3A_611, %parallel_loop3A_623 : i32
      %parallel_loop3A_625 = arith.extui %parallel_loop3A_624 : i1 to i32
      %parallel_loop3A_626 = arith.subi %parallel_loop3A_622, %parallel_loop3A_625 : i32
      %parallel_loop3A_627 = arith.cmpi ne, %parallel_loop3A_619, %parallel_loop3A_626 : i32
      %parallel_loop3A_628 = arith.remsi %parallel_loop3A_610, %parallel_loop3A_611 : i32
      %parallel_loop3A_629 = arith.constant 0 : i32
      %parallel_loop3A_630 = arith.cmpi ne, %parallel_loop3A_628, %parallel_loop3A_629 : i32
      %parallel_loop3A_631 = arith.andi %parallel_loop3A_627, %parallel_loop3A_630 : i1
      %parallel_loop3A_632 = arith.constant 1 : i32
      %parallel_loop3A_633 = arith.subi %parallel_loop3A_612, %parallel_loop3A_632 : i32
      %parallel_loop3A_634 = arith.select %parallel_loop3A_631, %parallel_loop3A_633, %parallel_loop3A_612 : i32
      %parallel_loop3A_635 = arith.constant 128 : i32
      %parallel_loop3A_636 = arith.constant 0 : i32
      %parallel_loop3A_637 = arith.cmpi eq, %parallel_loop3A_635, %parallel_loop3A_636 : i32
      %parallel_loop3A_638 = arith.constant 1 : i32
      %parallel_loop3A_639 = arith.select %parallel_loop3A_637, %parallel_loop3A_638, %parallel_loop3A_635 : i32
      %parallel_loop3A_640 = arith.remsi %parallel_loop3A_610, %parallel_loop3A_639 : i32
      %parallel_loop3A_641 = arith.constant 0 : i32
      %parallel_loop3A_642 = arith.cmpi ne, %parallel_loop3A_640, %parallel_loop3A_641 : i32
      %parallel_loop3A_643 = arith.constant 0 : i32
      %parallel_loop3A_644 = arith.cmpi slt, %parallel_loop3A_640, %parallel_loop3A_643 : i32
      %parallel_loop3A_645 = arith.constant 0 : i32
      %parallel_loop3A_646 = arith.cmpi slt, %parallel_loop3A_639, %parallel_loop3A_645 : i32
      %parallel_loop3A_647 = arith.xori %parallel_loop3A_644, %parallel_loop3A_646 : i1
      %parallel_loop3A_648 = arith.andi %parallel_loop3A_647, %parallel_loop3A_642 : i1
      %parallel_loop3A_649 = arith.addi %parallel_loop3A_640, %parallel_loop3A_639 : i32
      %parallel_loop3A_650 = arith.select %parallel_loop3A_648, %parallel_loop3A_649, %parallel_loop3A_640 : i32
      %parallel_loop3A_651 = vector.broadcast %parallel_loop3A_650 : i32 to vector<16xi32>
      %parallel_loop3A_652 = vector.broadcast %parallel_loop3A_634 : i32 to vector<16xi32>
      %parallel_loop3A_653 = arith.index_cast %parallel_loop3A_610 : i32 to index
      %parallel_loop3A_654 = arith.constant 0 : index
      %parallel_loop3A_655 = tpu.vector_load %arg6[%parallel_loop3A_653, %parallel_loop3A_654] {strides = array<i32>} : memref<256x64xf32, #tpu.memory_space<vmem>>, vector<16xf32>,
      %parallel_loop3A_656 = arith.constant 1.000000e+00 : f32
      %parallel_loop3A_657 = vector.broadcast %parallel_loop3A_656 : f32 to vector<16xf32>
      %parallel_loop3A_658 = arith.mulf %parallel_loop3A_655, %parallel_loop3A_657 : vector<16xf32>
      tpu.vector_store_idx %arg8[%parallel_loop3A_652, %select_n3A, %select_n3A_50, %parallel_loop3A_651], %parallel_loop3A_658 : memref<2x8x8x129xf32, #tpu.memory_space<vmem>>[vector<16xi32>, vector<16xi32>, vector<16xi32>, vector<16xi32>], vector<16xf32>,
      %parallel_loop3A_659 = arith.index_cast %parallel_loop3A_610 : i32 to index
      %parallel_loop3A_660 = arith.constant 16 : index
      %parallel_loop3A_661 = tpu.vector_load %arg6[%parallel_loop3A_659, %parallel_loop3A_660] {strides = array<i32>} : memref<256x64xf32, #tpu.memory_space<vmem>>, vector<16xf32>,
      %parallel_loop3A_662 = arith.constant 1.000000e+00 : f32
      %parallel_loop3A_663 = vector.broadcast %parallel_loop3A_662 : f32 to vector<16xf32>
      %parallel_loop3A_664 = arith.mulf %parallel_loop3A_661, %parallel_loop3A_663 : vector<16xf32>
      tpu.vector_store_idx %arg8[%parallel_loop3A_652, %select_n3A_84, %select_n3A_106, %parallel_loop3A_651], %parallel_loop3A_664 : memref<2x8x8x129xf32, #tpu.memory_space<vmem>>[vector<16xi32>, vector<16xi32>, vector<16xi32>, vector<16xi32>], vector<16xf32>,
      %parallel_loop3A_665 = arith.index_cast %parallel_loop3A_610 : i32 to index
      %parallel_loop3A_666 = arith.constant 32 : index
      %parallel_loop3A_667 = tpu.vector_load %arg6[%parallel_loop3A_665, %parallel_loop3A_666] {strides = array<i32>} : memref<256x64xf32, #tpu.memory_space<vmem>>, vector<16xf32>,
      %parallel_loop3A_668 = arith.constant 1.000000e+00 : f32
      %parallel_loop3A_669 = vector.broadcast %parallel_loop3A_668 : f32 to vector<16xf32>
      %parallel_loop3A_670 = arith.mulf %parallel_loop3A_667, %parallel_loop3A_669 : vector<16xf32>
      tpu.vector_store_idx %arg8[%parallel_loop3A_652, %select_n3A_140, %select_n3A_162, %parallel_loop3A_651], %parallel_loop3A_670 : memref<2x8x8x129xf32, #tpu.memory_space<vmem>>[vector<16xi32>, vector<16xi32>, vector<16xi32>, vector<16xi32>], vector<16xf32>,
      %parallel_loop3A_671 = arith.index_cast %parallel_loop3A_610 : i32 to index
      %parallel_loop3A_672 = arith.constant 48 : index
      %parallel_loop3A_673 = tpu.vector_load %arg6[%parallel_loop3A_671, %parallel_loop3A_672] {strides = array<i32>} : memref<256x64xf32, #tpu.memory_space<vmem>>, vector<16xf32>,
      %parallel_loop3A_674 = arith.constant 1.000000e+00 : f32
      %parallel_loop3A_675 = vector.broadcast %parallel_loop3A_674 : f32 to vector<16xf32>
      %parallel_loop3A_676 = arith.mulf %parallel_loop3A_673, %parallel_loop3A_675 : vector<16xf32>
      tpu.vector_store_idx %arg8[%parallel_loop3A_652, %select_n3A_196, %select_n3A_218, %parallel_loop3A_651], %parallel_loop3A_676 : memref<2x8x8x129xf32, #tpu.memory_space<vmem>>[vector<16xi32>, vector<16xi32>, vector<16xi32>, vector<16xi32>], vector<16xf32>,
    } {sc.loop_unroll_factor = 4 : i64, sc.parallel_access}
    %dma_start3A_280 = arith.constant 0 : i32
    %dma_start3A_281 = arith.constant 0 : i32
    %dma_start3A_282 = arith.constant 0 : i32
    %dma_start3A_283 = arith.constant 0 : i32
    %dma_start3A_284 = tpu.memref_slice %arg8[%dma_start3A_280, %dma_start3A_281, %dma_start3A_282, %dma_start3A_283] : memref<2x8x8x129xf32, #tpu.memory_space<vmem>> -> memref<2x8x8x128xf32, #tpu.memory_space<vmem>>
    %dma_start3A_285 = arith.constant 0 : i32
    %dma_start3A_286 = arith.constant 0 : i32
    %dma_start3A_287 = arith.constant 0 : i32
    %dma_start3A_288 = arith.constant 0 : i32
    %dma_start3A_289 = tpu.memref_slice %arg4[%dma_start3A_285, %dma_start3A_286, %add3A, %dma_start3A_287, %dma_start3A_288] : memref<200x8x32x8x128xf32, #tpu.memory_space<hbm>> -> memref<2x8x1x8x128xf32, #tpu.memory_space<hbm>>
    %dma_start3A_290 = tpu.memref_squeeze %dma_start3A_289 : memref<2x8x1x8x128xf32, #tpu.memory_space<hbm>> -> memref<2x8x8x128xf32, #tpu.memory_space<hbm>>
    %dma_start3A_291 = arith.constant 0 : i32
    %dma_start3A_292 = arith.constant 0 : i32
    %dma_start3A_293 = arith.constant 0 : i32
    %dma_start3A_294 = arith.constant 0 : i32
    %dma_start3A_295 = tpu.memref_slice %arg4[%dma_start3A_291, %dma_start3A_292, %add3A, %dma_start3A_293, %dma_start3A_294] : memref<200x8x32x8x128xf32, #tpu.memory_space<hbm>> -> memref<2x8x1x8x128xf32, #tpu.memory_space<hbm>>
    %dma_start3A_296 = tpu.memref_squeeze %dma_start3A_295 : memref<2x8x1x8x128xf32, #tpu.memory_space<hbm>> -> memref<2x8x8x128xf32, #tpu.memory_space<hbm>>
    %dma_start3A_297 = arith.constant 0 : i32
    %dma_start3A_298 = arith.constant 0 : i32
    %dma_start3A_299 = arith.constant 0 : i32
    %dma_start3A_300 = arith.constant 0 : i32
    %dma_start3A_301 = tpu.memref_slice %arg8[%dma_start3A_297, %dma_start3A_298, %dma_start3A_299, %dma_start3A_300] : memref<2x8x8x129xf32, #tpu.memory_space<vmem>> -> memref<2x8x8x128xf32, #tpu.memory_space<vmem>>
    tpu.enqueue_dma source(%dma_start3A_301 : memref<2x8x8x128xf32, #tpu.memory_space<vmem>>) target(%dma_start3A_296 : memref<2x8x8x128xf32, #tpu.memory_space<hbm>>) target_semaphore(%arg12 : memref<!tpu.dma_semaphore, #tpu.memory_space<semaphore_mem>>)
    %dma_wait3A_302 = arith.constant 2 : i32
    %dma_wait3A_303 = arith.constant 0 : i32
    %dma_wait3A_304 = arith.constant 0 : i32
    %dma_wait3A_305 = tpu.memref_slice %arg7[%dma_wait3A_303, %dma_wait3A_304] : memref<256x64xf32, #tpu.memory_space<vmem>> -> memref<128x64xf32, #tpu.memory_space<vmem>>
    %dma_wait3A_306 = arith.constant 0 : i32
    %dma_wait3A_307 = tpu.memref_slice %arg5[%dma_wait3A_302, %dma_wait3A_306] : memref<200x128xi32, #tpu.memory_space<vmem>> -> memref<1x128xi32, #tpu.memory_space<vmem>>
    %dma_wait3A_308 = tpu.memref_squeeze %dma_wait3A_307 : memref<1x128xi32, #tpu.memory_space<vmem>> -> memref<128xi32, #tpu.memory_space<vmem>>
    %dma_wait3A_309 = arith.constant 0 : i32
    %dma_wait3A_310 = arith.constant 0 : i32
    %dma_wait3A_311 = tpu.memref_slice %arg2[%dma_wait3A_309, %dma_wait3A_310] : memref<2000000x64xf32, #tpu.memory_space<hbm>> -> memref<2000000x64xf32, #tpu.memory_space<hbm>>
    tpu.wait_indirect_dma semaphore(%arg11 : memref<!tpu.dma_semaphore, #tpu.memory_space<semaphore_mem>>) src(%dma_wait3A_311 : memref<2000000x64xf32, #tpu.memory_space<hbm>>) dst(%dma_wait3A_305 : memref<128x64xf32, #tpu.memory_space<vmem>>)
    %dma_wait3A_312 = arith.constant 3 : i32
    %dma_wait3A_313 = arith.constant 128 : i32
    %dma_wait3A_314 = arith.constant 0 : i32
    %dma_wait3A_315 = tpu.memref_slice %arg7[%dma_wait3A_313, %dma_wait3A_314] : memref<256x64xf32, #tpu.memory_space<vmem>> -> memref<128x64xf32, #tpu.memory_space<vmem>>
    %dma_wait3A_316 = arith.constant 0 : i32
    %dma_wait3A_317 = tpu.memref_slice %arg5[%dma_wait3A_312, %dma_wait3A_316] : memref<200x128xi32, #tpu.memory_space<vmem>> -> memref<1x128xi32, #tpu.memory_space<vmem>>
    %dma_wait3A_318 = tpu.memref_squeeze %dma_wait3A_317 : memref<1x128xi32, #tpu.memory_space<vmem>> -> memref<128xi32, #tpu.memory_space<vmem>>
    %dma_wait3A_319 = arith.constant 0 : i32
    %dma_wait3A_320 = arith.constant 0 : i32
    %dma_wait3A_321 = tpu.memref_slice %arg2[%dma_wait3A_319, %dma_wait3A_320] : memref<2000000x64xf32, #tpu.memory_space<hbm>> -> memref<2000000x64xf32, #tpu.memory_space<hbm>>
    tpu.wait_indirect_dma semaphore(%arg11 : memref<!tpu.dma_semaphore, #tpu.memory_space<semaphore_mem>>) src(%dma_wait3A_321 : memref<2000000x64xf32, #tpu.memory_space<hbm>>) dst(%dma_wait3A_315 : memref<128x64xf32, #tpu.memory_space<vmem>>)
    %parallel_loop3A_322 = arith.constant 0 : i32
    %parallel_loop3A_323 = arith.constant 64 : i32
    %parallel_loop3A_324 = arith.constant 1 : i32
    scf.for %parallel_loop3A_396 = %parallel_loop3A_322 to %parallel_loop3A_323 step %parallel_loop3A_324  : i32 {
      %parallel_loop3A_397 = arith.constant 4 : i32
      %parallel_loop3A_398 = arith.muli %parallel_loop3A_396, %parallel_loop3A_397 : i32
      %parallel_loop3A_399 = arith.constant 0 : i32
      %parallel_loop3A_400 = arith.addi %parallel_loop3A_398, %parallel_loop3A_399 : i32
      %parallel_loop3A_401 = arith.constant 128 : i32
      %parallel_loop3A_402 = arith.divsi %parallel_loop3A_400, %parallel_loop3A_401 : i32
      %parallel_loop3A_403 = arith.constant 0 : i32
      %parallel_loop3A_404 = arith.cmpi sgt, %parallel_loop3A_400, %parallel_loop3A_403 : i32
      %parallel_loop3A_405 = arith.extui %parallel_loop3A_404 : i1 to i32
      %parallel_loop3A_406 = arith.constant 0 : i32
      %parallel_loop3A_407 = arith.cmpi slt, %parallel_loop3A_400, %parallel_loop3A_406 : i32
      %parallel_loop3A_408 = arith.extui %parallel_loop3A_407 : i1 to i32
      %parallel_loop3A_409 = arith.subi %parallel_loop3A_405, %parallel_loop3A_408 : i32
      %parallel_loop3A_410 = arith.constant 0 : i32
      %parallel_loop3A_411 = arith.cmpi sgt, %parallel_loop3A_401, %parallel_loop3A_410 : i32
      %parallel_loop3A_412 = arith.extui %parallel_loop3A_411 : i1 to i32
      %parallel_loop3A_413 = arith.constant 0 : i32
      %parallel_loop3A_414 = arith.cmpi slt, %parallel_loop3A_401, %parallel_loop3A_413 : i32
      %parallel_loop3A_415 = arith.extui %parallel_loop3A_414 : i1 to i32
      %parallel_loop3A_416 = arith.subi %parallel_loop3A_412, %parallel_loop3A_415 : i32
      %parallel_loop3A_417 = arith.cmpi ne, %parallel_loop3A_409, %parallel_loop3A_416 : i32
      %parallel_loop3A_418 = arith.remsi %parallel_loop3A_400, %parallel_loop3A_401 : i32
      %parallel_loop3A_419 = arith.constant 0 : i32
      %parallel_loop3A_420 = arith.cmpi ne, %parallel_loop3A_418, %parallel_loop3A_419 : i32
      %parallel_loop3A_421 = arith.andi %parallel_loop3A_417, %parallel_loop3A_420 : i1
      %parallel_loop3A_422 = arith.constant 1 : i32
      %parallel_loop3A_423 = arith.subi %parallel_loop3A_402, %parallel_loop3A_422 : i32
      %parallel_loop3A_424 = arith.select %parallel_loop3A_421, %parallel_loop3A_423, %parallel_loop3A_402 : i32
      %parallel_loop3A_425 = arith.constant 128 : i32
      %parallel_loop3A_426 = arith.constant 0 : i32
      %parallel_loop3A_427 = arith.cmpi eq, %parallel_loop3A_425, %parallel_loop3A_426 : i32
      %parallel_loop3A_428 = arith.constant 1 : i32
      %parallel_loop3A_429 = arith.select %parallel_loop3A_427, %parallel_loop3A_428, %parallel_loop3A_425 : i32
      %parallel_loop3A_430 = arith.remsi %parallel_loop3A_400, %parallel_loop3A_429 : i32
      %parallel_loop3A_431 = arith.constant 0 : i32
      %parallel_loop3A_432 = arith.cmpi ne, %parallel_loop3A_430, %parallel_loop3A_431 : i32
      %parallel_loop3A_433 = arith.constant 0 : i32
      %parallel_loop3A_434 = arith.cmpi slt, %parallel_loop3A_430, %parallel_loop3A_433 : i32
      %parallel_loop3A_435 = arith.constant 0 : i32
      %parallel_loop3A_436 = arith.cmpi slt, %parallel_loop3A_429, %parallel_loop3A_435 : i32
      %parallel_loop3A_437 = arith.xori %parallel_loop3A_434, %parallel_loop3A_436 : i1
      %parallel_loop3A_438 = arith.andi %parallel_loop3A_437, %parallel_loop3A_432 : i1
      %parallel_loop3A_439 = arith.addi %parallel_loop3A_430, %parallel_loop3A_429 : i32
      %parallel_loop3A_440 = arith.select %parallel_loop3A_438, %parallel_loop3A_439, %parallel_loop3A_430 : i32
      %parallel_loop3A_441 = vector.broadcast %parallel_loop3A_440 : i32 to vector<16xi32>
      %parallel_loop3A_442 = vector.broadcast %parallel_loop3A_424 : i32 to vector<16xi32>
      %parallel_loop3A_443 = arith.index_cast %parallel_loop3A_400 : i32 to index
      %parallel_loop3A_444 = arith.constant 0 : index
      %parallel_loop3A_445 = tpu.vector_load %arg7[%parallel_loop3A_443, %parallel_loop3A_444] {strides = array<i32>} : memref<256x64xf32, #tpu.memory_space<vmem>>, vector<16xf32>,
      %parallel_loop3A_446 = arith.constant 1.000000e+00 : f32
      %parallel_loop3A_447 = vector.broadcast %parallel_loop3A_446 : f32 to vector<16xf32>
      %parallel_loop3A_448 = arith.mulf %parallel_loop3A_445, %parallel_loop3A_447 : vector<16xf32>
      tpu.vector_store_idx %arg9[%parallel_loop3A_442, %select_n3A, %select_n3A_50, %parallel_loop3A_441], %parallel_loop3A_448 : memref<2x8x8x129xf32, #tpu.memory_space<vmem>>[vector<16xi32>, vector<16xi32>, vector<16xi32>, vector<16xi32>], vector<16xf32>,
      %parallel_loop3A_449 = arith.index_cast %parallel_loop3A_400 : i32 to index
      %parallel_loop3A_450 = arith.constant 16 : index
      %parallel_loop3A_451 = tpu.vector_load %arg7[%parallel_loop3A_449, %parallel_loop3A_450] {strides = array<i32>} : memref<256x64xf32, #tpu.memory_space<vmem>>, vector<16xf32>,
      %parallel_loop3A_452 = arith.constant 1.000000e+00 : f32
      %parallel_loop3A_453 = vector.broadcast %parallel_loop3A_452 : f32 to vector<16xf32>
      %parallel_loop3A_454 = arith.mulf %parallel_loop3A_451, %parallel_loop3A_453 : vector<16xf32>
      tpu.vector_store_idx %arg9[%parallel_loop3A_442, %select_n3A_84, %select_n3A_106, %parallel_loop3A_441], %parallel_loop3A_454 : memref<2x8x8x129xf32, #tpu.memory_space<vmem>>[vector<16xi32>, vector<16xi32>, vector<16xi32>, vector<16xi32>], vector<16xf32>,
      %parallel_loop3A_455 = arith.index_cast %parallel_loop3A_400 : i32 to index
      %parallel_loop3A_456 = arith.constant 32 : index
      %parallel_loop3A_457 = tpu.vector_load %arg7[%parallel_loop3A_455, %parallel_loop3A_456] {strides = array<i32>} : memref<256x64xf32, #tpu.memory_space<vmem>>, vector<16xf32>,
      %parallel_loop3A_458 = arith.constant 1.000000e+00 : f32
      %parallel_loop3A_459 = vector.broadcast %parallel_loop3A_458 : f32 to vector<16xf32>
      %parallel_loop3A_460 = arith.mulf %parallel_loop3A_457, %parallel_loop3A_459 : vector<16xf32>
      tpu.vector_store_idx %arg9[%parallel_loop3A_442, %select_n3A_140, %select_n3A_162, %parallel_loop3A_441], %parallel_loop3A_460 : memref<2x8x8x129xf32, #tpu.memory_space<vmem>>[vector<16xi32>, vector<16xi32>, vector<16xi32>, vector<16xi32>], vector<16xf32>,
      %parallel_loop3A_461 = arith.index_cast %parallel_loop3A_400 : i32 to index
      %parallel_loop3A_462 = arith.constant 48 : index
      %parallel_loop3A_463 = tpu.vector_load %arg7[%parallel_loop3A_461, %parallel_loop3A_462] {strides = array<i32>} : memref<256x64xf32, #tpu.memory_space<vmem>>, vector<16xf32>,
      %parallel_loop3A_464 = arith.constant 1.000000e+00 : f32
      %parallel_loop3A_465 = vector.broadcast %parallel_loop3A_464 : f32 to vector<16xf32>
      %parallel_loop3A_466 = arith.mulf %parallel_loop3A_463, %parallel_loop3A_465 : vector<16xf32>
      tpu.vector_store_idx %arg9[%parallel_loop3A_442, %select_n3A_196, %select_n3A_218, %parallel_loop3A_441], %parallel_loop3A_466 : memref<2x8x8x129xf32, #tpu.memory_space<vmem>>[vector<16xi32>, vector<16xi32>, vector<16xi32>, vector<16xi32>], vector<16xf32>,
      %parallel_loop3A_467 = arith.constant 4 : i32
      %parallel_loop3A_468 = arith.muli %parallel_loop3A_396, %parallel_loop3A_467 : i32
      %parallel_loop3A_469 = arith.constant 1 : i32
      %parallel_loop3A_470 = arith.addi %parallel_loop3A_468, %parallel_loop3A_469 : i32
      %parallel_loop3A_471 = arith.constant 128 : i32
      %parallel_loop3A_472 = arith.divsi %parallel_loop3A_470, %parallel_loop3A_471 : i32
      %parallel_loop3A_473 = arith.constant 0 : i32
      %parallel_loop3A_474 = arith.cmpi sgt, %parallel_loop3A_470, %parallel_loop3A_473 : i32
      %parallel_loop3A_475 = arith.extui %parallel_loop3A_474 : i1 to i32
      %parallel_loop3A_476 = arith.constant 0 : i32
      %parallel_loop3A_477 = arith.cmpi slt, %parallel_loop3A_470, %parallel_loop3A_476 : i32
      %parallel_loop3A_478 = arith.extui %parallel_loop3A_477 : i1 to i32
      %parallel_loop3A_479 = arith.subi %parallel_loop3A_475, %parallel_loop3A_478 : i32
      %parallel_loop3A_480 = arith.constant 0 : i32
      %parallel_loop3A_481 = arith.cmpi sgt, %parallel_loop3A_471, %parallel_loop3A_480 : i32
      %parallel_loop3A_482 = arith.extui %parallel_loop3A_481 : i1 to i32
      %parallel_loop3A_483 = arith.constant 0 : i32
      %parallel_loop3A_484 = arith.cmpi slt, %parallel_loop3A_471, %parallel_loop3A_483 : i32
      %parallel_loop3A_485 = arith.extui %parallel_loop3A_484 : i1 to i32
      %parallel_loop3A_486 = arith.subi %parallel_loop3A_482, %parallel_loop3A_485 : i32
      %parallel_loop3A_487 = arith.cmpi ne, %parallel_loop3A_479, %parallel_loop3A_486 : i32
      %parallel_loop3A_488 = arith.remsi %parallel_loop3A_470, %parallel_loop3A_471 : i32
      %parallel_loop3A_489 = arith.constant 0 : i32
      %parallel_loop3A_490 = arith.cmpi ne, %parallel_loop3A_488, %parallel_loop3A_489 : i32
      %parallel_loop3A_491 = arith.andi %parallel_loop3A_487, %parallel_loop3A_490 : i1
      %parallel_loop3A_492 = arith.constant 1 : i32
      %parallel_loop3A_493 = arith.subi %parallel_loop3A_472, %parallel_loop3A_492 : i32
      %parallel_loop3A_494 = arith.select %parallel_loop3A_491, %parallel_loop3A_493, %parallel_loop3A_472 : i32
      %parallel_loop3A_495 = arith.constant 128 : i32
      %parallel_loop3A_496 = arith.constant 0 : i32
      %parallel_loop3A_497 = arith.cmpi eq, %parallel_loop3A_495, %parallel_loop3A_496 : i32
      %parallel_loop3A_498 = arith.constant 1 : i32
      %parallel_loop3A_499 = arith.select %parallel_loop3A_497, %parallel_loop3A_498, %parallel_loop3A_495 : i32
      %parallel_loop3A_500 = arith.remsi %parallel_loop3A_470, %parallel_loop3A_499 : i32
      %parallel_loop3A_501 = arith.constant 0 : i32
      %parallel_loop3A_502 = arith.cmpi ne, %parallel_loop3A_500, %parallel_loop3A_501 : i32
      %parallel_loop3A_503 = arith.constant 0 : i32
      %parallel_loop3A_504 = arith.cmpi slt, %parallel_loop3A_500, %parallel_loop3A_503 : i32
      %parallel_loop3A_505 = arith.constant 0 : i32
      %parallel_loop3A_506 = arith.cmpi slt, %parallel_loop3A_499, %parallel_loop3A_505 : i32
      %parallel_loop3A_507 = arith.xori %parallel_loop3A_504, %parallel_loop3A_506 : i1
      %parallel_loop3A_508 = arith.andi %parallel_loop3A_507, %parallel_loop3A_502 : i1
      %parallel_loop3A_509 = arith.addi %parallel_loop3A_500, %parallel_loop3A_499 : i32
      %parallel_loop3A_510 = arith.select %parallel_loop3A_508, %parallel_loop3A_509, %parallel_loop3A_500 : i32
      %parallel_loop3A_511 = vector.broadcast %parallel_loop3A_510 : i32 to vector<16xi32>
      %parallel_loop3A_512 = vector.broadcast %parallel_loop3A_494 : i32 to vector<16xi32>
      %parallel_loop3A_513 = arith.index_cast %parallel_loop3A_470 : i32 to index
      %parallel_loop3A_514 = arith.constant 0 : index
      %parallel_loop3A_515 = tpu.vector_load %arg7[%parallel_loop3A_513, %parallel_loop3A_514] {strides = array<i32>} : memref<256x64xf32, #tpu.memory_space<vmem>>, vector<16xf32>,
      %parallel_loop3A_516 = arith.constant 1.000000e+00 : f32
      %parallel_loop3A_517 = vector.broadcast %parallel_loop3A_516 : f32 to vector<16xf32>
      %parallel_loop3A_518 = arith.mulf %parallel_loop3A_515, %parallel_loop3A_517 : vector<16xf32>
      tpu.vector_store_idx %arg9[%parallel_loop3A_512, %select_n3A, %select_n3A_50, %parallel_loop3A_511], %parallel_loop3A_518 : memref<2x8x8x129xf32, #tpu.memory_space<vmem>>[vector<16xi32>, vector<16xi32>, vector<16xi32>, vector<16xi32>], vector<16xf32>,
      %parallel_loop3A_519 = arith.index_cast %parallel_loop3A_470 : i32 to index
      %parallel_loop3A_520 = arith.constant 16 : index
      %parallel_loop3A_521 = tpu.vector_load %arg7[%parallel_loop3A_519, %parallel_loop3A_520] {strides = array<i32>} : memref<256x64xf32, #tpu.memory_space<vmem>>, vector<16xf32>,
      %parallel_loop3A_522 = arith.constant 1.000000e+00 : f32
      %parallel_loop3A_523 = vector.broadcast %parallel_loop3A_522 : f32 to vector<16xf32>
      %parallel_loop3A_524 = arith.mulf %parallel_loop3A_521, %parallel_loop3A_523 : vector<16xf32>
      tpu.vector_store_idx %arg9[%parallel_loop3A_512, %select_n3A_84, %select_n3A_106, %parallel_loop3A_511], %parallel_loop3A_524 : memref<2x8x8x129xf32, #tpu.memory_space<vmem>>[vector<16xi32>, vector<16xi32>, vector<16xi32>, vector<16xi32>], vector<16xf32>,
      %parallel_loop3A_525 = arith.index_cast %parallel_loop3A_470 : i32 to index
      %parallel_loop3A_526 = arith.constant 32 : index
      %parallel_loop3A_527 = tpu.vector_load %arg7[%parallel_loop3A_525, %parallel_loop3A_526] {strides = array<i32>} : memref<256x64xf32, #tpu.memory_space<vmem>>, vector<16xf32>,
      %parallel_loop3A_528 = arith.constant 1.000000e+00 : f32
      %parallel_loop3A_529 = vector.broadcast %parallel_loop3A_528 : f32 to vector<16xf32>
      %parallel_loop3A_530 = arith.mulf %parallel_loop3A_527, %parallel_loop3A_529 : vector<16xf32>
      tpu.vector_store_idx %arg9[%parallel_loop3A_512, %select_n3A_140, %select_n3A_162, %parallel_loop3A_511], %parallel_loop3A_530 : memref<2x8x8x129xf32, #tpu.memory_space<vmem>>[vector<16xi32>, vector<16xi32>, vector<16xi32>, vector<16xi32>], vector<16xf32>,
      %parallel_loop3A_531 = arith.index_cast %parallel_loop3A_470 : i32 to index
      %parallel_loop3A_532 = arith.constant 48 : index
      %parallel_loop3A_533 = tpu.vector_load %arg7[%parallel_loop3A_531, %parallel_loop3A_532] {strides = array<i32>} : memref<256x64xf32, #tpu.memory_space<vmem>>, vector<16xf32>,
      %parallel_loop3A_534 = arith.constant 1.000000e+00 : f32
      %parallel_loop3A_535 = vector.broadcast %parallel_loop3A_534 : f32 to vector<16xf32>
      %parallel_loop3A_536 = arith.mulf %parallel_loop3A_533, %parallel_loop3A_535 : vector<16xf32>
      tpu.vector_store_idx %arg9[%parallel_loop3A_512, %select_n3A_196, %select_n3A_218, %parallel_loop3A_511], %parallel_loop3A_536 : memref<2x8x8x129xf32, #tpu.memory_space<vmem>>[vector<16xi32>, vector<16xi32>, vector<16xi32>, vector<16xi32>], vector<16xf32>,
      %parallel_loop3A_537 = arith.constant 4 : i32
      %parallel_loop3A_538 = arith.muli %parallel_loop3A_396, %parallel_loop3A_537 : i32
      %parallel_loop3A_539 = arith.constant 2 : i32
      %parallel_loop3A_540 = arith.addi %parallel_loop3A_538, %parallel_loop3A_539 : i32
      %parallel_loop3A_541 = arith.constant 128 : i32
      %parallel_loop3A_542 = arith.divsi %parallel_loop3A_540, %parallel_loop3A_541 : i32
      %parallel_loop3A_543 = arith.constant 0 : i32
      %parallel_loop3A_544 = arith.cmpi sgt, %parallel_loop3A_540, %parallel_loop3A_543 : i32
      %parallel_loop3A_545 = arith.extui %parallel_loop3A_544 : i1 to i32
      %parallel_loop3A_546 = arith.constant 0 : i32
      %parallel_loop3A_547 = arith.cmpi slt, %parallel_loop3A_540, %parallel_loop3A_546 : i32
      %parallel_loop3A_548 = arith.extui %parallel_loop3A_547 : i1 to i32
      %parallel_loop3A_549 = arith.subi %parallel_loop3A_545, %parallel_loop3A_548 : i32
      %parallel_loop3A_550 = arith.constant 0 : i32
      %parallel_loop3A_551 = arith.cmpi sgt, %parallel_loop3A_541, %parallel_loop3A_550 : i32
      %parallel_loop3A_552 = arith.extui %parallel_loop3A_551 : i1 to i32
      %parallel_loop3A_553 = arith.constant 0 : i32
      %parallel_loop3A_554 = arith.cmpi slt, %parallel_loop3A_541, %parallel_loop3A_553 : i32
      %parallel_loop3A_555 = arith.extui %parallel_loop3A_554 : i1 to i32
      %parallel_loop3A_556 = arith.subi %parallel_loop3A_552, %parallel_loop3A_555 : i32
      %parallel_loop3A_557 = arith.cmpi ne, %parallel_loop3A_549, %parallel_loop3A_556 : i32
      %parallel_loop3A_558 = arith.remsi %parallel_loop3A_540, %parallel_loop3A_541 : i32
      %parallel_loop3A_559 = arith.constant 0 : i32
      %parallel_loop3A_560 = arith.cmpi ne, %parallel_loop3A_558, %parallel_loop3A_559 : i32
      %parallel_loop3A_561 = arith.andi %parallel_loop3A_557, %parallel_loop3A_560 : i1
      %parallel_loop3A_562 = arith.constant 1 : i32
      %parallel_loop3A_563 = arith.subi %parallel_loop3A_542, %parallel_loop3A_562 : i32
      %parallel_loop3A_564 = arith.select %parallel_loop3A_561, %parallel_loop3A_563, %parallel_loop3A_542 : i32
      %parallel_loop3A_565 = arith.constant 128 : i32
      %parallel_loop3A_566 = arith.constant 0 : i32
      %parallel_loop3A_567 = arith.cmpi eq, %parallel_loop3A_565, %parallel_loop3A_566 : i32
      %parallel_loop3A_568 = arith.constant 1 : i32
      %parallel_loop3A_569 = arith.select %parallel_loop3A_567, %parallel_loop3A_568, %parallel_loop3A_565 : i32
      %parallel_loop3A_570 = arith.remsi %parallel_loop3A_540, %parallel_loop3A_569 : i32
      %parallel_loop3A_571 = arith.constant 0 : i32
      %parallel_loop3A_572 = arith.cmpi ne, %parallel_loop3A_570, %parallel_loop3A_571 : i32
      %parallel_loop3A_573 = arith.constant 0 : i32
      %parallel_loop3A_574 = arith.cmpi slt, %parallel_loop3A_570, %parallel_loop3A_573 : i32
      %parallel_loop3A_575 = arith.constant 0 : i32
      %parallel_loop3A_576 = arith.cmpi slt, %parallel_loop3A_569, %parallel_loop3A_575 : i32
      %parallel_loop3A_577 = arith.xori %parallel_loop3A_574, %parallel_loop3A_576 : i1
      %parallel_loop3A_578 = arith.andi %parallel_loop3A_577, %parallel_loop3A_572 : i1
      %parallel_loop3A_579 = arith.addi %parallel_loop3A_570, %parallel_loop3A_569 : i32
      %parallel_loop3A_580 = arith.select %parallel_loop3A_578, %parallel_loop3A_579, %parallel_loop3A_570 : i32
      %parallel_loop3A_581 = vector.broadcast %parallel_loop3A_580 : i32 to vector<16xi32>
      %parallel_loop3A_582 = vector.broadcast %parallel_loop3A_564 : i32 to vector<16xi32>
      %parallel_loop3A_583 = arith.index_cast %parallel_loop3A_540 : i32 to index
      %parallel_loop3A_584 = arith.constant 0 : index
      %parallel_loop3A_585 = tpu.vector_load %arg7[%parallel_loop3A_583, %parallel_loop3A_584] {strides = array<i32>} : memref<256x64xf32, #tpu.memory_space<vmem>>, vector<16xf32>,
      %parallel_loop3A_586 = arith.constant 1.000000e+00 : f32
      %parallel_loop3A_587 = vector.broadcast %parallel_loop3A_586 : f32 to vector<16xf32>
      %parallel_loop3A_588 = arith.mulf %parallel_loop3A_585, %parallel_loop3A_587 : vector<16xf32>
      tpu.vector_store_idx %arg9[%parallel_loop3A_582, %select_n3A, %select_n3A_50, %parallel_loop3A_581], %parallel_loop3A_588 : memref<2x8x8x129xf32, #tpu.memory_space<vmem>>[vector<16xi32>, vector<16xi32>, vector<16xi32>, vector<16xi32>], vector<16xf32>,
      %parallel_loop3A_589 = arith.index_cast %parallel_loop3A_540 : i32 to index
      %parallel_loop3A_590 = arith.constant 16 : index
      %parallel_loop3A_591 = tpu.vector_load %arg7[%parallel_loop3A_589, %parallel_loop3A_590] {strides = array<i32>} : memref<256x64xf32, #tpu.memory_space<vmem>>, vector<16xf32>,
      %parallel_loop3A_592 = arith.constant 1.000000e+00 : f32
      %parallel_loop3A_593 = vector.broadcast %parallel_loop3A_592 : f32 to vector<16xf32>
      %parallel_loop3A_594 = arith.mulf %parallel_loop3A_591, %parallel_loop3A_593 : vector<16xf32>
      tpu.vector_store_idx %arg9[%parallel_loop3A_582, %select_n3A_84, %select_n3A_106, %parallel_loop3A_581], %parallel_loop3A_594 : memref<2x8x8x129xf32, #tpu.memory_space<vmem>>[vector<16xi32>, vector<16xi32>, vector<16xi32>, vector<16xi32>], vector<16xf32>,
      %parallel_loop3A_595 = arith.index_cast %parallel_loop3A_540 : i32 to index
      %parallel_loop3A_596 = arith.constant 32 : index
      %parallel_loop3A_597 = tpu.vector_load %arg7[%parallel_loop3A_595, %parallel_loop3A_596] {strides = array<i32>} : memref<256x64xf32, #tpu.memory_space<vmem>>, vector<16xf32>,
      %parallel_loop3A_598 = arith.constant 1.000000e+00 : f32
      %parallel_loop3A_599 = vector.broadcast %parallel_loop3A_598 : f32 to vector<16xf32>
      %parallel_loop3A_600 = arith.mulf %parallel_loop3A_597, %parallel_loop3A_599 : vector<16xf32>
      tpu.vector_store_idx %arg9[%parallel_loop3A_582, %select_n3A_140, %select_n3A_162, %parallel_loop3A_581], %parallel_loop3A_600 : memref<2x8x8x129xf32, #tpu.memory_space<vmem>>[vector<16xi32>, vector<16xi32>, vector<16xi32>, vector<16xi32>], vector<16xf32>,
      %parallel_loop3A_601 = arith.index_cast %parallel_loop3A_540 : i32 to index
      %parallel_loop3A_602 = arith.constant 48 : index
      %parallel_loop3A_603 = tpu.vector_load %arg7[%parallel_loop3A_601, %parallel_loop3A_602] {strides = array<i32>} : memref<256x64xf32, #tpu.memory_space<vmem>>, vector<16xf32>,
      %parallel_loop3A_604 = arith.constant 1.000000e+00 : f32
      %parallel_loop3A_605 = vector.broadcast %parallel_loop3A_604 : f32 to vector<16xf32>
      %parallel_loop3A_606 = arith.mulf %parallel_loop3A_603, %parallel_loop3A_605 : vector<16xf32>
      tpu.vector_store_idx %arg9[%parallel_loop3A_582, %select_n3A_196, %select_n3A_218, %parallel_loop3A_581], %parallel_loop3A_606 : memref<2x8x8x129xf32, #tpu.memory_space<vmem>>[vector<16xi32>, vector<16xi32>, vector<16xi32>, vector<16xi32>], vector<16xf32>,
      %parallel_loop3A_607 = arith.constant 4 : i32
      %parallel_loop3A_608 = arith.muli %parallel_loop3A_396, %parallel_loop3A_607 : i32
      %parallel_loop3A_609 = arith.constant 3 : i32
      %parallel_loop3A_610 = arith.addi %parallel_loop3A_608, %parallel_loop3A_609 : i32
      %parallel_loop3A_611 = arith.constant 128 : i32
      %parallel_loop3A_612 = arith.divsi %parallel_loop3A_610, %parallel_loop3A_611 : i32
      %parallel_loop3A_613 = arith.constant 0 : i32
      %parallel_loop3A_614 = arith.cmpi sgt, %parallel_loop3A_610, %parallel_loop3A_613 : i32
      %parallel_loop3A_615 = arith.extui %parallel_loop3A_614 : i1 to i32
      %parallel_loop3A_616 = arith.constant 0 : i32
      %parallel_loop3A_617 = arith.cmpi slt, %parallel_loop3A_610, %parallel_loop3A_616 : i32
      %parallel_loop3A_618 = arith.extui %parallel_loop3A_617 : i1 to i32
      %parallel_loop3A_619 = arith.subi %parallel_loop3A_615, %parallel_loop3A_618 : i32
      %parallel_loop3A_620 = arith.constant 0 : i32
      %parallel_loop3A_621 = arith.cmpi sgt, %parallel_loop3A_611, %parallel_loop3A_620 : i32
      %parallel_loop3A_622 = arith.extui %parallel_loop3A_621 : i1 to i32
      %parallel_loop3A_623 = arith.constant 0 : i32
      %parallel_loop3A_624 = arith.cmpi slt, %parallel_loop3A_611, %parallel_loop3A_623 : i32
      %parallel_loop3A_625 = arith.extui %parallel_loop3A_624 : i1 to i32
      %parallel_loop3A_626 = arith.subi %parallel_loop3A_622, %parallel_loop3A_625 : i32
      %parallel_loop3A_627 = arith.cmpi ne, %parallel_loop3A_619, %parallel_loop3A_626 : i32
      %parallel_loop3A_628 = arith.remsi %parallel_loop3A_610, %parallel_loop3A_611 : i32
      %parallel_loop3A_629 = arith.constant 0 : i32
      %parallel_loop3A_630 = arith.cmpi ne, %parallel_loop3A_628, %parallel_loop3A_629 : i32
      %parallel_loop3A_631 = arith.andi %parallel_loop3A_627, %parallel_loop3A_630 : i1
      %parallel_loop3A_632 = arith.constant 1 : i32
      %parallel_loop3A_633 = arith.subi %parallel_loop3A_612, %parallel_loop3A_632 : i32
      %parallel_loop3A_634 = arith.select %parallel_loop3A_631, %parallel_loop3A_633, %parallel_loop3A_612 : i32
      %parallel_loop3A_635 = arith.constant 128 : i32
      %parallel_loop3A_636 = arith.constant 0 : i32
      %parallel_loop3A_637 = arith.cmpi eq, %parallel_loop3A_635, %parallel_loop3A_636 : i32
      %parallel_loop3A_638 = arith.constant 1 : i32
      %parallel_loop3A_639 = arith.select %parallel_loop3A_637, %parallel_loop3A_638, %parallel_loop3A_635 : i32
      %parallel_loop3A_640 = arith.remsi %parallel_loop3A_610, %parallel_loop3A_639 : i32
      %parallel_loop3A_641 = arith.constant 0 : i32
      %parallel_loop3A_642 = arith.cmpi ne, %parallel_loop3A_640, %parallel_loop3A_641 : i32
      %parallel_loop3A_643 = arith.constant 0 : i32
      %parallel_loop3A_644 = arith.cmpi slt, %parallel_loop3A_640, %parallel_loop3A_643 : i32
      %parallel_loop3A_645 = arith.constant 0 : i32
      %parallel_loop3A_646 = arith.cmpi slt, %parallel_loop3A_639, %parallel_loop3A_645 : i32
      %parallel_loop3A_647 = arith.xori %parallel_loop3A_644, %parallel_loop3A_646 : i1
      %parallel_loop3A_648 = arith.andi %parallel_loop3A_647, %parallel_loop3A_642 : i1
      %parallel_loop3A_649 = arith.addi %parallel_loop3A_640, %parallel_loop3A_639 : i32
      %parallel_loop3A_650 = arith.select %parallel_loop3A_648, %parallel_loop3A_649, %parallel_loop3A_640 : i32
      %parallel_loop3A_651 = vector.broadcast %parallel_loop3A_650 : i32 to vector<16xi32>
      %parallel_loop3A_652 = vector.broadcast %parallel_loop3A_634 : i32 to vector<16xi32>
      %parallel_loop3A_653 = arith.index_cast %parallel_loop3A_610 : i32 to index
      %parallel_loop3A_654 = arith.constant 0 : index
      %parallel_loop3A_655 = tpu.vector_load %arg7[%parallel_loop3A_653, %parallel_loop3A_654] {strides = array<i32>} : memref<256x64xf32, #tpu.memory_space<vmem>>, vector<16xf32>,
      %parallel_loop3A_656 = arith.constant 1.000000e+00 : f32
      %parallel_loop3A_657 = vector.broadcast %parallel_loop3A_656 : f32 to vector<16xf32>
      %parallel_loop3A_658 = arith.mulf %parallel_loop3A_655, %parallel_loop3A_657 : vector<16xf32>
      tpu.vector_store_idx %arg9[%parallel_loop3A_652, %select_n3A, %select_n3A_50, %parallel_loop3A_651], %parallel_loop3A_658 : memref<2x8x8x129xf32, #tpu.memory_space<vmem>>[vector<16xi32>, vector<16xi32>, vector<16xi32>, vector<16xi32>], vector<16xf32>,
      %parallel_loop3A_659 = arith.index_cast %parallel_loop3A_610 : i32 to index
      %parallel_loop3A_660 = arith.constant 16 : index
      %parallel_loop3A_661 = tpu.vector_load %arg7[%parallel_loop3A_659, %parallel_loop3A_660] {strides = array<i32>} : memref<256x64xf32, #tpu.memory_space<vmem>>, vector<16xf32>,
      %parallel_loop3A_662 = arith.constant 1.000000e+00 : f32
      %parallel_loop3A_663 = vector.broadcast %parallel_loop3A_662 : f32 to vector<16xf32>
      %parallel_loop3A_664 = arith.mulf %parallel_loop3A_661, %parallel_loop3A_663 : vector<16xf32>
      tpu.vector_store_idx %arg9[%parallel_loop3A_652, %select_n3A_84, %select_n3A_106, %parallel_loop3A_651], %parallel_loop3A_664 : memref<2x8x8x129xf32, #tpu.memory_space<vmem>>[vector<16xi32>, vector<16xi32>, vector<16xi32>, vector<16xi32>], vector<16xf32>,
      %parallel_loop3A_665 = arith.index_cast %parallel_loop3A_610 : i32 to index
      %parallel_loop3A_666 = arith.constant 32 : index
      %parallel_loop3A_667 = tpu.vector_load %arg7[%parallel_loop3A_665, %parallel_loop3A_666] {strides = array<i32>} : memref<256x64xf32, #tpu.memory_space<vmem>>, vector<16xf32>,
      %parallel_loop3A_668 = arith.constant 1.000000e+00 : f32
      %parallel_loop3A_669 = vector.broadcast %parallel_loop3A_668 : f32 to vector<16xf32>
      %parallel_loop3A_670 = arith.mulf %parallel_loop3A_667, %parallel_loop3A_669 : vector<16xf32>
      tpu.vector_store_idx %arg9[%parallel_loop3A_652, %select_n3A_140, %select_n3A_162, %parallel_loop3A_651], %parallel_loop3A_670 : memref<2x8x8x129xf32, #tpu.memory_space<vmem>>[vector<16xi32>, vector<16xi32>, vector<16xi32>, vector<16xi32>], vector<16xf32>,
      %parallel_loop3A_671 = arith.index_cast %parallel_loop3A_610 : i32 to index
      %parallel_loop3A_672 = arith.constant 48 : index
      %parallel_loop3A_673 = tpu.vector_load %arg7[%parallel_loop3A_671, %parallel_loop3A_672] {strides = array<i32>} : memref<256x64xf32, #tpu.memory_space<vmem>>, vector<16xf32>,
      %parallel_loop3A_674 = arith.constant 1.000000e+00 : f32
      %parallel_loop3A_675 = vector.broadcast %parallel_loop3A_674 : f32 to vector<16xf32>
      %parallel_loop3A_676 = arith.mulf %parallel_loop3A_673, %parallel_loop3A_675 : vector<16xf32>
      tpu.vector_store_idx %arg9[%parallel_loop3A_652, %select_n3A_196, %select_n3A_218, %parallel_loop3A_651], %parallel_loop3A_676 : memref<2x8x8x129xf32, #tpu.memory_space<vmem>>[vector<16xi32>, vector<16xi32>, vector<16xi32>, vector<16xi32>], vector<16xf32>,
    } {sc.loop_unroll_factor = 4 : i64, sc.parallel_access}
    %dma_start3A_325 = arith.constant 0 : i32
    %dma_start3A_326 = arith.constant 0 : i32
    %dma_start3A_327 = arith.constant 0 : i32
    %dma_start3A_328 = arith.constant 0 : i32
    %dma_start3A_329 = tpu.memref_slice %arg9[%dma_start3A_325, %dma_start3A_326, %dma_start3A_327, %dma_start3A_328] : memref<2x8x8x129xf32, #tpu.memory_space<vmem>> -> memref<2x8x8x128xf32, #tpu.memory_space<vmem>>
    %dma_start3A_330 = arith.constant 2 : i32
    %dma_start3A_331 = arith.constant 0 : i32
    %dma_start3A_332 = arith.constant 0 : i32
    %dma_start3A_333 = arith.constant 0 : i32
    %dma_start3A_334 = tpu.memref_slice %arg4[%dma_start3A_330, %dma_start3A_331, %add3A, %dma_start3A_332, %dma_start3A_333] : memref<200x8x32x8x128xf32, #tpu.memory_space<hbm>> -> memref<2x8x1x8x128xf32, #tpu.memory_space<hbm>>
    %dma_start3A_335 = tpu.memref_squeeze %dma_start3A_334 : memref<2x8x1x8x128xf32, #tpu.memory_space<hbm>> -> memref<2x8x8x128xf32, #tpu.memory_space<hbm>>
    %dma_start3A_336 = arith.constant 2 : i32
    %dma_start3A_337 = arith.constant 0 : i32
    %dma_start3A_338 = arith.constant 0 : i32
    %dma_start3A_339 = arith.constant 0 : i32
    %dma_start3A_340 = tpu.memref_slice %arg4[%dma_start3A_336, %dma_start3A_337, %add3A, %dma_start3A_338, %dma_start3A_339] : memref<200x8x32x8x128xf32, #tpu.memory_space<hbm>> -> memref<2x8x1x8x128xf32, #tpu.memory_space<hbm>>
    %dma_start3A_341 = tpu.memref_squeeze %dma_start3A_340 : memref<2x8x1x8x128xf32, #tpu.memory_space<hbm>> -> memref<2x8x8x128xf32, #tpu.memory_space<hbm>>
    %dma_start3A_342 = arith.constant 0 : i32
    %dma_start3A_343 = arith.constant 0 : i32
    %dma_start3A_344 = arith.constant 0 : i32
    %dma_start3A_345 = arith.constant 0 : i32
    %dma_start3A_346 = tpu.memref_slice %arg9[%dma_start3A_342, %dma_start3A_343, %dma_start3A_344, %dma_start3A_345] : memref<2x8x8x129xf32, #tpu.memory_space<vmem>> -> memref<2x8x8x128xf32, #tpu.memory_space<vmem>>
    tpu.enqueue_dma source(%dma_start3A_346 : memref<2x8x8x128xf32, #tpu.memory_space<vmem>>) target(%dma_start3A_341 : memref<2x8x8x128xf32, #tpu.memory_space<hbm>>) target_semaphore(%arg13 : memref<!tpu.dma_semaphore, #tpu.memory_space<semaphore_mem>>)
    %scan3A = arith.constant 0 : i32
    %scan3A_347 = arith.constant 1 : i32
    %scan3A_348 = arith.constant 49 : i32
    %scan3A_349 = arith.addi %scan3A_347, %scan3A_348 : i32
    %scan3A_350 = arith.constant 1 : i32
    scf.for %scan3A_396 = %scan3A_347 to %scan3A_349 step %scan3A_350  : i32 {
      %mul3A_397 = arith.constant 4 : i32
      %mul3A_398 = arith.muli %mul3A_397, %scan3A_396 : i32
      %mul3A_399 = arith.constant 4 : i32
      %mul3A_400 = arith.muli %mul3A_399, %scan3A_396 : i32
      %add3A_401 = arith.constant 2 : i32
      %add3A_402 = arith.addi %mul3A_400, %add3A_401 : i32
      %dma_wait3A_403 = arith.constant 0 : i32
      %dma_wait3A_404 = arith.constant 0 : i32
      %dma_wait3A_405 = arith.constant 0 : i32
      %dma_wait3A_406 = arith.constant 0 : i32
      %dma_wait3A_407 = tpu.memref_slice %arg8[%dma_wait3A_403, %dma_wait3A_404, %dma_wait3A_405, %dma_wait3A_406] : memref<2x8x8x129xf32, #tpu.memory_space<vmem>> -> memref<2x8x8x128xf32, #tpu.memory_space<vmem>>
      %dma_wait3A_408 = arith.constant 0 : i32
      %dma_wait3A_409 = arith.constant 0 : i32
      %dma_wait3A_410 = arith.constant 0 : i32
      %dma_wait3A_411 = tpu.memref_slice %arg4[%mul3A_398, %dma_wait3A_408, %add3A, %dma_wait3A_409, %dma_wait3A_410] : memref<200x8x32x8x128xf32, #tpu.memory_space<hbm>> -> memref<2x8x1x8x128xf32, #tpu.memory_space<hbm>>
      %dma_wait3A_412 = tpu.memref_squeeze %dma_wait3A_411 : memref<2x8x1x8x128xf32, #tpu.memory_space<hbm>> -> memref<2x8x8x128xf32, #tpu.memory_space<hbm>>
      %dma_wait3A_413 = arith.constant 0 : i32
      %dma_wait3A_414 = arith.constant 0 : i32
      %dma_wait3A_415 = arith.constant 0 : i32
      %dma_wait3A_416 = tpu.memref_slice %arg4[%mul3A_398, %dma_wait3A_413, %add3A, %dma_wait3A_414, %dma_wait3A_415] : memref<200x8x32x8x128xf32, #tpu.memory_space<hbm>> -> memref<2x8x1x8x128xf32, #tpu.memory_space<hbm>>
      %dma_wait3A_417 = tpu.memref_squeeze %dma_wait3A_416 : memref<2x8x1x8x128xf32, #tpu.memory_space<hbm>> -> memref<2x8x8x128xf32, #tpu.memory_space<hbm>>
      %dma_wait3A_418 = arith.constant 0 : i32
      %dma_wait3A_419 = arith.constant 0 : i32
      %dma_wait3A_420 = arith.constant 0 : i32
      %dma_wait3A_421 = arith.constant 0 : i32
      %dma_wait3A_422 = tpu.memref_slice %arg8[%dma_wait3A_418, %dma_wait3A_419, %dma_wait3A_420, %dma_wait3A_421] : memref<2x8x8x129xf32, #tpu.memory_space<vmem>> -> memref<2x8x8x128xf32, #tpu.memory_space<vmem>>
      tpu.wait_dma2 semaphore(%arg12 : memref<!tpu.dma_semaphore, #tpu.memory_space<semaphore_mem>>) src(%dma_wait3A_422 : memref<2x8x8x128xf32, #tpu.memory_space<vmem>>) dst(%dma_wait3A_417 : memref<2x8x8x128xf32, #tpu.memory_space<hbm>>)
      %dma_start3A_423 = arith.constant 0 : i32
      %dma_start3A_424 = arith.constant 0 : i32
      %dma_start3A_425 = tpu.memref_slice %arg6[%dma_start3A_423, %dma_start3A_424] : memref<256x64xf32, #tpu.memory_space<vmem>> -> memref<128x64xf32, #tpu.memory_space<vmem>>
      %dma_start3A_426 = arith.constant 0 : i32
      %dma_start3A_427 = tpu.memref_slice %arg5[%mul3A_398, %dma_start3A_426] : memref<200x128xi32, #tpu.memory_space<vmem>> -> memref<1x128xi32, #tpu.memory_space<vmem>>
      %dma_start3A_428 = tpu.memref_squeeze %dma_start3A_427 : memref<1x128xi32, #tpu.memory_space<vmem>> -> memref<128xi32, #tpu.memory_space<vmem>>
      %dma_start3A_429 = arith.constant 0 : i32
      %dma_start3A_430 = arith.constant 0 : i32
      %dma_start3A_431 = tpu.memref_slice %arg2[%dma_start3A_429, %dma_start3A_430] : memref<2000000x64xf32, #tpu.memory_space<hbm>> -> memref<2000000x64xf32, #tpu.memory_space<hbm>>
      tpu.enqueue_indirect_dma source(%dma_start3A_431 : memref<2000000x64xf32, #tpu.memory_space<hbm>>) target(%dma_start3A_425 : memref<128x64xf32, #tpu.memory_space<vmem>>) offsets(%dma_start3A_428 : memref<128xi32, #tpu.memory_space<vmem>>) semaphore(%arg10 : memref<!tpu.dma_semaphore, #tpu.memory_space<semaphore_mem>>)
      %add3A_432 = arith.constant 1 : i32
      %add3A_433 = arith.addi %mul3A_398, %add3A_432 : i32
      %dma_start3A_434 = arith.constant 128 : i32
      %dma_start3A_435 = arith.constant 0 : i32
      %dma_start3A_436 = tpu.memref_slice %arg6[%dma_start3A_434, %dma_start3A_435] : memref<256x64xf32, #tpu.memory_space<vmem>> -> memref<128x64xf32, #tpu.memory_space<vmem>>
      %dma_start3A_437 = arith.constant 0 : i32
      %dma_start3A_438 = tpu.memref_slice %arg5[%add3A_433, %dma_start3A_437] : memref<200x128xi32, #tpu.memory_space<vmem>> -> memref<1x128xi32, #tpu.memory_space<vmem>>
      %dma_start3A_439 = tpu.memref_squeeze %dma_start3A_438 : memref<1x128xi32, #tpu.memory_space<vmem>> -> memref<128xi32, #tpu.memory_space<vmem>>
      %dma_start3A_440 = arith.constant 0 : i32
      %dma_start3A_441 = arith.constant 0 : i32
      %dma_start3A_442 = tpu.memref_slice %arg2[%dma_start3A_440, %dma_start3A_441] : memref<2000000x64xf32, #tpu.memory_space<hbm>> -> memref<2000000x64xf32, #tpu.memory_space<hbm>>
      tpu.enqueue_indirect_dma source(%dma_start3A_442 : memref<2000000x64xf32, #tpu.memory_space<hbm>>) target(%dma_start3A_436 : memref<128x64xf32, #tpu.memory_space<vmem>>) offsets(%dma_start3A_439 : memref<128xi32, #tpu.memory_space<vmem>>) semaphore(%arg10 : memref<!tpu.dma_semaphore, #tpu.memory_space<semaphore_mem>>)
      %dma_wait3A_443 = arith.constant 0 : i32
      %dma_wait3A_444 = arith.constant 0 : i32
      %dma_wait3A_445 = arith.constant 0 : i32
      %dma_wait3A_446 = arith.constant 0 : i32
      %dma_wait3A_447 = tpu.memref_slice %arg9[%dma_wait3A_443, %dma_wait3A_444, %dma_wait3A_445, %dma_wait3A_446] : memref<2x8x8x129xf32, #tpu.memory_space<vmem>> -> memref<2x8x8x128xf32, #tpu.memory_space<vmem>>
      %dma_wait3A_448 = arith.constant 0 : i32
      %dma_wait3A_449 = arith.constant 0 : i32
      %dma_wait3A_450 = arith.constant 0 : i32
      %dma_wait3A_451 = tpu.memref_slice %arg4[%add3A_402, %dma_wait3A_448, %add3A, %dma_wait3A_449, %dma_wait3A_450] : memref<200x8x32x8x128xf32, #tpu.memory_space<hbm>> -> memref<2x8x1x8x128xf32, #tpu.memory_space<hbm>>
      %dma_wait3A_452 = tpu.memref_squeeze %dma_wait3A_451 : memref<2x8x1x8x128xf32, #tpu.memory_space<hbm>> -> memref<2x8x8x128xf32, #tpu.memory_space<hbm>>
      %dma_wait3A_453 = arith.constant 0 : i32
      %dma_wait3A_454 = arith.constant 0 : i32
      %dma_wait3A_455 = arith.constant 0 : i32
      %dma_wait3A_456 = tpu.memref_slice %arg4[%add3A_402, %dma_wait3A_453, %add3A, %dma_wait3A_454, %dma_wait3A_455] : memref<200x8x32x8x128xf32, #tpu.memory_space<hbm>> -> memref<2x8x1x8x128xf32, #tpu.memory_space<hbm>>
      %dma_wait3A_457 = tpu.memref_squeeze %dma_wait3A_456 : memref<2x8x1x8x128xf32, #tpu.memory_space<hbm>> -> memref<2x8x8x128xf32, #tpu.memory_space<hbm>>
      %dma_wait3A_458 = arith.constant 0 : i32
      %dma_wait3A_459 = arith.constant 0 : i32
      %dma_wait3A_460 = arith.constant 0 : i32
      %dma_wait3A_461 = arith.constant 0 : i32
      %dma_wait3A_462 = tpu.memref_slice %arg9[%dma_wait3A_458, %dma_wait3A_459, %dma_wait3A_460, %dma_wait3A_461] : memref<2x8x8x129xf32, #tpu.memory_space<vmem>> -> memref<2x8x8x128xf32, #tpu.memory_space<vmem>>
      tpu.wait_dma2 semaphore(%arg13 : memref<!tpu.dma_semaphore, #tpu.memory_space<semaphore_mem>>) src(%dma_wait3A_462 : memref<2x8x8x128xf32, #tpu.memory_space<vmem>>) dst(%dma_wait3A_457 : memref<2x8x8x128xf32, #tpu.memory_space<hbm>>)
      %dma_start3A_463 = arith.constant 0 : i32
      %dma_start3A_464 = arith.constant 0 : i32
      %dma_start3A_465 = tpu.memref_slice %arg7[%dma_start3A_463, %dma_start3A_464] : memref<256x64xf32, #tpu.memory_space<vmem>> -> memref<128x64xf32, #tpu.memory_space<vmem>>
      %dma_start3A_466 = arith.constant 0 : i32
      %dma_start3A_467 = tpu.memref_slice %arg5[%add3A_402, %dma_start3A_466] : memref<200x128xi32, #tpu.memory_space<vmem>> -> memref<1x128xi32, #tpu.memory_space<vmem>>
      %dma_start3A_468 = tpu.memref_squeeze %dma_start3A_467 : memref<1x128xi32, #tpu.memory_space<vmem>> -> memref<128xi32, #tpu.memory_space<vmem>>
      %dma_start3A_469 = arith.constant 0 : i32
      %dma_start3A_470 = arith.constant 0 : i32
      %dma_start3A_471 = tpu.memref_slice %arg2[%dma_start3A_469, %dma_start3A_470] : memref<2000000x64xf32, #tpu.memory_space<hbm>> -> memref<2000000x64xf32, #tpu.memory_space<hbm>>
      tpu.enqueue_indirect_dma source(%dma_start3A_471 : memref<2000000x64xf32, #tpu.memory_space<hbm>>) target(%dma_start3A_465 : memref<128x64xf32, #tpu.memory_space<vmem>>) offsets(%dma_start3A_468 : memref<128xi32, #tpu.memory_space<vmem>>) semaphore(%arg11 : memref<!tpu.dma_semaphore, #tpu.memory_space<semaphore_mem>>)
      %add3A_472 = arith.constant 1 : i32
      %add3A_473 = arith.addi %add3A_402, %add3A_472 : i32
      %dma_start3A_474 = arith.constant 128 : i32
      %dma_start3A_475 = arith.constant 0 : i32
      %dma_start3A_476 = tpu.memref_slice %arg7[%dma_start3A_474, %dma_start3A_475] : memref<256x64xf32, #tpu.memory_space<vmem>> -> memref<128x64xf32, #tpu.memory_space<vmem>>
      %dma_start3A_477 = arith.constant 0 : i32
      %dma_start3A_478 = tpu.memref_slice %arg5[%add3A_473, %dma_start3A_477] : memref<200x128xi32, #tpu.memory_space<vmem>> -> memref<1x128xi32, #tpu.memory_space<vmem>>
      %dma_start3A_479 = tpu.memref_squeeze %dma_start3A_478 : memref<1x128xi32, #tpu.memory_space<vmem>> -> memref<128xi32, #tpu.memory_space<vmem>>
      %dma_start3A_480 = arith.constant 0 : i32
      %dma_start3A_481 = arith.constant 0 : i32
      %dma_start3A_482 = tpu.memref_slice %arg2[%dma_start3A_480, %dma_start3A_481] : memref<2000000x64xf32, #tpu.memory_space<hbm>> -> memref<2000000x64xf32, #tpu.memory_space<hbm>>
      tpu.enqueue_indirect_dma source(%dma_start3A_482 : memref<2000000x64xf32, #tpu.memory_space<hbm>>) target(%dma_start3A_476 : memref<128x64xf32, #tpu.memory_space<vmem>>) offsets(%dma_start3A_479 : memref<128xi32, #tpu.memory_space<vmem>>) semaphore(%arg11 : memref<!tpu.dma_semaphore, #tpu.memory_space<semaphore_mem>>)
      %dma_wait3A_483 = arith.constant 0 : i32
      %dma_wait3A_484 = arith.constant 0 : i32
      %dma_wait3A_485 = tpu.memref_slice %arg6[%dma_wait3A_483, %dma_wait3A_484] : memref<256x64xf32, #tpu.memory_space<vmem>> -> memref<128x64xf32, #tpu.memory_space<vmem>>
      %dma_wait3A_486 = arith.constant 0 : i32
      %dma_wait3A_487 = tpu.memref_slice %arg5[%mul3A_398, %dma_wait3A_486] : memref<200x128xi32, #tpu.memory_space<vmem>> -> memref<1x128xi32, #tpu.memory_space<vmem>>
      %dma_wait3A_488 = tpu.memref_squeeze %dma_wait3A_487 : memref<1x128xi32, #tpu.memory_space<vmem>> -> memref<128xi32, #tpu.memory_space<vmem>>
      %dma_wait3A_489 = arith.constant 0 : i32
      %dma_wait3A_490 = arith.constant 0 : i32
      %dma_wait3A_491 = tpu.memref_slice %arg2[%dma_wait3A_489, %dma_wait3A_490] : memref<2000000x64xf32, #tpu.memory_space<hbm>> -> memref<2000000x64xf32, #tpu.memory_space<hbm>>
      tpu.wait_indirect_dma semaphore(%arg10 : memref<!tpu.dma_semaphore, #tpu.memory_space<semaphore_mem>>) src(%dma_wait3A_491 : memref<2000000x64xf32, #tpu.memory_space<hbm>>) dst(%dma_wait3A_485 : memref<128x64xf32, #tpu.memory_space<vmem>>)
      %add3A_492 = arith.constant 1 : i32
      %add3A_493 = arith.addi %mul3A_398, %add3A_492 : i32
      %dma_wait3A_494 = arith.constant 128 : i32
      %dma_wait3A_495 = arith.constant 0 : i32
      %dma_wait3A_496 = tpu.memref_slice %arg6[%dma_wait3A_494, %dma_wait3A_495] : memref<256x64xf32, #tpu.memory_space<vmem>> -> memref<128x64xf32, #tpu.memory_space<vmem>>
      %dma_wait3A_497 = arith.constant 0 : i32
      %dma_wait3A_498 = tpu.memref_slice %arg5[%add3A_493, %dma_wait3A_497] : memref<200x128xi32, #tpu.memory_space<vmem>> -> memref<1x128xi32, #tpu.memory_space<vmem>>
      %dma_wait3A_499 = tpu.memref_squeeze %dma_wait3A_498 : memref<1x128xi32, #tpu.memory_space<vmem>> -> memref<128xi32, #tpu.memory_space<vmem>>
      %dma_wait3A_500 = arith.constant 0 : i32
      %dma_wait3A_501 = arith.constant 0 : i32
      %dma_wait3A_502 = tpu.memref_slice %arg2[%dma_wait3A_500, %dma_wait3A_501] : memref<2000000x64xf32, #tpu.memory_space<hbm>> -> memref<2000000x64xf32, #tpu.memory_space<hbm>>
      tpu.wait_indirect_dma semaphore(%arg10 : memref<!tpu.dma_semaphore, #tpu.memory_space<semaphore_mem>>) src(%dma_wait3A_502 : memref<2000000x64xf32, #tpu.memory_space<hbm>>) dst(%dma_wait3A_496 : memref<128x64xf32, #tpu.memory_space<vmem>>)
      %parallel_loop3A_503 = arith.constant 0 : i32
      %parallel_loop3A_504 = arith.constant 64 : i32
      %parallel_loop3A_505 = arith.constant 1 : i32
      scf.for %parallel_loop3A_569 = %parallel_loop3A_503 to %parallel_loop3A_504 step %parallel_loop3A_505  : i32 {
        %parallel_loop3A_570 = arith.constant 4 : i32
        %parallel_loop3A_571 = arith.muli %parallel_loop3A_569, %parallel_loop3A_570 : i32
        %parallel_loop3A_572 = arith.constant 0 : i32
        %parallel_loop3A_573 = arith.addi %parallel_loop3A_571, %parallel_loop3A_572 : i32
        %parallel_loop3A_574 = arith.constant 128 : i32
        %parallel_loop3A_575 = arith.divsi %parallel_loop3A_573, %parallel_loop3A_574 : i32
        %parallel_loop3A_576 = arith.constant 0 : i32
        %parallel_loop3A_577 = arith.cmpi sgt, %parallel_loop3A_573, %parallel_loop3A_576 : i32
        %parallel_loop3A_578 = arith.extui %parallel_loop3A_577 : i1 to i32
        %parallel_loop3A_579 = arith.constant 0 : i32
        %parallel_loop3A_580 = arith.cmpi slt, %parallel_loop3A_573, %parallel_loop3A_579 : i32
        %parallel_loop3A_581 = arith.extui %parallel_loop3A_580 : i1 to i32
        %parallel_loop3A_582 = arith.subi %parallel_loop3A_578, %parallel_loop3A_581 : i32
        %parallel_loop3A_583 = arith.constant 0 : i32
        %parallel_loop3A_584 = arith.cmpi sgt, %parallel_loop3A_574, %parallel_loop3A_583 : i32
        %parallel_loop3A_585 = arith.extui %parallel_loop3A_584 : i1 to i32
        %parallel_loop3A_586 = arith.constant 0 : i32
        %parallel_loop3A_587 = arith.cmpi slt, %parallel_loop3A_574, %parallel_loop3A_586 : i32
        %parallel_loop3A_588 = arith.extui %parallel_loop3A_587 : i1 to i32
        %parallel_loop3A_589 = arith.subi %parallel_loop3A_585, %parallel_loop3A_588 : i32
        %parallel_loop3A_590 = arith.cmpi ne, %parallel_loop3A_582, %parallel_loop3A_589 : i32
        %parallel_loop3A_591 = arith.remsi %parallel_loop3A_573, %parallel_loop3A_574 : i32
        %parallel_loop3A_592 = arith.constant 0 : i32
        %parallel_loop3A_593 = arith.cmpi ne, %parallel_loop3A_591, %parallel_loop3A_592 : i32
        %parallel_loop3A_594 = arith.andi %parallel_loop3A_590, %parallel_loop3A_593 : i1
        %parallel_loop3A_595 = arith.constant 1 : i32
        %parallel_loop3A_596 = arith.subi %parallel_loop3A_575, %parallel_loop3A_595 : i32
        %parallel_loop3A_597 = arith.select %parallel_loop3A_594, %parallel_loop3A_596, %parallel_loop3A_575 : i32
        %parallel_loop3A_598 = arith.constant 128 : i32
        %parallel_loop3A_599 = arith.constant 0 : i32
        %parallel_loop3A_600 = arith.cmpi eq, %parallel_loop3A_598, %parallel_loop3A_599 : i32
        %parallel_loop3A_601 = arith.constant 1 : i32
        %parallel_loop3A_602 = arith.select %parallel_loop3A_600, %parallel_loop3A_601, %parallel_loop3A_598 : i32
        %parallel_loop3A_603 = arith.remsi %parallel_loop3A_573, %parallel_loop3A_602 : i32
        %parallel_loop3A_604 = arith.constant 0 : i32
        %parallel_loop3A_605 = arith.cmpi ne, %parallel_loop3A_603, %parallel_loop3A_604 : i32
        %parallel_loop3A_606 = arith.constant 0 : i32
        %parallel_loop3A_607 = arith.cmpi slt, %parallel_loop3A_603, %parallel_loop3A_606 : i32
        %parallel_loop3A_608 = arith.constant 0 : i32
        %parallel_loop3A_609 = arith.cmpi slt, %parallel_loop3A_602, %parallel_loop3A_608 : i32
        %parallel_loop3A_610 = arith.xori %parallel_loop3A_607, %parallel_loop3A_609 : i1
        %parallel_loop3A_611 = arith.andi %parallel_loop3A_610, %parallel_loop3A_605 : i1
        %parallel_loop3A_612 = arith.addi %parallel_loop3A_603, %parallel_loop3A_602 : i32
        %parallel_loop3A_613 = arith.select %parallel_loop3A_611, %parallel_loop3A_612, %parallel_loop3A_603 : i32
        %parallel_loop3A_614 = vector.broadcast %parallel_loop3A_613 : i32 to vector<16xi32>
        %parallel_loop3A_615 = vector.broadcast %parallel_loop3A_597 : i32 to vector<16xi32>
        %parallel_loop3A_616 = arith.index_cast %parallel_loop3A_573 : i32 to index
        %parallel_loop3A_617 = arith.constant 0 : index
        %parallel_loop3A_618 = tpu.vector_load %arg6[%parallel_loop3A_616, %parallel_loop3A_617] {strides = array<i32>} : memref<256x64xf32, #tpu.memory_space<vmem>>, vector<16xf32>,
        %parallel_loop3A_619 = arith.constant 1.000000e+00 : f32
        %parallel_loop3A_620 = vector.broadcast %parallel_loop3A_619 : f32 to vector<16xf32>
        %parallel_loop3A_621 = arith.mulf %parallel_loop3A_618, %parallel_loop3A_620 : vector<16xf32>
        tpu.vector_store_idx %arg8[%parallel_loop3A_615, %select_n3A, %select_n3A_50, %parallel_loop3A_614], %parallel_loop3A_621 : memref<2x8x8x129xf32, #tpu.memory_space<vmem>>[vector<16xi32>, vector<16xi32>, vector<16xi32>, vector<16xi32>], vector<16xf32>,
        %parallel_loop3A_622 = arith.index_cast %parallel_loop3A_573 : i32 to index
        %parallel_loop3A_623 = arith.constant 16 : index
        %parallel_loop3A_624 = tpu.vector_load %arg6[%parallel_loop3A_622, %parallel_loop3A_623] {strides = array<i32>} : memref<256x64xf32, #tpu.memory_space<vmem>>, vector<16xf32>,
        %parallel_loop3A_625 = arith.constant 1.000000e+00 : f32
        %parallel_loop3A_626 = vector.broadcast %parallel_loop3A_625 : f32 to vector<16xf32>
        %parallel_loop3A_627 = arith.mulf %parallel_loop3A_624, %parallel_loop3A_626 : vector<16xf32>
        tpu.vector_store_idx %arg8[%parallel_loop3A_615, %select_n3A_84, %select_n3A_106, %parallel_loop3A_614], %parallel_loop3A_627 : memref<2x8x8x129xf32, #tpu.memory_space<vmem>>[vector<16xi32>, vector<16xi32>, vector<16xi32>, vector<16xi32>], vector<16xf32>,
        %parallel_loop3A_628 = arith.index_cast %parallel_loop3A_573 : i32 to index
        %parallel_loop3A_629 = arith.constant 32 : index
        %parallel_loop3A_630 = tpu.vector_load %arg6[%parallel_loop3A_628, %parallel_loop3A_629] {strides = array<i32>} : memref<256x64xf32, #tpu.memory_space<vmem>>, vector<16xf32>,
        %parallel_loop3A_631 = arith.constant 1.000000e+00 : f32
        %parallel_loop3A_632 = vector.broadcast %parallel_loop3A_631 : f32 to vector<16xf32>
        %parallel_loop3A_633 = arith.mulf %parallel_loop3A_630, %parallel_loop3A_632 : vector<16xf32>
        tpu.vector_store_idx %arg8[%parallel_loop3A_615, %select_n3A_140, %select_n3A_162, %parallel_loop3A_614], %parallel_loop3A_633 : memref<2x8x8x129xf32, #tpu.memory_space<vmem>>[vector<16xi32>, vector<16xi32>, vector<16xi32>, vector<16xi32>], vector<16xf32>,
        %parallel_loop3A_634 = arith.index_cast %parallel_loop3A_573 : i32 to index
        %parallel_loop3A_635 = arith.constant 48 : index
        %parallel_loop3A_636 = tpu.vector_load %arg6[%parallel_loop3A_634, %parallel_loop3A_635] {strides = array<i32>} : memref<256x64xf32, #tpu.memory_space<vmem>>, vector<16xf32>,
        %parallel_loop3A_637 = arith.constant 1.000000e+00 : f32
        %parallel_loop3A_638 = vector.broadcast %parallel_loop3A_637 : f32 to vector<16xf32>
        %parallel_loop3A_639 = arith.mulf %parallel_loop3A_636, %parallel_loop3A_638 : vector<16xf32>
        tpu.vector_store_idx %arg8[%parallel_loop3A_615, %select_n3A_196, %select_n3A_218, %parallel_loop3A_614], %parallel_loop3A_639 : memref<2x8x8x129xf32, #tpu.memory_space<vmem>>[vector<16xi32>, vector<16xi32>, vector<16xi32>, vector<16xi32>], vector<16xf32>,
        %parallel_loop3A_640 = arith.constant 4 : i32
        %parallel_loop3A_641 = arith.muli %parallel_loop3A_569, %parallel_loop3A_640 : i32
        %parallel_loop3A_642 = arith.constant 1 : i32
        %parallel_loop3A_643 = arith.addi %parallel_loop3A_641, %parallel_loop3A_642 : i32
        %parallel_loop3A_644 = arith.constant 128 : i32
        %parallel_loop3A_645 = arith.divsi %parallel_loop3A_643, %parallel_loop3A_644 : i32
        %parallel_loop3A_646 = arith.constant 0 : i32
        %parallel_loop3A_647 = arith.cmpi sgt, %parallel_loop3A_643, %parallel_loop3A_646 : i32
        %parallel_loop3A_648 = arith.extui %parallel_loop3A_647 : i1 to i32
        %parallel_loop3A_649 = arith.constant 0 : i32
        %parallel_loop3A_650 = arith.cmpi slt, %parallel_loop3A_643, %parallel_loop3A_649 : i32
        %parallel_loop3A_651 = arith.extui %parallel_loop3A_650 : i1 to i32
        %parallel_loop3A_652 = arith.subi %parallel_loop3A_648, %parallel_loop3A_651 : i32
        %parallel_loop3A_653 = arith.constant 0 : i32
        %parallel_loop3A_654 = arith.cmpi sgt, %parallel_loop3A_644, %parallel_loop3A_653 : i32
        %parallel_loop3A_655 = arith.extui %parallel_loop3A_654 : i1 to i32
        %parallel_loop3A_656 = arith.constant 0 : i32
        %parallel_loop3A_657 = arith.cmpi slt, %parallel_loop3A_644, %parallel_loop3A_656 : i32
        %parallel_loop3A_658 = arith.extui %parallel_loop3A_657 : i1 to i32
        %parallel_loop3A_659 = arith.subi %parallel_loop3A_655, %parallel_loop3A_658 : i32
        %parallel_loop3A_660 = arith.cmpi ne, %parallel_loop3A_652, %parallel_loop3A_659 : i32
        %parallel_loop3A_661 = arith.remsi %parallel_loop3A_643, %parallel_loop3A_644 : i32
        %parallel_loop3A_662 = arith.constant 0 : i32
        %parallel_loop3A_663 = arith.cmpi ne, %parallel_loop3A_661, %parallel_loop3A_662 : i32
        %parallel_loop3A_664 = arith.andi %parallel_loop3A_660, %parallel_loop3A_663 : i1
        %parallel_loop3A_665 = arith.constant 1 : i32
        %parallel_loop3A_666 = arith.subi %parallel_loop3A_645, %parallel_loop3A_665 : i32
        %parallel_loop3A_667 = arith.select %parallel_loop3A_664, %parallel_loop3A_666, %parallel_loop3A_645 : i32
        %parallel_loop3A_668 = arith.constant 128 : i32
        %parallel_loop3A_669 = arith.constant 0 : i32
        %parallel_loop3A_670 = arith.cmpi eq, %parallel_loop3A_668, %parallel_loop3A_669 : i32
        %parallel_loop3A_671 = arith.constant 1 : i32
        %parallel_loop3A_672 = arith.select %parallel_loop3A_670, %parallel_loop3A_671, %parallel_loop3A_668 : i32
        %parallel_loop3A_673 = arith.remsi %parallel_loop3A_643, %parallel_loop3A_672 : i32
        %parallel_loop3A_674 = arith.constant 0 : i32
        %parallel_loop3A_675 = arith.cmpi ne, %parallel_loop3A_673, %parallel_loop3A_674 : i32
        %parallel_loop3A_676 = arith.constant 0 : i32
        %parallel_loop3A_677 = arith.cmpi slt, %parallel_loop3A_673, %parallel_loop3A_676 : i32
        %parallel_loop3A_678 = arith.constant 0 : i32
        %parallel_loop3A_679 = arith.cmpi slt, %parallel_loop3A_672, %parallel_loop3A_678 : i32
        %parallel_loop3A_680 = arith.xori %parallel_loop3A_677, %parallel_loop3A_679 : i1
        %parallel_loop3A_681 = arith.andi %parallel_loop3A_680, %parallel_loop3A_675 : i1
        %parallel_loop3A_682 = arith.addi %parallel_loop3A_673, %parallel_loop3A_672 : i32
        %parallel_loop3A_683 = arith.select %parallel_loop3A_681, %parallel_loop3A_682, %parallel_loop3A_673 : i32
        %parallel_loop3A_684 = vector.broadcast %parallel_loop3A_683 : i32 to vector<16xi32>
        %parallel_loop3A_685 = vector.broadcast %parallel_loop3A_667 : i32 to vector<16xi32>
        %parallel_loop3A_686 = arith.index_cast %parallel_loop3A_643 : i32 to index
        %parallel_loop3A_687 = arith.constant 0 : index
        %parallel_loop3A_688 = tpu.vector_load %arg6[%parallel_loop3A_686, %parallel_loop3A_687] {strides = array<i32>} : memref<256x64xf32, #tpu.memory_space<vmem>>, vector<16xf32>,
        %parallel_loop3A_689 = arith.constant 1.000000e+00 : f32
        %parallel_loop3A_690 = vector.broadcast %parallel_loop3A_689 : f32 to vector<16xf32>
        %parallel_loop3A_691 = arith.mulf %parallel_loop3A_688, %parallel_loop3A_690 : vector<16xf32>
        tpu.vector_store_idx %arg8[%parallel_loop3A_685, %select_n3A, %select_n3A_50, %parallel_loop3A_684], %parallel_loop3A_691 : memref<2x8x8x129xf32, #tpu.memory_space<vmem>>[vector<16xi32>, vector<16xi32>, vector<16xi32>, vector<16xi32>], vector<16xf32>,
        %parallel_loop3A_692 = arith.index_cast %parallel_loop3A_643 : i32 to index
        %parallel_loop3A_693 = arith.constant 16 : index
        %parallel_loop3A_694 = tpu.vector_load %arg6[%parallel_loop3A_692, %parallel_loop3A_693] {strides = array<i32>} : memref<256x64xf32, #tpu.memory_space<vmem>>, vector<16xf32>,
        %parallel_loop3A_695 = arith.constant 1.000000e+00 : f32
        %parallel_loop3A_696 = vector.broadcast %parallel_loop3A_695 : f32 to vector<16xf32>
        %parallel_loop3A_697 = arith.mulf %parallel_loop3A_694, %parallel_loop3A_696 : vector<16xf32>
        tpu.vector_store_idx %arg8[%parallel_loop3A_685, %select_n3A_84, %select_n3A_106, %parallel_loop3A_684], %parallel_loop3A_697 : memref<2x8x8x129xf32, #tpu.memory_space<vmem>>[vector<16xi32>, vector<16xi32>, vector<16xi32>, vector<16xi32>], vector<16xf32>,
        %parallel_loop3A_698 = arith.index_cast %parallel_loop3A_643 : i32 to index
        %parallel_loop3A_699 = arith.constant 32 : index
        %parallel_loop3A_700 = tpu.vector_load %arg6[%parallel_loop3A_698, %parallel_loop3A_699] {strides = array<i32>} : memref<256x64xf32, #tpu.memory_space<vmem>>, vector<16xf32>,
        %parallel_loop3A_701 = arith.constant 1.000000e+00 : f32
        %parallel_loop3A_702 = vector.broadcast %parallel_loop3A_701 : f32 to vector<16xf32>
        %parallel_loop3A_703 = arith.mulf %parallel_loop3A_700, %parallel_loop3A_702 : vector<16xf32>
        tpu.vector_store_idx %arg8[%parallel_loop3A_685, %select_n3A_140, %select_n3A_162, %parallel_loop3A_684], %parallel_loop3A_703 : memref<2x8x8x129xf32, #tpu.memory_space<vmem>>[vector<16xi32>, vector<16xi32>, vector<16xi32>, vector<16xi32>], vector<16xf32>,
        %parallel_loop3A_704 = arith.index_cast %parallel_loop3A_643 : i32 to index
        %parallel_loop3A_705 = arith.constant 48 : index
        %parallel_loop3A_706 = tpu.vector_load %arg6[%parallel_loop3A_704, %parallel_loop3A_705] {strides = array<i32>} : memref<256x64xf32, #tpu.memory_space<vmem>>, vector<16xf32>,
        %parallel_loop3A_707 = arith.constant 1.000000e+00 : f32
        %parallel_loop3A_708 = vector.broadcast %parallel_loop3A_707 : f32 to vector<16xf32>
        %parallel_loop3A_709 = arith.mulf %parallel_loop3A_706, %parallel_loop3A_708 : vector<16xf32>
        tpu.vector_store_idx %arg8[%parallel_loop3A_685, %select_n3A_196, %select_n3A_218, %parallel_loop3A_684], %parallel_loop3A_709 : memref<2x8x8x129xf32, #tpu.memory_space<vmem>>[vector<16xi32>, vector<16xi32>, vector<16xi32>, vector<16xi32>], vector<16xf32>,
        %parallel_loop3A_710 = arith.constant 4 : i32
        %parallel_loop3A_711 = arith.muli %parallel_loop3A_569, %parallel_loop3A_710 : i32
        %parallel_loop3A_712 = arith.constant 2 : i32
        %parallel_loop3A_713 = arith.addi %parallel_loop3A_711, %parallel_loop3A_712 : i32
        %parallel_loop3A_714 = arith.constant 128 : i32
        %parallel_loop3A_715 = arith.divsi %parallel_loop3A_713, %parallel_loop3A_714 : i32
        %parallel_loop3A_716 = arith.constant 0 : i32
        %parallel_loop3A_717 = arith.cmpi sgt, %parallel_loop3A_713, %parallel_loop3A_716 : i32
        %parallel_loop3A_718 = arith.extui %parallel_loop3A_717 : i1 to i32
        %parallel_loop3A_719 = arith.constant 0 : i32
        %parallel_loop3A_720 = arith.cmpi slt, %parallel_loop3A_713, %parallel_loop3A_719 : i32
        %parallel_loop3A_721 = arith.extui %parallel_loop3A_720 : i1 to i32
        %parallel_loop3A_722 = arith.subi %parallel_loop3A_718, %parallel_loop3A_721 : i32
        %parallel_loop3A_723 = arith.constant 0 : i32
        %parallel_loop3A_724 = arith.cmpi sgt, %parallel_loop3A_714, %parallel_loop3A_723 : i32
        %parallel_loop3A_725 = arith.extui %parallel_loop3A_724 : i1 to i32
        %parallel_loop3A_726 = arith.constant 0 : i32
        %parallel_loop3A_727 = arith.cmpi slt, %parallel_loop3A_714, %parallel_loop3A_726 : i32
        %parallel_loop3A_728 = arith.extui %parallel_loop3A_727 : i1 to i32
        %parallel_loop3A_729 = arith.subi %parallel_loop3A_725, %parallel_loop3A_728 : i32
        %parallel_loop3A_730 = arith.cmpi ne, %parallel_loop3A_722, %parallel_loop3A_729 : i32
        %parallel_loop3A_731 = arith.remsi %parallel_loop3A_713, %parallel_loop3A_714 : i32
        %parallel_loop3A_732 = arith.constant 0 : i32
        %parallel_loop3A_733 = arith.cmpi ne, %parallel_loop3A_731, %parallel_loop3A_732 : i32
        %parallel_loop3A_734 = arith.andi %parallel_loop3A_730, %parallel_loop3A_733 : i1
        %parallel_loop3A_735 = arith.constant 1 : i32
        %parallel_loop3A_736 = arith.subi %parallel_loop3A_715, %parallel_loop3A_735 : i32
        %parallel_loop3A_737 = arith.select %parallel_loop3A_734, %parallel_loop3A_736, %parallel_loop3A_715 : i32
        %parallel_loop3A_738 = arith.constant 128 : i32
        %parallel_loop3A_739 = arith.constant 0 : i32
        %parallel_loop3A_740 = arith.cmpi eq, %parallel_loop3A_738, %parallel_loop3A_739 : i32
        %parallel_loop3A_741 = arith.constant 1 : i32
        %parallel_loop3A_742 = arith.select %parallel_loop3A_740, %parallel_loop3A_741, %parallel_loop3A_738 : i32
        %parallel_loop3A_743 = arith.remsi %parallel_loop3A_713, %parallel_loop3A_742 : i32
        %parallel_loop3A_744 = arith.constant 0 : i32
        %parallel_loop3A_745 = arith.cmpi ne, %parallel_loop3A_743, %parallel_loop3A_744 : i32
        %parallel_loop3A_746 = arith.constant 0 : i32
        %parallel_loop3A_747 = arith.cmpi slt, %parallel_loop3A_743, %parallel_loop3A_746 : i32
        %parallel_loop3A_748 = arith.constant 0 : i32
        %parallel_loop3A_749 = arith.cmpi slt, %parallel_loop3A_742, %parallel_loop3A_748 : i32
        %parallel_loop3A_750 = arith.xori %parallel_loop3A_747, %parallel_loop3A_749 : i1
        %parallel_loop3A_751 = arith.andi %parallel_loop3A_750, %parallel_loop3A_745 : i1
        %parallel_loop3A_752 = arith.addi %parallel_loop3A_743, %parallel_loop3A_742 : i32
        %parallel_loop3A_753 = arith.select %parallel_loop3A_751, %parallel_loop3A_752, %parallel_loop3A_743 : i32
        %parallel_loop3A_754 = vector.broadcast %parallel_loop3A_753 : i32 to vector<16xi32>
        %parallel_loop3A_755 = vector.broadcast %parallel_loop3A_737 : i32 to vector<16xi32>
        %parallel_loop3A_756 = arith.index_cast %parallel_loop3A_713 : i32 to index
        %parallel_loop3A_757 = arith.constant 0 : index
        %parallel_loop3A_758 = tpu.vector_load %arg6[%parallel_loop3A_756, %parallel_loop3A_757] {strides = array<i32>} : memref<256x64xf32, #tpu.memory_space<vmem>>, vector<16xf32>,
        %parallel_loop3A_759 = arith.constant 1.000000e+00 : f32
        %parallel_loop3A_760 = vector.broadcast %parallel_loop3A_759 : f32 to vector<16xf32>
        %parallel_loop3A_761 = arith.mulf %parallel_loop3A_758, %parallel_loop3A_760 : vector<16xf32>
        tpu.vector_store_idx %arg8[%parallel_loop3A_755, %select_n3A, %select_n3A_50, %parallel_loop3A_754], %parallel_loop3A_761 : memref<2x8x8x129xf32, #tpu.memory_space<vmem>>[vector<16xi32>, vector<16xi32>, vector<16xi32>, vector<16xi32>], vector<16xf32>,
        %parallel_loop3A_762 = arith.index_cast %parallel_loop3A_713 : i32 to index
        %parallel_loop3A_763 = arith.constant 16 : index
        %parallel_loop3A_764 = tpu.vector_load %arg6[%parallel_loop3A_762, %parallel_loop3A_763] {strides = array<i32>} : memref<256x64xf32, #tpu.memory_space<vmem>>, vector<16xf32>,
        %parallel_loop3A_765 = arith.constant 1.000000e+00 : f32
        %parallel_loop3A_766 = vector.broadcast %parallel_loop3A_765 : f32 to vector<16xf32>
        %parallel_loop3A_767 = arith.mulf %parallel_loop3A_764, %parallel_loop3A_766 : vector<16xf32>
        tpu.vector_store_idx %arg8[%parallel_loop3A_755, %select_n3A_84, %select_n3A_106, %parallel_loop3A_754], %parallel_loop3A_767 : memref<2x8x8x129xf32, #tpu.memory_space<vmem>>[vector<16xi32>, vector<16xi32>, vector<16xi32>, vector<16xi32>], vector<16xf32>,
        %parallel_loop3A_768 = arith.index_cast %parallel_loop3A_713 : i32 to index
        %parallel_loop3A_769 = arith.constant 32 : index
        %parallel_loop3A_770 = tpu.vector_load %arg6[%parallel_loop3A_768, %parallel_loop3A_769] {strides = array<i32>} : memref<256x64xf32, #tpu.memory_space<vmem>>, vector<16xf32>,
        %parallel_loop3A_771 = arith.constant 1.000000e+00 : f32
        %parallel_loop3A_772 = vector.broadcast %parallel_loop3A_771 : f32 to vector<16xf32>
        %parallel_loop3A_773 = arith.mulf %parallel_loop3A_770, %parallel_loop3A_772 : vector<16xf32>
        tpu.vector_store_idx %arg8[%parallel_loop3A_755, %select_n3A_140, %select_n3A_162, %parallel_loop3A_754], %parallel_loop3A_773 : memref<2x8x8x129xf32, #tpu.memory_space<vmem>>[vector<16xi32>, vector<16xi32>, vector<16xi32>, vector<16xi32>], vector<16xf32>,
        %parallel_loop3A_774 = arith.index_cast %parallel_loop3A_713 : i32 to index
        %parallel_loop3A_775 = arith.constant 48 : index
        %parallel_loop3A_776 = tpu.vector_load %arg6[%parallel_loop3A_774, %parallel_loop3A_775] {strides = array<i32>} : memref<256x64xf32, #tpu.memory_space<vmem>>, vector<16xf32>,
        %parallel_loop3A_777 = arith.constant 1.000000e+00 : f32
        %parallel_loop3A_778 = vector.broadcast %parallel_loop3A_777 : f32 to vector<16xf32>
        %parallel_loop3A_779 = arith.mulf %parallel_loop3A_776, %parallel_loop3A_778 : vector<16xf32>
        tpu.vector_store_idx %arg8[%parallel_loop3A_755, %select_n3A_196, %select_n3A_218, %parallel_loop3A_754], %parallel_loop3A_779 : memref<2x8x8x129xf32, #tpu.memory_space<vmem>>[vector<16xi32>, vector<16xi32>, vector<16xi32>, vector<16xi32>], vector<16xf32>,
        %parallel_loop3A_780 = arith.constant 4 : i32
        %parallel_loop3A_781 = arith.muli %parallel_loop3A_569, %parallel_loop3A_780 : i32
        %parallel_loop3A_782 = arith.constant 3 : i32
        %parallel_loop3A_783 = arith.addi %parallel_loop3A_781, %parallel_loop3A_782 : i32
        %parallel_loop3A_784 = arith.constant 128 : i32
        %parallel_loop3A_785 = arith.divsi %parallel_loop3A_783, %parallel_loop3A_784 : i32
        %parallel_loop3A_786 = arith.constant 0 : i32
        %parallel_loop3A_787 = arith.cmpi sgt, %parallel_loop3A_783, %parallel_loop3A_786 : i32
        %parallel_loop3A_788 = arith.extui %parallel_loop3A_787 : i1 to i32
        %parallel_loop3A_789 = arith.constant 0 : i32
        %parallel_loop3A_790 = arith.cmpi slt, %parallel_loop3A_783, %parallel_loop3A_789 : i32
        %parallel_loop3A_791 = arith.extui %parallel_loop3A_790 : i1 to i32
        %parallel_loop3A_792 = arith.subi %parallel_loop3A_788, %parallel_loop3A_791 : i32
        %parallel_loop3A_793 = arith.constant 0 : i32
        %parallel_loop3A_794 = arith.cmpi sgt, %parallel_loop3A_784, %parallel_loop3A_793 : i32
        %parallel_loop3A_795 = arith.extui %parallel_loop3A_794 : i1 to i32
        %parallel_loop3A_796 = arith.constant 0 : i32
        %parallel_loop3A_797 = arith.cmpi slt, %parallel_loop3A_784, %parallel_loop3A_796 : i32
        %parallel_loop3A_798 = arith.extui %parallel_loop3A_797 : i1 to i32
        %parallel_loop3A_799 = arith.subi %parallel_loop3A_795, %parallel_loop3A_798 : i32
        %parallel_loop3A_800 = arith.cmpi ne, %parallel_loop3A_792, %parallel_loop3A_799 : i32
        %parallel_loop3A_801 = arith.remsi %parallel_loop3A_783, %parallel_loop3A_784 : i32
        %parallel_loop3A_802 = arith.constant 0 : i32
        %parallel_loop3A_803 = arith.cmpi ne, %parallel_loop3A_801, %parallel_loop3A_802 : i32
        %parallel_loop3A_804 = arith.andi %parallel_loop3A_800, %parallel_loop3A_803 : i1
        %parallel_loop3A_805 = arith.constant 1 : i32
        %parallel_loop3A_806 = arith.subi %parallel_loop3A_785, %parallel_loop3A_805 : i32
        %parallel_loop3A_807 = arith.select %parallel_loop3A_804, %parallel_loop3A_806, %parallel_loop3A_785 : i32
        %parallel_loop3A_808 = arith.constant 128 : i32
        %parallel_loop3A_809 = arith.constant 0 : i32
        %parallel_loop3A_810 = arith.cmpi eq, %parallel_loop3A_808, %parallel_loop3A_809 : i32
        %parallel_loop3A_811 = arith.constant 1 : i32
        %parallel_loop3A_812 = arith.select %parallel_loop3A_810, %parallel_loop3A_811, %parallel_loop3A_808 : i32
        %parallel_loop3A_813 = arith.remsi %parallel_loop3A_783, %parallel_loop3A_812 : i32
        %parallel_loop3A_814 = arith.constant 0 : i32
        %parallel_loop3A_815 = arith.cmpi ne, %parallel_loop3A_813, %parallel_loop3A_814 : i32
        %parallel_loop3A_816 = arith.constant 0 : i32
        %parallel_loop3A_817 = arith.cmpi slt, %parallel_loop3A_813, %parallel_loop3A_816 : i32
        %parallel_loop3A_818 = arith.constant 0 : i32
        %parallel_loop3A_819 = arith.cmpi slt, %parallel_loop3A_812, %parallel_loop3A_818 : i32
        %parallel_loop3A_820 = arith.xori %parallel_loop3A_817, %parallel_loop3A_819 : i1
        %parallel_loop3A_821 = arith.andi %parallel_loop3A_820, %parallel_loop3A_815 : i1
        %parallel_loop3A_822 = arith.addi %parallel_loop3A_813, %parallel_loop3A_812 : i32
        %parallel_loop3A_823 = arith.select %parallel_loop3A_821, %parallel_loop3A_822, %parallel_loop3A_813 : i32
        %parallel_loop3A_824 = vector.broadcast %parallel_loop3A_823 : i32 to vector<16xi32>
        %parallel_loop3A_825 = vector.broadcast %parallel_loop3A_807 : i32 to vector<16xi32>
        %parallel_loop3A_826 = arith.index_cast %parallel_loop3A_783 : i32 to index
        %parallel_loop3A_827 = arith.constant 0 : index
        %parallel_loop3A_828 = tpu.vector_load %arg6[%parallel_loop3A_826, %parallel_loop3A_827] {strides = array<i32>} : memref<256x64xf32, #tpu.memory_space<vmem>>, vector<16xf32>,
        %parallel_loop3A_829 = arith.constant 1.000000e+00 : f32
        %parallel_loop3A_830 = vector.broadcast %parallel_loop3A_829 : f32 to vector<16xf32>
        %parallel_loop3A_831 = arith.mulf %parallel_loop3A_828, %parallel_loop3A_830 : vector<16xf32>
        tpu.vector_store_idx %arg8[%parallel_loop3A_825, %select_n3A, %select_n3A_50, %parallel_loop3A_824], %parallel_loop3A_831 : memref<2x8x8x129xf32, #tpu.memory_space<vmem>>[vector<16xi32>, vector<16xi32>, vector<16xi32>, vector<16xi32>], vector<16xf32>,
        %parallel_loop3A_832 = arith.index_cast %parallel_loop3A_783 : i32 to index
        %parallel_loop3A_833 = arith.constant 16 : index
        %parallel_loop3A_834 = tpu.vector_load %arg6[%parallel_loop3A_832, %parallel_loop3A_833] {strides = array<i32>} : memref<256x64xf32, #tpu.memory_space<vmem>>, vector<16xf32>,
        %parallel_loop3A_835 = arith.constant 1.000000e+00 : f32
        %parallel_loop3A_836 = vector.broadcast %parallel_loop3A_835 : f32 to vector<16xf32>
        %parallel_loop3A_837 = arith.mulf %parallel_loop3A_834, %parallel_loop3A_836 : vector<16xf32>
        tpu.vector_store_idx %arg8[%parallel_loop3A_825, %select_n3A_84, %select_n3A_106, %parallel_loop3A_824], %parallel_loop3A_837 : memref<2x8x8x129xf32, #tpu.memory_space<vmem>>[vector<16xi32>, vector<16xi32>, vector<16xi32>, vector<16xi32>], vector<16xf32>,
        %parallel_loop3A_838 = arith.index_cast %parallel_loop3A_783 : i32 to index
        %parallel_loop3A_839 = arith.constant 32 : index
        %parallel_loop3A_840 = tpu.vector_load %arg6[%parallel_loop3A_838, %parallel_loop3A_839] {strides = array<i32>} : memref<256x64xf32, #tpu.memory_space<vmem>>, vector<16xf32>,
        %parallel_loop3A_841 = arith.constant 1.000000e+00 : f32
        %parallel_loop3A_842 = vector.broadcast %parallel_loop3A_841 : f32 to vector<16xf32>
        %parallel_loop3A_843 = arith.mulf %parallel_loop3A_840, %parallel_loop3A_842 : vector<16xf32>
        tpu.vector_store_idx %arg8[%parallel_loop3A_825, %select_n3A_140, %select_n3A_162, %parallel_loop3A_824], %parallel_loop3A_843 : memref<2x8x8x129xf32, #tpu.memory_space<vmem>>[vector<16xi32>, vector<16xi32>, vector<16xi32>, vector<16xi32>], vector<16xf32>,
        %parallel_loop3A_844 = arith.index_cast %parallel_loop3A_783 : i32 to index
        %parallel_loop3A_845 = arith.constant 48 : index
        %parallel_loop3A_846 = tpu.vector_load %arg6[%parallel_loop3A_844, %parallel_loop3A_845] {strides = array<i32>} : memref<256x64xf32, #tpu.memory_space<vmem>>, vector<16xf32>,
        %parallel_loop3A_847 = arith.constant 1.000000e+00 : f32
        %parallel_loop3A_848 = vector.broadcast %parallel_loop3A_847 : f32 to vector<16xf32>
        %parallel_loop3A_849 = arith.mulf %parallel_loop3A_846, %parallel_loop3A_848 : vector<16xf32>
        tpu.vector_store_idx %arg8[%parallel_loop3A_825, %select_n3A_196, %select_n3A_218, %parallel_loop3A_824], %parallel_loop3A_849 : memref<2x8x8x129xf32, #tpu.memory_space<vmem>>[vector<16xi32>, vector<16xi32>, vector<16xi32>, vector<16xi32>], vector<16xf32>,
      } {sc.loop_unroll_factor = 4 : i64, sc.parallel_access}
      %dma_start3A_506 = arith.constant 0 : i32
      %dma_start3A_507 = arith.constant 0 : i32
      %dma_start3A_508 = arith.constant 0 : i32
      %dma_start3A_509 = arith.constant 0 : i32
      %dma_start3A_510 = tpu.memref_slice %arg8[%dma_start3A_506, %dma_start3A_507, %dma_start3A_508, %dma_start3A_509] : memref<2x8x8x129xf32, #tpu.memory_space<vmem>> -> memref<2x8x8x128xf32, #tpu.memory_space<vmem>>
      %dma_start3A_511 = arith.constant 0 : i32
      %dma_start3A_512 = arith.constant 0 : i32
      %dma_start3A_513 = arith.constant 0 : i32
      %dma_start3A_514 = tpu.memref_slice %arg4[%mul3A_398, %dma_start3A_511, %add3A, %dma_start3A_512, %dma_start3A_513] : memref<200x8x32x8x128xf32, #tpu.memory_space<hbm>> -> memref<2x8x1x8x128xf32, #tpu.memory_space<hbm>>
      %dma_start3A_515 = tpu.memref_squeeze %dma_start3A_514 : memref<2x8x1x8x128xf32, #tpu.memory_space<hbm>> -> memref<2x8x8x128xf32, #tpu.memory_space<hbm>>
      %dma_start3A_516 = arith.constant 0 : i32
      %dma_start3A_517 = arith.constant 0 : i32
      %dma_start3A_518 = arith.constant 0 : i32
      %dma_start3A_519 = tpu.memref_slice %arg4[%mul3A_398, %dma_start3A_516, %add3A, %dma_start3A_517, %dma_start3A_518] : memref<200x8x32x8x128xf32, #tpu.memory_space<hbm>> -> memref<2x8x1x8x128xf32, #tpu.memory_space<hbm>>
      %dma_start3A_520 = tpu.memref_squeeze %dma_start3A_519 : memref<2x8x1x8x128xf32, #tpu.memory_space<hbm>> -> memref<2x8x8x128xf32, #tpu.memory_space<hbm>>
      %dma_start3A_521 = arith.constant 0 : i32
      %dma_start3A_522 = arith.constant 0 : i32
      %dma_start3A_523 = arith.constant 0 : i32
      %dma_start3A_524 = arith.constant 0 : i32
      %dma_start3A_525 = tpu.memref_slice %arg8[%dma_start3A_521, %dma_start3A_522, %dma_start3A_523, %dma_start3A_524] : memref<2x8x8x129xf32, #tpu.memory_space<vmem>> -> memref<2x8x8x128xf32, #tpu.memory_space<vmem>>
      tpu.enqueue_dma source(%dma_start3A_525 : memref<2x8x8x128xf32, #tpu.memory_space<vmem>>) target(%dma_start3A_520 : memref<2x8x8x128xf32, #tpu.memory_space<hbm>>) target_semaphore(%arg12 : memref<!tpu.dma_semaphore, #tpu.memory_space<semaphore_mem>>)
      %dma_wait3A_526 = arith.constant 0 : i32
      %dma_wait3A_527 = arith.constant 0 : i32
      %dma_wait3A_528 = tpu.memref_slice %arg7[%dma_wait3A_526, %dma_wait3A_527] : memref<256x64xf32, #tpu.memory_space<vmem>> -> memref<128x64xf32, #tpu.memory_space<vmem>>
      %dma_wait3A_529 = arith.constant 0 : i32
      %dma_wait3A_530 = tpu.memref_slice %arg5[%add3A_402, %dma_wait3A_529] : memref<200x128xi32, #tpu.memory_space<vmem>> -> memref<1x128xi32, #tpu.memory_space<vmem>>
      %dma_wait3A_531 = tpu.memref_squeeze %dma_wait3A_530 : memref<1x128xi32, #tpu.memory_space<vmem>> -> memref<128xi32, #tpu.memory_space<vmem>>
      %dma_wait3A_532 = arith.constant 0 : i32
      %dma_wait3A_533 = arith.constant 0 : i32
      %dma_wait3A_534 = tpu.memref_slice %arg2[%dma_wait3A_532, %dma_wait3A_533] : memref<2000000x64xf32, #tpu.memory_space<hbm>> -> memref<2000000x64xf32, #tpu.memory_space<hbm>>
      tpu.wait_indirect_dma semaphore(%arg11 : memref<!tpu.dma_semaphore, #tpu.memory_space<semaphore_mem>>) src(%dma_wait3A_534 : memref<2000000x64xf32, #tpu.memory_space<hbm>>) dst(%dma_wait3A_528 : memref<128x64xf32, #tpu.memory_space<vmem>>)
      %add3A_535 = arith.constant 1 : i32
      %add3A_536 = arith.addi %add3A_402, %add3A_535 : i32
      %dma_wait3A_537 = arith.constant 128 : i32
      %dma_wait3A_538 = arith.constant 0 : i32
      %dma_wait3A_539 = tpu.memref_slice %arg7[%dma_wait3A_537, %dma_wait3A_538] : memref<256x64xf32, #tpu.memory_space<vmem>> -> memref<128x64xf32, #tpu.memory_space<vmem>>
      %dma_wait3A_540 = arith.constant 0 : i32
      %dma_wait3A_541 = tpu.memref_slice %arg5[%add3A_536, %dma_wait3A_540] : memref<200x128xi32, #tpu.memory_space<vmem>> -> memref<1x128xi32, #tpu.memory_space<vmem>>
      %dma_wait3A_542 = tpu.memref_squeeze %dma_wait3A_541 : memref<1x128xi32, #tpu.memory_space<vmem>> -> memref<128xi32, #tpu.memory_space<vmem>>
      %dma_wait3A_543 = arith.constant 0 : i32
      %dma_wait3A_544 = arith.constant 0 : i32
      %dma_wait3A_545 = tpu.memref_slice %arg2[%dma_wait3A_543, %dma_wait3A_544] : memref<2000000x64xf32, #tpu.memory_space<hbm>> -> memref<2000000x64xf32, #tpu.memory_space<hbm>>
      tpu.wait_indirect_dma semaphore(%arg11 : memref<!tpu.dma_semaphore, #tpu.memory_space<semaphore_mem>>) src(%dma_wait3A_545 : memref<2000000x64xf32, #tpu.memory_space<hbm>>) dst(%dma_wait3A_539 : memref<128x64xf32, #tpu.memory_space<vmem>>)
      %parallel_loop3A_546 = arith.constant 0 : i32
      %parallel_loop3A_547 = arith.constant 64 : i32
      %parallel_loop3A_548 = arith.constant 1 : i32
      scf.for %parallel_loop3A_569 = %parallel_loop3A_546 to %parallel_loop3A_547 step %parallel_loop3A_548  : i32 {
        %parallel_loop3A_570 = arith.constant 4 : i32
        %parallel_loop3A_571 = arith.muli %parallel_loop3A_569, %parallel_loop3A_570 : i32
        %parallel_loop3A_572 = arith.constant 0 : i32
        %parallel_loop3A_573 = arith.addi %parallel_loop3A_571, %parallel_loop3A_572 : i32
        %parallel_loop3A_574 = arith.constant 128 : i32
        %parallel_loop3A_575 = arith.divsi %parallel_loop3A_573, %parallel_loop3A_574 : i32
        %parallel_loop3A_576 = arith.constant 0 : i32
        %parallel_loop3A_577 = arith.cmpi sgt, %parallel_loop3A_573, %parallel_loop3A_576 : i32
        %parallel_loop3A_578 = arith.extui %parallel_loop3A_577 : i1 to i32
        %parallel_loop3A_579 = arith.constant 0 : i32
        %parallel_loop3A_580 = arith.cmpi slt, %parallel_loop3A_573, %parallel_loop3A_579 : i32
        %parallel_loop3A_581 = arith.extui %parallel_loop3A_580 : i1 to i32
        %parallel_loop3A_582 = arith.subi %parallel_loop3A_578, %parallel_loop3A_581 : i32
        %parallel_loop3A_583 = arith.constant 0 : i32
        %parallel_loop3A_584 = arith.cmpi sgt, %parallel_loop3A_574, %parallel_loop3A_583 : i32
        %parallel_loop3A_585 = arith.extui %parallel_loop3A_584 : i1 to i32
        %parallel_loop3A_586 = arith.constant 0 : i32
        %parallel_loop3A_587 = arith.cmpi slt, %parallel_loop3A_574, %parallel_loop3A_586 : i32
        %parallel_loop3A_588 = arith.extui %parallel_loop3A_587 : i1 to i32
        %parallel_loop3A_589 = arith.subi %parallel_loop3A_585, %parallel_loop3A_588 : i32
        %parallel_loop3A_590 = arith.cmpi ne, %parallel_loop3A_582, %parallel_loop3A_589 : i32
        %parallel_loop3A_591 = arith.remsi %parallel_loop3A_573, %parallel_loop3A_574 : i32
        %parallel_loop3A_592 = arith.constant 0 : i32
        %parallel_loop3A_593 = arith.cmpi ne, %parallel_loop3A_591, %parallel_loop3A_592 : i32
        %parallel_loop3A_594 = arith.andi %parallel_loop3A_590, %parallel_loop3A_593 : i1
        %parallel_loop3A_595 = arith.constant 1 : i32
        %parallel_loop3A_596 = arith.subi %parallel_loop3A_575, %parallel_loop3A_595 : i32
        %parallel_loop3A_597 = arith.select %parallel_loop3A_594, %parallel_loop3A_596, %parallel_loop3A_575 : i32
        %parallel_loop3A_598 = arith.constant 128 : i32
        %parallel_loop3A_599 = arith.constant 0 : i32
        %parallel_loop3A_600 = arith.cmpi eq, %parallel_loop3A_598, %parallel_loop3A_599 : i32
        %parallel_loop3A_601 = arith.constant 1 : i32
        %parallel_loop3A_602 = arith.select %parallel_loop3A_600, %parallel_loop3A_601, %parallel_loop3A_598 : i32
        %parallel_loop3A_603 = arith.remsi %parallel_loop3A_573, %parallel_loop3A_602 : i32
        %parallel_loop3A_604 = arith.constant 0 : i32
        %parallel_loop3A_605 = arith.cmpi ne, %parallel_loop3A_603, %parallel_loop3A_604 : i32
        %parallel_loop3A_606 = arith.constant 0 : i32
        %parallel_loop3A_607 = arith.cmpi slt, %parallel_loop3A_603, %parallel_loop3A_606 : i32
        %parallel_loop3A_608 = arith.constant 0 : i32
        %parallel_loop3A_609 = arith.cmpi slt, %parallel_loop3A_602, %parallel_loop3A_608 : i32
        %parallel_loop3A_610 = arith.xori %parallel_loop3A_607, %parallel_loop3A_609 : i1
        %parallel_loop3A_611 = arith.andi %parallel_loop3A_610, %parallel_loop3A_605 : i1
        %parallel_loop3A_612 = arith.addi %parallel_loop3A_603, %parallel_loop3A_602 : i32
        %parallel_loop3A_613 = arith.select %parallel_loop3A_611, %parallel_loop3A_612, %parallel_loop3A_603 : i32
        %parallel_loop3A_614 = vector.broadcast %parallel_loop3A_613 : i32 to vector<16xi32>
        %parallel_loop3A_615 = vector.broadcast %parallel_loop3A_597 : i32 to vector<16xi32>
        %parallel_loop3A_616 = arith.index_cast %parallel_loop3A_573 : i32 to index
        %parallel_loop3A_617 = arith.constant 0 : index
        %parallel_loop3A_618 = tpu.vector_load %arg7[%parallel_loop3A_616, %parallel_loop3A_617] {strides = array<i32>} : memref<256x64xf32, #tpu.memory_space<vmem>>, vector<16xf32>,
        %parallel_loop3A_619 = arith.constant 1.000000e+00 : f32
        %parallel_loop3A_620 = vector.broadcast %parallel_loop3A_619 : f32 to vector<16xf32>
        %parallel_loop3A_621 = arith.mulf %parallel_loop3A_618, %parallel_loop3A_620 : vector<16xf32>
        tpu.vector_store_idx %arg9[%parallel_loop3A_615, %select_n3A, %select_n3A_50, %parallel_loop3A_614], %parallel_loop3A_621 : memref<2x8x8x129xf32, #tpu.memory_space<vmem>>[vector<16xi32>, vector<16xi32>, vector<16xi32>, vector<16xi32>], vector<16xf32>,
        %parallel_loop3A_622 = arith.index_cast %parallel_loop3A_573 : i32 to index
        %parallel_loop3A_623 = arith.constant 16 : index
        %parallel_loop3A_624 = tpu.vector_load %arg7[%parallel_loop3A_622, %parallel_loop3A_623] {strides = array<i32>} : memref<256x64xf32, #tpu.memory_space<vmem>>, vector<16xf32>,
        %parallel_loop3A_625 = arith.constant 1.000000e+00 : f32
        %parallel_loop3A_626 = vector.broadcast %parallel_loop3A_625 : f32 to vector<16xf32>
        %parallel_loop3A_627 = arith.mulf %parallel_loop3A_624, %parallel_loop3A_626 : vector<16xf32>
        tpu.vector_store_idx %arg9[%parallel_loop3A_615, %select_n3A_84, %select_n3A_106, %parallel_loop3A_614], %parallel_loop3A_627 : memref<2x8x8x129xf32, #tpu.memory_space<vmem>>[vector<16xi32>, vector<16xi32>, vector<16xi32>, vector<16xi32>], vector<16xf32>,
        %parallel_loop3A_628 = arith.index_cast %parallel_loop3A_573 : i32 to index
        %parallel_loop3A_629 = arith.constant 32 : index
        %parallel_loop3A_630 = tpu.vector_load %arg7[%parallel_loop3A_628, %parallel_loop3A_629] {strides = array<i32>} : memref<256x64xf32, #tpu.memory_space<vmem>>, vector<16xf32>,
        %parallel_loop3A_631 = arith.constant 1.000000e+00 : f32
        %parallel_loop3A_632 = vector.broadcast %parallel_loop3A_631 : f32 to vector<16xf32>
        %parallel_loop3A_633 = arith.mulf %parallel_loop3A_630, %parallel_loop3A_632 : vector<16xf32>
        tpu.vector_store_idx %arg9[%parallel_loop3A_615, %select_n3A_140, %select_n3A_162, %parallel_loop3A_614], %parallel_loop3A_633 : memref<2x8x8x129xf32, #tpu.memory_space<vmem>>[vector<16xi32>, vector<16xi32>, vector<16xi32>, vector<16xi32>], vector<16xf32>,
        %parallel_loop3A_634 = arith.index_cast %parallel_loop3A_573 : i32 to index
        %parallel_loop3A_635 = arith.constant 48 : index
        %parallel_loop3A_636 = tpu.vector_load %arg7[%parallel_loop3A_634, %parallel_loop3A_635] {strides = array<i32>} : memref<256x64xf32, #tpu.memory_space<vmem>>, vector<16xf32>,
        %parallel_loop3A_637 = arith.constant 1.000000e+00 : f32
        %parallel_loop3A_638 = vector.broadcast %parallel_loop3A_637 : f32 to vector<16xf32>
        %parallel_loop3A_639 = arith.mulf %parallel_loop3A_636, %parallel_loop3A_638 : vector<16xf32>
        tpu.vector_store_idx %arg9[%parallel_loop3A_615, %select_n3A_196, %select_n3A_218, %parallel_loop3A_614], %parallel_loop3A_639 : memref<2x8x8x129xf32, #tpu.memory_space<vmem>>[vector<16xi32>, vector<16xi32>, vector<16xi32>, vector<16xi32>], vector<16xf32>,
        %parallel_loop3A_640 = arith.constant 4 : i32
        %parallel_loop3A_641 = arith.muli %parallel_loop3A_569, %parallel_loop3A_640 : i32
        %parallel_loop3A_642 = arith.constant 1 : i32
        %parallel_loop3A_643 = arith.addi %parallel_loop3A_641, %parallel_loop3A_642 : i32
        %parallel_loop3A_644 = arith.constant 128 : i32
        %parallel_loop3A_645 = arith.divsi %parallel_loop3A_643, %parallel_loop3A_644 : i32
        %parallel_loop3A_646 = arith.constant 0 : i32
        %parallel_loop3A_647 = arith.cmpi sgt, %parallel_loop3A_643, %parallel_loop3A_646 : i32
        %parallel_loop3A_648 = arith.extui %parallel_loop3A_647 : i1 to i32
        %parallel_loop3A_649 = arith.constant 0 : i32
        %parallel_loop3A_650 = arith.cmpi slt, %parallel_loop3A_643, %parallel_loop3A_649 : i32
        %parallel_loop3A_651 = arith.extui %parallel_loop3A_650 : i1 to i32
        %parallel_loop3A_652 = arith.subi %parallel_loop3A_648, %parallel_loop3A_651 : i32
        %parallel_loop3A_653 = arith.constant 0 : i32
        %parallel_loop3A_654 = arith.cmpi sgt, %parallel_loop3A_644, %parallel_loop3A_653 : i32
        %parallel_loop3A_655 = arith.extui %parallel_loop3A_654 : i1 to i32
        %parallel_loop3A_656 = arith.constant 0 : i32
        %parallel_loop3A_657 = arith.cmpi slt, %parallel_loop3A_644, %parallel_loop3A_656 : i32
        %parallel_loop3A_658 = arith.extui %parallel_loop3A_657 : i1 to i32
        %parallel_loop3A_659 = arith.subi %parallel_loop3A_655, %parallel_loop3A_658 : i32
        %parallel_loop3A_660 = arith.cmpi ne, %parallel_loop3A_652, %parallel_loop3A_659 : i32
        %parallel_loop3A_661 = arith.remsi %parallel_loop3A_643, %parallel_loop3A_644 : i32
        %parallel_loop3A_662 = arith.constant 0 : i32
        %parallel_loop3A_663 = arith.cmpi ne, %parallel_loop3A_661, %parallel_loop3A_662 : i32
        %parallel_loop3A_664 = arith.andi %parallel_loop3A_660, %parallel_loop3A_663 : i1
        %parallel_loop3A_665 = arith.constant 1 : i32
        %parallel_loop3A_666 = arith.subi %parallel_loop3A_645, %parallel_loop3A_665 : i32
        %parallel_loop3A_667 = arith.select %parallel_loop3A_664, %parallel_loop3A_666, %parallel_loop3A_645 : i32
        %parallel_loop3A_668 = arith.constant 128 : i32
        %parallel_loop3A_669 = arith.constant 0 : i32
        %parallel_loop3A_670 = arith.cmpi eq, %parallel_loop3A_668, %parallel_loop3A_669 : i32
        %parallel_loop3A_671 = arith.constant 1 : i32
        %parallel_loop3A_672 = arith.select %parallel_loop3A_670, %parallel_loop3A_671, %parallel_loop3A_668 : i32
        %parallel_loop3A_673 = arith.remsi %parallel_loop3A_643, %parallel_loop3A_672 : i32
        %parallel_loop3A_674 = arith.constant 0 : i32
        %parallel_loop3A_675 = arith.cmpi ne, %parallel_loop3A_673, %parallel_loop3A_674 : i32
        %parallel_loop3A_676 = arith.constant 0 : i32
        %parallel_loop3A_677 = arith.cmpi slt, %parallel_loop3A_673, %parallel_loop3A_676 : i32
        %parallel_loop3A_678 = arith.constant 0 : i32
        %parallel_loop3A_679 = arith.cmpi slt, %parallel_loop3A_672, %parallel_loop3A_678 : i32
        %parallel_loop3A_680 = arith.xori %parallel_loop3A_677, %parallel_loop3A_679 : i1
        %parallel_loop3A_681 = arith.andi %parallel_loop3A_680, %parallel_loop3A_675 : i1
        %parallel_loop3A_682 = arith.addi %parallel_loop3A_673, %parallel_loop3A_672 : i32
        %parallel_loop3A_683 = arith.select %parallel_loop3A_681, %parallel_loop3A_682, %parallel_loop3A_673 : i32
        %parallel_loop3A_684 = vector.broadcast %parallel_loop3A_683 : i32 to vector<16xi32>
        %parallel_loop3A_685 = vector.broadcast %parallel_loop3A_667 : i32 to vector<16xi32>
        %parallel_loop3A_686 = arith.index_cast %parallel_loop3A_643 : i32 to index
        %parallel_loop3A_687 = arith.constant 0 : index
        %parallel_loop3A_688 = tpu.vector_load %arg7[%parallel_loop3A_686, %parallel_loop3A_687] {strides = array<i32>} : memref<256x64xf32, #tpu.memory_space<vmem>>, vector<16xf32>,
        %parallel_loop3A_689 = arith.constant 1.000000e+00 : f32
        %parallel_loop3A_690 = vector.broadcast %parallel_loop3A_689 : f32 to vector<16xf32>
        %parallel_loop3A_691 = arith.mulf %parallel_loop3A_688, %parallel_loop3A_690 : vector<16xf32>
        tpu.vector_store_idx %arg9[%parallel_loop3A_685, %select_n3A, %select_n3A_50, %parallel_loop3A_684], %parallel_loop3A_691 : memref<2x8x8x129xf32, #tpu.memory_space<vmem>>[vector<16xi32>, vector<16xi32>, vector<16xi32>, vector<16xi32>], vector<16xf32>,
        %parallel_loop3A_692 = arith.index_cast %parallel_loop3A_643 : i32 to index
        %parallel_loop3A_693 = arith.constant 16 : index
        %parallel_loop3A_694 = tpu.vector_load %arg7[%parallel_loop3A_692, %parallel_loop3A_693] {strides = array<i32>} : memref<256x64xf32, #tpu.memory_space<vmem>>, vector<16xf32>,
        %parallel_loop3A_695 = arith.constant 1.000000e+00 : f32
        %parallel_loop3A_696 = vector.broadcast %parallel_loop3A_695 : f32 to vector<16xf32>
        %parallel_loop3A_697 = arith.mulf %parallel_loop3A_694, %parallel_loop3A_696 : vector<16xf32>
        tpu.vector_store_idx %arg9[%parallel_loop3A_685, %select_n3A_84, %select_n3A_106, %parallel_loop3A_684], %parallel_loop3A_697 : memref<2x8x8x129xf32, #tpu.memory_space<vmem>>[vector<16xi32>, vector<16xi32>, vector<16xi32>, vector<16xi32>], vector<16xf32>,
        %parallel_loop3A_698 = arith.index_cast %parallel_loop3A_643 : i32 to index
        %parallel_loop3A_699 = arith.constant 32 : index
        %parallel_loop3A_700 = tpu.vector_load %arg7[%parallel_loop3A_698, %parallel_loop3A_699] {strides = array<i32>} : memref<256x64xf32, #tpu.memory_space<vmem>>, vector<16xf32>,
        %parallel_loop3A_701 = arith.constant 1.000000e+00 : f32
        %parallel_loop3A_702 = vector.broadcast %parallel_loop3A_701 : f32 to vector<16xf32>
        %parallel_loop3A_703 = arith.mulf %parallel_loop3A_700, %parallel_loop3A_702 : vector<16xf32>
        tpu.vector_store_idx %arg9[%parallel_loop3A_685, %select_n3A_140, %select_n3A_162, %parallel_loop3A_684], %parallel_loop3A_703 : memref<2x8x8x129xf32, #tpu.memory_space<vmem>>[vector<16xi32>, vector<16xi32>, vector<16xi32>, vector<16xi32>], vector<16xf32>,
        %parallel_loop3A_704 = arith.index_cast %parallel_loop3A_643 : i32 to index
        %parallel_loop3A_705 = arith.constant 48 : index
        %parallel_loop3A_706 = tpu.vector_load %arg7[%parallel_loop3A_704, %parallel_loop3A_705] {strides = array<i32>} : memref<256x64xf32, #tpu.memory_space<vmem>>, vector<16xf32>,
        %parallel_loop3A_707 = arith.constant 1.000000e+00 : f32
        %parallel_loop3A_708 = vector.broadcast %parallel_loop3A_707 : f32 to vector<16xf32>
        %parallel_loop3A_709 = arith.mulf %parallel_loop3A_706, %parallel_loop3A_708 : vector<16xf32>
        tpu.vector_store_idx %arg9[%parallel_loop3A_685, %select_n3A_196, %select_n3A_218, %parallel_loop3A_684], %parallel_loop3A_709 : memref<2x8x8x129xf32, #tpu.memory_space<vmem>>[vector<16xi32>, vector<16xi32>, vector<16xi32>, vector<16xi32>], vector<16xf32>,
        %parallel_loop3A_710 = arith.constant 4 : i32
        %parallel_loop3A_711 = arith.muli %parallel_loop3A_569, %parallel_loop3A_710 : i32
        %parallel_loop3A_712 = arith.constant 2 : i32
        %parallel_loop3A_713 = arith.addi %parallel_loop3A_711, %parallel_loop3A_712 : i32
        %parallel_loop3A_714 = arith.constant 128 : i32
        %parallel_loop3A_715 = arith.divsi %parallel_loop3A_713, %parallel_loop3A_714 : i32
        %parallel_loop3A_716 = arith.constant 0 : i32
        %parallel_loop3A_717 = arith.cmpi sgt, %parallel_loop3A_713, %parallel_loop3A_716 : i32
        %parallel_loop3A_718 = arith.extui %parallel_loop3A_717 : i1 to i32
        %parallel_loop3A_719 = arith.constant 0 : i32
        %parallel_loop3A_720 = arith.cmpi slt, %parallel_loop3A_713, %parallel_loop3A_719 : i32
        %parallel_loop3A_721 = arith.extui %parallel_loop3A_720 : i1 to i32
        %parallel_loop3A_722 = arith.subi %parallel_loop3A_718, %parallel_loop3A_721 : i32
        %parallel_loop3A_723 = arith.constant 0 : i32
        %parallel_loop3A_724 = arith.cmpi sgt, %parallel_loop3A_714, %parallel_loop3A_723 : i32
        %parallel_loop3A_725 = arith.extui %parallel_loop3A_724 : i1 to i32
        %parallel_loop3A_726 = arith.constant 0 : i32
        %parallel_loop3A_727 = arith.cmpi slt, %parallel_loop3A_714, %parallel_loop3A_726 : i32
        %parallel_loop3A_728 = arith.extui %parallel_loop3A_727 : i1 to i32
        %parallel_loop3A_729 = arith.subi %parallel_loop3A_725, %parallel_loop3A_728 : i32
        %parallel_loop3A_730 = arith.cmpi ne, %parallel_loop3A_722, %parallel_loop3A_729 : i32
        %parallel_loop3A_731 = arith.remsi %parallel_loop3A_713, %parallel_loop3A_714 : i32
        %parallel_loop3A_732 = arith.constant 0 : i32
        %parallel_loop3A_733 = arith.cmpi ne, %parallel_loop3A_731, %parallel_loop3A_732 : i32
        %parallel_loop3A_734 = arith.andi %parallel_loop3A_730, %parallel_loop3A_733 : i1
        %parallel_loop3A_735 = arith.constant 1 : i32
        %parallel_loop3A_736 = arith.subi %parallel_loop3A_715, %parallel_loop3A_735 : i32
        %parallel_loop3A_737 = arith.select %parallel_loop3A_734, %parallel_loop3A_736, %parallel_loop3A_715 : i32
        %parallel_loop3A_738 = arith.constant 128 : i32
        %parallel_loop3A_739 = arith.constant 0 : i32
        %parallel_loop3A_740 = arith.cmpi eq, %parallel_loop3A_738, %parallel_loop3A_739 : i32
        %parallel_loop3A_741 = arith.constant 1 : i32
        %parallel_loop3A_742 = arith.select %parallel_loop3A_740, %parallel_loop3A_741, %parallel_loop3A_738 : i32
        %parallel_loop3A_743 = arith.remsi %parallel_loop3A_713, %parallel_loop3A_742 : i32
        %parallel_loop3A_744 = arith.constant 0 : i32
        %parallel_loop3A_745 = arith.cmpi ne, %parallel_loop3A_743, %parallel_loop3A_744 : i32
        %parallel_loop3A_746 = arith.constant 0 : i32
        %parallel_loop3A_747 = arith.cmpi slt, %parallel_loop3A_743, %parallel_loop3A_746 : i32
        %parallel_loop3A_748 = arith.constant 0 : i32
        %parallel_loop3A_749 = arith.cmpi slt, %parallel_loop3A_742, %parallel_loop3A_748 : i32
        %parallel_loop3A_750 = arith.xori %parallel_loop3A_747, %parallel_loop3A_749 : i1
        %parallel_loop3A_751 = arith.andi %parallel_loop3A_750, %parallel_loop3A_745 : i1
        %parallel_loop3A_752 = arith.addi %parallel_loop3A_743, %parallel_loop3A_742 : i32
        %parallel_loop3A_753 = arith.select %parallel_loop3A_751, %parallel_loop3A_752, %parallel_loop3A_743 : i32
        %parallel_loop3A_754 = vector.broadcast %parallel_loop3A_753 : i32 to vector<16xi32>
        %parallel_loop3A_755 = vector.broadcast %parallel_loop3A_737 : i32 to vector<16xi32>
        %parallel_loop3A_756 = arith.index_cast %parallel_loop3A_713 : i32 to index
        %parallel_loop3A_757 = arith.constant 0 : index
        %parallel_loop3A_758 = tpu.vector_load %arg7[%parallel_loop3A_756, %parallel_loop3A_757] {strides = array<i32>} : memref<256x64xf32, #tpu.memory_space<vmem>>, vector<16xf32>,
        %parallel_loop3A_759 = arith.constant 1.000000e+00 : f32
        %parallel_loop3A_760 = vector.broadcast %parallel_loop3A_759 : f32 to vector<16xf32>
        %parallel_loop3A_761 = arith.mulf %parallel_loop3A_758, %parallel_loop3A_760 : vector<16xf32>
        tpu.vector_store_idx %arg9[%parallel_loop3A_755, %select_n3A, %select_n3A_50, %parallel_loop3A_754], %parallel_loop3A_761 : memref<2x8x8x129xf32, #tpu.memory_space<vmem>>[vector<16xi32>, vector<16xi32>, vector<16xi32>, vector<16xi32>], vector<16xf32>,
        %parallel_loop3A_762 = arith.index_cast %parallel_loop3A_713 : i32 to index
        %parallel_loop3A_763 = arith.constant 16 : index
        %parallel_loop3A_764 = tpu.vector_load %arg7[%parallel_loop3A_762, %parallel_loop3A_763] {strides = array<i32>} : memref<256x64xf32, #tpu.memory_space<vmem>>, vector<16xf32>,
        %parallel_loop3A_765 = arith.constant 1.000000e+00 : f32
        %parallel_loop3A_766 = vector.broadcast %parallel_loop3A_765 : f32 to vector<16xf32>
        %parallel_loop3A_767 = arith.mulf %parallel_loop3A_764, %parallel_loop3A_766 : vector<16xf32>
        tpu.vector_store_idx %arg9[%parallel_loop3A_755, %select_n3A_84, %select_n3A_106, %parallel_loop3A_754], %parallel_loop3A_767 : memref<2x8x8x129xf32, #tpu.memory_space<vmem>>[vector<16xi32>, vector<16xi32>, vector<16xi32>, vector<16xi32>], vector<16xf32>,
        %parallel_loop3A_768 = arith.index_cast %parallel_loop3A_713 : i32 to index
        %parallel_loop3A_769 = arith.constant 32 : index
        %parallel_loop3A_770 = tpu.vector_load %arg7[%parallel_loop3A_768, %parallel_loop3A_769] {strides = array<i32>} : memref<256x64xf32, #tpu.memory_space<vmem>>, vector<16xf32>,
        %parallel_loop3A_771 = arith.constant 1.000000e+00 : f32
        %parallel_loop3A_772 = vector.broadcast %parallel_loop3A_771 : f32 to vector<16xf32>
        %parallel_loop3A_773 = arith.mulf %parallel_loop3A_770, %parallel_loop3A_772 : vector<16xf32>
        tpu.vector_store_idx %arg9[%parallel_loop3A_755, %select_n3A_140, %select_n3A_162, %parallel_loop3A_754], %parallel_loop3A_773 : memref<2x8x8x129xf32, #tpu.memory_space<vmem>>[vector<16xi32>, vector<16xi32>, vector<16xi32>, vector<16xi32>], vector<16xf32>,
        %parallel_loop3A_774 = arith.index_cast %parallel_loop3A_713 : i32 to index
        %parallel_loop3A_775 = arith.constant 48 : index
        %parallel_loop3A_776 = tpu.vector_load %arg7[%parallel_loop3A_774, %parallel_loop3A_775] {strides = array<i32>} : memref<256x64xf32, #tpu.memory_space<vmem>>, vector<16xf32>,
        %parallel_loop3A_777 = arith.constant 1.000000e+00 : f32
        %parallel_loop3A_778 = vector.broadcast %parallel_loop3A_777 : f32 to vector<16xf32>
        %parallel_loop3A_779 = arith.mulf %parallel_loop3A_776, %parallel_loop3A_778 : vector<16xf32>
        tpu.vector_store_idx %arg9[%parallel_loop3A_755, %select_n3A_196, %select_n3A_218, %parallel_loop3A_754], %parallel_loop3A_779 : memref<2x8x8x129xf32, #tpu.memory_space<vmem>>[vector<16xi32>, vector<16xi32>, vector<16xi32>, vector<16xi32>], vector<16xf32>,
        %parallel_loop3A_780 = arith.constant 4 : i32
        %parallel_loop3A_781 = arith.muli %parallel_loop3A_569, %parallel_loop3A_780 : i32
        %parallel_loop3A_782 = arith.constant 3 : i32
        %parallel_loop3A_783 = arith.addi %parallel_loop3A_781, %parallel_loop3A_782 : i32
        %parallel_loop3A_784 = arith.constant 128 : i32
        %parallel_loop3A_785 = arith.divsi %parallel_loop3A_783, %parallel_loop3A_784 : i32
        %parallel_loop3A_786 = arith.constant 0 : i32
        %parallel_loop3A_787 = arith.cmpi sgt, %parallel_loop3A_783, %parallel_loop3A_786 : i32
        %parallel_loop3A_788 = arith.extui %parallel_loop3A_787 : i1 to i32
        %parallel_loop3A_789 = arith.constant 0 : i32
        %parallel_loop3A_790 = arith.cmpi slt, %parallel_loop3A_783, %parallel_loop3A_789 : i32
        %parallel_loop3A_791 = arith.extui %parallel_loop3A_790 : i1 to i32
        %parallel_loop3A_792 = arith.subi %parallel_loop3A_788, %parallel_loop3A_791 : i32
        %parallel_loop3A_793 = arith.constant 0 : i32
        %parallel_loop3A_794 = arith.cmpi sgt, %parallel_loop3A_784, %parallel_loop3A_793 : i32
        %parallel_loop3A_795 = arith.extui %parallel_loop3A_794 : i1 to i32
        %parallel_loop3A_796 = arith.constant 0 : i32
        %parallel_loop3A_797 = arith.cmpi slt, %parallel_loop3A_784, %parallel_loop3A_796 : i32
        %parallel_loop3A_798 = arith.extui %parallel_loop3A_797 : i1 to i32
        %parallel_loop3A_799 = arith.subi %parallel_loop3A_795, %parallel_loop3A_798 : i32
        %parallel_loop3A_800 = arith.cmpi ne, %parallel_loop3A_792, %parallel_loop3A_799 : i32
        %parallel_loop3A_801 = arith.remsi %parallel_loop3A_783, %parallel_loop3A_784 : i32
        %parallel_loop3A_802 = arith.constant 0 : i32
        %parallel_loop3A_803 = arith.cmpi ne, %parallel_loop3A_801, %parallel_loop3A_802 : i32
        %parallel_loop3A_804 = arith.andi %parallel_loop3A_800, %parallel_loop3A_803 : i1
        %parallel_loop3A_805 = arith.constant 1 : i32
        %parallel_loop3A_806 = arith.subi %parallel_loop3A_785, %parallel_loop3A_805 : i32
        %parallel_loop3A_807 = arith.select %parallel_loop3A_804, %parallel_loop3A_806, %parallel_loop3A_785 : i32
        %parallel_loop3A_808 = arith.constant 128 : i32
        %parallel_loop3A_809 = arith.constant 0 : i32
        %parallel_loop3A_810 = arith.cmpi eq, %parallel_loop3A_808, %parallel_loop3A_809 : i32
        %parallel_loop3A_811 = arith.constant 1 : i32
        %parallel_loop3A_812 = arith.select %parallel_loop3A_810, %parallel_loop3A_811, %parallel_loop3A_808 : i32
        %parallel_loop3A_813 = arith.remsi %parallel_loop3A_783, %parallel_loop3A_812 : i32
        %parallel_loop3A_814 = arith.constant 0 : i32
        %parallel_loop3A_815 = arith.cmpi ne, %parallel_loop3A_813, %parallel_loop3A_814 : i32
        %parallel_loop3A_816 = arith.constant 0 : i32
        %parallel_loop3A_817 = arith.cmpi slt, %parallel_loop3A_813, %parallel_loop3A_816 : i32
        %parallel_loop3A_818 = arith.constant 0 : i32
        %parallel_loop3A_819 = arith.cmpi slt, %parallel_loop3A_812, %parallel_loop3A_818 : i32
        %parallel_loop3A_820 = arith.xori %parallel_loop3A_817, %parallel_loop3A_819 : i1
        %parallel_loop3A_821 = arith.andi %parallel_loop3A_820, %parallel_loop3A_815 : i1
        %parallel_loop3A_822 = arith.addi %parallel_loop3A_813, %parallel_loop3A_812 : i32
        %parallel_loop3A_823 = arith.select %parallel_loop3A_821, %parallel_loop3A_822, %parallel_loop3A_813 : i32
        %parallel_loop3A_824 = vector.broadcast %parallel_loop3A_823 : i32 to vector<16xi32>
        %parallel_loop3A_825 = vector.broadcast %parallel_loop3A_807 : i32 to vector<16xi32>
        %parallel_loop3A_826 = arith.index_cast %parallel_loop3A_783 : i32 to index
        %parallel_loop3A_827 = arith.constant 0 : index
        %parallel_loop3A_828 = tpu.vector_load %arg7[%parallel_loop3A_826, %parallel_loop3A_827] {strides = array<i32>} : memref<256x64xf32, #tpu.memory_space<vmem>>, vector<16xf32>,
        %parallel_loop3A_829 = arith.constant 1.000000e+00 : f32
        %parallel_loop3A_830 = vector.broadcast %parallel_loop3A_829 : f32 to vector<16xf32>
        %parallel_loop3A_831 = arith.mulf %parallel_loop3A_828, %parallel_loop3A_830 : vector<16xf32>
        tpu.vector_store_idx %arg9[%parallel_loop3A_825, %select_n3A, %select_n3A_50, %parallel_loop3A_824], %parallel_loop3A_831 : memref<2x8x8x129xf32, #tpu.memory_space<vmem>>[vector<16xi32>, vector<16xi32>, vector<16xi32>, vector<16xi32>], vector<16xf32>,
        %parallel_loop3A_832 = arith.index_cast %parallel_loop3A_783 : i32 to index
        %parallel_loop3A_833 = arith.constant 16 : index
        %parallel_loop3A_834 = tpu.vector_load %arg7[%parallel_loop3A_832, %parallel_loop3A_833] {strides = array<i32>} : memref<256x64xf32, #tpu.memory_space<vmem>>, vector<16xf32>,
        %parallel_loop3A_835 = arith.constant 1.000000e+00 : f32
        %parallel_loop3A_836 = vector.broadcast %parallel_loop3A_835 : f32 to vector<16xf32>
        %parallel_loop3A_837 = arith.mulf %parallel_loop3A_834, %parallel_loop3A_836 : vector<16xf32>
        tpu.vector_store_idx %arg9[%parallel_loop3A_825, %select_n3A_84, %select_n3A_106, %parallel_loop3A_824], %parallel_loop3A_837 : memref<2x8x8x129xf32, #tpu.memory_space<vmem>>[vector<16xi32>, vector<16xi32>, vector<16xi32>, vector<16xi32>], vector<16xf32>,
        %parallel_loop3A_838 = arith.index_cast %parallel_loop3A_783 : i32 to index
        %parallel_loop3A_839 = arith.constant 32 : index
        %parallel_loop3A_840 = tpu.vector_load %arg7[%parallel_loop3A_838, %parallel_loop3A_839] {strides = array<i32>} : memref<256x64xf32, #tpu.memory_space<vmem>>, vector<16xf32>,
        %parallel_loop3A_841 = arith.constant 1.000000e+00 : f32
        %parallel_loop3A_842 = vector.broadcast %parallel_loop3A_841 : f32 to vector<16xf32>
        %parallel_loop3A_843 = arith.mulf %parallel_loop3A_840, %parallel_loop3A_842 : vector<16xf32>
        tpu.vector_store_idx %arg9[%parallel_loop3A_825, %select_n3A_140, %select_n3A_162, %parallel_loop3A_824], %parallel_loop3A_843 : memref<2x8x8x129xf32, #tpu.memory_space<vmem>>[vector<16xi32>, vector<16xi32>, vector<16xi32>, vector<16xi32>], vector<16xf32>,
        %parallel_loop3A_844 = arith.index_cast %parallel_loop3A_783 : i32 to index
        %parallel_loop3A_845 = arith.constant 48 : index
        %parallel_loop3A_846 = tpu.vector_load %arg7[%parallel_loop3A_844, %parallel_loop3A_845] {strides = array<i32>} : memref<256x64xf32, #tpu.memory_space<vmem>>, vector<16xf32>,
        %parallel_loop3A_847 = arith.constant 1.000000e+00 : f32
        %parallel_loop3A_848 = vector.broadcast %parallel_loop3A_847 : f32 to vector<16xf32>
        %parallel_loop3A_849 = arith.mulf %parallel_loop3A_846, %parallel_loop3A_848 : vector<16xf32>
        tpu.vector_store_idx %arg9[%parallel_loop3A_825, %select_n3A_196, %select_n3A_218, %parallel_loop3A_824], %parallel_loop3A_849 : memref<2x8x8x129xf32, #tpu.memory_space<vmem>>[vector<16xi32>, vector<16xi32>, vector<16xi32>, vector<16xi32>], vector<16xf32>,
      } {sc.loop_unroll_factor = 4 : i64, sc.parallel_access}
      %dma_start3A_549 = arith.constant 0 : i32
      %dma_start3A_550 = arith.constant 0 : i32
      %dma_start3A_551 = arith.constant 0 : i32
      %dma_start3A_552 = arith.constant 0 : i32
      %dma_start3A_553 = tpu.memref_slice %arg9[%dma_start3A_549, %dma_start3A_550, %dma_start3A_551, %dma_start3A_552] : memref<2x8x8x129xf32, #tpu.memory_space<vmem>> -> memref<2x8x8x128xf32, #tpu.memory_space<vmem>>
      %dma_start3A_554 = arith.constant 0 : i32
      %dma_start3A_555 = arith.constant 0 : i32
      %dma_start3A_556 = arith.constant 0 : i32
      %dma_start3A_557 = tpu.memref_slice %arg4[%add3A_402, %dma_start3A_554, %add3A, %dma_start3A_555, %dma_start3A_556] : memref<200x8x32x8x128xf32, #tpu.memory_space<hbm>> -> memref<2x8x1x8x128xf32, #tpu.memory_space<hbm>>
      %dma_start3A_558 = tpu.memref_squeeze %dma_start3A_557 : memref<2x8x1x8x128xf32, #tpu.memory_space<hbm>> -> memref<2x8x8x128xf32, #tpu.memory_space<hbm>>
      %dma_start3A_559 = arith.constant 0 : i32
      %dma_start3A_560 = arith.constant 0 : i32
      %dma_start3A_561 = arith.constant 0 : i32
      %dma_start3A_562 = tpu.memref_slice %arg4[%add3A_402, %dma_start3A_559, %add3A, %dma_start3A_560, %dma_start3A_561] : memref<200x8x32x8x128xf32, #tpu.memory_space<hbm>> -> memref<2x8x1x8x128xf32, #tpu.memory_space<hbm>>
      %dma_start3A_563 = tpu.memref_squeeze %dma_start3A_562 : memref<2x8x1x8x128xf32, #tpu.memory_space<hbm>> -> memref<2x8x8x128xf32, #tpu.memory_space<hbm>>
      %dma_start3A_564 = arith.constant 0 : i32
      %dma_start3A_565 = arith.constant 0 : i32
      %dma_start3A_566 = arith.constant 0 : i32
      %dma_start3A_567 = arith.constant 0 : i32
      %dma_start3A_568 = tpu.memref_slice %arg9[%dma_start3A_564, %dma_start3A_565, %dma_start3A_566, %dma_start3A_567] : memref<2x8x8x129xf32, #tpu.memory_space<vmem>> -> memref<2x8x8x128xf32, #tpu.memory_space<vmem>>
      tpu.enqueue_dma source(%dma_start3A_568 : memref<2x8x8x128xf32, #tpu.memory_space<vmem>>) target(%dma_start3A_563 : memref<2x8x8x128xf32, #tpu.memory_space<hbm>>) target_semaphore(%arg13 : memref<!tpu.dma_semaphore, #tpu.memory_space<semaphore_mem>>)
    }
    %scan3A_351 = arith.constant 49 : i32
    %dma_wait3A_352 = arith.constant 0 : i32
    %dma_wait3A_353 = arith.constant 0 : i32
    %dma_wait3A_354 = arith.constant 0 : i32
    %dma_wait3A_355 = arith.constant 0 : i32
    %dma_wait3A_356 = tpu.memref_slice %arg8[%dma_wait3A_352, %dma_wait3A_353, %dma_wait3A_354, %dma_wait3A_355] : memref<2x8x8x129xf32, #tpu.memory_space<vmem>> -> memref<2x8x8x128xf32, #tpu.memory_space<vmem>>
    %dma_wait3A_357 = arith.constant 196 : i32
    %dma_wait3A_358 = arith.constant 0 : i32
    %dma_wait3A_359 = arith.constant 0 : i32
    %dma_wait3A_360 = arith.constant 0 : i32
    %dma_wait3A_361 = tpu.memref_slice %arg4[%dma_wait3A_357, %dma_wait3A_358, %add3A, %dma_wait3A_359, %dma_wait3A_360] : memref<200x8x32x8x128xf32, #tpu.memory_space<hbm>> -> memref<2x8x1x8x128xf32, #tpu.memory_space<hbm>>
    %dma_wait3A_362 = tpu.memref_squeeze %dma_wait3A_361 : memref<2x8x1x8x128xf32, #tpu.memory_space<hbm>> -> memref<2x8x8x128xf32, #tpu.memory_space<hbm>>
    %dma_wait3A_363 = arith.constant 196 : i32
    %dma_wait3A_364 = arith.constant 0 : i32
    %dma_wait3A_365 = arith.constant 0 : i32
    %dma_wait3A_366 = arith.constant 0 : i32
    %dma_wait3A_367 = tpu.memref_slice %arg4[%dma_wait3A_363, %dma_wait3A_364, %add3A, %dma_wait3A_365, %dma_wait3A_366] : memref<200x8x32x8x128xf32, #tpu.memory_space<hbm>> -> memref<2x8x1x8x128xf32, #tpu.memory_space<hbm>>
    %dma_wait3A_368 = tpu.memref_squeeze %dma_wait3A_367 : memref<2x8x1x8x128xf32, #tpu.memory_space<hbm>> -> memref<2x8x8x128xf32, #tpu.memory_space<hbm>>
    %dma_wait3A_369 = arith.constant 0 : i32
    %dma_wait3A_370 = arith.constant 0 : i32
    %dma_wait3A_371 = arith.constant 0 : i32
    %dma_wait3A_372 = arith.constant 0 : i32
    %dma_wait3A_373 = tpu.memref_slice %arg8[%dma_wait3A_369, %dma_wait3A_370, %dma_wait3A_371, %dma_wait3A_372] : memref<2x8x8x129xf32, #tpu.memory_space<vmem>> -> memref<2x8x8x128xf32, #tpu.memory_space<vmem>>
    tpu.wait_dma2 semaphore(%arg12 : memref<!tpu.dma_semaphore, #tpu.memory_space<semaphore_mem>>) src(%dma_wait3A_373 : memref<2x8x8x128xf32, #tpu.memory_space<vmem>>) dst(%dma_wait3A_368 : memref<2x8x8x128xf32, #tpu.memory_space<hbm>>)
    %dma_wait3A_374 = arith.constant 0 : i32
    %dma_wait3A_375 = arith.constant 0 : i32
    %dma_wait3A_376 = arith.constant 0 : i32
    %dma_wait3A_377 = arith.constant 0 : i32
    %dma_wait3A_378 = tpu.memref_slice %arg9[%dma_wait3A_374, %dma_wait3A_375, %dma_wait3A_376, %dma_wait3A_377] : memref<2x8x8x129xf32, #tpu.memory_space<vmem>> -> memref<2x8x8x128xf32, #tpu.memory_space<vmem>>
    %dma_wait3A_379 = arith.constant 198 : i32
    %dma_wait3A_380 = arith.constant 0 : i32
    %dma_wait3A_381 = arith.constant 0 : i32
    %dma_wait3A_382 = arith.constant 0 : i32
    %dma_wait3A_383 = tpu.memref_slice %arg4[%dma_wait3A_379, %dma_wait3A_380, %add3A, %dma_wait3A_381, %dma_wait3A_382] : memref<200x8x32x8x128xf32, #tpu.memory_space<hbm>> -> memref<2x8x1x8x128xf32, #tpu.memory_space<hbm>>
    %dma_wait3A_384 = tpu.memref_squeeze %dma_wait3A_383 : memref<2x8x1x8x128xf32, #tpu.memory_space<hbm>> -> memref<2x8x8x128xf32, #tpu.memory_space<hbm>>
    %dma_wait3A_385 = arith.constant 198 : i32
    %dma_wait3A_386 = arith.constant 0 : i32
    %dma_wait3A_387 = arith.constant 0 : i32
    %dma_wait3A_388 = arith.constant 0 : i32
    %dma_wait3A_389 = tpu.memref_slice %arg4[%dma_wait3A_385, %dma_wait3A_386, %add3A, %dma_wait3A_387, %dma_wait3A_388] : memref<200x8x32x8x128xf32, #tpu.memory_space<hbm>> -> memref<2x8x1x8x128xf32, #tpu.memory_space<hbm>>
    %dma_wait3A_390 = tpu.memref_squeeze %dma_wait3A_389 : memref<2x8x1x8x128xf32, #tpu.memory_space<hbm>> -> memref<2x8x8x128xf32, #tpu.memory_space<hbm>>
    %dma_wait3A_391 = arith.constant 0 : i32
    %dma_wait3A_392 = arith.constant 0 : i32
    %dma_wait3A_393 = arith.constant 0 : i32
    %dma_wait3A_394 = arith.constant 0 : i32
    %dma_wait3A_395 = tpu.memref_slice %arg9[%dma_wait3A_391, %dma_wait3A_392, %dma_wait3A_393, %dma_wait3A_394] : memref<2x8x8x129xf32, #tpu.memory_space<vmem>> -> memref<2x8x8x128xf32, #tpu.memory_space<vmem>>
    tpu.wait_dma2 semaphore(%arg13 : memref<!tpu.dma_semaphore, #tpu.memory_space<semaphore_mem>>) src(%dma_wait3A_395 : memref<2x8x8x128xf32, #tpu.memory_space<vmem>>) dst(%dma_wait3A_390 : memref<2x8x8x128xf32, #tpu.memory_space<hbm>>)
    return
  }
}

</mosaic_0001>

<sc_bundles>
// kernel: kernel.3.cloned.1.call-start
scs
__scs_entry_jumppad:
0x0: {  	(pc) =	sbr.rel $0x88, $3  }
0x1: {  	(tag) =	ssettag $0x0;
	lr =	simm.s32 $0x1  }
0x2: {  	[smem:$0x3F9F] =	sst lr;
	_ =	strace $0xD0000000  }
0x3: {  	_ = 	snop  }
0x4: {  	_ = 	snop  }
0x5: {  	_ = 	snop  }
0x6: {  	_ = 	snop  }
0x7: {  	_ = 	snop  }
__scs_overlays_trampoline_lowered:
0x8: {  	[smem:$0x3FAE] =	sst s0  }
0x9: {  	[smem:$0x3FAF] =	sst s1  }
0xa: {  	[smem:$0x3FB0] =	sst s2  }
0xb: {  	[smem:$0x3FB1] =	sst s3  }
0xc: {  	[smem:$0x3FB2] =	sst s4  }
0xd: {  	[smem:$0x3FB3] =	sst s5  }
0xe: {  	[smem:$0x3FB4] =	sst s6  }
0xf: {  	[smem:$0x3FB5] =	sst s7  }
0x10: {  	[smem:$0x3FB6] =	sst s8  }
0x11: {  	[smem:$0x3FB7] =	sst s9;
	s0 =	simm.s32 @!p0 $0x0  }
0x12: {  	s1 =	sld [smem:$0x3F9D];
	s0 =	simm.s32 @p0 $0x1  }
0x13: {  	[smem:$0x3FB8] =	sst s0;
	s0 =	simm.s32 @!p1 $0x0  }
0x14: {  	s2 =	sld [smem:$0x3F9C];
	s0 =	simm.s32 @p1 $0x1  }
0x15: {  	[smem:$0x3FB9] =	sst s0;
	s0 =	simm.s32 @!p2 $0x0  }
0x16: {  	s3 =	sld [smem:$0x3FDB];
	s0 =	simm.s32 @p2 $0x1  }
0x17: {  	s4 =	simm.s32 $0x1BF5;
	[smem:$0x3FBB] =	sst s0  }
0x18: {  	s0 =	sld [smem:$0x3F9E];
	_ =	swait.ge [sflag:s4], $0x0  }
0x19: {  	s7 =	sld [smem:$0x3F9F]  }
0x1a: {  	s8 =	sadd.s32 $0xFFFFE003, lr  }
0x1b: {  	s9 =	sadd.s32 $0xFFFFFEF7, lr;
	s5 =	simm.s32 $0xFFFFFFFF;
	p2 =	slt.u32 s8, $0xFFFFF086  }
0x1c: {  	p1 =	slt.u32 s9, $0xF7A;
	s5 =	simm.s32 @!p2 $0x0  }
0x1d: {  	s5 =	simm.s32 @p1 $0x1;
	p0 =	seq.s32 s7, s2  }
0x1e: {  	s7 =	smul.u32 @!p0 $0xF7A, s2;
	p2 =	seq.s32 @!p0 s5, $0x0  }
0x1f: {  	s9 =	smul.u32 $0xF7A, s1;
	s8 =	simm.s32 @!p0 $0x1BF5;
	p2 =	por !p2, p0  }
0x20: {  	[sflag:s8] =	ssyncset.s32 @!p0 $0xFFFFF086;
	s6 =	sadd.s32 @!p0 s3, s7;
	s7 =	simm.s32 @!p0 $0x108  }
0x21: {  	s3 =	sadd.s32 s3, s9;
	s6 =	sadd.s32 @!p0 $0x88, s6;
	s7 =	simm.s32 @p2 $0x1082  }
0x22: {  	[simem:s7], [sflag:s8] =	dma.local @!p0 [hbm:s6], $0xF7A  }
0x23: {  	s9 =	sor.u32 $0xD0000000, s2;
	s6 =	simm.s32 $0x108;
	_ =	swait.ge @!p0 [sflag:s8], $0x0  }
0x24: {  	s3 =	sadd.s32 $0x88, s3;
	s6 =	simm.s32 @!p1 $0x1082;
	[sflag:s4] =	ssyncset.s32 $0xFFFFF086  }
0x25: {  	[simem:s6], [sflag:s4] =	dma.local [hbm:s3], $0xF7A  }
0x26: {  	[smem:$0x3F9F] =	sst s1;
	(tag) =	ssettag s2;
	_ =	strace s9  }
0x27: {  	s1 =	sld [smem:$0x3FAF]  }
0x28: {  	s2 =	sld [smem:$0x3FB0]  }
0x29: {  	s4 =	sld [smem:$0x3FB2]  }
0x2a: {  	p0 =	seq.s32 s5, $0x0;
	s5 =	sld [smem:$0x3FB3]  }
0x2b: {  	s6 =	sld [smem:$0x3FB4]  }
0x2c: {  	s7 =	sld [smem:$0x3FB5]  }
0x2d: {  	s3 =	simm.s32 $0x108;
	s8 =	sld [smem:$0x3FB6]  }
0x2e: {  	s3 =	simm.s32 @!p0 $0x1082;
	s9 =	sld [smem:$0x3FB7]  }
0x2f: {  	lr =	sadd.s32 s0, s3;
	s0 =	sld [smem:$0x3FAE]  }
0x30: {  	s3 =	sld [smem:$0x3FB1]  }
0x31: {  	[smem:$0x3FBA] =	sst s10  }
0x32: {  	s10 =	sld [smem:$0x3FB8];
	_ =	sdelay $0x3  }
0x33: {  	p0 =	seq.s32 s10, $0x1;
	s10 =	sld [smem:$0x3FBA];
	_ =	sdelay $0x3  }
0x34: {  	[smem:$0x3FBA] =	sst s10  }
0x35: {  	s10 =	sld [smem:$0x3FB9];
	_ =	sdelay $0x3  }
0x36: {  	p1 =	seq.s32 s10, $0x1;
	s10 =	sld [smem:$0x3FBA];
	_ =	sdelay $0x3  }
0x37: {  	[smem:$0x3FBA] =	sst s10  }
0x38: {  	s10 =	sld [smem:$0x3FBB]  }
0x39: {  	_ = 	snop;
	(pc) =	sbr.ind lr, $3  }
0x3a: {  	_ = 	snop  }
0x3b: {  	_ = 	snop  }
0x3c: {  	p2 =	seq.s32 s10, $0x1;
	s10 =	sld [smem:$0x3FBA]  }
0x3d: {  	_ =	shalt  }
0x3e: {  	_ =	shalt  }
0x3f: {  	_ =	shalt  }
0x40: {  	_ =	shalt  }
0x41: {  	_ =	shalt  }
0x42: {  	_ =	shalt  }
0x43: {  	_ =	shalt  }
0x44: {  	_ =	shalt  }
0x45: {  	_ =	shalt  }
0x46: {  	_ =	shalt  }
0x47: {  	_ =	shalt  }
0x48: {  	_ =	shalt  }
0x49: {  	_ =	shalt  }
0x4a: {  	_ =	shalt  }
0x4b: {  	_ =	shalt  }
0x4c: {  	_ =	shalt  }
0x4d: {  	_ =	shalt  }
0x4e: {  	_ =	shalt  }
0x4f: {  	_ =	shalt  }
0x50: {  	_ =	shalt  }
0x51: {  	_ =	shalt  }
0x52: {  	_ =	shalt  }
0x53: {  	_ =	shalt  }
0x54: {  	_ =	shalt  }
0x55: {  	_ =	shalt  }
0x56: {  	_ =	shalt  }
0x57: {  	_ =	shalt  }
0x58: {  	_ =	shalt  }
0x59: {  	_ =	shalt  }
0x5a: {  	_ =	shalt  }
0x5b: {  	_ =	shalt  }
0x5c: {  	_ =	shalt  }
0x5d: {  	_ =	shalt  }
0x5e: {  	_ =	shalt  }
0x5f: {  	_ =	shalt  }
0x60: {  	_ =	shalt  }
0x61: {  	_ =	shalt  }
0x62: {  	_ =	shalt  }
0x63: {  	_ =	shalt  }
0x64: {  	_ =	shalt  }
0x65: {  	_ =	shalt  }
0x66: {  	_ =	shalt  }
0x67: {  	_ =	shalt  }
0x68: {  	_ =	shalt  }
0x69: {  	_ =	shalt  }
0x6a: {  	_ =	shalt  }
0x6b: {  	_ =	shalt  }
0x6c: {  	_ =	shalt  }
0x6d: {  	_ =	shalt  }
0x6e: {  	_ =	shalt  }
0x6f: {  	_ =	shalt  }
0x70: {  	_ =	shalt  }
0x71: {  	_ =	shalt  }
0x72: {  	_ =	shalt  }
0x73: {  	_ =	shalt  }
0x74: {  	_ =	shalt  }
0x75: {  	_ =	shalt  }
0x76: {  	_ =	shalt  }
0x77: {  	_ =	shalt  }
0x78: {  	_ =	shalt  }
0x79: {  	_ =	shalt  }
0x7a: {  	_ =	shalt  }
0x7b: {  	_ =	shalt  }
0x7c: {  	_ =	shalt  }
0x7d: {  	_ =	shalt  }
0x7e: {  	_ =	shalt  }
0x7f: {  	_ =	shalt  }
0x80: {  	_ =	shalt  }
0x81: {  	_ =	shalt  }
0x82: {  	_ =	shalt  }
0x83: {  	_ =	shalt  }
0x84: {  	_ =	shalt  }
0x85: {  	_ =	shalt  }
0x86: {  	_ =	shalt  }
0x87: {  	_ =	shalt  }
.Lfunc_end0:
.L_simem_size_0:
called_computation.1_lowered:
.L_overlay_start_0:
0x88: {  	s2 =	sld [smem:$0x3FD9]  }
0x89: {  	s3 =	sld [smem:$0x3FFE];
	_ =	sdelay $0x1  }
0x8a: {  	s1 =	srdreg.scid  }
0x8b: {  	s0 =	sand.u32 $0x1, s1  }
0x8c: {  	s17 =	sshll.u32 s0, $0xA;
	s2 =	sadd.s32 s3, s2  }
0x8d: {  	s2 =	sadd.s32 s2, s17  }
0x8e: {  	[smem:$0x3FC6] =	sst s2  }
0x8f: {  	_ = 	snop  }
0x90: {  	s2 =	sld [smem:$0x3FD0];
	(tm) =	ssettm $0x1  }
0x91: {  	s18 =	sld [smem:$0x3FFB];
	_ =	sdelay $0x3  }
0x92: {  	_ =	strace s18  }
0x93: {  	s3 =	sld [smem:$0x3FFC];
	_ =	sdelay $0x3  }
0x94: {  	_ =	strace s3  }
0x95: {  	s3 =	sld [smem:$0x3FFD];
	_ =	sdelay $0x3  }
0x96: {  	_ =	strace s3  }
0x97: {  	_ =	strace $0x8FFFFFFF  }
0x98: {  	s19 =	sld [smem:$0x3FDB];
	_ =	sdelay $0x1  }
0x99: {  	s4 =	simm.s32 $_scs_section_size  }
0x9a: {  	s5 =	simm.s32 $_size__tile_overlayer_lowered;
	s6 =	simm.s32 $_tile_overlayer_lowered  }
0x9b: {  	s22 =	simm.s32 $0x1BFF;
	s21 =	sshll.u32 s6, $0x1;
	s3 =	sadd.s32 s4, s19  }
0x9c: {  	s7 =	simm.s32 $0x0;
	s20 =	sshll.u32 s5, $0x1;
	s5 =	sadd.s32 s21, s3  }
0x9d: {  	[timem:s7], [sflag:s22] =	dma.local [hbm:s5], s20  }
0x9e: {  	_ =	swait.ge [sflag:s22], s20  }
0x9f: {  	s4 =	ssub.s32 $0x0, s20;
	[sflag:s22] =	ssyncset.done $0x0  }
0xa0: {  	[sflag:s22] =	ssyncadd.s32 s4;
	_ =	sdelay $0x1  }
0xa1: {  	s23 =	simm.s32 $0x1B8B  }
0xa2: {  	_ =	swait.ge [sflag:s23], $0x1  }
0xa3: {  	[sflag:s23] =	ssyncset.done $0x0  }
0xa4: {  	s25 =	simm.s32 $0x1B8E;
	s24 =	sld [smem:$0x3FFE];
	[sflag:s23] =	ssyncadd.s32 $0xFFFFFFFF  }
0xa5: {  	s26 =	simm.s32 $execute0_lowered;
	[smem:$0x3FD2] =	sst s25  }
0xa6: {  	s5 =	sshll.u32 s26, $0x1;
	_ =	strace $0x80000049;
	[dreg:$0x1] =	wrdreg $0xFFFFFFFF  }
0xa7: {  	s28 =	simm.s32 $_size_execute0_lowered;
	s3 =	sadd.s32 s3, s5;
	[dreg:$0x0] =	wrdreg $0x0  }
0xa8: {  	s5 =	sshll.u32 s28, $0x1;
	[dreg:$0x2] =	wrdreg s3  }
0xa9: {  	[dreg:$0x3] =	wrdreg s5  }
0xaa: {  	[dreg:$0x4] =	wrdreg $0xC0  }
0xab: {  	_ =	task [dreg:s7], $0x5FFFF  }
0xac: {  	[dreg:$0x1] =	wrdreg $0xFFFFFFFF  }
0xad: {  	[dreg:$0x0] =	wrdreg $0x60  }
0xae: {  	[dreg:$0x2] =	wrdreg s24  }
0xaf: {  	[dreg:$0x3] =	wrdreg s2  }
0xb0: {  	[dreg:$0x4] =	wrdreg $0x9  }
0xb1: {  	_ =	task.clear_ibuf [dreg:s7], $0x5FFFF;
	_ =	strace $0x90000049  }
0xb2: {  	s29 =	simm.s32 $0x9;
	_ =	strace $0x8000004B  }
0xb3: {  	_ =	swait.ge [sflag:s29], $0x1  }
0xb4: {  	[sflag:s29] =	ssyncadd.s32 $0xFFFFFFFF  }
0xb5: {  	_ =	strace $0x9000004B  }
0xb6: {  	_ =	sfence  }
0xb7: {  	s30 =	sld [smem:$0x0];
	_ =	sdelay $0x2  }
0xb8: {  	s31 =	sshll.u32 s1, $0xD;
	s1 =	sshrl.u32 s1, $0x2  }
0xb9: {  	s3 =	sand.u32 $0x4000, s31;
	s1 =	sadd.s32 s1, s30  }
0xba: {  	s0 =	sor.u32 s3, s0;
	s1 =	sshll.u32 s1, $0x11  }
0xbb: {  	s0 =	sor.u32 s1, s0  }
0xbc: {  	s0 =	sadd.s32 $0x8F2B, s0  }
0xbd: {  	[sflag:s0] =	ssyncadd.remote.s32 $0x1  }
0xbe: {  	_ =	sfence.sel $0xFFFF  }
0xbf: {  	[dreg:$0x0] =	wrdreg $0xFFFFFFFF;
	(pc) =	sbr.abs _section_cstart, $3  }
0xc0: {  	[dreg:$0x1] =	wrdreg $0xFFFFFFFF  }
0xc1: {  	_ =	task.clear_ibuf [dreg:s7], $0x2FFFF;
	_ =	strace $0x9FFFFFFF  }
0xc2: {  	(tm) =	ssettm $0x7FFFFFFF  }
0xc3: {  	_ =	shalt  }
tec
execute0_lowered:
.L_overlay_start_1:
0x0: {  	(tag) =	ssettag $0x1  }
0x1: {  	s0 =	rddreg [dreg:$0x0]  }
0x2: {  	s2 =	rddreg [dreg:$0x1];
	s3 =	simm.s32 $0x0  }
0x3: {  	s1 =	srdreg.scid;
	s4 =	stileid.u32;
	s12 =	simm.s32 $0x80  }
0x4: {  	s16 =	simm.s32 $0xA400;
	s18 =	simm.s32 $0xC400;
	s19 =	simm.s32 $0x1  }
0x5: {  	s20 =	simm.s32 $0xE400;
	s21 =	simm.s32 $0x2;
	s22 =	simm.s32 $0x12800  }
0x6: {  	[smem:$0x7FF] =	sst s3;
	s1 =	sand.u32 $0x1, s1;
	s4 =	sshll.u32 s4, $0x1  }
0x7: {  	_ =	strace $0x8000004A;
	s5 =	sor.u32 s1, s4;
	s1 =	ssub.s32 $0x2, s1  }
0x8: {  	s4 =	sadd.s32 $0xF5BE00, s0;
	s6 =	sshll.u32 s5, $0x4;
	s29 =	sshll.u32 s5, $0x7  }
0x9: {  	s7 =	sshrl.u32 s1, $0x1;
	s0 =	sadd.s32 s6, s0;
	s30 =	sadd.s32 s2, s29  }
0xa: {  	v0 =	vlaneseq.u32;
	s1 =	ssub.s32 s1, s7;
	s0 =	sadd.s32 $0xF42E00, s0;
	[dreg:$0x4] =	wrdreg s30  }
0xb: {  	v1 =	vimm.s32 $0x0;
	vm0 =	vcmask $0x300;
	s23 =	simm.s32 $0x3;
	v0 =	vmul.u32 $0x88, v0;
	s31 =	smax.u32 s1, $0x1;
	[dreg:$0x3] =	wrdreg s0  }
0xc: {  	s24 =	simm.s32 $0x4;
	v1 =	vsel vm0, $0x3, v1;
	s0 =	sadd.s32 $0x10000, s30;
	[dreg:$0x6] =	wrdreg s31  }
0xd: {  	v2 =	vadd.s32 $0x880, v0;
	v3 =	vadd.s32 $0x1100, v0;
	v4 =	vadd.s32 $0x1980, v0;
	s6 =	sshll.u32 s5, $0xA;
	s1 =	simm.s32 $0x0;
	[dreg:$0x5] =	wrdreg s0  }
.LBB2_1:
0xe: {  	[dreg:$0x7] =	wrdreg s1  }
0xf: {  	s0 =	rddreg [dreg:$0x3];
	s30 =	simm.s32 $0x1000;
	s31 =	simm.s32 $0x5  }
0x10: {  	[tilespmem:s3], [sflag:$0x5] =	stream.strided.gather [hbm4b:s0+s12], $0x6400, s30, s12, $0x38;
	[tilespmem:$0x16C00] =	vst v63  }
0x11: {  	_ =	swait.ge [sflag:s31], $0x6400  }
0x12: {  	[sflag:s31] =	ssyncset.done $0x0  }
0x13: {  	[sflag:s31] =	ssyncadd.s32 $0xFFFF9C00  }
0x14: {  	v5 =	vld [tilespmem:s12+$0x70]  }
0x15: {  	v6 =	vld [tilespmem:s12+$0xFFFFFF90]  }
0x16: {  	v7 =	vld [tilespmem:s12+$0xFFFFFFA0]  }
0x17: {  	v8 =	vld [tilespmem:s12+$0xFFFFFFB0]  }
0x18: {  	v9 =	vld [tilespmem:s12+$0xFFFFFFC0]  }
0x19: {  	v10 =	vld [tilespmem:s12+$0xFFFFFFD0];
	v5 =	vshll.u32 v5, $0x1  }
0x1a: {  	v11 =	vld [tilespmem:s12+$0xFFFFFFE0];
	v6 =	vshll.u32 v6, $0x1;
	[tilespmem:s12+$0x70] =	vst v5  }
0x1b: {  	[tilespmem:s12+$0xFFFFFF90] =	vst v6;
	v5 =	vshll.u32 v7, $0x1;
	v6 =	vld [tilespmem:s12+$0xFFFFFFF0]  }
0x1c: {  	v7 =	vld [tilespmem:s12+$0x0];
	[tilespmem:s12+$0xFFFFFFA0] =	vst v5;
	v5 =	vshll.u32 v8, $0x1  }
0x1d: {  	v8 =	vld [tilespmem:s12+$0x10];
	[tilespmem:s12+$0xFFFFFFB0] =	vst v5;
	v5 =	vshll.u32 v9, $0x1  }
0x1e: {  	[tilespmem:s12+$0xFFFFFFC0] =	vst v5;
	v5 =	vshll.u32 v10, $0x1;
	v10 =	vld [tilespmem:s12+$0x20]  }
0x1f: {  	v9 =	vshll.u32 v11, $0x1;
	[tilespmem:s12+$0xFFFFFFD0] =	vst v5;
	v5 =	vld [tilespmem:s12+$0x30]  }
0x20: {  	[tilespmem:s12+$0xFFFFFFE0] =	vst v9;
	v9 =	vshll.u32 v6, $0x1;
	v6 =	vld [tilespmem:s12+$0x40]  }
0x21: {  	[tilespmem:s12+$0xFFFFFFF0] =	vst v9;
	v9 =	vshll.u32 v7, $0x1;
	v7 =	vld [tilespmem:s12+$0x50]  }
0x22: {  	v11 =	vshll.u32 v8, $0x1;
	v8 =	vld [tilespmem:s12+$0x60];
	[tilespmem:s12+$0x0] =	vst v9  }
0x23: {  	s1 =	simm.s32 $0x0;
	s5 =	simm.s32 $0x180;
	s0 =	simm.s32 $0x80;
	v9 =	vld [tilespmem:s12+$0xFFFFFF80];
	[tilespmem:s12+$0x10] =	vst v11;
	v10 =	vshll.u32 v10, $0x1  }
.LBB2_2:
0x24: {  	v11 =	vld [tilespmem:s5+$0x70];
	s1 =	sadd.s32 $0x2, s1;
	[tilespmem:s0+$0x20] =	vst v10;
	v5 =	vshll.u32 v5, $0x1  }
0x25: {  	v10 =	vld [tilespmem:s5+$0xFFFFFF90];
	p0 =	slt.u32 s1, $0xC6;
	[tilespmem:s0+$0x30] =	vst v5;
	v5 =	vshll.u32 v6, $0x1  }
0x26: {  	v6 =	vld [tilespmem:s5+$0xFFFFFFA0];
	[tilespmem:s0+$0x40] =	vst v5;
	v5 =	vshll.u32 v7, $0x1  }
0x27: {  	v7 =	vld [tilespmem:s5+$0xFFFFFFB0];
	[tilespmem:s0+$0x50] =	vst v5;
	v5 =	vshll.u32 v8, $0x1  }
0x28: {  	v8 =	vld [tilespmem:s5+$0xFFFFFFC0];
	v9 =	vshll.u32 v9, $0x1;
	[tilespmem:s0+$0x60] =	vst v5  }
0x29: {  	v5 =	vld [tilespmem:s5+$0xFFFFFFD0];
	v11 =	vshll.u32 v11, $0x1;
	[tilespmem:s0+$0xFFFFFF80] =	vst v9;
	s0 =	smov.u32 s5  }
0x2a: {  	v9 =	vshll.u32 v10, $0x1;
	v10 =	vld [tilespmem:s5+$0xFFFFFFE0];
	[tilespmem:s5+$0x70] =	vst v11  }
0x2b: {  	[tilespmem:s5+$0xFFFFFF90] =	vst v9;
	v6 =	vshll.u32 v6, $0x1;
	v9 =	vld [tilespmem:s5+$0xFFFFFFF0]  }
0x2c: {  	[tilespmem:s5+$0xFFFFFFA0] =	vst v6;
	v6 =	vshll.u32 v7, $0x1;
	v7 =	vld [tilespmem:s5+$0x0]  }
0x2d: {  	[tilespmem:s5+$0xFFFFFFB0] =	vst v6;
	v6 =	vshll.u32 v8, $0x1;
	v8 =	vld [tilespmem:s5+$0x10]  }
0x2e: {  	[tilespmem:s5+$0xFFFFFFC0] =	vst v6;
	v5 =	vshll.u32 v5, $0x1;
	v11 =	vld [tilespmem:s5+$0x20]  }
.Ltmp0:
0x2f: {  	[tilespmem:s5+$0xFFFFFFD0] =	vst v5;
	v6 =	vshll.u32 v10, $0x1;
	v5 =	vld [tilespmem:s5+$0x30];
	(pc) =	sbr.rel @p0 .LBB2_2-.Ltmp0, $4  }
0x30: {  	[tilespmem:s5+$0xFFFFFFE0] =	vst v6;
	v9 =	vshll.u32 v9, $0x1;
	v6 =	vld [tilespmem:s5+$0x40]  }
0x31: {  	[tilespmem:s5+$0xFFFFFFF0] =	vst v9;
	v9 =	vshll.u32 v7, $0x1;
	v7 =	vld [tilespmem:s5+$0x50]  }
0x32: {  	[tilespmem:s5+$0x0] =	vst v9;
	v10 =	vshll.u32 v8, $0x1;
	v8 =	vld [tilespmem:s5+$0x60]  }
0x33: {  	s5 =	sadd.s32 $0x100, s5;
	v9 =	vld [tilespmem:s0+$0xFFFFFF80];
	[tilespmem:s0+$0x10] =	vst v10;
	v10 =	vshll.u32 v11, $0x1  }
0x34: {  	[tilespmem:s0+$0x20] =	vst v10;
	v5 =	vshll.u32 v5, $0x1  }
0x35: {  	[tilespmem:s0+$0x30] =	vst v5;
	v5 =	vshll.u32 v6, $0x1  }
0x36: {  	[tilespmem:s0+$0x40] =	vst v5;
	v5 =	vshll.u32 v7, $0x1  }
0x37: {  	[tilespmem:s0+$0x50] =	vst v5;
	v5 =	vshll.u32 v8, $0x1  }
0x38: {  	v6 =	vshll.u32 v9, $0x1;
	[tilespmem:s0+$0x60] =	vst v5  }
0x39: {  	s30 =	simm.s32 $0x6400;
	[tilespmem:s0+$0xFFFFFF80] =	vst v6  }
0x3a: {  	[tilespmem:s30], [sflag:$0x1] =	stream.indirect.gather [hbm4b:s4+s12], $0x40, s3, s12, $0xb8;
	[tilespmem:$0x16C00] =	vst v63  }
0x3b: {  	s31 =	simm.s32 $0x8400  }
0x3c: {  	[tilespmem:s31], [sflag:$0x1] =	stream.indirect.gather [hbm4b:s4+s12], $0x40, s12, s12, $0xb8;
	[tilespmem:$0x16C00] =	vst v63  }
0x3d: {  	s1 =	simm.s32 $0x100  }
0x3e: {  	[tilespmem:s16], [sflag:$0x2] =	stream.indirect.gather [hbm4b:s4+s12], $0x40, s1, s12, $0xb8;
	[tilespmem:$0x16C00] =	vst v63  }
0x3f: {  	s1 =	simm.s32 $0xC  }
0x40: {  	s5 =	simm.s32 $0x180;
	s7 =	simm.s32 $0x0;
	s8 =	sand.u32 $0x78, s1  }
0x41: {  	v5 =	vmov s7;
	[tilespmem:s18], [sflag:$0x2] =	stream.indirect.gather [hbm4b:s4+s12], $0x40, s5, s12, $0xb8;
	[tilespmem:$0x16C00] =	vst v63  }
0x42: {  	v5 =	vmul.u32 $0x2200, v5;
	v6 =	vmov s8;
	_ =	swait.ge [sflag:s19], $0x2000  }
0x43: {  	v6 =	vshrl.u32 v6, $0x3;
	[sflag:s19] =	ssyncset.done $0x0  }
0x44: {  	v9 =	vbroadcast v5, $0x0;
	v5 =	vshll.u32 v6, v1;
	[sflag:s19] =	ssyncadd.s32 $0xFFFFE000  }
0x45: {  	v10 =	vbroadcast v5, $0x0;
	_ =	swait.ge [sflag:s19], $0x2000  }
0x46: {  	v5 =	vadd.s32 v0, v9;
	[sflag:s19] =	ssyncset.done $0x0  }
0x47: {  	s28 =	simm.s32 $0x6600;
	s13 =	simm.s32 $0x8;
	v6 =	vadd.s32 v5, v10;
	[sflag:s19] =	ssyncadd.s32 $0xFFFFE000  }
0x48: {  	s14 =	sand.u32 $0x78, s13;
	v6 =	vor.u32 $0x4, v6;
	v7 =	vld [tilespmem:s28+$0x100]  }
0x49: {  	s9 =	simm.s32 $0x4;
	v13 =	vmov s14  }
0x4a: {  	v13 =	vshrl.u32 v13, $0x3;
	s0 =	sand.u32 $0x70, s9  }
0x4b: {  	s10 =	simm.s32 $0x0;
	v13 =	vshll.u32 v13, v1;
	v11 =	vmov s0  }
0x4c: {  	s11 =	sand.u32 $0x70, s10;
	v13 =	vbroadcast v13, $0x0;
	v11 =	vshrl.u32 v11, $0x3;
	v8 =	vadd.s32 v2, v9  }
0x4d: {  	v11 =	vshll.u32 v11, v1;
	[tilespmem:v6+s20+$0x0] =	vst.idx.msk $0xffff, v7;
	v6 =	vadd.s32 v8, v10;
	v7 =	vmov s11  }
0x4e: {  	v11 =	vbroadcast v11, $0x0;
	v12 =	vld [tilespmem:s28+$0x110];
	v6 =	vor.u32 $0x4, v6;
	v7 =	vshrl.u32 v7, $0x3  }
0x4f: {  	v7 =	vshll.u32 v7, v1  }
0x50: {  	v21 =	vadd.s32 v5, v13;
	v20 =	vld [tilespmem:s28+$0x0];
	v14 =	vbroadcast v7, $0x0;
	v7 =	vadd.s32 v5, v11  }
0x51: {  	v15 =	vld [tilespmem:s28+$0xFFFFFF00];
	v16 =	vor.u32 $0x4, v7  }
0x52: {  	v17 =	vld [tilespmem:s28+$0xFFFFFE00];
	v7 =	vadd.s32 v3, v9;
	v18 =	vadd.s32 v5, v14  }
0x53: {  	[tilespmem:v6+s20+$0x0] =	vst.idx.msk $0xffff, v12;
	v6 =	vadd.s32 v7, v10  }
0x54: {  	s17 =	simm.s32 $0x5;
	v12 =	vld [tilespmem:s28+$0x120];
	v19 =	vor.u32 $0x4, v6  }
0x55: {  	s15 =	simm.s32 $0x1;
	s31 =	simm.s32 $0xD;
	s1 =	sand.u32 $0x70, s17;
	v22 =	vadd.s32 v8, v11;
	[tilespmem:v21+s20+$0x0] =	vst.idx.msk $0xffff, v20  }
0x56: {  	s0 =	sand.u32 $0x70, s15;
	v25 =	vadd.s32 v8, v13;
	v23 =	vmov s1;
	v22 =	vor.u32 $0x4, v22;
	s1 =	sand.u32 $0x78, s31;
	v21 =	vld [tilespmem:s28+$0x10];
	[tilespmem:v16+s20+$0x0] =	vst.idx.msk $0xffff, v15  }
0x57: {  	v20 =	vmov s1;
	v24 =	vadd.s32 v8, v14;
	v6 =	vmov s0;
	[tilespmem:v18+s20+$0x0] =	vst.idx.msk $0xffff, v17;
	v17 =	vld [tilespmem:s28+$0xFFFFFF10]  }
0x58: {  	s14 =	simm.s32 $0x0;
	s5 =	simm.s32 $0x9;
	v27 =	vshrl.u32 v6, $0x3;
	v6 =	vadd.s32 v4, v9;
	v15 =	vshrl.u32 v23, $0x3;
	v23 =	vld [tilespmem:s28+$0xFFFFFE10]  }
0x59: {  	v41 =	vmov s14;
	s25 =	sand.u32 $0x78, s5;
	v20 =	vshrl.u32 v20, $0x3;
	v10 =	vadd.s32 v6, v10;
	[tilespmem:v19+s20+$0x0] =	vst.idx.msk $0xffff, v12  }
0x5a: {  	v26 =	vmov s25;
	v20 =	vshll.u32 v20, v1;
	v10 =	vor.u32 $0x4, v10;
	v19 =	vld [tilespmem:s28+$0x130]  }
0x5b: {  	[tilespmem:v25+s20+$0x0] =	vst.idx.msk $0xffff, v21;
	v16 =	vshrl.u32 v26, $0x3;
	v9 =	vshll.u32 v27, v1;
	v26 =	vadd.s32 v7, v14  }
0x5c: {  	s26 =	simm.s32 $0x2;
	v41 =	vmul.u32 $0x2200, v41;
	v27 =	vadd.s32 v7, v13;
	v12 =	vadd.s32 v7, v11;
	[tilespmem:v22+s20+$0x0] =	vst.idx.msk $0xffff, v17  }
0x5d: {  	s30 =	sand.u32 $0x70, s26;
	v25 =	vadd.s32 v6, v14;
	v12 =	vor.u32 $0x4, v12;
	v17 =	vbroadcast v20, $0x0;
	[tilespmem:v24+s20+$0x0] =	vst.idx.msk $0xffff, v23;
	v22 =	vld [tilespmem:s28+$0xFFFFFF20]  }
0x5e: {  	v18 =	vmov s30;
	v9 =	vbroadcast v9, $0x0;
	v16 =	vshll.u32 v16, v1;
	v24 =	vld [tilespmem:s28+$0xFFFFFE20]  }
0x5f: {  	v15 =	vshll.u32 v15, v1;
	v16 =	vbroadcast v16, $0x0;
	[tilespmem:v10+s20+$0x0] =	vst.idx.msk $0xffff, v19;
	v10 =	vadd.s32 v5, v17  }
0x60: {  	v15 =	vbroadcast v15, $0x0;
	v11 =	vadd.s32 v6, v11;
	v21 =	vld [tilespmem:s28+$0x140];
	v10 =	vor.u32 $0x5, v10  }
0x61: {  	s5 =	simm.s32 $0x6;
	v14 =	vld [tilespmem:s28+$0x20];
	v28 =	vadd.s32 v5, v9;
	v11 =	vor.u32 $0x4, v11;
	v29 =	vadd.s32 v5, v16  }
0x62: {  	s0 =	sand.u32 $0x70, s5;
	v20 =	vor.u32 $0x1, v28;
	v28 =	vadd.s32 v6, v13;
	v13 =	vadd.s32 v5, v15;
	[tilespmem:v12+s20+$0x0] =	vst.idx.msk $0xffff, v22  }
0x63: {  	v23 =	vadd.s32 v8, v9;
	v19 =	vmov s0;
	v12 =	vor.u32 $0x5, v13;
	[tilespmem:v26+s20+$0x0] =	vst.idx.msk $0xffff, v24;
	v24 =	vld [tilespmem:s28+$0xFFFFFF30]  }
0x64: {  	v13 =	vadd.s32 v8, v15;
	v22 =	vor.u32 $0x1, v29;
	v29 =	vadd.s32 v7, v9  }
0x65: {  	v9 =	vadd.s32 v6, v9;
	[tilespmem:v10+s20+$0x0] =	vst.idx.msk $0xffff, v21;
	v10 =	vadd.s32 v8, v17;
	v21 =	vor.u32 $0x1, v29;
	v29 =	vld [tilespmem:s28+$0xFFFFFE30]  }
0x66: {  	[tilespmem:v27+s20+$0x0] =	vst.idx.msk $0xffff, v14;
	v26 =	vor.u32 $0x5, v13;
	v13 =	vadd.s32 v8, v16;
	v27 =	vld [tilespmem:s28+$0x150];
	v10 =	vor.u32 $0x5, v10  }
0x67: {  	v32 =	vld [tilespmem:s28+$0x30];
	v14 =	vor.u32 $0x1, v9;
	v30 =	vor.u32 $0x1, v13;
	v13 =	vadd.s32 v7, v15  }
0x68: {  	v9 =	vadd.s32 v6, v16;
	v31 =	vor.u32 $0x5, v13;
	v13 =	vadd.s32 v7, v16;
	[tilespmem:v11+s20+$0x0] =	vst.idx.msk $0xffff, v24  }
0x69: {  	s7 =	simm.s32 $0xA;
	v15 =	vadd.s32 v6, v15;
	v33 =	vor.u32 $0x1, v13;
	v13 =	vor.u32 $0x1, v9;
	v9 =	vld [tilespmem:s28+$0xFFFFFF40]  }
0x6a: {  	s0 =	sand.u32 $0x78, s7;
	v11 =	vor.u32 $0x5, v15;
	v15 =	vshrl.u32 v18, $0x3;
	v18 =	vshrl.u32 v19, $0x3;
	[tilespmem:v25+s20+$0x0] =	vst.idx.msk $0xffff, v29  }
0x6b: {  	s9 =	simm.s32 $0x7;
	v16 =	vmov s0;
	v18 =	vshll.u32 v18, v1;
	[tilespmem:v10+s20+$0x0] =	vst.idx.msk $0xffff, v27;
	v10 =	vadd.s32 v7, v17;
	v25 =	vld [tilespmem:s28+$0xFFFFFE40]  }
0x6c: {  	s8 =	simm.s32 $0x3;
	s1 =	sand.u32 $0x70, s9;
	[tilespmem:v28+s20+$0x0] =	vst.idx.msk $0xffff, v32;
	v15 =	vshll.u32 v15, v1;
	v24 =	vbroadcast v18, $0x0;
	v18 =	vld [tilespmem:s28+$0x160];
	v10 =	vor.u32 $0x5, v10  }
0x6d: {  	v44 =	vmov s1;
	s0 =	sand.u32 $0x70, s8;
	v16 =	vshrl.u32 v16, $0x3;
	v19 =	vbroadcast v15, $0x0;
	v27 =	vld [tilespmem:s28+$0x40]  }
0x6e: {  	v23 =	vor.u32 $0x1, v23;
	v15 =	vshll.u32 v16, v1;
	v16 =	vmov s0;
	[tilespmem:v12+s20+$0x0] =	vst.idx.msk $0xffff, v9  }
0x6f: {  	v34 =	vbroadcast v15, $0x0;
	v15 =	vadd.s32 v5, v19;
	v28 =	vadd.s32 v5, v24;
	v12 =	vld [tilespmem:s28+$0xFFFFFF50]  }
0x70: {  	s13 =	simm.s32 $0xE;
	v16 =	vshrl.u32 v16, $0x3;
	v29 =	vadd.s32 v8, v19;
	v36 =	vadd.s32 v8, v24;
	[tilespmem:v20+s20+$0x0] =	vst.idx.msk $0xffff, v25  }
0x71: {  	s10 =	simm.s32 $0xB;
	s0 =	sand.u32 $0x78, s13;
	v16 =	vshll.u32 v16, v1;
	v35 =	vor.u32 $0x6, v28;
	[tilespmem:v10+s20+$0x0] =	vst.idx.msk $0xffff, v18;
	v10 =	vadd.s32 v6, v17;
	v25 =	vld [tilespmem:s28+$0xFFFFFE50]  }
0x72: {  	s11 =	sand.u32 $0x78, s10;
	v28 =	vadd.s32 v5, v34;
	[tilespmem:v22+s20+$0x0] =	vst.idx.msk $0xffff, v27;
	v18 =	vmov s0;
	v20 =	vld [tilespmem:s28+$0x170];
	v10 =	vor.u32 $0x5, v10  }
0x73: {  	v16 =	vbroadcast v16, $0x0;
	v9 =	vmov s11;
	v22 =	vld [tilespmem:s28+$0x50];
	v18 =	vshrl.u32 v18, $0x3  }
0x74: {  	v37 =	vor.u32 $0x2, v28;
	v28 =	vadd.s32 v8, v34;
	v18 =	vshll.u32 v18, v1;
	[tilespmem:v26+s20+$0x0] =	vst.idx.msk $0xffff, v12  }
0x75: {  	v9 =	vshrl.u32 v9, $0x3;
	v27 =	vadd.s32 v7, v19;
	v38 =	vbroadcast v18, $0x0;
	v39 =	vld [tilespmem:s28+$0xFFFFFF60]  }
0x76: {  	v19 =	vadd.s32 v6, v19;
	v17 =	vor.u32 $0x2, v29;
	v29 =	vor.u32 $0x2, v28;
	[tilespmem:v23+s20+$0x0] =	vst.idx.msk $0xffff, v25  }
0x77: {  	v28 =	vor.u32 $0x2, v27;
	v12 =	vadd.s32 v7, v24;
	[tilespmem:v10+s20+$0x0] =	vst.idx.msk $0xffff, v20;
	v10 =	vadd.s32 v5, v38;
	v46 =	vld [tilespmem:s28+$0xFFFFFE60]  }
0x78: {  	v18 =	vor.u32 $0x6, v12;
	[tilespmem:v30+s20+$0x0] =	vst.idx.msk $0xffff, v22;
	v20 =	vshrl.u32 v44, $0x3;
	v45 =	vld [tilespmem:s28+$0x180];
	v10 =	vor.u32 $0x6, v10  }
0x79: {  	v12 =	vadd.s32 v7, v34;
	v25 =	vor.u32 $0x2, v19;
	v19 =	vshll.u32 v20, v1;
	v20 =	vld [tilespmem:s28+$0x60]  }
0x7a: {  	v24 =	vadd.s32 v6, v24;
	v27 =	vor.u32 $0x2, v12;
	v12 =	vadd.s32 v6, v34;
	[tilespmem:v31+s20+$0x0] =	vst.idx.msk $0xffff, v39  }
0x7b: {  	v9 =	vshll.u32 v9, v1;
	v26 =	vor.u32 $0x6, v24;
	v24 =	vor.u32 $0x2, v12;
	v12 =	vld [tilespmem:s28+$0xFFFFFF70]  }
0x7c: {  	s15 =	simm.s32 $0x1C;
	v31 =	vbroadcast v9, $0x0;
	v9 =	vadd.s32 v5, v16;
	[tilespmem:v21+s20+$0x0] =	vst.idx.msk $0xffff, v46  }
0x7d: {  	v41 =	vbroadcast v41, $0x0;
	s17 =	sand.u32 $0x78, s15;
	s31 =	simm.s32 $0x18;
	s30 =	simm.s32 $0x10;
	v22 =	vor.u32 $0x3, v9;
	v9 =	vadd.s32 v8, v38;
	[tilespmem:v10+s20+$0x0] =	vst.idx.msk $0xffff, v45;
	v48 =	vld [tilespmem:s28+$0xFFFFFE70]  }
0x7e: {  	v42 =	vmov s17;
	s7 =	sand.u32 $0x70, s30;
	s8 =	sand.u32 $0x78, s31;
	v30 =	vbroadcast v19, $0x0;
	v47 =	vor.u32 $0x6, v9;
	[tilespmem:v33+s20+$0x0] =	vst.idx.msk $0xffff, v20;
	v32 =	vld [tilespmem:s28+$0x190]  }
0x7f: {  	v52 =	vmov s7;
	v53 =	vmov s8;
	v49 =	vadd.s32 v7, v16;
	v20 =	vld [tilespmem:s28+$0x70]  }
0x80: {  	v15 =	vor.u32 $0x2, v15;
	v51 =	vadd.s32 v7, v38;
	v19 =	vadd.s32 v5, v30;
	[tilespmem:v11+s20+$0x0] =	vst.idx.msk $0xffff, v12  }
0x81: {  	v23 =	vor.u32 $0x7, v19;
	v19 =	vadd.s32 v8, v16;
	v9 =	vadd.s32 v8, v30;
	v50 =	vld [tilespmem:s28+$0xFFFFFF80]  }
0x82: {  	v36 =	vor.u32 $0x6, v36;
	v40 =	vadd.s32 v7, v31;
	v16 =	vadd.s32 v6, v16;
	[tilespmem:v14+s20+$0x0] =	vst.idx.msk $0xffff, v48  }
0x83: {  	s25 =	simm.s32 $0x14;
	v10 =	vadd.s32 v5, v31;
	v33 =	vshrl.u32 v52, $0x3;
	v14 =	vshrl.u32 v42, $0x3;
	[tilespmem:v47+s20+$0x0] =	vst.idx.msk $0xffff, v32;
	v39 =	vld [tilespmem:s28+$0xFFFFFE80]  }
0x84: {  	s26 =	sand.u32 $0x70, s25;
	v12 =	vadd.s32 v7, v30;
	v32 =	vor.u32 $0x6, v51;
	[tilespmem:v13+s20+$0x0] =	vst.idx.msk $0xffff, v20;
	v14 =	vshll.u32 v14, v1;
	v34 =	vld [tilespmem:s28+$0x1A0]  }
0x85: {  	v13 =	vmov s26;
	v20 =	vadd.s32 v6, v30;
	v30 =	vld [tilespmem:s28+$0x80];
	v42 =	vbroadcast v14, $0x0  }
0x86: {  	v21 =	vor.u32 $0x3, v10;
	v13 =	vshrl.u32 v13, $0x3;
	v14 =	vadd.s32 v0, v41;
	[tilespmem:v35+s20+$0x0] =	vst.idx.msk $0xffff, v50  }
0x87: {  	s9 =	simm.s32 $0xF;
	v10 =	vor.u32 $0x3, v19;
	s26 =	simm.s32 $0x6A00;
	v13 =	vshll.u32 v13, v1;
	v44 =	vadd.s32 v14, v42;
	v43 =	vld [tilespmem:s28+$0xFFFFFF90]  }
0x88: {  	s0 =	sand.u32 $0x78, s9;
	v46 =	vld [tilespmem:s26+$0x100];
	v45 =	vbroadcast v13, $0x0;
	v13 =	vadd.s32 v6, v38;
	v44 =	vor.u32 $0x4, v44;
	[tilespmem:v15+s20+$0x0] =	vst.idx.msk $0xffff, v39  }
0x89: {  	v19 =	vor.u32 $0x7, v9;
	v54 =	vor.u32 $0x6, v13;
	v13 =	vmov s0;
	[tilespmem:v32+s20+$0x0] =	vst.idx.msk $0xffff, v34;
	v55 =	vld [tilespmem:s28+$0xFFFFFE90]  }
0x8a: {  	v15 =	vshrl.u32 v53, $0x3;
	v13 =	vshrl.u32 v13, $0x3;
	[tilespmem:v37+s20+$0x0] =	vst.idx.msk $0xffff, v30;
	v30 =	vshll.u32 v33, v1;
	v32 =	vld [tilespmem:s28+$0x1B0]  }
0x8b: {  	v57 =	vadd.s32 v14, v45;
	v56 =	vshll.u32 v15, v1;
	v37 =	vld [tilespmem:s28+$0x90];
	v30 =	vbroadcast v30, $0x0  }
0x8c: {  	v58 =	vld [tilespmem:s26+$0xFFFFFF00];
	v13 =	vshll.u32 v13, v1;
	v15 =	vadd.s32 v2, v41;
	v38 =	vor.u32 $0x4, v57;
	[tilespmem:v36+s20+$0x0] =	vst.idx.msk $0xffff, v43  }
0x8d: {  	v59 =	vld [tilespmem:s26+$0xFFFFFE00];
	v39 =	vbroadcast v13, $0x0;
	v61 =	vadd.s32 v15, v42;
	v60 =	vadd.s32 v14, v30;
	[tilespmem:v44+s20+$0x0] =	vst.idx.msk $0xffff, v46  }
0x8e: {  	v9 =	vadd.s32 v8, v31;
	v33 =	vbroadcast v56, $0x0;
	v44 =	vor.u32 $0x4, v61;
	v46 =	vld [tilespmem:s26+$0x110];
	[tilespmem:v17+s20+$0x0] =	vst.idx.msk $0xffff, v55  }
0x8f: {  	v31 =	vadd.s32 v6, v31;
	v9 =	vor.u32 $0x3, v9;
	v5 =	vadd.s32 v5, v39;
	v63 =	vld [tilespmem:s28+$0xFFFFFFA0];
	[tilespmem:v54+s20+$0x0] =	vst.idx.msk $0xffff, v32  }
0x90: {  	s10 =	simm.s32 $0x11;
	s11 =	simm.s32 $0x15;
	v62 =	vor.u32 $0x7, v5;
	v5 =	vor.u32 $0x3, v31;
	v31 =	vadd.s32 v14, v33;
	[tilespmem:v29+s20+$0x0] =	vst.idx.msk $0xffff, v37;
	v29 =	vld [tilespmem:s26+$0x0]  }
0x91: {  	s13 =	simm.s32 $0x19;
	s1 =	sand.u32 $0x70, s11;
	v11 =	vor.u32 $0x3, v49;
	v12 =	vor.u32 $0x7, v12;
	s0 =	sand.u32 $0x70, s10;
	v17 =	vadd.s32 v15, v45;
	[tilespmem:v38+s20+$0x0] =	vst.idx.msk $0xffff, v58;
	v32 =	vld [tilespmem:s28+$0x1C0]  }
0x92: {  	v47 =	vmov s1;
	v51 =	vmov s0;
	s0 =	sand.u32 $0x78, s13;
	v53 =	vor.u32 $0x4, v17;
	v54 =	vld [tilespmem:s26+$0xFFFFFF10];
	[tilespmem:v60+s20+$0x0] =	vst.idx.msk $0xffff, v59  }
0x93: {  	v20 =	vor.u32 $0x7, v20;
	v57 =	vmov s0;
	v17 =	vadd.s32 v3, v41;
	v60 =	vld [tilespmem:s28+$0xFFFFFEA0];
	[tilespmem:v44+s20+$0x0] =	vst.idx.msk $0xffff, v46  }
0x94: {  	s14 =	simm.s32 $0x12;
	v13 =	vor.u32 $0x3, v40;
	v52 =	vadd.s32 v15, v30;
	v56 =	vadd.s32 v17, v42;
	v48 =	vld [tilespmem:s26+$0xFFFFFE10];
	[tilespmem:v18+s20+$0x0] =	vst.idx.msk $0xffff, v63  }
0x95: {  	s0 =	sand.u32 $0x70, s14;
	v8 =	vadd.s32 v8, v39;
	v7 =	vadd.s32 v7, v39;
	v44 =	vor.u32 $0x4, v56;
	v46 =	vld [tilespmem:s26+$0x120];
	[tilespmem:v31+s20+$0x0] =	vst.idx.msk $0xffff, v29  }
0x96: {  	v40 =	vmov s0;
	v6 =	vadd.s32 v6, v39;
	v55 =	vadd.s32 v15, v33;
	[tilespmem:v62+s20+$0x0] =	vst.idx.msk $0xffff, v32;
	v59 =	vld [tilespmem:s26+$0x10]  }
0x97: {  	v8 =	vor.u32 $0x7, v8;
	v7 =	vor.u32 $0x7, v7;
	v37 =	vshrl.u32 v51, $0x3;
	[tilespmem:v53+s20+$0x0] =	vst.idx.msk $0xffff, v54;
	v29 =	vld [tilespmem:s28+$0x1D0]  }
0x98: {  	v37 =	vshll.u32 v37, v1;
	v18 =	vshrl.u32 v47, $0x3;
	v31 =	vadd.s32 v17, v45;
	v53 =	vld [tilespmem:s28+$0xA0];
	[tilespmem:v28+s20+$0x0] =	vst.idx.msk $0xffff, v60  }
0x99: {  	s15 =	simm.s32 $0x1D;
	v61 =	vshll.u32 v18, v1;
	v18 =	vadd.s32 v4, v41;
	v31 =	vor.u32 $0x4, v31;
	v62 =	vld [tilespmem:s26+$0xFFFFFF20];
	[tilespmem:v52+s20+$0x0] =	vst.idx.msk $0xffff, v48  }
0x9a: {  	s17 =	sand.u32 $0x78, s15;
	v58 =	vadd.s32 v17, v30;
	v34 =	vbroadcast v37, $0x0;
	v42 =	vadd.s32 v18, v42;
	v63 =	vld [tilespmem:s26+$0xFFFFFE20];
	[tilespmem:v44+s20+$0x0] =	vst.idx.msk $0xffff, v46  }
0x9b: {  	v49 =	vadd.s32 v17, v33;
	v42 =	vor.u32 $0x4, v42;
	v48 =	vmov s17;
	v44 =	vld [tilespmem:s26+$0x130];
	[tilespmem:v55+s20+$0x0] =	vst.idx.msk $0xffff, v59  }
0x9c: {  	v50 =	vadd.s32 v14, v34;
	v54 =	vadd.s32 v15, v34;
	[tilespmem:v8+s20+$0x0] =	vst.idx.msk $0xffff, v29;
	v29 =	vshrl.u32 v48, $0x3;
	v52 =	vld [tilespmem:s26+$0x20]  }
0x9d: {  	v6 =	vor.u32 $0x7, v6;
	v45 =	vadd.s32 v18, v45;
	[tilespmem:v27+s20+$0x0] =	vst.idx.msk $0xffff, v53;
	v51 =	vld [tilespmem:s28+$0x1E0];
	v29 =	vshll.u32 v29, v1  }
0x9e: {  	v30 =	vadd.s32 v18, v30;
	v32 =	vshrl.u32 v57, $0x3;
	v27 =	vld [tilespmem:s28+$0xFFFFFFB0];
	[tilespmem:v31+s20+$0x0] =	vst.idx.msk $0xffff, v62;
	v29 =	vbroadcast v29, $0x0  }
0x9f: {  	s25 =	simm.s32 $0x16;
	v33 =	vadd.s32 v18, v33;
	v32 =	vshll.u32 v32, v1;
	v55 =	vor.u32 $0x4, v45;
	v56 =	vld [tilespmem:s26+$0xFFFFFF30];
	[tilespmem:v58+s20+$0x0] =	vst.idx.msk $0xffff, v63  }
0xa0: {  	s0 =	sand.u32 $0x70, s25;
	v28 =	vbroadcast v61, $0x0;
	v32 =	vbroadcast v32, $0x0;
	v57 =	vld [tilespmem:s26+$0xFFFFFE30];
	[tilespmem:v42+s20+$0x0] =	vst.idx.msk $0xffff, v44;
	v58 =	vadd.s32 v14, v29  }
0xa1: {  	v41 =	vor.u32 $0x1, v54;
	v31 =	vmov s0;
	v60 =	vld [tilespmem:s26+$0x140];
	v42 =	vor.u32 $0x5, v58;
	[tilespmem:v49+s20+$0x0] =	vst.idx.msk $0xffff, v52  }
0xa2: {  	v59 =	vadd.s32 v14, v28;
	v8 =	vor.u32 $0x1, v50;
	v48 =	vadd.s32 v15, v32;
	[tilespmem:v7+s20+$0x0] =	vst.idx.msk $0xffff, v51;
	v49 =	vld [tilespmem:s26+$0x30]  }
0xa3: {  	v61 =	vor.u32 $0x5, v59;
	v50 =	vadd.s32 v17, v34;
	v34 =	vadd.s32 v18, v34;
	[tilespmem:v26+s20+$0x0] =	vst.idx.msk $0xffff, v27;
	v62 =	vld [tilespmem:s28+$0x1F0]  }
0xa4: {  	s30 =	simm.s32 $0x1A;
	v31 =	vshrl.u32 v31, $0x3;
	v43 =	vor.u32 $0x1, v48;
	v36 =	vor.u32 $0x1, v50;
	v26 =	vld [tilespmem:s28+$0xB0];
	[tilespmem:v55+s20+$0x0] =	vst.idx.msk $0xffff, v56  }
0xa5: {  	s7 =	simm.s32 $0x1B;
	s0 =	sand.u32 $0x78, s30;
	v34 =	vor.u32 $0x1, v34;
	v31 =	vshll.u32 v31, v1;
	v63 =	vadd.s32 v15, v28;
	v55 =	vld [tilespmem:s28+$0xFFFFFEB0];
	[tilespmem:v30+s20+$0x0] =	vst.idx.msk $0xffff, v57  }
0xa6: {  	s8 =	sand.u32 $0x78, s7;
	v59 =	vbroadcast v31, $0x0;
	v39 =	vor.u32 $0x5, v63;
	v27 =	vmov s0;
	v30 =	vld [tilespmem:s26+$0xFFFFFF40];
	[tilespmem:v42+s20+$0x0] =	vst.idx.msk $0xffff, v60  }
0xa7: {  	v63 =	vmov s8;
	v53 =	vadd.s32 v15, v29;
	v27 =	vshrl.u32 v27, $0x3;
	v45 =	vld [tilespmem:s26+$0xFFFFFE40];
	[tilespmem:v33+s20+$0x0] =	vst.idx.msk $0xffff, v49  }
0xa8: {  	v52 =	vadd.s32 v17, v32;
	v54 =	vor.u32 $0x5, v53;
	v7 =	vadd.s32 v14, v32;
	[tilespmem:v6+s20+$0x0] =	vst.idx.msk $0xffff, v62;
	v6 =	vld [tilespmem:s26+$0x150]  }
0xa9: {  	v56 =	vshrl.u32 v40, $0x3;
	v27 =	vshll.u32 v27, v1;
	v7 =	vor.u32 $0x1, v7;
	[tilespmem:v24+s20+$0x0] =	vst.idx.msk $0xffff, v26;
	v57 =	vld [tilespmem:s26+$0x40]  }
0xaa: {  	v51 =	vadd.s32 v17, v28;
	v28 =	vadd.s32 v18, v28;
	v44 =	vor.u32 $0x1, v52;
	v52 =	vld [tilespmem:s28+$0xC0];
	[tilespmem:v25+s20+$0x0] =	vst.idx.msk $0xffff, v55  }
0xab: {  	v32 =	vadd.s32 v18, v32;
	v27 =	vbroadcast v27, $0x0;
	v35 =	vor.u32 $0x5, v51;
	[tilespmem:v61+s20+$0x0] =	vst.idx.msk $0xffff, v30;
	v61 =	vld [tilespmem:s28+$0xFFFFFFC0]  }
0xac: {  	s5 =	simm.s32 $0x17;
	v28 =	vor.u32 $0x5, v28;
	v51 =	vadd.s32 v17, v59;
	v26 =	vadd.s32 v15, v59;
	[tilespmem:v8+s20+$0x0] =	vst.idx.msk $0xffff, v45;
	v8 =	vld [tilespmem:s26+$0xFFFFFF50]  }
0xad: {  	s31 =	simm.s32 $0x13;
	s0 =	sand.u32 $0x70, s5;
	v40 =	vor.u32 $0x1, v32;
	v33 =	vshll.u32 v56, v1;
	v31 =	vld [tilespmem:s26+$0xFFFFFE50];
	[tilespmem:v54+s20+$0x0] =	vst.idx.msk $0xffff, v6;
	v6 =	vadd.s32 v17, v29  }
0xae: {  	s1 =	sand.u32 $0x70, s31;
	v60 =	vmov s0;
	v58 =	vbroadcast v33, $0x0;
	[tilespmem:v7+s20+$0x0] =	vst.idx.msk $0xffff, v57;
	v25 =	vld [tilespmem:s26+$0x160];
	v6 =	vor.u32 $0x5, v6  }
0xaf: {  	v62 =	vadd.s32 v14, v59;
	v30 =	vmov s1;
	[tilespmem:v21+s20+$0x0] =	vst.idx.msk $0xffff, v52;
	v7 =	vadd.s32 v14, v27;
	v32 =	vld [tilespmem:s26+$0x50]  }
0xb0: {  	s10 =	simm.s32 $0x0;
	v33 =	vadd.s32 v14, v58;
	v45 =	vor.u32 $0x6, v62;
	v49 =	vor.u32 $0x2, v7;
	v7 =	vld [tilespmem:s28+$0xFFFFFEC0];
	[tilespmem:v23+s20+$0x0] =	vst.idx.msk $0xffff, v61  }
0xb1: {  	v24 =	vadd.s32 v15, v58;
	v21 =	vadd.s32 v18, v27;
	v52 =	vmov s10;
	[tilespmem:v39+s20+$0x0] =	vst.idx.msk $0xffff, v8;
	v54 =	vld [tilespmem:s28+$0xFFFFFFD0]  }
0xb2: {  	v48 =	vor.u32 $0x2, v33;
	v33 =	vor.u32 $0x2, v24;
	v38 =	vmul.u32 $0x2200, v52;
	[tilespmem:v41+s20+$0x0] =	vst.idx.msk $0xffff, v31;
	v24 =	vld [tilespmem:s26+$0xFFFFFF60]  }
0xb3: {  	s9 =	simm.s32 $0x1E;
	v8 =	vadd.s32 v15, v27;
	v39 =	vor.u32 $0x6, v26;
	v26 =	vld [tilespmem:s26+$0xFFFFFE60];
	[tilespmem:v6+s20+$0x0] =	vst.idx.msk $0xffff, v25;
	v6 =	vadd.s32 v18, v29  }
0xb4: {  	s0 =	sand.u32 $0x78, s9;
	v38 =	vbroadcast v38, $0x0;
	v31 =	vor.u32 $0x2, v8;
	[tilespmem:v43+s20+$0x0] =	vst.idx.msk $0xffff, v32;
	v23 =	vld [tilespmem:s26+$0x170];
	v6 =	vor.u32 $0x5, v6  }
0xb5: {  	v8 =	vadd.s32 v17, v58;
	v25 =	vshrl.u32 v30, $0x3;
	v29 =	vmov s0;
	[tilespmem:v22+s20+$0x0] =	vst.idx.msk $0xffff, v7;
	v53 =	vld [tilespmem:s26+$0x60]  }
0xb6: {  	v30 =	vor.u32 $0x2, v8;
	v8 =	vshrl.u32 v29, $0x3;
	v29 =	vadd.s32 v17, v27;
	v27 =	vld [tilespmem:s28+$0xFFFFFED0];
	[tilespmem:v19+s20+$0x0] =	vst.idx.msk $0xffff, v54  }
0xb7: {  	s11 =	simm.s32 $0x2C;
	v32 =	vor.u32 $0x6, v51;
	v7 =	vshll.u32 v8, v1;
	v8 =	vadd.s32 v18, v58;
	[tilespmem:v35+s20+$0x0] =	vst.idx.msk $0xffff, v24;
	v58 =	vld [tilespmem:s28+$0xD0]  }
0xb8: {  	s13 =	sand.u32 $0x78, s11;
	v22 =	vadd.s32 v18, v59;
	v35 =	vbroadcast v7, $0x0;
	v24 =	vor.u32 $0x2, v8;
	[tilespmem:v36+s20+$0x0] =	vst.idx.msk $0xffff, v26;
	v8 =	vld [tilespmem:s26+$0xFFFFFF70]  }
0xb9: {  	v25 =	vshll.u32 v25, v1;
	v54 =	vmov s13;
	v61 =	vld [tilespmem:s28+$0xFFFFFFE0];
	v7 =	vshrl.u32 v60, $0x3;
	[tilespmem:v6+s20+$0x0] =	vst.idx.msk $0xffff, v23  }
0xba: {  	v55 =	vbroadcast v25, $0x0;
	v36 =	vld [tilespmem:s26+$0xFFFFFE70];
	v7 =	vshll.u32 v7, v1;
	v6 =	vadd.s32 v14, v35;
	[tilespmem:v44+s20+$0x0] =	vst.idx.msk $0xffff, v53  }
0xbb: {  	v26 =	vshrl.u32 v63, $0x3;
	v57 =	vbroadcast v7, $0x0;
	[tilespmem:v10+s20+$0x0] =	vst.idx.msk $0xffff, v27;
	v56 =	vld [tilespmem:s26+$0x180];
	v6 =	vor.u32 $0x6, v6  }
0xbc: {  	v25 =	vor.u32 $0x2, v21;
	v7 =	vadd.s32 v14, v55;
	v23 =	vshll.u32 v26, v1;
	v44 =	vld [tilespmem:s26+$0x70];
	[tilespmem:v9+s20+$0x0] =	vst.idx.msk $0xffff, v58  }
0xbd: {  	s14 =	simm.s32 $0x24;
	v26 =	vor.u32 $0x6, v22;
	v22 =	vor.u32 $0x3, v7;
	v19 =	vadd.s32 v14, v57;
	[tilespmem:v28+s20+$0x0] =	vst.idx.msk $0xffff, v8  }
0xbe: {  	s15 =	sand.u32 $0x70, s14;
	v41 =	vbroadcast v23, $0x0;
	v62 =	vadd.s32 v17, v57;
	v50 =	vadd.s32 v18, v57;
	[tilespmem:v12+s20+$0x0] =	vst.idx.msk $0xffff, v61;
	v59 =	vld [tilespmem:s26+$0xFFFFFF80]  }
0xbf: {  	v63 =	vld [tilespmem:s28+$0xFFFFFEE0];
	v12 =	vshrl.u32 v54, $0x3;
	v58 =	vmov s15;
	v8 =	vadd.s32 v15, v55;
	[tilespmem:v34+s20+$0x0] =	vst.idx.msk $0xffff, v36  }
0xc0: {  	s17 =	simm.s32 $0x20;
	v23 =	vor.u32 $0x7, v19;
	v19 =	vadd.s32 v15, v57;
	v36 =	vld [tilespmem:s26+$0xFFFFFE80];
	[tilespmem:v6+s20+$0x0] =	vst.idx.msk $0xffff, v56;
	v6 =	vadd.s32 v15, v35  }
0xc1: {  	s30 =	sand.u32 $0x70, s17;
	v9 =	vor.u32 $0x7, v62;
	v12 =	vshll.u32 v12, v1;
	[tilespmem:v40+s20+$0x0] =	vst.idx.msk $0xffff, v44;
	v10 =	vld [tilespmem:s26+$0x190];
	v60 =	vor.u32 $0x6, v6  }
0xc2: {  	v62 =	vmov s30;
	v7 =	vadd.s32 v14, v41;
	v28 =	vor.u32 $0x3, v8;
	v40 =	vld [tilespmem:s26+$0x80]  }
0xc3: {  	v57 =	vld [tilespmem:s28+$0xE0];
	v21 =	vor.u32 $0x3, v7;
	v7 =	vadd.s32 v15, v41;
	v6 =	vadd.s32 v17, v55;
	[tilespmem:v45+s20+$0x0] =	vst.idx.msk $0xffff, v59  }
0xc4: {  	v27 =	vor.u32 $0x3, v7;
	[tilespmem:v11+s20+$0x0] =	vst.idx.msk $0xffff, v63;
	v8 =	vor.u32 $0x3, v6;
	v6 =	vadd.s32 v17, v41;
	v51 =	vld [tilespmem:s26+$0xFFFFFF90]  }
0xc5: {  	v11 =	vld [tilespmem:s28+$0xFFFFFFF0];
	v7 =	vor.u32 $0x3, v6;
	v6 =	vadd.s32 v18, v55;
	[tilespmem:v48+s20+$0x0] =	vst.idx.msk $0xffff, v36;
	v48 =	vshrl.u32 v62, $0x3  }
0xc6: {  	s25 =	simm.s32 $0x28;
	v37 =	vbroadcast v12, $0x0;
	v55 =	vadd.s32 v17, v35;
	v53 =	vld [tilespmem:s26+$0xFFFFFE90];
	v36 =	vshll.u32 v48, v1;
	[tilespmem:v60+s20+$0x0] =	vst.idx.msk $0xffff, v10  }
0xc7: {  	s31 =	sand.u32 $0x78, s25;
	v12 =	vadd.s32 v0, v38;
	v42 =	vor.u32 $0x6, v55;
	v36 =	vbroadcast v36, $0x0;
	[tilespmem:v49+s20+$0x0] =	vst.idx.msk $0xffff, v40;
	v56 =	vld [tilespmem:s26+$0x1A0]  }
0xc8: {  	s29 =	simm.s32 $0x6E00;
	v63 =	vmov s31;
	[tilespmem:v13+s20+$0x0] =	vst.idx.msk $0xffff, v57;
	v59 =	vadd.s32 v18, v41;
	v60 =	vshrl.u32 v58, $0x3;
	v61 =	vld [tilespmem:s26+$0x90]  }
0xc9: {  	v54 =	vshrl.u32 v63, $0x3;
	v57 =	vld [tilespmem:s29+$0xFFFFFE00];
	v49 =	vshll.u32 v60, v1;
	v58 =	vadd.s32 v12, v36;
	[tilespmem:v39+s20+$0x0] =	vst.idx.msk $0xffff, v51  }
0xca: {  	s5 =	simm.s32 $0x1F;
	[tilespmem:v20+s20+$0x0] =	vst.idx.msk $0xffff, v11;
	v10 =	vor.u32 $0x7, v50;
	v51 =	vadd.s32 v12, v37;
	v39 =	vbroadcast v49, $0x0;
	v50 =	vld [tilespmem:s26+$0xFFFFFFA0]  }
0xcb: {  	v52 =	vld [tilespmem:s29+$0x100];
	s0 =	sand.u32 $0x78, s5;
	[tilespmem:v33+s20+$0x0] =	vst.idx.msk $0xffff, v53;
	v41 =	vor.u32 $0x4, v51;
	v53 =	vadd.s32 v18, v35;
	v35 =	vshll.u32 v54, v1  }
0xcc: {  	v13 =	vmov s0;
	v55 =	vld [tilespmem:s26+$0xFFFFFEA0];
	v11 =	vadd.s32 v12, v39;
	v35 =	vbroadcast v35, $0x0;
	[tilespmem:v42+s20+$0x0] =	vst.idx.msk $0xffff, v56  }
0xcd: {  	v13 =	vshrl.u32 v13, $0x3;
	v45 =	vld [tilespmem:s29+$0xFFFFFF00];
	[tilespmem:v31+s20+$0x0] =	vst.idx.msk $0xffff, v61;
	v56 =	vor.u32 $0x4, v11  }
0xce: {  	v16 =	vor.u32 $0x3, v16;
	v62 =	vld [tilespmem:s29+$0x0];
	v20 =	vshll.u32 v13, v1;
	v63 =	vadd.s32 v12, v35;
	[tilespmem:v58+s20+$0x0] =	vst.idx.msk $0xffff, v57  }
0xcf: {  	v13 =	vadd.s32 v2, v38;
	v20 =	vbroadcast v20, $0x0;
	v34 =	vor.u32 $0x6, v53;
	v42 =	vld [tilespmem:s26+$0x1B0];
	[tilespmem:v32+s20+$0x0] =	vst.idx.msk $0xffff, v50  }
0xd0: {  	v29 =	vor.u32 $0x2, v29;
	v19 =	vor.u32 $0x7, v19;
	v48 =	vadd.s32 v13, v36;
	v31 =	vld [tilespmem:s28+$0xFFFFFEF0];
	[tilespmem:v41+s20+$0x0] =	vst.idx.msk $0xffff, v52  }
0xd1: {  	v14 =	vadd.s32 v14, v20;
	v11 =	vor.u32 $0x3, v59;
	v59 =	vadd.s32 v13, v37;
	v40 =	vld [tilespmem:s29+$0xFFFFFE10];
	[tilespmem:v30+s20+$0x0] =	vst.idx.msk $0xffff, v55  }
0xd2: {  	s7 =	simm.s32 $0x21;
	v61 =	vor.u32 $0x7, v14;
	v14 =	vadd.s32 v13, v39;
	v41 =	vor.u32 $0x4, v59;
	v43 =	vld [tilespmem:s29+$0x110];
	[tilespmem:v56+s20+$0x0] =	vst.idx.msk $0xffff, v45  }
0xd3: {  	s9 =	simm.s32 $0x29;
	s0 =	sand.u32 $0x70, s7;
	v6 =	vor.u32 $0x3, v6;
	v15 =	vadd.s32 v15, v20;
	v50 =	vor.u32 $0x4, v14;
	[tilespmem:v63+s20+$0x0] =	vst.idx.msk $0xffff, v62;
	v57 =	vld [tilespmem:s29+$0xFFFFFF10]  }
0xd4: {  	s8 =	simm.s32 $0x25;
	s10 =	sand.u32 $0x78, s9;
	v60 =	vmov s0;
	v17 =	vadd.s32 v17, v20;
	v51 =	vadd.s32 v13, v35;
	[tilespmem:v34+s20+$0x0] =	vst.idx.msk $0xffff, v42;
	v53 =	vld [tilespmem:s29+$0x10]  }
0xd5: {  	s1 =	sand.u32 $0x70, s8;
	v17 =	vor.u32 $0x7, v17;
	v52 =	vmov s10;
	v14 =	vadd.s32 v3, v38;
	[tilespmem:v16+s20+$0x0] =	vst.idx.msk $0xffff, v31;
	v42 =	vld [tilespmem:s26+$0x1C0]  }
0xd6: {  	v49 =	vld [tilespmem:s26+$0xA0];
	v30 =	vmov s1;
	v58 =	vshrl.u32 v52, $0x3;
	v59 =	vadd.s32 v14, v37;
	[tilespmem:v48+s20+$0x0] =	vst.idx.msk $0xffff, v40  }
0xd7: {  	v52 =	vadd.s32 v14, v35;
	v56 =	vshrl.u32 v60, $0x3;
	v63 =	vadd.s32 v14, v36;
	v48 =	vld [tilespmem:s29+$0xFFFFFE20];
	[tilespmem:v41+s20+$0x0] =	vst.idx.msk $0xffff, v43  }
0xd8: {  	v60 =	vadd.s32 v14, v39;
	v32 =	vshll.u32 v56, v1;
	v41 =	vor.u32 $0x4, v59;
	v43 =	vld [tilespmem:s29+$0x120];
	[tilespmem:v50+s20+$0x0] =	vst.idx.msk $0xffff, v57  }
0xd9: {  	s14 =	simm.s32 $0x26;
	v30 =	vshrl.u32 v30, $0x3;
	v44 =	vor.u32 $0x4, v60;
	v32 =	vbroadcast v32, $0x0;
	[tilespmem:v51+s20+$0x0] =	vst.idx.msk $0xffff, v53;
	v55 =	vld [tilespmem:s29+$0xFFFFFF20]  }
0xda: {  	s11 =	simm.s32 $0x22;
	s1 =	sand.u32 $0x70, s14;
	v62 =	vor.u32 $0x7, v15;
	v30 =	vshll.u32 v30, v1;
	v34 =	vshll.u32 v58, v1;
	[tilespmem:v61+s20+$0x0] =	vst.idx.msk $0xffff, v42;
	v58 =	vld [tilespmem:s29+$0x20]  }
0xdb: {  	s13 =	simm.s32 $0x2D;
	s0 =	sand.u32 $0x70, s11;
	v45 =	vmov s1;
	[tilespmem:v29+s20+$0x0] =	vst.idx.msk $0xffff, v49;
	v34 =	vbroadcast v34, $0x0;
	v15 =	vadd.s32 v12, v32;
	v61 =	vld [tilespmem:s26+$0x1D0]  }
0xdc: {  	v54 =	vld [tilespmem:s26+$0xFFFFFFB0];
	v33 =	vor.u32 $0x1, v15;
	v15 =	vadd.s32 v4, v38;
	v42 =	vmov s0;
	s0 =	sand.u32 $0x78, s13;
	[tilespmem:v63+s20+$0x0] =	vst.idx.msk $0xffff, v48  }
0xdd: {  	v37 =	vadd.s32 v15, v37;
	v36 =	vadd.s32 v15, v36;
	v57 =	vmov s0;
	v63 =	vld [tilespmem:s29+$0xFFFFFE30];
	[tilespmem:v41+s20+$0x0] =	vst.idx.msk $0xffff, v43  }
0xde: {  	v56 =	vadd.s32 v13, v32;
	v37 =	vor.u32 $0x4, v37;
	v43 =	vshrl.u32 v57, $0x3;
	v41 =	vld [tilespmem:s29+$0x130];
	[tilespmem:v44+s20+$0x0] =	vst.idx.msk $0xffff, v55  }
0xdf: {  	v30 =	vbroadcast v30, $0x0;
	v16 =	vadd.s32 v15, v39;
	v59 =	vshll.u32 v43, v1;
	v43 =	vld [tilespmem:s26+$0xFFFFFEB0];
	[tilespmem:v52+s20+$0x0] =	vst.idx.msk $0xffff, v58  }
0xe0: {  	s25 =	simm.s32 $0x27;
	s30 =	simm.s32 $0x2B;
	v29 =	vadd.s32 v14, v34;
	v31 =	vor.u32 $0x1, v56;
	v60 =	vor.u32 $0x4, v16;
	[tilespmem:v62+s20+$0x0] =	vst.idx.msk $0xffff, v61;
	v62 =	vld [tilespmem:s29+$0xFFFFFF30]  }
0xe1: {  	s5 =	sand.u32 $0x78, s30;
	s1 =	sand.u32 $0x70, s25;
	[tilespmem:v26+s20+$0x0] =	vst.idx.msk $0xffff, v54;
	v40 =	vor.u32 $0x1, v29;
	v35 =	vadd.s32 v15, v35;
	v38 =	vbroadcast v59, $0x0;
	v52 =	vld [tilespmem:s29+$0x30]  }
0xe2: {  	v51 =	vmov s1;
	v53 =	vmov s5;
	v16 =	vadd.s32 v12, v30;
	[tilespmem:v36+s20+$0x0] =	vst.idx.msk $0xffff, v63;
	v46 =	vld [tilespmem:s26+$0x1E0]  }
0xe3: {  	v48 =	vor.u32 $0x5, v16;
	v16 =	vadd.s32 v13, v30;
	v56 =	vadd.s32 v12, v38;
	v59 =	vld [tilespmem:s29+$0xFFFFFE40];
	[tilespmem:v37+s20+$0x0] =	vst.idx.msk $0xffff, v41  }
0xe4: {  	v57 =	vadd.s32 v14, v32;
	v32 =	vadd.s32 v15, v32;
	v37 =	vor.u32 $0x5, v56;
	[tilespmem:v24+s20+$0x0] =	vst.idx.msk $0xffff, v43;
	v41 =	vld [tilespmem:s29+$0x140]  }
0xe5: {  	v58 =	vadd.s32 v14, v30;
	v30 =	vadd.s32 v15, v30;
	[tilespmem:v60+s20+$0x0] =	vst.idx.msk $0xffff, v62;
	v60 =	vshrl.u32 v42, $0x3;
	v42 =	vld [tilespmem:s26+$0xFFFFFEC0]  }
0xe6: {  	v61 =	vadd.s32 v12, v34;
	v49 =	vor.u32 $0x5, v58;
	v50 =	vor.u32 $0x5, v30;
	[tilespmem:v35+s20+$0x0] =	vst.idx.msk $0xffff, v52;
	v29 =	vld [tilespmem:s29+$0xFFFFFF40]  }
0xe7: {  	v30 =	vadd.s32 v15, v34;
	v44 =	vor.u32 $0x1, v61;
	[tilespmem:v17+s20+$0x0] =	vst.idx.msk $0xffff, v46;
	v17 =	vadd.s32 v18, v20;
	v62 =	vld [tilespmem:s29+$0x40]  }
0xe8: {  	v18 =	vor.u32 $0x5, v16;
	v16 =	vadd.s32 v13, v34;
	[tilespmem:v33+s20+$0x0] =	vst.idx.msk $0xffff, v59;
	v20 =	vld [tilespmem:s26+$0x1F0];
	v17 =	vor.u32 $0x7, v17  }
0xe9: {  	v34 =	vshll.u32 v60, v1;
	v58 =	vld [tilespmem:s29+$0xFFFFFE50];
	[tilespmem:v37+s20+$0x0] =	vst.idx.msk $0xffff, v41;
	v41 =	vor.u32 $0x1, v30;
	v30 =	vadd.s32 v13, v38  }
0xea: {  	v24 =	vadd.s32 v14, v38;
	v26 =	vbroadcast v34, $0x0;
	v61 =	vld [tilespmem:s29+$0x150];
	v30 =	vor.u32 $0x5, v30;
	[tilespmem:v22+s20+$0x0] =	vst.idx.msk $0xffff, v42  }
0xeb: {  	v47 =	vor.u32 $0x1, v32;
	v24 =	vor.u32 $0x5, v24;
	v46 =	vor.u32 $0x1, v57;
	v37 =	vld [tilespmem:s26+$0xB0];
	[tilespmem:v48+s20+$0x0] =	vst.idx.msk $0xffff, v29  }
0xec: {  	v39 =	vor.u32 $0x1, v16;
	v36 =	vadd.s32 v12, v26;
	v59 =	vadd.s32 v13, v26;
	v48 =	vld [tilespmem:s26+$0xFFFFFFC0];
	[tilespmem:v44+s20+$0x0] =	vst.idx.msk $0xffff, v62  }
0xed: {  	s15 =	simm.s32 $0x2A;
	v55 =	vadd.s32 v15, v26;
	v35 =	vor.u32 $0x2, v36;
	v22 =	vshrl.u32 v51, $0x3;
	[tilespmem:v17+s20+$0x0] =	vst.idx.msk $0xffff, v20;
	v63 =	vld [tilespmem:s29+$0xFFFFFF50]  }
0xee: {  	s17 =	simm.s32 $0x23;
	s0 =	sand.u32 $0x78, s15;
	v32 =	vor.u32 $0x2, v59;
	v42 =	vld [tilespmem:s26+$0xFFFFFED0];
	v22 =	vshll.u32 v22, v1;
	v20 =	vshrl.u32 v45, $0x3;
	[tilespmem:v31+s20+$0x0] =	vst.idx.msk $0xffff, v58  }
0xef: {  	v17 =	vmov s0;
	s0 =	sand.u32 $0x70, s17;
	v56 =	vbroadcast v22, $0x0;
	v20 =	vshll.u32 v20, v1;
	[tilespmem:v30+s20+$0x0] =	vst.idx.msk $0xffff, v61  }
0xf0: {  	v17 =	vshrl.u32 v17, $0x3;
	v29 =	vmov s0;
	[tilespmem:v25+s20+$0x0] =	vst.idx.msk $0xffff, v37;
	v20 =	vbroadcast v20, $0x0;
	v60 =	vld [tilespmem:s29+$0x160]  }
0xf1: {  	v45 =	vld [tilespmem:s29+$0x50];
	v25 =	vadd.s32 v14, v26;
	v17 =	vshll.u32 v17, v1;
	v62 =	vshrl.u32 v29, $0x3;
	[tilespmem:v23+s20+$0x0] =	vst.idx.msk $0xffff, v48  }
0xf2: {  	v54 =	vld [tilespmem:s29+$0xFFFFFE60];
	v29 =	vor.u32 $0x2, v25;
	v17 =	vbroadcast v17, $0x0;
	v57 =	vadd.s32 v12, v20;
	[tilespmem:v18+s20+$0x0] =	vst.idx.msk $0xffff, v63  }
0xf3: {  	v44 =	vadd.s32 v15, v56;
	v23 =	vadd.s32 v15, v20;
	[tilespmem:v28+s20+$0x0] =	vst.idx.msk $0xffff, v42;
	v36 =	vor.u32 $0x6, v57;
	v52 =	vld [tilespmem:s29+$0xFFFFFF60]  }
0xf4: {  	s31 =	simm.s32 $0x2E;
	v30 =	vadd.s32 v12, v17;
	v18 =	vld [tilespmem:s26+$0xC0];
	v63 =	vadd.s32 v14, v20;
	v25 =	vadd.s32 v14, v17  }
0xf5: {  	s0 =	sand.u32 $0x78, s31;
	v43 =	vld [tilespmem:s26+$0xFFFFFFD0];
	v34 =	vor.u32 $0x2, v30;
	v30 =	vadd.s32 v13, v20;
	v20 =	vadd.s32 v15, v38;
	[tilespmem:v24+s20+$0x0] =	vst.idx.msk $0xffff, v60  }
0xf6: {  	[tilespmem:v39+s20+$0x0] =	vst.idx.msk $0xffff, v45;
	v26 =	vor.u32 $0x2, v25;
	v57 =	vor.u32 $0x5, v20;
	v24 =	vmov s0;
	v25 =	vld [tilespmem:s29+$0x170]  }
0xf7: {  	v61 =	vadd.s32 v13, v17;
	v17 =	vadd.s32 v15, v17;
	v58 =	vld [tilespmem:s29+$0x60];
	[tilespmem:v46+s20+$0x0] =	vst.idx.msk $0xffff, v54;
	v59 =	vshrl.u32 v24, $0x3  }
0xf8: {  	v31 =	vor.u32 $0x6, v63;
	v63 =	vld [tilespmem:s29+$0xFFFFFE70];
	v24 =	vor.u32 $0x6, v23;
	v23 =	vshll.u32 v59, v1;
	[tilespmem:v49+s20+$0x0] =	vst.idx.msk $0xffff, v52  }
0xf9: {  	v33 =	vor.u32 $0x6, v30;
	v60 =	vshll.u32 v62, v1;
	[tilespmem:v21+s20+$0x0] =	vst.idx.msk $0xffff, v18;
	v37 =	vbroadcast v23, $0x0;
	v62 =	vld [tilespmem:s29+$0xFFFFFF70]  }
0xfa: {  	v16 =	vld [tilespmem:s28+$0xF0];
	v30 =	vor.u32 $0x2, v61;
	v20 =	vor.u32 $0x2, v55;
	v61 =	vshrl.u32 v53, $0x3;
	[tilespmem:v19+s20+$0x0] =	vst.idx.msk $0xffff, v43  }
0xfb: {  	v42 =	vld [tilespmem:s26+$0xFFFFFEE0];
	v23 =	vshll.u32 v61, v1;
	v49 =	vbroadcast v60, $0x0;
	v18 =	vadd.s32 v12, v37;
	[tilespmem:v57+s20+$0x0] =	vst.idx.msk $0xffff, v25  }
0xfc: {  	v19 =	vadd.s32 v13, v56;
	[tilespmem:v40+s20+$0x0] =	vst.idx.msk $0xffff, v58;
	v38 =	vbroadcast v23, $0x0;
	v59 =	vor.u32 $0x6, v18;
	v58 =	vld [tilespmem:s29+$0x180]  }
0xfd: {  	v23 =	vor.u32 $0x2, v17;
	v60 =	vld [tilespmem:s29+$0x70];
	[tilespmem:v47+s20+$0x0] =	vst.idx.msk $0xffff, v63;
	v17 =	vadd.s32 v12, v49;
	v61 =	vadd.s32 v14, v49  }
0xfe: {  	v19 =	vor.u32 $0x7, v19;
	v63 =	vadd.s32 v13, v37;
	v57 =	vld [tilespmem:s26+$0xD0];
	v18 =	vadd.s32 v12, v56;
	[tilespmem:v50+s20+$0x0] =	vst.idx.msk $0xffff, v62  }
0xff: {  	v22 =	vor.u32 $0x3, v17;
	v17 =	vadd.s32 v12, v38;
	v39 =	vor.u32 $0x3, v61;
	v46 =	vld [tilespmem:s29+$0xFFFFFF80]  }
0x100: {  	v45 =	vld [tilespmem:s29+$0xFFFFFE80];
	v28 =	vadd.s32 v14, v38;
	v48 =	vor.u32 $0x6, v63;
	v25 =	vor.u32 $0x7, v18  }
0x101: {  	v40 =	vld [tilespmem:s26+$0xFFFFFFE0];
	v18 =	vadd.s32 v13, v49;
	v21 =	vor.u32 $0x3, v17;
	v17 =	vadd.s32 v13, v38;
	[tilespmem:v59+s20+$0x0] =	vst.idx.msk $0xffff, v58  }
0x102: {  	s10 =	simm.s32 $0x2F;
	v28 =	vor.u32 $0x3, v28;
	v18 =	vor.u32 $0x3, v18;
	v62 =	vadd.s32 v14, v56;
	[tilespmem:v41+s20+$0x0] =	vst.idx.msk $0xffff, v60;
	v47 =	vld [tilespmem:s29+$0x190]  }
0x103: {  	s1 =	simm.s32 $0x2F;
	s28 =	simm.s32 $0x8;
	s0 =	simm.s32 $0x6E00;
	v17 =	vor.u32 $0x3, v17;
	v41 =	vadd.s32 v15, v49;
	v43 =	vor.u32 $0x7, v62;
	v49 =	vld [tilespmem:s29+$0x80];
	[tilespmem:v27+s20+$0x0] =	vst.idx.msk $0xffff, v57  }
.LBB2_4:
0x104: {  	s28 =	sadd.s32 $0x4, s28;
	v27 =	vor.u32 $0x3, v41;
	[tilespmem:v36+s20+$0x0] =	vst.idx.msk $0xffff, v46;
	v41 =	vor.u32 $0x7, v44;
	v36 =	vadd.s32 v15, v38;
	s1 =	sadd.s32 $0x10, s1;
	v38 =	vld [tilespmem:s26+$0xE0]  }
0x105: {  	s5 =	sshrl.u32 s28, $0x5;
	s7 =	sadd.s32 $0xFFFFFFF5, s1;
	s8 =	sadd.s32 $0xFFFFFFFD, s1;
	[tilespmem:v35+s20+$0x0] =	vst.idx.msk $0xffff, v45;
	v44 =	vld [tilespmem:s29+$0xFFFFFF90];
	v36 =	vor.u32 $0x3, v36  }
0x106: {  	s9 =	sadd.s32 $0xFFFFFFF1, s1;
	v35 =	vmov s5;
	s5 =	sand.u32 $0x70, s7;
	s7 =	sand.u32 $0x78, s8;
	v45 =	vld [tilespmem:s29+$0xFFFFFE90];
	[tilespmem:v9+s20+$0x0] =	vst.idx.msk $0xffff, v40;
	v9 =	vmov v43  }
0x107: {  	s11 =	sadd.s32 $0xFFFFFFF9, s1;
	s9 =	sand.u32 $0x70, s9;
	s8 =	sadd.s32 $0xFFFFFFF2, s1;
	v43 =	vadd.s32 v14, v37;
	v35 =	vmul.u32 $0x2200, v35;
	v40 =	vmov s7;
	[tilespmem:v48+s20+$0x0] =	vst.idx.msk $0xffff, v47;
	v46 =	vld [tilespmem:s26+$0xFFFFFFF0]  }
0x108: {  	s13 =	sadd.s32 $0xFFFFFFFA, s1;
	s11 =	sand.u32 $0x78, s11;
	v47 =	vmov s5;
	s5 =	sadd.s32 $0xFFFFFFF6, s1;
	v43 =	vor.u32 $0x6, v43;
	v40 =	vshrl.u32 v40, $0x3;
	[tilespmem:v34+s20+$0x0] =	vst.idx.msk $0xffff, v49;
	v48 =	vld [tilespmem:s29+$0x1A0]  }
0x109: {  	s25 =	sand.u32 $0x78, s13;
	s8 =	sand.u32 $0x70, s8;
	v47 =	vshrl.u32 v47, $0x3;
	s7 =	sand.u32 $0x70, s5;
	v34 =	vbroadcast v35, $0x0;
	v35 =	vshll.u32 v40, v1;
	v40 =	vld [tilespmem:s29+$0x90];
	[tilespmem:v8+s20+$0x0] =	vst.idx.msk $0xffff, v42;
	v8 =	vmovc v39  }
0x10a: {  	s13 =	sadd.s32 $0xFFFFFFFB, s1;
	s5 =	sadd.s32 $0xFFFFFFF3, s1;
	v39 =	vmov s9;
	s9 =	sadd.s32 $0xFFFFFFF7, s1;
	v42 =	vmov s11;
	v35 =	vbroadcast v35, $0x0;
	[tilespmem:v33+s20+$0x0] =	vst.idx.msk $0xffff, v44;
	v33 =	vld [tilespmem:s26+$0xFFFFFEF0]  }
0x10b: {  	s17 =	sand.u32 $0x70, s5;
	v47 =	vshll.u32 v47, v1;
	s5 =	sand.u32 $0x78, s13;
	v39 =	vshrl.u32 v39, $0x3;
	s11 =	sand.u32 $0x70, s9;
	v44 =	vadd.s32 v0, v34;
	[tilespmem:v32+s20+$0x0] =	vst.idx.msk $0xffff, v45;
	v32 =	vld [tilespmem:s29+$0xFFFFFFA0]  }
0x10c: {  	s13 =	sadd.s32 $0xFFFFFFF8, s1;
	s9 =	sadd.s32 $0xFFFFFFF4, s1;
	v42 =	vshrl.u32 v42, $0x3;
	v45 =	vbroadcast v47, $0x0;
	s29 =	sadd.s32 $0x400, s29;
	v47 =	vadd.s32 v44, v35;
	v49 =	vld [tilespmem:s0+$0xFFFFFEA0];
	[tilespmem:v7+s20+$0x0] =	vst.idx.msk $0xffff, v38;
	v7 =	vmovc v28  }
0x10d: {  	s10 =	sand.u32 $0x78, s10;
	s14 =	sadd.s32 $0xFFFFFFFC, s1;
	v37 =	vadd.s32 v15, v37;
	s15 =	sand.u32 $0x70, s9;
	v28 =	vshll.u32 v39, v1;
	v38 =	vld [tilespmem:s29+$0x100];
	v39 =	vor.u32 $0x4, v47;
	[tilespmem:v43+s20+$0x0] =	vst.idx.msk $0xffff, v48  }
0x10e: {  	p0 =	slt.u32 s28, $0x3C;
	s30 =	sand.u32 $0x78, s14;
	v37 =	vor.u32 $0x6, v37;
	s9 =	sand.u32 $0x70, s13;
	v42 =	vshll.u32 v42, v1;
	[tilespmem:v30+s20+$0x0] =	vst.idx.msk $0xffff, v40;
	v30 =	vld [tilespmem:s0+$0x1B0];
	v40 =	vmov s10  }
0x10f: {  	v42 =	vbroadcast v42, $0x0;
	v47 =	vbroadcast v28, $0x0;
	s10 =	smov.u32 s1;
	v43 =	vld [tilespmem:s29+$0xFFFFFE00];
	v28 =	vshrl.u32 v40, $0x3;
	[tilespmem:v10+s20+$0x0] =	vst.idx.msk $0xffff, v46;
	v10 =	vmovc v41  }
0x110: {  	v40 =	vmov s8;
	v46 =	vadd.s32 v44, v45;
	v41 =	vld [tilespmem:s29+$0xFFFFFF00];
	[tilespmem:v31+s20+$0x0] =	vst.idx.msk $0xffff, v32;
	v28 =	vshll.u32 v28, v1  }
0x111: {  	v31 =	vadd.s32 v2, v34;
	v32 =	vor.u32 $0x4, v46;
	v46 =	vld [tilespmem:s29+$0x0];
	[tilespmem:v29+s20+$0x0] =	vst.idx.msk $0xffff, v49;
	v48 =	vbroadcast v28, $0x0  }
0x112: {  	v50 =	vmov s7;
	v49 =	vadd.s32 v44, v47;
	v29 =	vadd.s32 v31, v35;
	[tilespmem:v39+s20+$0x0] =	vst.idx.msk $0xffff, v38;
	v28 =	vld [tilespmem:s0+$0xA0]  }
0x113: {  	v38 =	vadd.s32 v44, v42;
	v51 =	vor.u32 $0x4, v29;
	v39 =	vld [tilespmem:s29+$0x110];
	[tilespmem:v37+s20+$0x0] =	vst.idx.msk $0xffff, v30;
	v12 =	vadd.s32 v12, v48  }
0x114: {  	v29 =	vadd.s32 v31, v45;
	v30 =	vadd.s32 v31, v47;
	v37 =	vld [tilespmem:s0+$0x1C0];
	v52 =	vor.u32 $0x7, v12;
	[tilespmem:v6+s20+$0x0] =	vst.idx.msk $0xffff, v33  }
0x115: {  	v54 =	vmov s25;
	v53 =	vadd.s32 v31, v42;
	v33 =	vor.u32 $0x4, v29;
	v6 =	vmovc v27;
	v29 =	vld [tilespmem:s0+$0xFFFFFFB0];
	[tilespmem:v5+s20+$0x0] =	vst.idx.msk $0xffff, v16;
	v5 =	vmovc v11  }
0x116: {  	v16 =	vshrl.u32 v40, $0x3;
	v40 =	vshrl.u32 v54, $0x3;
	v11 =	vmovc v36;
	[tilespmem:v32+s20+$0x0] =	vst.idx.msk $0xffff, v41;
	v32 =	vshrl.u32 v50, $0x3;
	v27 =	vld [tilespmem:s0+$0xFFFFFEB0];
	v12 =	vmovc v44  }
0x117: {  	v36 =	vadd.s32 v3, v34;
	v16 =	vshll.u32 v16, v1;
	[tilespmem:v49+s20+$0x0] =	vst.idx.msk $0xffff, v43;
	v43 =	vmov s17;
	v41 =	vld [tilespmem:s29+$0xFFFFFF10]  }
0x118: {  	v49 =	vbroadcast v16, $0x0;
	v16 =	vadd.s32 v36, v45;
	v44 =	vld [tilespmem:s29+$0xFFFFFE10];
	[tilespmem:v51+s20+$0x0] =	vst.idx.msk $0xffff, v39;
	v39 =	vadd.s32 v36, v35  }
0x119: {  	v50 =	vor.u32 $0x4, v16;
	v16 =	vadd.s32 v13, v48;
	v13 =	vmovc v31;
	v51 =	vld [tilespmem:s29+$0x120];
	v39 =	vor.u32 $0x4, v39;
	[tilespmem:v52+s20+$0x0] =	vst.idx.msk $0xffff, v37  }
0x11a: {  	v37 =	vadd.s32 v36, v47;
	v52 =	vor.u32 $0x7, v16;
	[tilespmem:v38+s20+$0x0] =	vst.idx.msk $0xffff, v46;
	v38 =	vadd.s32 v36, v42;
	v46 =	vld [tilespmem:s0+$0x1D0]  }
0x11b: {  	v40 =	vshll.u32 v40, v1;
	v31 =	vshll.u32 v32, v1;
	v16 =	vadd.s32 v12, v49;
	v32 =	vld [tilespmem:s29+$0x10]  }
0x11c: {  	v55 =	vbroadcast v40, $0x0;
	v54 =	vor.u32 $0x1, v16;
	[tilespmem:v33+s20+$0x0] =	vst.idx.msk $0xffff, v41;
	v33 =	vbroadcast v31, $0x0;
	v16 =	vld [tilespmem:s26+$0xF0];
	s26 =	smov.u32 s0;
	s0 =	smov.u32 s29  }
0x11d: {  	s7 =	sadd.s32 $0xFFFFFFFE, s1;
	v31 =	vadd.s32 v13, v49;
	[tilespmem:v30+s20+$0x0] =	vst.idx.msk $0xffff, v44;
	v30 =	vadd.s32 v4, v34;
	v34 =	vld [tilespmem:s29+$0xFFFFFF20];
	v44 =	vmov s11  }
0x11e: {  	s7 =	sand.u32 $0x78, s7;
	v31 =	vor.u32 $0x1, v31;
	v40 =	vld [tilespmem:s29+$0xFFFFFE20];
	v41 =	vadd.s32 v30, v45;
	[tilespmem:v39+s20+$0x0] =	vst.idx.msk $0xffff, v51;
	v35 =	vadd.s32 v30, v35  }
0x11f: {  	v45 =	vmov s7;
	v39 =	vld [tilespmem:s29+$0x130];
	v35 =	vor.u32 $0x4, v35;
	[tilespmem:v52+s20+$0x0] =	vst.idx.msk $0xffff, v46;
	v46 =	vadd.s32 v14, v48;
	v14 =	vmovc v36  }
0x120: {  	v36 =	vor.u32 $0x4, v41;
	[tilespmem:v53+s20+$0x0] =	vst.idx.msk $0xffff, v32;
	v32 =	vshrl.u32 v45, $0x3;
	v41 =	vld [tilespmem:s26+$0x1E0];
	v45 =	vor.u32 $0x7, v46  }
0x121: {  	v42 =	vadd.s32 v30, v42;
	v46 =	vadd.s32 v30, v47;
	v47 =	vld [tilespmem:s29+$0x20];
	v32 =	vshll.u32 v32, v1  }
0x122: {  	[tilespmem:v50+s20+$0x0] =	vst.idx.msk $0xffff, v34;
	v34 =	vadd.s32 v12, v33;
	v50 =	vadd.s32 v12, v55;
	v51 =	vbroadcast v32, $0x0  }
0x123: {  	[tilespmem:v37+s20+$0x0] =	vst.idx.msk $0xffff, v40;
	v32 =	vld [tilespmem:s29+$0xFFFFFF30];
	v34 =	vor.u32 $0x5, v34;
	v37 =	vadd.s32 v13, v33;
	v50 =	vor.u32 $0x1, v50  }
0x124: {  	v52 =	vadd.s32 v13, v55;
	v40 =	vld [tilespmem:s29+$0xFFFFFE30];
	v37 =	vor.u32 $0x5, v37;
	[tilespmem:v35+s20+$0x0] =	vst.idx.msk $0xffff, v39;
	v35 =	vadd.s32 v12, v51  }
0x125: {  	v52 =	vor.u32 $0x1, v52;
	v39 =	vadd.s32 v15, v48;
	v15 =	vmovc v30;
	v53 =	vld [tilespmem:s29+$0x140];
	v35 =	vor.u32 $0x5, v35;
	[tilespmem:v45+s20+$0x0] =	vst.idx.msk $0xffff, v41  }
0x126: {  	v30 =	vadd.s32 v14, v49;
	v41 =	vadd.s32 v14, v33;
	v45 =	vor.u32 $0x7, v39;
	[tilespmem:v38+s20+$0x0] =	vst.idx.msk $0xffff, v47;
	v38 =	vld [tilespmem:s26+$0x1F0]  }
0x127: {  	v39 =	vadd.s32 v14, v55;
	v47 =	vor.u32 $0x1, v30;
	v48 =	vor.u32 $0x5, v41;
	v30 =	vld [tilespmem:s29+$0x30];
	[tilespmem:v26+s20+$0x0] =	vst.idx.msk $0xffff, v28  }
0x128: {  	v41 =	vor.u32 $0x1, v39;
	v26 =	vadd.s32 v15, v49;
	v28 =	vadd.s32 v15, v33;
	[tilespmem:v36+s20+$0x0] =	vst.idx.msk $0xffff, v32;
	v49 =	vld [tilespmem:s26+$0xB0]  }
0x129: {  	v39 =	vor.u32 $0x1, v26;
	[tilespmem:v46+s20+$0x0] =	vst.idx.msk $0xffff, v40;
	v26 =	vld [tilespmem:s29+$0xFFFFFF40];
	v40 =	vor.u32 $0x5, v28;
	v28 =	vadd.s32 v15, v55  }
0x12a: {  	v33 =	vshrl.u32 v43, $0x3;
	v36 =	vmov s5;
	v32 =	vld [tilespmem:s29+$0xFFFFFE40];
	v28 =	vor.u32 $0x1, v28;
	[tilespmem:v35+s20+$0x0] =	vst.idx.msk $0xffff, v53  }
0x12b: {  	v43 =	vadd.s32 v13, v51;
	v36 =	vshrl.u32 v36, $0x3;
	v35 =	vshrl.u32 v44, $0x3;
	[tilespmem:v45+s20+$0x0] =	vst.idx.msk $0xffff, v38  }
0x12c: {  	v33 =	vshll.u32 v33, v1;
	v35 =	vshll.u32 v35, v1;
	v38 =	vor.u32 $0x5, v43;
	[tilespmem:v42+s20+$0x0] =	vst.idx.msk $0xffff, v30;
	v30 =	vld [tilespmem:s29+$0x150]  }
0x12d: {  	v42 =	vbroadcast v33, $0x0;
	v43 =	vbroadcast v35, $0x0;
	v35 =	vshll.u32 v36, v1;
	v33 =	vld [tilespmem:s29+$0x40];
	[tilespmem:v24+s20+$0x0] =	vst.idx.msk $0xffff, v29  }
0x12e: {  	v44 =	vmov s9;
	v24 =	vmov s15;
	v45 =	vbroadcast v35, $0x0;
	[tilespmem:v34+s20+$0x0] =	vst.idx.msk $0xffff, v26;
	v46 =	vld [tilespmem:s26+$0xFFFFFFC0]  }
0x12f: {  	v53 =	vmov s30;
	v26 =	vadd.s32 v12, v42;
	[tilespmem:v54+s20+$0x0] =	vst.idx.msk $0xffff, v32;
	v29 =	vld [tilespmem:s29+$0xFFFFFF50];
	v32 =	vadd.s32 v12, v43  }
0x130: {  	v35 =	vor.u32 $0x2, v26;
	v26 =	vadd.s32 v12, v45;
	v54 =	vld [tilespmem:s29+$0xFFFFFE50];
	v36 =	vor.u32 $0x6, v32;
	[tilespmem:v20+s20+$0x0] =	vst.idx.msk $0xffff, v27  }
0x131: {  	v20 =	vadd.s32 v13, v42;
	v34 =	vor.u32 $0x2, v26;
	v26 =	vadd.s32 v14, v51;
	[tilespmem:v38+s20+$0x0] =	vst.idx.msk $0xffff, v30;
	v27 =	vld [tilespmem:s26+$0xFFFFFEC0]  }
0x132: {  	v30 =	vadd.s32 v13, v43;
	v38 =	vadd.s32 v13, v45;
	v55 =	vor.u32 $0x5, v26;
	[tilespmem:v50+s20+$0x0] =	vst.idx.msk $0xffff, v33;
	v50 =	vld [tilespmem:s29+$0x160]  }
0x133: {  	v32 =	vor.u32 $0x2, v20;
	v33 =	vor.u32 $0x6, v30;
	v30 =	vor.u32 $0x2, v38;
	v56 =	vld [tilespmem:s29+$0x50];
	[tilespmem:v23+s20+$0x0] =	vst.idx.msk $0xffff, v49  }
0x134: {  	v20 =	vadd.s32 v14, v42;
	v38 =	vshrl.u32 v24, $0x3;
	v23 =	vadd.s32 v14, v43;
	[tilespmem:v37+s20+$0x0] =	vst.idx.msk $0xffff, v29;
	v49 =	vld [tilespmem:s26+$0xC0]  }
0x135: {  	v29 =	vor.u32 $0x2, v20;
	v20 =	vadd.s32 v14, v45;
	[tilespmem:v31+s20+$0x0] =	vst.idx.msk $0xffff, v54;
	v37 =	vld [tilespmem:s29+$0xFFFFFF60];
	v31 =	vor.u32 $0x6, v23  }
0x136: {  	s5 =	sadd.s32 $0xFFFFFFFF, s1;
	v24 =	vadd.s32 v15, v43;
	v23 =	vadd.s32 v15, v42;
	v26 =	vor.u32 $0x2, v20;
	v54 =	vld [tilespmem:s29+$0xFFFFFE60];
	[tilespmem:v25+s20+$0x0] =	vst.idx.msk $0xffff, v46  }
0x137: {  	s5 =	sand.u32 $0x78, s5;
	v20 =	vor.u32 $0x2, v23;
	v23 =	vadd.s32 v15, v45;
	v25 =	vadd.s32 v15, v51;
	[tilespmem:v55+s20+$0x0] =	vst.idx.msk $0xffff, v50;
	v42 =	vld [tilespmem:s26+$0xFFFFFFD0]  }
0x138: {  	v24 =	vor.u32 $0x6, v24;
	v45 =	vmov s5;
	v25 =	vor.u32 $0x5, v25;
	[tilespmem:v52+s20+$0x0] =	vst.idx.msk $0xffff, v56;
	v43 =	vld [tilespmem:s29+$0x170]  }
0x139: {  	v44 =	vshrl.u32 v44, $0x3;
	v23 =	vor.u32 $0x2, v23;
	v45 =	vshrl.u32 v45, $0x3;
	v46 =	vld [tilespmem:s29+$0x60];
	[tilespmem:v22+s20+$0x0] =	vst.idx.msk $0xffff, v27  }
0x13a: {  	v22 =	vshll.u32 v38, v1;
	v27 =	vshrl.u32 v53, $0x3;
	[tilespmem:v48+s20+$0x0] =	vst.idx.msk $0xffff, v37;
	v37 =	vshll.u32 v45, v1;
	v48 =	vld [tilespmem:s26+$0xFFFFFED0]  }
0x13b: {  	v38 =	vshll.u32 v44, v1;
	v27 =	vshll.u32 v27, v1;
	[tilespmem:v47+s20+$0x0] =	vst.idx.msk $0xffff, v54;
	v45 =	vld [tilespmem:s29+$0xFFFFFF70];
	v37 =	vbroadcast v37, $0x0  }
0x13c: {  	v50 =	vbroadcast v22, $0x0;
	v51 =	vbroadcast v38, $0x0;
	v44 =	vld [tilespmem:s29+$0xFFFFFE70];
	[tilespmem:v21+s20+$0x0] =	vst.idx.msk $0xffff, v49  }
0x13d: {  	v38 =	vbroadcast v27, $0x0;
	[tilespmem:v25+s20+$0x0] =	vst.idx.msk $0xffff, v43;
	v21 =	vadd.s32 v12, v37;
	v27 =	vld [tilespmem:s26+$0xD0]  }
0x13e: {  	v22 =	vadd.s32 v12, v50;
	v25 =	vadd.s32 v12, v51;
	[tilespmem:v41+s20+$0x0] =	vst.idx.msk $0xffff, v46;
	v41 =	vld [tilespmem:s29+$0x180];
	v43 =	vor.u32 $0x6, v21  }
0x13f: {  	v22 =	vor.u32 $0x3, v22;
	v25 =	vor.u32 $0x7, v25;
	v21 =	vadd.s32 v12, v38;
	v47 =	vld [tilespmem:s29+$0x70];
	[tilespmem:v19+s20+$0x0] =	vst.idx.msk $0xffff, v42  }
0x140: {  	v19 =	vadd.s32 v13, v50;
	v42 =	vadd.s32 v13, v51;
	v21 =	vor.u32 $0x3, v21;
	[tilespmem:v40+s20+$0x0] =	vst.idx.msk $0xffff, v45;
	v40 =	vld [tilespmem:s26+$0xFFFFFFE0]  }
.Ltmp1:
0x141: {  	[tilespmem:v39+s20+$0x0] =	vst.idx.msk $0xffff, v44;
	v44 =	vor.u32 $0x3, v19;
	v46 =	vld [tilespmem:s29+$0xFFFFFF80];
	v19 =	vor.u32 $0x7, v42;
	v39 =	vadd.s32 v13, v38;
	(pc) =	sbr.rel @p0 .LBB2_4-.Ltmp1, $4  }
0x142: {  	v49 =	vadd.s32 v14, v51;
	v42 =	vadd.s32 v14, v50;
	v45 =	vld [tilespmem:s29+$0xFFFFFE80];
	v52 =	vor.u32 $0x3, v39;
	[tilespmem:v18+s20+$0x0] =	vst.idx.msk $0xffff, v48  }
0x143: {  	v53 =	vadd.s32 v14, v38;
	v39 =	vor.u32 $0x3, v42;
	[tilespmem:v43+s20+$0x0] =	vst.idx.msk $0xffff, v41;
	v41 =	vadd.s32 v13, v37;
	v42 =	vld [tilespmem:s26+$0xFFFFFEE0]  }
0x144: {  	v18 =	vmovc v44;
	v43 =	vor.u32 $0x7, v49;
	[tilespmem:v28+s20+$0x0] =	vst.idx.msk $0xffff, v47;
	v28 =	vor.u32 $0x3, v53;
	v47 =	vld [tilespmem:s29+$0x190];
	v48 =	vor.u32 $0x6, v41  }
0x145: {  	v44 =	vadd.s32 v15, v51;
	v41 =	vadd.s32 v15, v50;
	v49 =	vld [tilespmem:s29+$0x80];
	[tilespmem:v17+s20+$0x0] =	vst.idx.msk $0xffff, v27;
	v17 =	vmov v52  }
0x146: {  	_ =	sdelay $0x3  }
0x147: {  	[tilespmem:v36+s20+$0x0] =	vst.idx.msk $0xffff, v46  }
0x148: {  	[tilespmem:v35+s20+$0x0] =	vst.idx.msk $0xffff, v45;
	v27 =	vld [tilespmem:s29+$0xFFFFFF90]  }
0x149: {  	v35 =	vld [tilespmem:s29+$0xFFFFFE90];
	[tilespmem:v34+s20+$0x0] =	vst.idx.msk $0xffff, v49  }
0x14a: {  	v34 =	vld [tilespmem:s29+$0x90];
	_ =	sdelay $0x1  }
0x14b: {  	v62 =	vadd.s32 v14, v37;
	[tilespmem:v48+s20+$0x0] =	vst.idx.msk $0xffff, v47  }
0x14c: {  	v36 =	vor.u32 $0x6, v62;
	v63 =	vld [tilespmem:s29+$0x1A0];
	[tilespmem:v33+s20+$0x0] =	vst.idx.msk $0xffff, v27  }
0x14d: {  	[tilespmem:v32+s20+$0x0] =	vst.idx.msk $0xffff, v35;
	v27 =	vld [tilespmem:s29+$0xFFFFFFA0]  }
0x14e: {  	v32 =	vld [tilespmem:s0+$0xFFFFFEA0];
	[tilespmem:v30+s20+$0x0] =	vst.idx.msk $0xffff, v34  }
0x14f: {  	v30 =	vld [tilespmem:s0+$0xA0];
	_ =	sdelay $0x1  }
0x150: {  	s1 =	sand.u32 $0x78, s10;
	[tilespmem:v36+s20+$0x0] =	vst.idx.msk $0xffff, v63;
	v36 =	vadd.s32 v15, v37  }
0x151: {  	v45 =	vmov s1;
	v37 =	vld [tilespmem:s0+$0x1B0];
	v33 =	vor.u32 $0x6, v36;
	[tilespmem:v31+s20+$0x0] =	vst.idx.msk $0xffff, v27  }
0x152: {  	v46 =	vshrl.u32 v45, $0x3;
	[tilespmem:v29+s20+$0x0] =	vst.idx.msk $0xffff, v32;
	v47 =	vld [tilespmem:s0+$0xFFFFFFB0]  }
0x153: {  	v27 =	vshll.u32 v46, v1;
	v48 =	vld [tilespmem:s0+$0xFFFFFEB0];
	[tilespmem:v26+s20+$0x0] =	vst.idx.msk $0xffff, v30  }
0x154: {  	v27 =	vbroadcast v27, $0x0;
	v26 =	vld [tilespmem:s0+$0xB0];
	_ =	sdelay $0x1  }
0x155: {  	[tilespmem:v33+s20+$0x0] =	vst.idx.msk $0xffff, v37;
	v12 =	vadd.s32 v12, v27  }
0x156: {  	v49 =	vld [tilespmem:s0+$0x1C0];
	v12 =	vor.u32 $0x7, v12;
	[tilespmem:v24+s20+$0x0] =	vst.idx.msk $0xffff, v47  }
0x157: {  	v24 =	vld [tilespmem:s0+$0xFFFFFFC0];
	[tilespmem:v20+s20+$0x0] =	vst.idx.msk $0xffff, v48  }
0x158: {  	v20 =	vld [tilespmem:s0+$0xFFFFFEC0];
	[tilespmem:v23+s20+$0x0] =	vst.idx.msk $0xffff, v26  }
0x159: {  	v23 =	vld [tilespmem:s0+$0xC0]  }
0x15a: {  	[tilespmem:v9+s20+$0x0] =	vst.idx.msk $0xffff, v40  }
0x15b: {  	v53 =	vld [tilespmem:s26+$0xE0];
	v50 =	vadd.s32 v13, v27;
	[tilespmem:v12+s20+$0x0] =	vst.idx.msk $0xffff, v49  }
0x15c: {  	v12 =	vor.u32 $0x7, v50;
	v51 =	vld [tilespmem:s0+$0x1D0];
	[tilespmem:v25+s20+$0x0] =	vst.idx.msk $0xffff, v24  }
0x15d: {  	v24 =	vld [tilespmem:s0+$0xFFFFFFD0];
	[tilespmem:v22+s20+$0x0] =	vst.idx.msk $0xffff, v20  }
0x15e: {  	v52 =	vld [tilespmem:s0+$0xFFFFFED0];
	[tilespmem:v21+s20+$0x0] =	vst.idx.msk $0xffff, v23  }
0x15f: {  	[tilespmem:v8+s20+$0x0] =	vst.idx.msk $0xffff, v42;
	v54 =	vld [tilespmem:s0+$0xD0]  }
0x160: {  	v55 =	vld [tilespmem:s26+$0xFFFFFFF0];
	[tilespmem:v7+s20+$0x0] =	vst.idx.msk $0xffff, v53  }
0x161: {  	v58 =	vld [tilespmem:s26+$0xFFFFFEF0];
	v56 =	vadd.s32 v14, v27;
	[tilespmem:v12+s20+$0x0] =	vst.idx.msk $0xffff, v51  }
0x162: {  	v12 =	vor.u32 $0x7, v56;
	v13 =	vld [tilespmem:s0+$0x1E0];
	[tilespmem:v19+s20+$0x0] =	vst.idx.msk $0xffff, v24  }
0x163: {  	v57 =	vld [tilespmem:s0+$0xFFFFFFE0];
	[tilespmem:v18+s20+$0x0] =	vst.idx.msk $0xffff, v52  }
0x164: {  	v7 =	vld [tilespmem:s0+$0xFFFFFEE0];
	[tilespmem:v17+s20+$0x0] =	vst.idx.msk $0xffff, v54  }
0x165: {  	[tilespmem:v10+s20+$0x0] =	vst.idx.msk $0xffff, v55;
	v8 =	vld [tilespmem:s0+$0xE0]  }
0x166: {  	[tilespmem:v6+s20+$0x0] =	vst.idx.msk $0xffff, v58  }
0x167: {  	v62 =	vld [tilespmem:s26+$0xF0];
	v59 =	vadd.s32 v15, v27;
	[tilespmem:v12+s20+$0x0] =	vst.idx.msk $0xffff, v13  }
0x168: {  	v10 =	vor.u32 $0x7, v59;
	v12 =	vld [tilespmem:s0+$0x1F0];
	[tilespmem:v43+s20+$0x0] =	vst.idx.msk $0xffff, v57  }
0x169: {  	v60 =	vor.u32 $0x7, v44;
	v14 =	vld [tilespmem:s0+$0xFFFFFFF0];
	[tilespmem:v39+s20+$0x0] =	vst.idx.msk $0xffff, v7  }
0x16a: {  	v61 =	vadd.s32 v15, v38;
	v7 =	vor.u32 $0x3, v41;
	v6 =	vld [tilespmem:s0+$0xFFFFFEF0];
	[tilespmem:v28+s20+$0x0] =	vst.idx.msk $0xffff, v8  }
0x16b: {  	[tilespmem:v5+s20+$0x0] =	vst.idx.msk $0xffff, v16;
	v63 =	vor.u32 $0x3, v61;
	v5 =	vld [tilespmem:s0+$0xF0]  }
0x16c: {  	[tilespmem:v11+s20+$0x0] =	vst.idx.msk $0xffff, v62  }
0x16d: {  	[tilespmem:v10+s20+$0x0] =	vst.idx.msk $0xffff, v12  }
0x16e: {  	[tilespmem:v60+s20+$0x0] =	vst.idx.msk $0xffff, v14  }
0x16f: {  	[tilespmem:v7+s20+$0x0] =	vst.idx.msk $0xffff, v6  }
0x170: {  	[tilespmem:v63+s20+$0x0] =	vst.idx.msk $0xffff, v5  }
0x171: {  	s8 =	simm.s32 $0xE400;
	s9 =	rddreg [dreg:$0x4]  }
0x172: {  	[hbm4b:s9+s3] =	stream.linear.scatter [tilespmem:s8], [sflag:$0x3], $0x80, $0x38;
	[tilespmem:$0x16C00] =	vst v63  }
0x173: {  	s10 =	simm.s32 $0xE488;
	s11 =	sadd.s32 $0x10, s9  }
0x174: {  	[hbm4b:s11+s3] =	stream.linear.scatter [tilespmem:s10], [sflag:$0x3], $0x80, $0x38;
	[tilespmem:$0x16C00] =	vst v63  }
0x175: {  	s13 =	simm.s32 $0xE510;
	s15 =	simm.s32 $0xE598;
	s14 =	sadd.s32 $0x20, s9  }
0x176: {  	[hbm4b:s14+s3] =	stream.linear.scatter [tilespmem:s13], [sflag:$0x3], $0x80, $0x38;
	[tilespmem:$0x16C00] =	vst v63  }
0x177: {  	s25 =	simm.s32 $0xE620;
	s28 =	simm.s32 $0xE6A8;
	s17 =	sadd.s32 $0x30, s9  }
0x178: {  	[hbm4b:s17+s3] =	stream.linear.scatter [tilespmem:s15], [sflag:$0x3], $0x80, $0x38;
	[tilespmem:$0x16C00] =	vst v63  }
0x179: {  	s30 =	simm.s32 $0xE730;
	s5 =	simm.s32 $0x2200;
	s26 =	sadd.s32 $0x40, s9  }
0x17a: {  	[hbm4b:s26+s3] =	stream.linear.scatter [tilespmem:s25], [sflag:$0x3], $0x80, $0x38;
	[tilespmem:$0x16C00] =	vst v63  }
0x17b: {  	s7 =	simm.s32 $0xE7B8;
	s0 =	simm.s32 $0x440;
	s29 =	sadd.s32 $0x50, s9  }
0x17c: {  	[hbm4b:s29+s3] =	stream.linear.scatter [tilespmem:s28], [sflag:$0x3], $0x80, $0x38;
	[tilespmem:$0x16C00] =	vst v63  }
0x17d: {  	s31 =	sadd.s32 $0x60, s9;
	s8 =	sadd.s32 $0x70, s9;
	s1 =	sadd.s32 $0x1000, s9  }
0x17e: {  	[hbm4b:s31+s3] =	stream.linear.scatter [tilespmem:s30], [sflag:$0x3], $0x80, $0x38;
	[tilespmem:$0x16C00] =	vst v63  }
.LBB2_6:
0x17f: {  	[hbm4b:s8+s3] =	stream.linear.scatter [tilespmem:s7], [sflag:$0x3], $0x80, $0x38;
	[tilespmem:$0x16C00] =	vst v63  }
0x180: {  	s7 =	smov.u32 s0;
	s0 =	smov.u32 s5  }
0x181: {  	s9 =	sadd.s32 $0x1100, s5;
	s0 =	sshra.s32 s0, $0x2;
	s8 =	sadd.s32 $0xE400, s7  }
0x182: {  	[hbm4b:s1+s3] =	stream.linear.scatter [tilespmem:s8], [sflag:$0x3], $0x80, $0x38;
	[tilespmem:$0x16C00] =	vst v63  }
0x183: {  	p0 =	sne.s32 s5, $0xFF00;
	s5 =	sadd.s32 $0xE488, s7;
	s8 =	sadd.s32 $0x10, s1  }
0x184: {  	[hbm4b:s8+s3] =	stream.linear.scatter [tilespmem:s5], [sflag:$0x3], $0x80, $0x38;
	[tilespmem:$0x16C00] =	vst v63  }
0x185: {  	s5 =	sadd.s32 $0xE510, s7;
	s8 =	sadd.s32 $0x20, s1  }
0x186: {  	[hbm4b:s8+s3] =	stream.linear.scatter [tilespmem:s5], [sflag:$0x3], $0x80, $0x38;
	[tilespmem:$0x16C00] =	vst v63  }
0x187: {  	s5 =	sadd.s32 $0xE598, s7;
	s8 =	sadd.s32 $0x30, s1  }
0x188: {  	[hbm4b:s8+s3] =	stream.linear.scatter [tilespmem:s5], [sflag:$0x3], $0x80, $0x38;
	[tilespmem:$0x16C00] =	vst v63  }
0x189: {  	s5 =	sadd.s32 $0xE620, s7;
	s8 =	sadd.s32 $0x40, s1  }
0x18a: {  	[hbm4b:s8+s3] =	stream.linear.scatter [tilespmem:s5], [sflag:$0x3], $0x80, $0x38;
	[tilespmem:$0x16C00] =	vst v63  }
.Ltmp2:
0x18b: {  	s5 =	sadd.s32 $0xE6A8, s7;
	s8 =	sadd.s32 $0x50, s1;
	(pc) =	sbr.rel @p0 .LBB2_6-.Ltmp2, $4  }
0x18c: {  	[hbm4b:s8+s3] =	stream.linear.scatter [tilespmem:s5], [sflag:$0x3], $0x80, $0x38;
	[tilespmem:$0x16C00] =	vst v63  }
0x18d: {  	s5 =	sadd.s32 $0xE730, s7;
	s8 =	sadd.s32 $0x60, s1;
	s7 =	sadd.s32 $0xE7B8, s7  }
0x18e: {  	[hbm4b:s8+s3] =	stream.linear.scatter [tilespmem:s5], [sflag:$0x3], $0x80, $0x38;
	[tilespmem:$0x16C00] =	vst v63  }
0x18f: {  	s8 =	sadd.s32 $0x70, s1;
	s1 =	sadd.s32 $0x1000, s1;
	s5 =	smov.u32 s9  }
0x190: {  	[hbm4b:s8+s3] =	stream.linear.scatter [tilespmem:s7], [sflag:$0x3], $0x80, $0x38;
	[tilespmem:$0x16C00] =	vst v63  }
0x191: {  	s5 =	sadd.s32 $0xE400, s0  }
0x192: {  	[hbm4b:s1+s3] =	stream.linear.scatter [tilespmem:s5], [sflag:$0x3], $0x80, $0x38;
	[tilespmem:$0x16C00] =	vst v63  }
0x193: {  	s30 =	sadd.s32 $0xE488, s0;
	s31 =	sadd.s32 $0x10, s1  }
0x194: {  	[hbm4b:s31+s3] =	stream.linear.scatter [tilespmem:s30], [sflag:$0x3], $0x80, $0x38;
	[tilespmem:$0x16C00] =	vst v63  }
0x195: {  	s8 =	sadd.s32 $0xE510, s0;
	s9 =	sadd.s32 $0x20, s1  }
0x196: {  	[hbm4b:s9+s3] =	stream.linear.scatter [tilespmem:s8], [sflag:$0x3], $0x80, $0x38;
	[tilespmem:$0x16C00] =	vst v63  }
0x197: {  	s10 =	sadd.s32 $0xE598, s0;
	s11 =	sadd.s32 $0x30, s1  }
0x198: {  	[hbm4b:s11+s3] =	stream.linear.scatter [tilespmem:s10], [sflag:$0x3], $0x80, $0x38;
	[tilespmem:$0x16C00] =	vst v63  }
0x199: {  	s13 =	sadd.s32 $0xE620, s0;
	s14 =	sadd.s32 $0x40, s1  }
0x19a: {  	[hbm4b:s14+s3] =	stream.linear.scatter [tilespmem:s13], [sflag:$0x3], $0x80, $0x38;
	[tilespmem:$0x16C00] =	vst v63  }
0x19b: {  	s15 =	sadd.s32 $0xE6A8, s0;
	s17 =	sadd.s32 $0x50, s1;
	s5 =	simm.s32 $0xC  }
0x19c: {  	[hbm4b:s17+s3] =	stream.linear.scatter [tilespmem:s15], [sflag:$0x3], $0x80, $0x38;
	[tilespmem:$0x16C00] =	vst v63  }
0x19d: {  	s25 =	sadd.s32 $0xE730, s0;
	s26 =	sadd.s32 $0x60, s1;
	s7 =	sand.u32 $0x78, s5  }
0x19e: {  	[hbm4b:s26+s3] =	stream.linear.scatter [tilespmem:s25], [sflag:$0x3], $0x80, $0x38;
	[tilespmem:$0x16C00] =	vst v63  }
0x19f: {  	s30 =	sadd.s32 $0xE7B8, s0;
	s31 =	sadd.s32 $0x70, s1;
	s1 =	simm.s32 $0x0  }
0x1a0: {  	v5 =	vmov s1;
	[hbm4b:s31+s3] =	stream.linear.scatter [tilespmem:s30], [sflag:$0x3], $0x80, $0x38;
	[tilespmem:$0x16C00] =	vst v63  }
0x1a1: {  	v6 =	vmov s7;
	v5 =	vmul.u32 $0x2200, v5;
	_ =	swait.ge [sflag:s21], $0x2000  }
0x1a2: {  	v6 =	vshrl.u32 v6, $0x3;
	[sflag:s21] =	ssyncset.done $0x0  }
0x1a3: {  	v9 =	vbroadcast v5, $0x0;
	v5 =	vshll.u32 v6, v1;
	[sflag:s21] =	ssyncadd.s32 $0xFFFFE000  }
0x1a4: {  	v10 =	vbroadcast v5, $0x0;
	_ =	swait.ge [sflag:s21], $0x2000  }
0x1a5: {  	v5 =	vadd.s32 v0, v9;
	[sflag:s21] =	ssyncset.done $0x0  }
0x1a6: {  	s28 =	simm.s32 $0xA600;
	s8 =	simm.s32 $0x4;
	v6 =	vadd.s32 v5, v10;
	[sflag:s21] =	ssyncadd.s32 $0xFFFFE000  }
0x1a7: {  	s0 =	sand.u32 $0x70, s8;
	v6 =	vor.u32 $0x4, v6;
	v7 =	vld [tilespmem:s28+$0x100]  }
0x1a8: {  	v11 =	vmov s0;
	s11 =	simm.s32 $0x8  }
0x1a9: {  	v11 =	vshrl.u32 v11, $0x3;
	s13 =	sand.u32 $0x78, s11  }
0x1aa: {  	s9 =	simm.s32 $0x0;
	v11 =	vshll.u32 v11, v1;
	v13 =	vmov s13  }
0x1ab: {  	s10 =	sand.u32 $0x70, s9;
	v8 =	vadd.s32 v2, v9;
	v11 =	vbroadcast v11, $0x0;
	v13 =	vshrl.u32 v13, $0x3  }
0x1ac: {  	v13 =	vshll.u32 v13, v1;
	[tilespmem:v6+s22+$0x0] =	vst.idx.msk $0xffff, v7;
	v6 =	vadd.s32 v8, v10;
	v7 =	vmov s10  }
0x1ad: {  	v13 =	vbroadcast v13, $0x0;
	v12 =	vld [tilespmem:s28+$0x110];
	v6 =	vor.u32 $0x4, v6;
	v7 =	vshrl.u32 v7, $0x3  }
0x1ae: {  	v7 =	vshll.u32 v7, v1  }
0x1af: {  	v21 =	vadd.s32 v5, v13;
	v20 =	vld [tilespmem:s28+$0x0];
	v14 =	vbroadcast v7, $0x0;
	v7 =	vadd.s32 v5, v11  }
0x1b0: {  	v15 =	vld [tilespmem:s28+$0xFFFFFF00];
	v16 =	vor.u32 $0x4, v7  }
0x1b1: {  	v17 =	vld [tilespmem:s28+$0xFFFFFE00];
	v7 =	vadd.s32 v3, v9;
	v18 =	vadd.s32 v5, v14  }
0x1b2: {  	[tilespmem:v6+s22+$0x0] =	vst.idx.msk $0xffff, v12;
	v6 =	vadd.s32 v7, v10  }
0x1b3: {  	s15 =	simm.s32 $0x5;
	v12 =	vld [tilespmem:s28+$0x120];
	v19 =	vor.u32 $0x4, v6  }
0x1b4: {  	s14 =	simm.s32 $0x1;
	s1 =	sand.u32 $0x70, s15;
	v22 =	vadd.s32 v8, v11;
	s31 =	simm.s32 $0xD;
	[tilespmem:v21+s22+$0x0] =	vst.idx.msk $0xffff, v20  }
0x1b5: {  	s0 =	sand.u32 $0x70, s14;
	v23 =	vmov s1;
	v22 =	vor.u32 $0x4, v22;
	v25 =	vadd.s32 v8, v13;
	s1 =	sand.u32 $0x78, s31;
	v21 =	vld [tilespmem:s28+$0x10];
	[tilespmem:v16+s22+$0x0] =	vst.idx.msk $0xffff, v15  }
0x1b6: {  	v20 =	vmov s1;
	v24 =	vadd.s32 v8, v14;
	v6 =	vmov s0;
	[tilespmem:v18+s22+$0x0] =	vst.idx.msk $0xffff, v17;
	v17 =	vld [tilespmem:s28+$0xFFFFFF10]  }
0x1b7: {  	s17 =	simm.s32 $0x9;
	v27 =	vshrl.u32 v6, $0x3;
	v6 =	vadd.s32 v4, v9;
	v15 =	vshrl.u32 v23, $0x3;
	v23 =	vld [tilespmem:s28+$0xFFFFFE10]  }
0x1b8: {  	s25 =	sand.u32 $0x78, s17;
	v20 =	vshrl.u32 v20, $0x3;
	v10 =	vadd.s32 v6, v10;
	[tilespmem:v19+s22+$0x0] =	vst.idx.msk $0xffff, v12  }
0x1b9: {  	v26 =	vmov s25;
	v20 =	vshll.u32 v20, v1;
	v10 =	vor.u32 $0x4, v10;
	v19 =	vld [tilespmem:s28+$0x130]  }
0x1ba: {  	s14 =	simm.s32 $0x0;
	[tilespmem:v25+s22+$0x0] =	vst.idx.msk $0xffff, v21;
	v16 =	vshrl.u32 v26, $0x3;
	v9 =	vshll.u32 v27, v1;
	v26 =	vadd.s32 v7, v14  }
0x1bb: {  	v41 =	vmov s14;
	s26 =	simm.s32 $0x2;
	v27 =	vadd.s32 v7, v13;
	v12 =	vadd.s32 v7, v11;
	[tilespmem:v22+s22+$0x0] =	vst.idx.msk $0xffff, v17  }
0x1bc: {  	s30 =	sand.u32 $0x70, s26;
	v25 =	vadd.s32 v6, v14;
	v12 =	vor.u32 $0x4, v12;
	v17 =	vbroadcast v20, $0x0;
	[tilespmem:v24+s22+$0x0] =	vst.idx.msk $0xffff, v23;
	v22 =	vld [tilespmem:s28+$0xFFFFFF20]  }
0x1bd: {  	v18 =	vmov s30;
	v9 =	vbroadcast v9, $0x0;
	v16 =	vshll.u32 v16, v1;
	v24 =	vld [tilespmem:s28+$0xFFFFFE20]  }
0x1be: {  	v15 =	vshll.u32 v15, v1;
	v16 =	vbroadcast v16, $0x0;
	[tilespmem:v10+s22+$0x0] =	vst.idx.msk $0xffff, v19;
	v10 =	vadd.s32 v5, v17  }
0x1bf: {  	v15 =	vbroadcast v15, $0x0;
	v11 =	vadd.s32 v6, v11;
	v21 =	vld [tilespmem:s28+$0x140];
	v10 =	vor.u32 $0x5, v10  }
0x1c0: {  	s5 =	simm.s32 $0x6;
	v14 =	vld [tilespmem:s28+$0x20];
	v28 =	vadd.s32 v5, v9;
	v11 =	vor.u32 $0x4, v11;
	v29 =	vadd.s32 v5, v16  }
0x1c1: {  	s0 =	sand.u32 $0x70, s5;
	v20 =	vor.u32 $0x1, v28;
	v28 =	vadd.s32 v6, v13;
	v13 =	vadd.s32 v5, v15;
	[tilespmem:v12+s22+$0x0] =	vst.idx.msk $0xffff, v22  }
0x1c2: {  	v23 =	vadd.s32 v8, v9;
	v19 =	vmov s0;
	v12 =	vor.u32 $0x5, v13;
	[tilespmem:v26+s22+$0x0] =	vst.idx.msk $0xffff, v24;
	v24 =	vld [tilespmem:s28+$0xFFFFFF30]  }
0x1c3: {  	v13 =	vadd.s32 v8, v15;
	v22 =	vor.u32 $0x1, v29;
	v29 =	vadd.s32 v7, v9  }
0x1c4: {  	v9 =	vadd.s32 v6, v9;
	[tilespmem:v10+s22+$0x0] =	vst.idx.msk $0xffff, v21;
	v10 =	vadd.s32 v8, v17;
	v21 =	vor.u32 $0x1, v29;
	v29 =	vld [tilespmem:s28+$0xFFFFFE30]  }
0x1c5: {  	[tilespmem:v27+s22+$0x0] =	vst.idx.msk $0xffff, v14;
	v26 =	vor.u32 $0x5, v13;
	v13 =	vadd.s32 v8, v16;
	v27 =	vld [tilespmem:s28+$0x150];
	v10 =	vor.u32 $0x5, v10  }
0x1c6: {  	v32 =	vld [tilespmem:s28+$0x30];
	v14 =	vor.u32 $0x1, v9;
	v30 =	vor.u32 $0x1, v13;
	v13 =	vadd.s32 v7, v15  }
0x1c7: {  	v9 =	vadd.s32 v6, v16;
	v31 =	vor.u32 $0x5, v13;
	v13 =	vadd.s32 v7, v16;
	[tilespmem:v11+s22+$0x0] =	vst.idx.msk $0xffff, v24  }
0x1c8: {  	s7 =	simm.s32 $0xA;
	v15 =	vadd.s32 v6, v15;
	v33 =	vor.u32 $0x1, v13;
	v13 =	vor.u32 $0x1, v9;
	v9 =	vld [tilespmem:s28+$0xFFFFFF40]  }
0x1c9: {  	s0 =	sand.u32 $0x78, s7;
	v11 =	vor.u32 $0x5, v15;
	v15 =	vshrl.u32 v18, $0x3;
	v18 =	vshrl.u32 v19, $0x3;
	[tilespmem:v25+s22+$0x0] =	vst.idx.msk $0xffff, v29  }
0x1ca: {  	s9 =	simm.s32 $0x7;
	v16 =	vmov s0;
	v18 =	vshll.u32 v18, v1;
	[tilespmem:v10+s22+$0x0] =	vst.idx.msk $0xffff, v27;
	v10 =	vadd.s32 v7, v17;
	v25 =	vld [tilespmem:s28+$0xFFFFFE40]  }
0x1cb: {  	s8 =	simm.s32 $0x3;
	s1 =	sand.u32 $0x70, s9;
	[tilespmem:v28+s22+$0x0] =	vst.idx.msk $0xffff, v32;
	v15 =	vshll.u32 v15, v1;
	v24 =	vbroadcast v18, $0x0;
	v18 =	vld [tilespmem:s28+$0x160];
	v10 =	vor.u32 $0x5, v10  }
0x1cc: {  	v44 =	vmov s1;
	s0 =	sand.u32 $0x70, s8;
	v16 =	vshrl.u32 v16, $0x3;
	v19 =	vbroadcast v15, $0x0;
	v27 =	vld [tilespmem:s28+$0x40]  }
0x1cd: {  	v23 =	vor.u32 $0x1, v23;
	v15 =	vshll.u32 v16, v1;
	v16 =	vmov s0;
	[tilespmem:v12+s22+$0x0] =	vst.idx.msk $0xffff, v9  }
0x1ce: {  	v34 =	vbroadcast v15, $0x0;
	v15 =	vadd.s32 v5, v19;
	v28 =	vadd.s32 v5, v24;
	v12 =	vld [tilespmem:s28+$0xFFFFFF50]  }
0x1cf: {  	s13 =	simm.s32 $0xE;
	v16 =	vshrl.u32 v16, $0x3;
	v29 =	vadd.s32 v8, v19;
	v36 =	vadd.s32 v8, v24;
	[tilespmem:v20+s22+$0x0] =	vst.idx.msk $0xffff, v25  }
0x1d0: {  	s10 =	simm.s32 $0xB;
	s0 =	sand.u32 $0x78, s13;
	v16 =	vshll.u32 v16, v1;
	v35 =	vor.u32 $0x6, v28;
	[tilespmem:v10+s22+$0x0] =	vst.idx.msk $0xffff, v18;
	v10 =	vadd.s32 v6, v17;
	v25 =	vld [tilespmem:s28+$0xFFFFFE50]  }
0x1d1: {  	s11 =	sand.u32 $0x78, s10;
	v28 =	vadd.s32 v5, v34;
	[tilespmem:v22+s22+$0x0] =	vst.idx.msk $0xffff, v27;
	v18 =	vmov s0;
	v20 =	vld [tilespmem:s28+$0x170];
	v10 =	vor.u32 $0x5, v10  }
0x1d2: {  	v16 =	vbroadcast v16, $0x0;
	v9 =	vmov s11;
	v22 =	vld [tilespmem:s28+$0x50];
	v18 =	vshrl.u32 v18, $0x3  }
0x1d3: {  	v37 =	vor.u32 $0x2, v28;
	v28 =	vadd.s32 v8, v34;
	v18 =	vshll.u32 v18, v1;
	[tilespmem:v26+s22+$0x0] =	vst.idx.msk $0xffff, v12  }
0x1d4: {  	v9 =	vshrl.u32 v9, $0x3;
	v27 =	vadd.s32 v7, v19;
	v38 =	vbroadcast v18, $0x0;
	v39 =	vld [tilespmem:s28+$0xFFFFFF60]  }
0x1d5: {  	v19 =	vadd.s32 v6, v19;
	v17 =	vor.u32 $0x2, v29;
	v29 =	vor.u32 $0x2, v28;
	[tilespmem:v23+s22+$0x0] =	vst.idx.msk $0xffff, v25  }
0x1d6: {  	v28 =	vor.u32 $0x2, v27;
	v12 =	vadd.s32 v7, v24;
	[tilespmem:v10+s22+$0x0] =	vst.idx.msk $0xffff, v20;
	v10 =	vadd.s32 v5, v38;
	v46 =	vld [tilespmem:s28+$0xFFFFFE60]  }
0x1d7: {  	v18 =	vor.u32 $0x6, v12;
	[tilespmem:v30+s22+$0x0] =	vst.idx.msk $0xffff, v22;
	v20 =	vshrl.u32 v44, $0x3;
	v45 =	vld [tilespmem:s28+$0x180];
	v10 =	vor.u32 $0x6, v10  }
0x1d8: {  	v12 =	vadd.s32 v7, v34;
	v25 =	vor.u32 $0x2, v19;
	v19 =	vshll.u32 v20, v1;
	v20 =	vld [tilespmem:s28+$0x60]  }
0x1d9: {  	v24 =	vadd.s32 v6, v24;
	v27 =	vor.u32 $0x2, v12;
	v12 =	vadd.s32 v6, v34;
	[tilespmem:v31+s22+$0x0] =	vst.idx.msk $0xffff, v39  }
0x1da: {  	s15 =	simm.s32 $0x1C;
	v9 =	vshll.u32 v9, v1;
	v26 =	vor.u32 $0x6, v24;
	v24 =	vor.u32 $0x2, v12;
	v12 =	vld [tilespmem:s28+$0xFFFFFF70]  }
0x1db: {  	v41 =	vmul.u32 $0x2200, v41;
	s17 =	sand.u32 $0x78, s15;
	v31 =	vbroadcast v9, $0x0;
	v9 =	vadd.s32 v5, v16;
	[tilespmem:v21+s22+$0x0] =	vst.idx.msk $0xffff, v46  }
0x1dc: {  	v42 =	vmov s17;
	s31 =	simm.s32 $0x18;
	s30 =	simm.s32 $0x10;
	v22 =	vor.u32 $0x3, v9;
	v9 =	vadd.s32 v8, v38;
	[tilespmem:v10+s22+$0x0] =	vst.idx.msk $0xffff, v45;
	v48 =	vld [tilespmem:s28+$0xFFFFFE70]  }
0x1dd: {  	v41 =	vbroadcast v41, $0x0;
	s7 =	sand.u32 $0x70, s30;
	s8 =	sand.u32 $0x78, s31;
	v30 =	vbroadcast v19, $0x0;
	v47 =	vor.u32 $0x6, v9;
	[tilespmem:v33+s22+$0x0] =	vst.idx.msk $0xffff, v20;
	v32 =	vld [tilespmem:s28+$0x190]  }
0x1de: {  	v52 =	vmov s7;
	v53 =	vmov s8;
	v49 =	vadd.s32 v7, v16;
	v20 =	vld [tilespmem:s28+$0x70]  }
0x1df: {  	v15 =	vor.u32 $0x2, v15;
	v51 =	vadd.s32 v7, v38;
	v19 =	vadd.s32 v5, v30;
	[tilespmem:v11+s22+$0x0] =	vst.idx.msk $0xffff, v12  }
0x1e0: {  	v23 =	vor.u32 $0x7, v19;
	v19 =	vadd.s32 v8, v16;
	v9 =	vadd.s32 v8, v30;
	v50 =	vld [tilespmem:s28+$0xFFFFFF80]  }
0x1e1: {  	v36 =	vor.u32 $0x6, v36;
	v40 =	vadd.s32 v7, v31;
	v16 =	vadd.s32 v6, v16;
	[tilespmem:v14+s22+$0x0] =	vst.idx.msk $0xffff, v48  }
0x1e2: {  	s25 =	simm.s32 $0x14;
	v10 =	vadd.s32 v5, v31;
	v33 =	vshrl.u32 v52, $0x3;
	v14 =	vshrl.u32 v42, $0x3;
	[tilespmem:v47+s22+$0x0] =	vst.idx.msk $0xffff, v32;
	v39 =	vld [tilespmem:s28+$0xFFFFFE80]  }
0x1e3: {  	s26 =	sand.u32 $0x70, s25;
	v12 =	vadd.s32 v7, v30;
	v32 =	vor.u32 $0x6, v51;
	[tilespmem:v13+s22+$0x0] =	vst.idx.msk $0xffff, v20;
	v14 =	vshll.u32 v14, v1;
	v34 =	vld [tilespmem:s28+$0x1A0]  }
0x1e4: {  	v13 =	vmov s26;
	v20 =	vadd.s32 v6, v30;
	v30 =	vld [tilespmem:s28+$0x80];
	v42 =	vbroadcast v14, $0x0  }
0x1e5: {  	v21 =	vor.u32 $0x3, v10;
	v13 =	vshrl.u32 v13, $0x3;
	v14 =	vadd.s32 v0, v41;
	[tilespmem:v35+s22+$0x0] =	vst.idx.msk $0xffff, v50  }
0x1e6: {  	s9 =	simm.s32 $0xF;
	v10 =	vor.u32 $0x3, v19;
	s26 =	simm.s32 $0xAA00;
	v13 =	vshll.u32 v13, v1;
	v44 =	vadd.s32 v14, v42;
	v43 =	vld [tilespmem:s28+$0xFFFFFF90]  }
0x1e7: {  	s0 =	sand.u32 $0x78, s9;
	v46 =	vld [tilespmem:s26+$0x100];
	v45 =	vbroadcast v13, $0x0;
	v13 =	vadd.s32 v6, v38;
	v44 =	vor.u32 $0x4, v44;
	[tilespmem:v15+s22+$0x0] =	vst.idx.msk $0xffff, v39  }
0x1e8: {  	v19 =	vor.u32 $0x7, v9;
	v54 =	vor.u32 $0x6, v13;
	v13 =	vmov s0;
	[tilespmem:v32+s22+$0x0] =	vst.idx.msk $0xffff, v34;
	v55 =	vld [tilespmem:s28+$0xFFFFFE90]  }
0x1e9: {  	v15 =	vshrl.u32 v53, $0x3;
	v13 =	vshrl.u32 v13, $0x3;
	[tilespmem:v37+s22+$0x0] =	vst.idx.msk $0xffff, v30;
	v30 =	vshll.u32 v33, v1;
	v32 =	vld [tilespmem:s28+$0x1B0]  }
0x1ea: {  	v57 =	vadd.s32 v14, v45;
	v56 =	vshll.u32 v15, v1;
	v37 =	vld [tilespmem:s28+$0x90];
	v30 =	vbroadcast v30, $0x0  }
0x1eb: {  	v58 =	vld [tilespmem:s26+$0xFFFFFF00];
	v13 =	vshll.u32 v13, v1;
	v15 =	vadd.s32 v2, v41;
	v38 =	vor.u32 $0x4, v57;
	[tilespmem:v36+s22+$0x0] =	vst.idx.msk $0xffff, v43  }
0x1ec: {  	v59 =	vld [tilespmem:s26+$0xFFFFFE00];
	v39 =	vbroadcast v13, $0x0;
	v61 =	vadd.s32 v15, v42;
	v60 =	vadd.s32 v14, v30;
	[tilespmem:v44+s22+$0x0] =	vst.idx.msk $0xffff, v46  }
0x1ed: {  	v9 =	vadd.s32 v8, v31;
	v33 =	vbroadcast v56, $0x0;
	v44 =	vor.u32 $0x4, v61;
	v46 =	vld [tilespmem:s26+$0x110];
	[tilespmem:v17+s22+$0x0] =	vst.idx.msk $0xffff, v55  }
0x1ee: {  	v31 =	vadd.s32 v6, v31;
	v9 =	vor.u32 $0x3, v9;
	v5 =	vadd.s32 v5, v39;
	v63 =	vld [tilespmem:s28+$0xFFFFFFA0];
	[tilespmem:v54+s22+$0x0] =	vst.idx.msk $0xffff, v32  }
0x1ef: {  	s10 =	simm.s32 $0x11;
	s11 =	simm.s32 $0x15;
	v62 =	vor.u32 $0x7, v5;
	v5 =	vor.u32 $0x3, v31;
	v31 =	vadd.s32 v14, v33;
	[tilespmem:v29+s22+$0x0] =	vst.idx.msk $0xffff, v37;
	v29 =	vld [tilespmem:s26+$0x0]  }
0x1f0: {  	s13 =	simm.s32 $0x19;
	s1 =	sand.u32 $0x70, s11;
	v11 =	vor.u32 $0x3, v49;
	v12 =	vor.u32 $0x7, v12;
	s0 =	sand.u32 $0x70, s10;
	v17 =	vadd.s32 v15, v45;
	[tilespmem:v38+s22+$0x0] =	vst.idx.msk $0xffff, v58;
	v32 =	vld [tilespmem:s28+$0x1C0]  }
0x1f1: {  	v47 =	vmov s1;
	v51 =	vmov s0;
	s0 =	sand.u32 $0x78, s13;
	v53 =	vor.u32 $0x4, v17;
	v54 =	vld [tilespmem:s26+$0xFFFFFF10];
	[tilespmem:v60+s22+$0x0] =	vst.idx.msk $0xffff, v59  }
0x1f2: {  	v20 =	vor.u32 $0x7, v20;
	v57 =	vmov s0;
	v17 =	vadd.s32 v3, v41;
	v60 =	vld [tilespmem:s28+$0xFFFFFEA0];
	[tilespmem:v44+s22+$0x0] =	vst.idx.msk $0xffff, v46  }
0x1f3: {  	s14 =	simm.s32 $0x12;
	v13 =	vor.u32 $0x3, v40;
	v52 =	vadd.s32 v15, v30;
	v56 =	vadd.s32 v17, v42;
	v48 =	vld [tilespmem:s26+$0xFFFFFE10];
	[tilespmem:v18+s22+$0x0] =	vst.idx.msk $0xffff, v63  }
0x1f4: {  	s0 =	sand.u32 $0x70, s14;
	v8 =	vadd.s32 v8, v39;
	v7 =	vadd.s32 v7, v39;
	v44 =	vor.u32 $0x4, v56;
	v46 =	vld [tilespmem:s26+$0x120];
	[tilespmem:v31+s22+$0x0] =	vst.idx.msk $0xffff, v29  }
0x1f5: {  	v40 =	vmov s0;
	v6 =	vadd.s32 v6, v39;
	v55 =	vadd.s32 v15, v33;
	[tilespmem:v62+s22+$0x0] =	vst.idx.msk $0xffff, v32;
	v59 =	vld [tilespmem:s26+$0x10]  }
0x1f6: {  	v8 =	vor.u32 $0x7, v8;
	v7 =	vor.u32 $0x7, v7;
	v37 =	vshrl.u32 v51, $0x3;
	[tilespmem:v53+s22+$0x0] =	vst.idx.msk $0xffff, v54;
	v29 =	vld [tilespmem:s28+$0x1D0]  }
0x1f7: {  	v37 =	vshll.u32 v37, v1;
	v18 =	vshrl.u32 v47, $0x3;
	v31 =	vadd.s32 v17, v45;
	v53 =	vld [tilespmem:s28+$0xA0];
	[tilespmem:v28+s22+$0x0] =	vst.idx.msk $0xffff, v60  }
0x1f8: {  	s15 =	simm.s32 $0x1D;
	v61 =	vshll.u32 v18, v1;
	v18 =	vadd.s32 v4, v41;
	v31 =	vor.u32 $0x4, v31;
	v62 =	vld [tilespmem:s26+$0xFFFFFF20];
	[tilespmem:v52+s22+$0x0] =	vst.idx.msk $0xffff, v48  }
0x1f9: {  	s17 =	sand.u32 $0x78, s15;
	v58 =	vadd.s32 v17, v30;
	v34 =	vbroadcast v37, $0x0;
	v42 =	vadd.s32 v18, v42;
	v63 =	vld [tilespmem:s26+$0xFFFFFE20];
	[tilespmem:v44+s22+$0x0] =	vst.idx.msk $0xffff, v46  }
0x1fa: {  	v49 =	vadd.s32 v17, v33;
	v42 =	vor.u32 $0x4, v42;
	v48 =	vmov s17;
	v44 =	vld [tilespmem:s26+$0x130];
	[tilespmem:v55+s22+$0x0] =	vst.idx.msk $0xffff, v59  }
0x1fb: {  	v50 =	vadd.s32 v14, v34;
	v54 =	vadd.s32 v15, v34;
	[tilespmem:v8+s22+$0x0] =	vst.idx.msk $0xffff, v29;
	v29 =	vshrl.u32 v48, $0x3;
	v52 =	vld [tilespmem:s26+$0x20]  }
0x1fc: {  	v6 =	vor.u32 $0x7, v6;
	v45 =	vadd.s32 v18, v45;
	[tilespmem:v27+s22+$0x0] =	vst.idx.msk $0xffff, v53;
	v51 =	vld [tilespmem:s28+$0x1E0];
	v29 =	vshll.u32 v29, v1  }
0x1fd: {  	v30 =	vadd.s32 v18, v30;
	v32 =	vshrl.u32 v57, $0x3;
	v27 =	vld [tilespmem:s28+$0xFFFFFFB0];
	[tilespmem:v31+s22+$0x0] =	vst.idx.msk $0xffff, v62;
	v29 =	vbroadcast v29, $0x0  }
0x1fe: {  	s25 =	simm.s32 $0x16;
	v33 =	vadd.s32 v18, v33;
	v32 =	vshll.u32 v32, v1;
	v55 =	vor.u32 $0x4, v45;
	v56 =	vld [tilespmem:s26+$0xFFFFFF30];
	[tilespmem:v58+s22+$0x0] =	vst.idx.msk $0xffff, v63  }
0x1ff: {  	s0 =	sand.u32 $0x70, s25;
	v28 =	vbroadcast v61, $0x0;
	v32 =	vbroadcast v32, $0x0;
	v57 =	vld [tilespmem:s26+$0xFFFFFE30];
	[tilespmem:v42+s22+$0x0] =	vst.idx.msk $0xffff, v44;
	v58 =	vadd.s32 v14, v29  }
0x200: {  	v41 =	vor.u32 $0x1, v54;
	v31 =	vmov s0;
	v60 =	vld [tilespmem:s26+$0x140];
	v42 =	vor.u32 $0x5, v58;
	[tilespmem:v49+s22+$0x0] =	vst.idx.msk $0xffff, v52  }
0x201: {  	v59 =	vadd.s32 v14, v28;
	v8 =	vor.u32 $0x1, v50;
	v48 =	vadd.s32 v15, v32;
	[tilespmem:v7+s22+$0x0] =	vst.idx.msk $0xffff, v51;
	v49 =	vld [tilespmem:s26+$0x30]  }
0x202: {  	v61 =	vor.u32 $0x5, v59;
	v50 =	vadd.s32 v17, v34;
	v34 =	vadd.s32 v18, v34;
	[tilespmem:v26+s22+$0x0] =	vst.idx.msk $0xffff, v27;
	v62 =	vld [tilespmem:s28+$0x1F0]  }
0x203: {  	s30 =	simm.s32 $0x1A;
	v31 =	vshrl.u32 v31, $0x3;
	v43 =	vor.u32 $0x1, v48;
	v36 =	vor.u32 $0x1, v50;
	v26 =	vld [tilespmem:s28+$0xB0];
	[tilespmem:v55+s22+$0x0] =	vst.idx.msk $0xffff, v56  }
0x204: {  	s7 =	simm.s32 $0x1B;
	s0 =	sand.u32 $0x78, s30;
	v34 =	vor.u32 $0x1, v34;
	v31 =	vshll.u32 v31, v1;
	v63 =	vadd.s32 v15, v28;
	v55 =	vld [tilespmem:s28+$0xFFFFFEB0];
	[tilespmem:v30+s22+$0x0] =	vst.idx.msk $0xffff, v57  }
0x205: {  	s8 =	sand.u32 $0x78, s7;
	v59 =	vbroadcast v31, $0x0;
	v39 =	vor.u32 $0x5, v63;
	v27 =	vmov s0;
	v30 =	vld [tilespmem:s26+$0xFFFFFF40];
	[tilespmem:v42+s22+$0x0] =	vst.idx.msk $0xffff, v60  }
0x206: {  	v63 =	vmov s8;
	v53 =	vadd.s32 v15, v29;
	v27 =	vshrl.u32 v27, $0x3;
	v45 =	vld [tilespmem:s26+$0xFFFFFE40];
	[tilespmem:v33+s22+$0x0] =	vst.idx.msk $0xffff, v49  }
0x207: {  	v52 =	vadd.s32 v17, v32;
	v54 =	vor.u32 $0x5, v53;
	v7 =	vadd.s32 v14, v32;
	[tilespmem:v6+s22+$0x0] =	vst.idx.msk $0xffff, v62;
	v6 =	vld [tilespmem:s26+$0x150]  }
0x208: {  	v56 =	vshrl.u32 v40, $0x3;
	v27 =	vshll.u32 v27, v1;
	v7 =	vor.u32 $0x1, v7;
	[tilespmem:v24+s22+$0x0] =	vst.idx.msk $0xffff, v26;
	v57 =	vld [tilespmem:s26+$0x40]  }
0x209: {  	v51 =	vadd.s32 v17, v28;
	v28 =	vadd.s32 v18, v28;
	v44 =	vor.u32 $0x1, v52;
	v52 =	vld [tilespmem:s28+$0xC0];
	[tilespmem:v25+s22+$0x0] =	vst.idx.msk $0xffff, v55  }
0x20a: {  	v32 =	vadd.s32 v18, v32;
	v27 =	vbroadcast v27, $0x0;
	v35 =	vor.u32 $0x5, v51;
	[tilespmem:v61+s22+$0x0] =	vst.idx.msk $0xffff, v30;
	v61 =	vld [tilespmem:s28+$0xFFFFFFC0]  }
0x20b: {  	s5 =	simm.s32 $0x17;
	v28 =	vor.u32 $0x5, v28;
	v51 =	vadd.s32 v17, v59;
	v26 =	vadd.s32 v15, v59;
	[tilespmem:v8+s22+$0x0] =	vst.idx.msk $0xffff, v45;
	v8 =	vld [tilespmem:s26+$0xFFFFFF50]  }
0x20c: {  	s31 =	simm.s32 $0x13;
	s0 =	sand.u32 $0x70, s5;
	v40 =	vor.u32 $0x1, v32;
	v33 =	vshll.u32 v56, v1;
	v31 =	vld [tilespmem:s26+$0xFFFFFE50];
	[tilespmem:v54+s22+$0x0] =	vst.idx.msk $0xffff, v6;
	v6 =	vadd.s32 v17, v29  }
0x20d: {  	s1 =	sand.u32 $0x70, s31;
	v60 =	vmov s0;
	v58 =	vbroadcast v33, $0x0;
	[tilespmem:v7+s22+$0x0] =	vst.idx.msk $0xffff, v57;
	v25 =	vld [tilespmem:s26+$0x160];
	v6 =	vor.u32 $0x5, v6  }
0x20e: {  	v62 =	vadd.s32 v14, v59;
	v30 =	vmov s1;
	[tilespmem:v21+s22+$0x0] =	vst.idx.msk $0xffff, v52;
	v7 =	vadd.s32 v14, v27;
	v32 =	vld [tilespmem:s26+$0x50]  }
0x20f: {  	s10 =	simm.s32 $0x0;
	v33 =	vadd.s32 v14, v58;
	v45 =	vor.u32 $0x6, v62;
	v49 =	vor.u32 $0x2, v7;
	v7 =	vld [tilespmem:s28+$0xFFFFFEC0];
	[tilespmem:v23+s22+$0x0] =	vst.idx.msk $0xffff, v61  }
0x210: {  	v24 =	vadd.s32 v15, v58;
	v21 =	vadd.s32 v18, v27;
	v52 =	vmov s10;
	[tilespmem:v39+s22+$0x0] =	vst.idx.msk $0xffff, v8;
	v54 =	vld [tilespmem:s28+$0xFFFFFFD0]  }
0x211: {  	v48 =	vor.u32 $0x2, v33;
	v33 =	vor.u32 $0x2, v24;
	v38 =	vmul.u32 $0x2200, v52;
	[tilespmem:v41+s22+$0x0] =	vst.idx.msk $0xffff, v31;
	v24 =	vld [tilespmem:s26+$0xFFFFFF60]  }
0x212: {  	s9 =	simm.s32 $0x1E;
	v8 =	vadd.s32 v15, v27;
	v39 =	vor.u32 $0x6, v26;
	v26 =	vld [tilespmem:s26+$0xFFFFFE60];
	[tilespmem:v6+s22+$0x0] =	vst.idx.msk $0xffff, v25;
	v6 =	vadd.s32 v18, v29  }
0x213: {  	s0 =	sand.u32 $0x78, s9;
	v38 =	vbroadcast v38, $0x0;
	v31 =	vor.u32 $0x2, v8;
	[tilespmem:v43+s22+$0x0] =	vst.idx.msk $0xffff, v32;
	v23 =	vld [tilespmem:s26+$0x170];
	v6 =	vor.u32 $0x5, v6  }
0x214: {  	v8 =	vadd.s32 v17, v58;
	v25 =	vshrl.u32 v30, $0x3;
	v29 =	vmov s0;
	[tilespmem:v22+s22+$0x0] =	vst.idx.msk $0xffff, v7;
	v53 =	vld [tilespmem:s26+$0x60]  }
0x215: {  	v30 =	vor.u32 $0x2, v8;
	v8 =	vshrl.u32 v29, $0x3;
	v29 =	vadd.s32 v17, v27;
	v27 =	vld [tilespmem:s28+$0xFFFFFED0];
	[tilespmem:v19+s22+$0x0] =	vst.idx.msk $0xffff, v54  }
0x216: {  	s11 =	simm.s32 $0x2C;
	v32 =	vor.u32 $0x6, v51;
	v7 =	vshll.u32 v8, v1;
	v8 =	vadd.s32 v18, v58;
	[tilespmem:v35+s22+$0x0] =	vst.idx.msk $0xffff, v24;
	v58 =	vld [tilespmem:s28+$0xD0]  }
0x217: {  	s13 =	sand.u32 $0x78, s11;
	v22 =	vadd.s32 v18, v59;
	v35 =	vbroadcast v7, $0x0;
	v24 =	vor.u32 $0x2, v8;
	[tilespmem:v36+s22+$0x0] =	vst.idx.msk $0xffff, v26;
	v8 =	vld [tilespmem:s26+$0xFFFFFF70]  }
0x218: {  	v25 =	vshll.u32 v25, v1;
	v54 =	vmov s13;
	v61 =	vld [tilespmem:s28+$0xFFFFFFE0];
	v7 =	vshrl.u32 v60, $0x3;
	[tilespmem:v6+s22+$0x0] =	vst.idx.msk $0xffff, v23  }
0x219: {  	v55 =	vbroadcast v25, $0x0;
	v36 =	vld [tilespmem:s26+$0xFFFFFE70];
	v7 =	vshll.u32 v7, v1;
	v6 =	vadd.s32 v14, v35;
	[tilespmem:v44+s22+$0x0] =	vst.idx.msk $0xffff, v53  }
0x21a: {  	v26 =	vshrl.u32 v63, $0x3;
	v57 =	vbroadcast v7, $0x0;
	[tilespmem:v10+s22+$0x0] =	vst.idx.msk $0xffff, v27;
	v56 =	vld [tilespmem:s26+$0x180];
	v6 =	vor.u32 $0x6, v6  }
0x21b: {  	v25 =	vor.u32 $0x2, v21;
	v7 =	vadd.s32 v14, v55;
	v23 =	vshll.u32 v26, v1;
	v44 =	vld [tilespmem:s26+$0x70];
	[tilespmem:v9+s22+$0x0] =	vst.idx.msk $0xffff, v58  }
0x21c: {  	s14 =	simm.s32 $0x24;
	v26 =	vor.u32 $0x6, v22;
	v22 =	vor.u32 $0x3, v7;
	v19 =	vadd.s32 v14, v57;
	[tilespmem:v28+s22+$0x0] =	vst.idx.msk $0xffff, v8  }
0x21d: {  	s15 =	sand.u32 $0x70, s14;
	v41 =	vbroadcast v23, $0x0;
	v62 =	vadd.s32 v17, v57;
	v50 =	vadd.s32 v18, v57;
	[tilespmem:v12+s22+$0x0] =	vst.idx.msk $0xffff, v61;
	v59 =	vld [tilespmem:s26+$0xFFFFFF80]  }
0x21e: {  	v63 =	vld [tilespmem:s28+$0xFFFFFEE0];
	v12 =	vshrl.u32 v54, $0x3;
	v58 =	vmov s15;
	v8 =	vadd.s32 v15, v55;
	[tilespmem:v34+s22+$0x0] =	vst.idx.msk $0xffff, v36  }
0x21f: {  	s17 =	simm.s32 $0x20;
	v23 =	vor.u32 $0x7, v19;
	v19 =	vadd.s32 v15, v57;
	v36 =	vld [tilespmem:s26+$0xFFFFFE80];
	[tilespmem:v6+s22+$0x0] =	vst.idx.msk $0xffff, v56;
	v6 =	vadd.s32 v15, v35  }
0x220: {  	s30 =	sand.u32 $0x70, s17;
	v9 =	vor.u32 $0x7, v62;
	v12 =	vshll.u32 v12, v1;
	[tilespmem:v40+s22+$0x0] =	vst.idx.msk $0xffff, v44;
	v10 =	vld [tilespmem:s26+$0x190];
	v60 =	vor.u32 $0x6, v6  }
0x221: {  	v62 =	vmov s30;
	v7 =	vadd.s32 v14, v41;
	v28 =	vor.u32 $0x3, v8;
	v40 =	vld [tilespmem:s26+$0x80]  }
0x222: {  	v57 =	vld [tilespmem:s28+$0xE0];
	v21 =	vor.u32 $0x3, v7;
	v7 =	vadd.s32 v15, v41;
	v6 =	vadd.s32 v17, v55;
	[tilespmem:v45+s22+$0x0] =	vst.idx.msk $0xffff, v59  }
0x223: {  	v27 =	vor.u32 $0x3, v7;
	[tilespmem:v11+s22+$0x0] =	vst.idx.msk $0xffff, v63;
	v8 =	vor.u32 $0x3, v6;
	v6 =	vadd.s32 v17, v41;
	v51 =	vld [tilespmem:s26+$0xFFFFFF90]  }
0x224: {  	v11 =	vld [tilespmem:s28+$0xFFFFFFF0];
	v7 =	vor.u32 $0x3, v6;
	v6 =	vadd.s32 v18, v55;
	[tilespmem:v48+s22+$0x0] =	vst.idx.msk $0xffff, v36;
	v48 =	vshrl.u32 v62, $0x3  }
0x225: {  	s25 =	simm.s32 $0x28;
	v37 =	vbroadcast v12, $0x0;
	v55 =	vadd.s32 v17, v35;
	v53 =	vld [tilespmem:s26+$0xFFFFFE90];
	v36 =	vshll.u32 v48, v1;
	[tilespmem:v60+s22+$0x0] =	vst.idx.msk $0xffff, v10  }
0x226: {  	s31 =	sand.u32 $0x78, s25;
	v12 =	vadd.s32 v0, v38;
	v42 =	vor.u32 $0x6, v55;
	v36 =	vbroadcast v36, $0x0;
	[tilespmem:v49+s22+$0x0] =	vst.idx.msk $0xffff, v40;
	v56 =	vld [tilespmem:s26+$0x1A0]  }
0x227: {  	s29 =	simm.s32 $0xAE00;
	v63 =	vmov s31;
	[tilespmem:v13+s22+$0x0] =	vst.idx.msk $0xffff, v57;
	v59 =	vadd.s32 v18, v41;
	v60 =	vshrl.u32 v58, $0x3;
	v61 =	vld [tilespmem:s26+$0x90]  }
0x228: {  	v54 =	vshrl.u32 v63, $0x3;
	v57 =	vld [tilespmem:s29+$0xFFFFFE00];
	v49 =	vshll.u32 v60, v1;
	v58 =	vadd.s32 v12, v36;
	[tilespmem:v39+s22+$0x0] =	vst.idx.msk $0xffff, v51  }
0x229: {  	s5 =	simm.s32 $0x1F;
	[tilespmem:v20+s22+$0x0] =	vst.idx.msk $0xffff, v11;
	v10 =	vor.u32 $0x7, v50;
	v51 =	vadd.s32 v12, v37;
	v39 =	vbroadcast v49, $0x0;
	v50 =	vld [tilespmem:s26+$0xFFFFFFA0]  }
0x22a: {  	v52 =	vld [tilespmem:s29+$0x100];
	s0 =	sand.u32 $0x78, s5;
	[tilespmem:v33+s22+$0x0] =	vst.idx.msk $0xffff, v53;
	v41 =	vor.u32 $0x4, v51;
	v53 =	vadd.s32 v18, v35;
	v35 =	vshll.u32 v54, v1  }
0x22b: {  	v13 =	vmov s0;
	v55 =	vld [tilespmem:s26+$0xFFFFFEA0];
	v11 =	vadd.s32 v12, v39;
	v35 =	vbroadcast v35, $0x0;
	[tilespmem:v42+s22+$0x0] =	vst.idx.msk $0xffff, v56  }
0x22c: {  	v13 =	vshrl.u32 v13, $0x3;
	v45 =	vld [tilespmem:s29+$0xFFFFFF00];
	[tilespmem:v31+s22+$0x0] =	vst.idx.msk $0xffff, v61;
	v56 =	vor.u32 $0x4, v11  }
0x22d: {  	v16 =	vor.u32 $0x3, v16;
	v62 =	vld [tilespmem:s29+$0x0];
	v20 =	vshll.u32 v13, v1;
	v63 =	vadd.s32 v12, v35;
	[tilespmem:v58+s22+$0x0] =	vst.idx.msk $0xffff, v57  }
0x22e: {  	v13 =	vadd.s32 v2, v38;
	v20 =	vbroadcast v20, $0x0;
	v34 =	vor.u32 $0x6, v53;
	v42 =	vld [tilespmem:s26+$0x1B0];
	[tilespmem:v32+s22+$0x0] =	vst.idx.msk $0xffff, v50  }
0x22f: {  	v29 =	vor.u32 $0x2, v29;
	v19 =	vor.u32 $0x7, v19;
	v48 =	vadd.s32 v13, v36;
	v31 =	vld [tilespmem:s28+$0xFFFFFEF0];
	[tilespmem:v41+s22+$0x0] =	vst.idx.msk $0xffff, v52  }
0x230: {  	v14 =	vadd.s32 v14, v20;
	v11 =	vor.u32 $0x3, v59;
	v59 =	vadd.s32 v13, v37;
	v40 =	vld [tilespmem:s29+$0xFFFFFE10];
	[tilespmem:v30+s22+$0x0] =	vst.idx.msk $0xffff, v55  }
0x231: {  	s7 =	simm.s32 $0x21;
	v61 =	vor.u32 $0x7, v14;
	v14 =	vadd.s32 v13, v39;
	v41 =	vor.u32 $0x4, v59;
	v43 =	vld [tilespmem:s29+$0x110];
	[tilespmem:v56+s22+$0x0] =	vst.idx.msk $0xffff, v45  }
0x232: {  	s9 =	simm.s32 $0x29;
	s0 =	sand.u32 $0x70, s7;
	v6 =	vor.u32 $0x3, v6;
	v15 =	vadd.s32 v15, v20;
	v50 =	vor.u32 $0x4, v14;
	[tilespmem:v63+s22+$0x0] =	vst.idx.msk $0xffff, v62;
	v57 =	vld [tilespmem:s29+$0xFFFFFF10]  }
0x233: {  	s8 =	simm.s32 $0x25;
	s10 =	sand.u32 $0x78, s9;
	v60 =	vmov s0;
	v17 =	vadd.s32 v17, v20;
	v51 =	vadd.s32 v13, v35;
	[tilespmem:v34+s22+$0x0] =	vst.idx.msk $0xffff, v42;
	v53 =	vld [tilespmem:s29+$0x10]  }
0x234: {  	s1 =	sand.u32 $0x70, s8;
	v17 =	vor.u32 $0x7, v17;
	v52 =	vmov s10;
	v14 =	vadd.s32 v3, v38;
	[tilespmem:v16+s22+$0x0] =	vst.idx.msk $0xffff, v31;
	v42 =	vld [tilespmem:s26+$0x1C0]  }
0x235: {  	v49 =	vld [tilespmem:s26+$0xA0];
	v30 =	vmov s1;
	v58 =	vshrl.u32 v52, $0x3;
	v59 =	vadd.s32 v14, v37;
	[tilespmem:v48+s22+$0x0] =	vst.idx.msk $0xffff, v40  }
0x236: {  	v52 =	vadd.s32 v14, v35;
	v56 =	vshrl.u32 v60, $0x3;
	v63 =	vadd.s32 v14, v36;
	v48 =	vld [tilespmem:s29+$0xFFFFFE20];
	[tilespmem:v41+s22+$0x0] =	vst.idx.msk $0xffff, v43  }
0x237: {  	v60 =	vadd.s32 v14, v39;
	v32 =	vshll.u32 v56, v1;
	v41 =	vor.u32 $0x4, v59;
	v43 =	vld [tilespmem:s29+$0x120];
	[tilespmem:v50+s22+$0x0] =	vst.idx.msk $0xffff, v57  }
0x238: {  	s14 =	simm.s32 $0x26;
	v30 =	vshrl.u32 v30, $0x3;
	v44 =	vor.u32 $0x4, v60;
	v32 =	vbroadcast v32, $0x0;
	[tilespmem:v51+s22+$0x0] =	vst.idx.msk $0xffff, v53;
	v55 =	vld [tilespmem:s29+$0xFFFFFF20]  }
0x239: {  	s11 =	simm.s32 $0x22;
	s1 =	sand.u32 $0x70, s14;
	v62 =	vor.u32 $0x7, v15;
	v30 =	vshll.u32 v30, v1;
	v34 =	vshll.u32 v58, v1;
	[tilespmem:v61+s22+$0x0] =	vst.idx.msk $0xffff, v42;
	v58 =	vld [tilespmem:s29+$0x20]  }
0x23a: {  	s13 =	simm.s32 $0x2D;
	s0 =	sand.u32 $0x70, s11;
	v45 =	vmov s1;
	[tilespmem:v29+s22+$0x0] =	vst.idx.msk $0xffff, v49;
	v34 =	vbroadcast v34, $0x0;
	v15 =	vadd.s32 v12, v32;
	v61 =	vld [tilespmem:s26+$0x1D0]  }
0x23b: {  	v54 =	vld [tilespmem:s26+$0xFFFFFFB0];
	v33 =	vor.u32 $0x1, v15;
	v15 =	vadd.s32 v4, v38;
	v42 =	vmov s0;
	s0 =	sand.u32 $0x78, s13;
	[tilespmem:v63+s22+$0x0] =	vst.idx.msk $0xffff, v48  }
0x23c: {  	v37 =	vadd.s32 v15, v37;
	v36 =	vadd.s32 v15, v36;
	v57 =	vmov s0;
	v63 =	vld [tilespmem:s29+$0xFFFFFE30];
	[tilespmem:v41+s22+$0x0] =	vst.idx.msk $0xffff, v43  }
0x23d: {  	v56 =	vadd.s32 v13, v32;
	v37 =	vor.u32 $0x4, v37;
	v43 =	vshrl.u32 v57, $0x3;
	v41 =	vld [tilespmem:s29+$0x130];
	[tilespmem:v44+s22+$0x0] =	vst.idx.msk $0xffff, v55  }
0x23e: {  	v30 =	vbroadcast v30, $0x0;
	v16 =	vadd.s32 v15, v39;
	v59 =	vshll.u32 v43, v1;
	v43 =	vld [tilespmem:s26+$0xFFFFFEB0];
	[tilespmem:v52+s22+$0x0] =	vst.idx.msk $0xffff, v58  }
0x23f: {  	s25 =	simm.s32 $0x27;
	s30 =	simm.s32 $0x2B;
	v29 =	vadd.s32 v14, v34;
	v31 =	vor.u32 $0x1, v56;
	v60 =	vor.u32 $0x4, v16;
	[tilespmem:v62+s22+$0x0] =	vst.idx.msk $0xffff, v61;
	v62 =	vld [tilespmem:s29+$0xFFFFFF30]  }
0x240: {  	s5 =	sand.u32 $0x78, s30;
	s1 =	sand.u32 $0x70, s25;
	[tilespmem:v26+s22+$0x0] =	vst.idx.msk $0xffff, v54;
	v40 =	vor.u32 $0x1, v29;
	v35 =	vadd.s32 v15, v35;
	v38 =	vbroadcast v59, $0x0;
	v52 =	vld [tilespmem:s29+$0x30]  }
0x241: {  	v51 =	vmov s1;
	v53 =	vmov s5;
	v16 =	vadd.s32 v12, v30;
	[tilespmem:v36+s22+$0x0] =	vst.idx.msk $0xffff, v63;
	v46 =	vld [tilespmem:s26+$0x1E0]  }
0x242: {  	v48 =	vor.u32 $0x5, v16;
	v16 =	vadd.s32 v13, v30;
	v56 =	vadd.s32 v12, v38;
	v59 =	vld [tilespmem:s29+$0xFFFFFE40];
	[tilespmem:v37+s22+$0x0] =	vst.idx.msk $0xffff, v41  }
0x243: {  	v57 =	vadd.s32 v14, v32;
	v32 =	vadd.s32 v15, v32;
	v37 =	vor.u32 $0x5, v56;
	[tilespmem:v24+s22+$0x0] =	vst.idx.msk $0xffff, v43;
	v41 =	vld [tilespmem:s29+$0x140]  }
0x244: {  	v58 =	vadd.s32 v14, v30;
	v30 =	vadd.s32 v15, v30;
	[tilespmem:v60+s22+$0x0] =	vst.idx.msk $0xffff, v62;
	v60 =	vshrl.u32 v42, $0x3;
	v42 =	vld [tilespmem:s26+$0xFFFFFEC0]  }
0x245: {  	v61 =	vadd.s32 v12, v34;
	v49 =	vor.u32 $0x5, v58;
	v50 =	vor.u32 $0x5, v30;
	[tilespmem:v35+s22+$0x0] =	vst.idx.msk $0xffff, v52;
	v29 =	vld [tilespmem:s29+$0xFFFFFF40]  }
0x246: {  	v30 =	vadd.s32 v15, v34;
	v44 =	vor.u32 $0x1, v61;
	[tilespmem:v17+s22+$0x0] =	vst.idx.msk $0xffff, v46;
	v17 =	vadd.s32 v18, v20;
	v62 =	vld [tilespmem:s29+$0x40]  }
0x247: {  	v18 =	vor.u32 $0x5, v16;
	v16 =	vadd.s32 v13, v34;
	[tilespmem:v33+s22+$0x0] =	vst.idx.msk $0xffff, v59;
	v20 =	vld [tilespmem:s26+$0x1F0];
	v17 =	vor.u32 $0x7, v17  }
0x248: {  	v34 =	vshll.u32 v60, v1;
	v58 =	vld [tilespmem:s29+$0xFFFFFE50];
	[tilespmem:v37+s22+$0x0] =	vst.idx.msk $0xffff, v41;
	v41 =	vor.u32 $0x1, v30;
	v30 =	vadd.s32 v13, v38  }
0x249: {  	v24 =	vadd.s32 v14, v38;
	v26 =	vbroadcast v34, $0x0;
	v61 =	vld [tilespmem:s29+$0x150];
	v30 =	vor.u32 $0x5, v30;
	[tilespmem:v22+s22+$0x0] =	vst.idx.msk $0xffff, v42  }
0x24a: {  	v47 =	vor.u32 $0x1, v32;
	v24 =	vor.u32 $0x5, v24;
	v46 =	vor.u32 $0x1, v57;
	v37 =	vld [tilespmem:s26+$0xB0];
	[tilespmem:v48+s22+$0x0] =	vst.idx.msk $0xffff, v29  }
0x24b: {  	v39 =	vor.u32 $0x1, v16;
	v36 =	vadd.s32 v12, v26;
	v59 =	vadd.s32 v13, v26;
	v48 =	vld [tilespmem:s26+$0xFFFFFFC0];
	[tilespmem:v44+s22+$0x0] =	vst.idx.msk $0xffff, v62  }
0x24c: {  	s15 =	simm.s32 $0x2A;
	v55 =	vadd.s32 v15, v26;
	v35 =	vor.u32 $0x2, v36;
	v22 =	vshrl.u32 v51, $0x3;
	[tilespmem:v17+s22+$0x0] =	vst.idx.msk $0xffff, v20;
	v63 =	vld [tilespmem:s29+$0xFFFFFF50]  }
0x24d: {  	s17 =	simm.s32 $0x23;
	s0 =	sand.u32 $0x78, s15;
	v32 =	vor.u32 $0x2, v59;
	v42 =	vld [tilespmem:s26+$0xFFFFFED0];
	v22 =	vshll.u32 v22, v1;
	v20 =	vshrl.u32 v45, $0x3;
	[tilespmem:v31+s22+$0x0] =	vst.idx.msk $0xffff, v58  }
0x24e: {  	v17 =	vmov s0;
	s0 =	sand.u32 $0x70, s17;
	v56 =	vbroadcast v22, $0x0;
	v20 =	vshll.u32 v20, v1;
	[tilespmem:v30+s22+$0x0] =	vst.idx.msk $0xffff, v61  }
0x24f: {  	v17 =	vshrl.u32 v17, $0x3;
	v29 =	vmov s0;
	[tilespmem:v25+s22+$0x0] =	vst.idx.msk $0xffff, v37;
	v20 =	vbroadcast v20, $0x0;
	v60 =	vld [tilespmem:s29+$0x160]  }
0x250: {  	v45 =	vld [tilespmem:s29+$0x50];
	v25 =	vadd.s32 v14, v26;
	v17 =	vshll.u32 v17, v1;
	v62 =	vshrl.u32 v29, $0x3;
	[tilespmem:v23+s22+$0x0] =	vst.idx.msk $0xffff, v48  }
0x251: {  	v54 =	vld [tilespmem:s29+$0xFFFFFE60];
	v29 =	vor.u32 $0x2, v25;
	v17 =	vbroadcast v17, $0x0;
	v57 =	vadd.s32 v12, v20;
	[tilespmem:v18+s22+$0x0] =	vst.idx.msk $0xffff, v63  }
0x252: {  	v44 =	vadd.s32 v15, v56;
	v23 =	vadd.s32 v15, v20;
	[tilespmem:v28+s22+$0x0] =	vst.idx.msk $0xffff, v42;
	v36 =	vor.u32 $0x6, v57;
	v52 =	vld [tilespmem:s29+$0xFFFFFF60]  }
0x253: {  	s31 =	simm.s32 $0x2E;
	v30 =	vadd.s32 v12, v17;
	v18 =	vld [tilespmem:s26+$0xC0];
	v63 =	vadd.s32 v14, v20;
	v25 =	vadd.s32 v14, v17  }
0x254: {  	s0 =	sand.u32 $0x78, s31;
	v43 =	vld [tilespmem:s26+$0xFFFFFFD0];
	v34 =	vor.u32 $0x2, v30;
	v30 =	vadd.s32 v13, v20;
	v20 =	vadd.s32 v15, v38;
	[tilespmem:v24+s22+$0x0] =	vst.idx.msk $0xffff, v60  }
0x255: {  	[tilespmem:v39+s22+$0x0] =	vst.idx.msk $0xffff, v45;
	v26 =	vor.u32 $0x2, v25;
	v57 =	vor.u32 $0x5, v20;
	v24 =	vmov s0;
	v25 =	vld [tilespmem:s29+$0x170]  }
0x256: {  	v61 =	vadd.s32 v13, v17;
	v17 =	vadd.s32 v15, v17;
	v58 =	vld [tilespmem:s29+$0x60];
	[tilespmem:v46+s22+$0x0] =	vst.idx.msk $0xffff, v54;
	v59 =	vshrl.u32 v24, $0x3  }
0x257: {  	v31 =	vor.u32 $0x6, v63;
	v63 =	vld [tilespmem:s29+$0xFFFFFE70];
	v24 =	vor.u32 $0x6, v23;
	v23 =	vshll.u32 v59, v1;
	[tilespmem:v49+s22+$0x0] =	vst.idx.msk $0xffff, v52  }
0x258: {  	v33 =	vor.u32 $0x6, v30;
	v60 =	vshll.u32 v62, v1;
	[tilespmem:v21+s22+$0x0] =	vst.idx.msk $0xffff, v18;
	v37 =	vbroadcast v23, $0x0;
	v62 =	vld [tilespmem:s29+$0xFFFFFF70]  }
0x259: {  	v16 =	vld [tilespmem:s28+$0xF0];
	v30 =	vor.u32 $0x2, v61;
	v20 =	vor.u32 $0x2, v55;
	v61 =	vshrl.u32 v53, $0x3;
	[tilespmem:v19+s22+$0x0] =	vst.idx.msk $0xffff, v43  }
0x25a: {  	v42 =	vld [tilespmem:s26+$0xFFFFFEE0];
	v23 =	vshll.u32 v61, v1;
	v49 =	vbroadcast v60, $0x0;
	v18 =	vadd.s32 v12, v37;
	[tilespmem:v57+s22+$0x0] =	vst.idx.msk $0xffff, v25  }
0x25b: {  	v19 =	vadd.s32 v13, v56;
	[tilespmem:v40+s22+$0x0] =	vst.idx.msk $0xffff, v58;
	v38 =	vbroadcast v23, $0x0;
	v59 =	vor.u32 $0x6, v18;
	v58 =	vld [tilespmem:s29+$0x180]  }
0x25c: {  	v23 =	vor.u32 $0x2, v17;
	v60 =	vld [tilespmem:s29+$0x70];
	[tilespmem:v47+s22+$0x0] =	vst.idx.msk $0xffff, v63;
	v17 =	vadd.s32 v12, v49;
	v61 =	vadd.s32 v14, v49  }
0x25d: {  	v19 =	vor.u32 $0x7, v19;
	v63 =	vadd.s32 v13, v37;
	v57 =	vld [tilespmem:s26+$0xD0];
	v18 =	vadd.s32 v12, v56;
	[tilespmem:v50+s22+$0x0] =	vst.idx.msk $0xffff, v62  }
0x25e: {  	v22 =	vor.u32 $0x3, v17;
	v17 =	vadd.s32 v12, v38;
	v39 =	vor.u32 $0x3, v61;
	v46 =	vld [tilespmem:s29+$0xFFFFFF80]  }
0x25f: {  	v45 =	vld [tilespmem:s29+$0xFFFFFE80];
	v28 =	vadd.s32 v14, v38;
	v48 =	vor.u32 $0x6, v63;
	v25 =	vor.u32 $0x7, v18  }
0x260: {  	v40 =	vld [tilespmem:s26+$0xFFFFFFE0];
	v18 =	vadd.s32 v13, v49;
	v21 =	vor.u32 $0x3, v17;
	v17 =	vadd.s32 v13, v38;
	[tilespmem:v59+s22+$0x0] =	vst.idx.msk $0xffff, v58  }
0x261: {  	s10 =	simm.s32 $0x2F;
	v28 =	vor.u32 $0x3, v28;
	v18 =	vor.u32 $0x3, v18;
	v62 =	vadd.s32 v14, v56;
	[tilespmem:v41+s22+$0x0] =	vst.idx.msk $0xffff, v60;
	v47 =	vld [tilespmem:s29+$0x190]  }
0x262: {  	s1 =	simm.s32 $0x2F;
	s28 =	simm.s32 $0x8;
	s0 =	simm.s32 $0xAE00;
	v17 =	vor.u32 $0x3, v17;
	v41 =	vadd.s32 v15, v49;
	v43 =	vor.u32 $0x7, v62;
	v49 =	vld [tilespmem:s29+$0x80];
	[tilespmem:v27+s22+$0x0] =	vst.idx.msk $0xffff, v57  }
.LBB2_8:
0x263: {  	s28 =	sadd.s32 $0x4, s28;
	v27 =	vor.u32 $0x3, v41;
	[tilespmem:v36+s22+$0x0] =	vst.idx.msk $0xffff, v46;
	v41 =	vor.u32 $0x7, v44;
	v36 =	vadd.s32 v15, v38;
	s1 =	sadd.s32 $0x10, s1;
	v38 =	vld [tilespmem:s26+$0xE0]  }
0x264: {  	s5 =	sshrl.u32 s28, $0x5;
	s7 =	sadd.s32 $0xFFFFFFF5, s1;
	s8 =	sadd.s32 $0xFFFFFFFD, s1;
	[tilespmem:v35+s22+$0x0] =	vst.idx.msk $0xffff, v45;
	v44 =	vld [tilespmem:s29+$0xFFFFFF90];
	v36 =	vor.u32 $0x3, v36  }
0x265: {  	s9 =	sadd.s32 $0xFFFFFFF1, s1;
	v35 =	vmov s5;
	s5 =	sand.u32 $0x70, s7;
	s7 =	sand.u32 $0x78, s8;
	v45 =	vld [tilespmem:s29+$0xFFFFFE90];
	[tilespmem:v9+s22+$0x0] =	vst.idx.msk $0xffff, v40;
	v9 =	vmov v43  }
0x266: {  	s11 =	sadd.s32 $0xFFFFFFF9, s1;
	s9 =	sand.u32 $0x70, s9;
	s8 =	sadd.s32 $0xFFFFFFF2, s1;
	v43 =	vadd.s32 v14, v37;
	v35 =	vmul.u32 $0x2200, v35;
	v40 =	vmov s7;
	[tilespmem:v48+s22+$0x0] =	vst.idx.msk $0xffff, v47;
	v46 =	vld [tilespmem:s26+$0xFFFFFFF0]  }
0x267: {  	s13 =	sadd.s32 $0xFFFFFFFA, s1;
	s11 =	sand.u32 $0x78, s11;
	v47 =	vmov s5;
	s5 =	sadd.s32 $0xFFFFFFF6, s1;
	v43 =	vor.u32 $0x6, v43;
	v40 =	vshrl.u32 v40, $0x3;
	[tilespmem:v34+s22+$0x0] =	vst.idx.msk $0xffff, v49;
	v48 =	vld [tilespmem:s29+$0x1A0]  }
0x268: {  	s25 =	sand.u32 $0x78, s13;
	s8 =	sand.u32 $0x70, s8;
	v47 =	vshrl.u32 v47, $0x3;
	s7 =	sand.u32 $0x70, s5;
	v34 =	vbroadcast v35, $0x0;
	v35 =	vshll.u32 v40, v1;
	v40 =	vld [tilespmem:s29+$0x90];
	[tilespmem:v8+s22+$0x0] =	vst.idx.msk $0xffff, v42;
	v8 =	vmovc v39  }
0x269: {  	s13 =	sadd.s32 $0xFFFFFFFB, s1;
	s5 =	sadd.s32 $0xFFFFFFF3, s1;
	v39 =	vmov s9;
	s9 =	sadd.s32 $0xFFFFFFF7, s1;
	v42 =	vmov s11;
	v35 =	vbroadcast v35, $0x0;
	[tilespmem:v33+s22+$0x0] =	vst.idx.msk $0xffff, v44;
	v33 =	vld [tilespmem:s26+$0xFFFFFEF0]  }
0x26a: {  	s17 =	sand.u32 $0x70, s5;
	v47 =	vshll.u32 v47, v1;
	s5 =	sand.u32 $0x78, s13;
	v39 =	vshrl.u32 v39, $0x3;
	s11 =	sand.u32 $0x70, s9;
	v44 =	vadd.s32 v0, v34;
	[tilespmem:v32+s22+$0x0] =	vst.idx.msk $0xffff, v45;
	v32 =	vld [tilespmem:s29+$0xFFFFFFA0]  }
0x26b: {  	s13 =	sadd.s32 $0xFFFFFFF8, s1;
	s9 =	sadd.s32 $0xFFFFFFF4, s1;
	v42 =	vshrl.u32 v42, $0x3;
	v45 =	vbroadcast v47, $0x0;
	s29 =	sadd.s32 $0x400, s29;
	v47 =	vadd.s32 v44, v35;
	v49 =	vld [tilespmem:s0+$0xFFFFFEA0];
	[tilespmem:v7+s22+$0x0] =	vst.idx.msk $0xffff, v38;
	v7 =	vmovc v28  }
0x26c: {  	s10 =	sand.u32 $0x78, s10;
	s14 =	sadd.s32 $0xFFFFFFFC, s1;
	v37 =	vadd.s32 v15, v37;
	s15 =	sand.u32 $0x70, s9;
	v28 =	vshll.u32 v39, v1;
	v38 =	vld [tilespmem:s29+$0x100];
	v39 =	vor.u32 $0x4, v47;
	[tilespmem:v43+s22+$0x0] =	vst.idx.msk $0xffff, v48  }
0x26d: {  	p0 =	slt.u32 s28, $0x3C;
	s30 =	sand.u32 $0x78, s14;
	v37 =	vor.u32 $0x6, v37;
	s9 =	sand.u32 $0x70, s13;
	v42 =	vshll.u32 v42, v1;
	[tilespmem:v30+s22+$0x0] =	vst.idx.msk $0xffff, v40;
	v30 =	vld [tilespmem:s0+$0x1B0];
	v40 =	vmov s10  }
0x26e: {  	v42 =	vbroadcast v42, $0x0;
	v47 =	vbroadcast v28, $0x0;
	s10 =	smov.u32 s1;
	v43 =	vld [tilespmem:s29+$0xFFFFFE00];
	v28 =	vshrl.u32 v40, $0x3;
	[tilespmem:v10+s22+$0x0] =	vst.idx.msk $0xffff, v46;
	v10 =	vmovc v41  }
0x26f: {  	v40 =	vmov s8;
	v46 =	vadd.s32 v44, v45;
	v41 =	vld [tilespmem:s29+$0xFFFFFF00];
	[tilespmem:v31+s22+$0x0] =	vst.idx.msk $0xffff, v32;
	v28 =	vshll.u32 v28, v1  }
0x270: {  	v31 =	vadd.s32 v2, v34;
	v32 =	vor.u32 $0x4, v46;
	v46 =	vld [tilespmem:s29+$0x0];
	[tilespmem:v29+s22+$0x0] =	vst.idx.msk $0xffff, v49;
	v48 =	vbroadcast v28, $0x0  }
0x271: {  	v50 =	vmov s7;
	v49 =	vadd.s32 v44, v47;
	v29 =	vadd.s32 v31, v35;
	[tilespmem:v39+s22+$0x0] =	vst.idx.msk $0xffff, v38;
	v28 =	vld [tilespmem:s0+$0xA0]  }
0x272: {  	v38 =	vadd.s32 v44, v42;
	v51 =	vor.u32 $0x4, v29;
	v39 =	vld [tilespmem:s29+$0x110];
	[tilespmem:v37+s22+$0x0] =	vst.idx.msk $0xffff, v30;
	v12 =	vadd.s32 v12, v48  }
0x273: {  	v29 =	vadd.s32 v31, v45;
	v30 =	vadd.s32 v31, v47;
	v37 =	vld [tilespmem:s0+$0x1C0];
	v52 =	vor.u32 $0x7, v12;
	[tilespmem:v6+s22+$0x0] =	vst.idx.msk $0xffff, v33  }
0x274: {  	v54 =	vmov s25;
	v53 =	vadd.s32 v31, v42;
	v33 =	vor.u32 $0x4, v29;
	v6 =	vmovc v27;
	v29 =	vld [tilespmem:s0+$0xFFFFFFB0];
	[tilespmem:v5+s22+$0x0] =	vst.idx.msk $0xffff, v16;
	v5 =	vmovc v11  }
0x275: {  	v16 =	vshrl.u32 v40, $0x3;
	v40 =	vshrl.u32 v54, $0x3;
	v11 =	vmovc v36;
	[tilespmem:v32+s22+$0x0] =	vst.idx.msk $0xffff, v41;
	v32 =	vshrl.u32 v50, $0x3;
	v27 =	vld [tilespmem:s0+$0xFFFFFEB0];
	v12 =	vmovc v44  }
0x276: {  	v36 =	vadd.s32 v3, v34;
	v16 =	vshll.u32 v16, v1;
	[tilespmem:v49+s22+$0x0] =	vst.idx.msk $0xffff, v43;
	v43 =	vmov s17;
	v41 =	vld [tilespmem:s29+$0xFFFFFF10]  }
0x277: {  	v49 =	vbroadcast v16, $0x0;
	v16 =	vadd.s32 v36, v45;
	v44 =	vld [tilespmem:s29+$0xFFFFFE10];
	[tilespmem:v51+s22+$0x0] =	vst.idx.msk $0xffff, v39;
	v39 =	vadd.s32 v36, v35  }
0x278: {  	v50 =	vor.u32 $0x4, v16;
	v16 =	vadd.s32 v13, v48;
	v13 =	vmovc v31;
	v51 =	vld [tilespmem:s29+$0x120];
	v39 =	vor.u32 $0x4, v39;
	[tilespmem:v52+s22+$0x0] =	vst.idx.msk $0xffff, v37  }
0x279: {  	v37 =	vadd.s32 v36, v47;
	v52 =	vor.u32 $0x7, v16;
	[tilespmem:v38+s22+$0x0] =	vst.idx.msk $0xffff, v46;
	v38 =	vadd.s32 v36, v42;
	v46 =	vld [tilespmem:s0+$0x1D0]  }
0x27a: {  	v40 =	vshll.u32 v40, v1;
	v31 =	vshll.u32 v32, v1;
	v16 =	vadd.s32 v12, v49;
	v32 =	vld [tilespmem:s29+$0x10]  }
0x27b: {  	v55 =	vbroadcast v40, $0x0;
	v54 =	vor.u32 $0x1, v16;
	[tilespmem:v33+s22+$0x0] =	vst.idx.msk $0xffff, v41;
	v33 =	vbroadcast v31, $0x0;
	v16 =	vld [tilespmem:s26+$0xF0];
	s26 =	smov.u32 s0;
	s0 =	smov.u32 s29  }
0x27c: {  	s7 =	sadd.s32 $0xFFFFFFFE, s1;
	v31 =	vadd.s32 v13, v49;
	[tilespmem:v30+s22+$0x0] =	vst.idx.msk $0xffff, v44;
	v30 =	vadd.s32 v4, v34;
	v34 =	vld [tilespmem:s29+$0xFFFFFF20];
	v44 =	vmov s11  }
0x27d: {  	s7 =	sand.u32 $0x78, s7;
	v31 =	vor.u32 $0x1, v31;
	v40 =	vld [tilespmem:s29+$0xFFFFFE20];
	v41 =	vadd.s32 v30, v45;
	[tilespmem:v39+s22+$0x0] =	vst.idx.msk $0xffff, v51;
	v35 =	vadd.s32 v30, v35  }
0x27e: {  	v45 =	vmov s7;
	v39 =	vld [tilespmem:s29+$0x130];
	v35 =	vor.u32 $0x4, v35;
	[tilespmem:v52+s22+$0x0] =	vst.idx.msk $0xffff, v46;
	v46 =	vadd.s32 v14, v48;
	v14 =	vmovc v36  }
0x27f: {  	v36 =	vor.u32 $0x4, v41;
	[tilespmem:v53+s22+$0x0] =	vst.idx.msk $0xffff, v32;
	v32 =	vshrl.u32 v45, $0x3;
	v41 =	vld [tilespmem:s26+$0x1E0];
	v45 =	vor.u32 $0x7, v46  }
0x280: {  	v42 =	vadd.s32 v30, v42;
	v46 =	vadd.s32 v30, v47;
	v47 =	vld [tilespmem:s29+$0x20];
	v32 =	vshll.u32 v32, v1  }
0x281: {  	[tilespmem:v50+s22+$0x0] =	vst.idx.msk $0xffff, v34;
	v34 =	vadd.s32 v12, v33;
	v50 =	vadd.s32 v12, v55;
	v51 =	vbroadcast v32, $0x0  }
0x282: {  	[tilespmem:v37+s22+$0x0] =	vst.idx.msk $0xffff, v40;
	v32 =	vld [tilespmem:s29+$0xFFFFFF30];
	v34 =	vor.u32 $0x5, v34;
	v37 =	vadd.s32 v13, v33;
	v50 =	vor.u32 $0x1, v50  }
0x283: {  	v52 =	vadd.s32 v13, v55;
	v40 =	vld [tilespmem:s29+$0xFFFFFE30];
	v37 =	vor.u32 $0x5, v37;
	[tilespmem:v35+s22+$0x0] =	vst.idx.msk $0xffff, v39;
	v35 =	vadd.s32 v12, v51  }
0x284: {  	v52 =	vor.u32 $0x1, v52;
	v39 =	vadd.s32 v15, v48;
	v15 =	vmovc v30;
	v53 =	vld [tilespmem:s29+$0x140];
	v35 =	vor.u32 $0x5, v35;
	[tilespmem:v45+s22+$0x0] =	vst.idx.msk $0xffff, v41  }
0x285: {  	v30 =	vadd.s32 v14, v49;
	v41 =	vadd.s32 v14, v33;
	v45 =	vor.u32 $0x7, v39;
	[tilespmem:v38+s22+$0x0] =	vst.idx.msk $0xffff, v47;
	v38 =	vld [tilespmem:s26+$0x1F0]  }
0x286: {  	v39 =	vadd.s32 v14, v55;
	v47 =	vor.u32 $0x1, v30;
	v48 =	vor.u32 $0x5, v41;
	v30 =	vld [tilespmem:s29+$0x30];
	[tilespmem:v26+s22+$0x0] =	vst.idx.msk $0xffff, v28  }
0x287: {  	v41 =	vor.u32 $0x1, v39;
	v26 =	vadd.s32 v15, v49;
	v28 =	vadd.s32 v15, v33;
	[tilespmem:v36+s22+$0x0] =	vst.idx.msk $0xffff, v32;
	v49 =	vld [tilespmem:s26+$0xB0]  }
0x288: {  	v39 =	vor.u32 $0x1, v26;
	[tilespmem:v46+s22+$0x0] =	vst.idx.msk $0xffff, v40;
	v26 =	vld [tilespmem:s29+$0xFFFFFF40];
	v40 =	vor.u32 $0x5, v28;
	v28 =	vadd.s32 v15, v55  }
0x289: {  	v33 =	vshrl.u32 v43, $0x3;
	v36 =	vmov s5;
	v32 =	vld [tilespmem:s29+$0xFFFFFE40];
	v28 =	vor.u32 $0x1, v28;
	[tilespmem:v35+s22+$0x0] =	vst.idx.msk $0xffff, v53  }
0x28a: {  	v43 =	vadd.s32 v13, v51;
	v36 =	vshrl.u32 v36, $0x3;
	v35 =	vshrl.u32 v44, $0x3;
	[tilespmem:v45+s22+$0x0] =	vst.idx.msk $0xffff, v38  }
0x28b: {  	v33 =	vshll.u32 v33, v1;
	v35 =	vshll.u32 v35, v1;
	v38 =	vor.u32 $0x5, v43;
	[tilespmem:v42+s22+$0x0] =	vst.idx.msk $0xffff, v30;
	v30 =	vld [tilespmem:s29+$0x150]  }
0x28c: {  	v42 =	vbroadcast v33, $0x0;
	v43 =	vbroadcast v35, $0x0;
	v35 =	vshll.u32 v36, v1;
	v33 =	vld [tilespmem:s29+$0x40];
	[tilespmem:v24+s22+$0x0] =	vst.idx.msk $0xffff, v29  }
0x28d: {  	v44 =	vmov s9;
	v24 =	vmov s15;
	v45 =	vbroadcast v35, $0x0;
	[tilespmem:v34+s22+$0x0] =	vst.idx.msk $0xffff, v26;
	v46 =	vld [tilespmem:s26+$0xFFFFFFC0]  }
0x28e: {  	v53 =	vmov s30;
	v26 =	vadd.s32 v12, v42;
	[tilespmem:v54+s22+$0x0] =	vst.idx.msk $0xffff, v32;
	v29 =	vld [tilespmem:s29+$0xFFFFFF50];
	v32 =	vadd.s32 v12, v43  }
0x28f: {  	v35 =	vor.u32 $0x2, v26;
	v26 =	vadd.s32 v12, v45;
	v54 =	vld [tilespmem:s29+$0xFFFFFE50];
	v36 =	vor.u32 $0x6, v32;
	[tilespmem:v20+s22+$0x0] =	vst.idx.msk $0xffff, v27  }
0x290: {  	v20 =	vadd.s32 v13, v42;
	v34 =	vor.u32 $0x2, v26;
	v26 =	vadd.s32 v14, v51;
	[tilespmem:v38+s22+$0x0] =	vst.idx.msk $0xffff, v30;
	v27 =	vld [tilespmem:s26+$0xFFFFFEC0]  }
0x291: {  	v30 =	vadd.s32 v13, v43;
	v38 =	vadd.s32 v13, v45;
	v55 =	vor.u32 $0x5, v26;
	[tilespmem:v50+s22+$0x0] =	vst.idx.msk $0xffff, v33;
	v50 =	vld [tilespmem:s29+$0x160]  }
0x292: {  	v32 =	vor.u32 $0x2, v20;
	v33 =	vor.u32 $0x6, v30;
	v30 =	vor.u32 $0x2, v38;
	v56 =	vld [tilespmem:s29+$0x50];
	[tilespmem:v23+s22+$0x0] =	vst.idx.msk $0xffff, v49  }
0x293: {  	v20 =	vadd.s32 v14, v42;
	v38 =	vshrl.u32 v24, $0x3;
	v23 =	vadd.s32 v14, v43;
	[tilespmem:v37+s22+$0x0] =	vst.idx.msk $0xffff, v29;
	v49 =	vld [tilespmem:s26+$0xC0]  }
0x294: {  	v29 =	vor.u32 $0x2, v20;
	v20 =	vadd.s32 v14, v45;
	[tilespmem:v31+s22+$0x0] =	vst.idx.msk $0xffff, v54;
	v37 =	vld [tilespmem:s29+$0xFFFFFF60];
	v31 =	vor.u32 $0x6, v23  }
0x295: {  	s5 =	sadd.s32 $0xFFFFFFFF, s1;
	v24 =	vadd.s32 v15, v43;
	v23 =	vadd.s32 v15, v42;
	v26 =	vor.u32 $0x2, v20;
	v54 =	vld [tilespmem:s29+$0xFFFFFE60];
	[tilespmem:v25+s22+$0x0] =	vst.idx.msk $0xffff, v46  }
0x296: {  	s5 =	sand.u32 $0x78, s5;
	v20 =	vor.u32 $0x2, v23;
	v23 =	vadd.s32 v15, v45;
	v25 =	vadd.s32 v15, v51;
	[tilespmem:v55+s22+$0x0] =	vst.idx.msk $0xffff, v50;
	v42 =	vld [tilespmem:s26+$0xFFFFFFD0]  }
0x297: {  	v24 =	vor.u32 $0x6, v24;
	v45 =	vmov s5;
	v25 =	vor.u32 $0x5, v25;
	[tilespmem:v52+s22+$0x0] =	vst.idx.msk $0xffff, v56;
	v43 =	vld [tilespmem:s29+$0x170]  }
0x298: {  	v44 =	vshrl.u32 v44, $0x3;
	v23 =	vor.u32 $0x2, v23;
	v45 =	vshrl.u32 v45, $0x3;
	v46 =	vld [tilespmem:s29+$0x60];
	[tilespmem:v22+s22+$0x0] =	vst.idx.msk $0xffff, v27  }
0x299: {  	v22 =	vshll.u32 v38, v1;
	v27 =	vshrl.u32 v53, $0x3;
	[tilespmem:v48+s22+$0x0] =	vst.idx.msk $0xffff, v37;
	v37 =	vshll.u32 v45, v1;
	v48 =	vld [tilespmem:s26+$0xFFFFFED0]  }
0x29a: {  	v38 =	vshll.u32 v44, v1;
	v27 =	vshll.u32 v27, v1;
	[tilespmem:v47+s22+$0x0] =	vst.idx.msk $0xffff, v54;
	v45 =	vld [tilespmem:s29+$0xFFFFFF70];
	v37 =	vbroadcast v37, $0x0  }
0x29b: {  	v50 =	vbroadcast v22, $0x0;
	v51 =	vbroadcast v38, $0x0;
	v44 =	vld [tilespmem:s29+$0xFFFFFE70];
	[tilespmem:v21+s22+$0x0] =	vst.idx.msk $0xffff, v49  }
0x29c: {  	v38 =	vbroadcast v27, $0x0;
	[tilespmem:v25+s22+$0x0] =	vst.idx.msk $0xffff, v43;
	v21 =	vadd.s32 v12, v37;
	v27 =	vld [tilespmem:s26+$0xD0]  }
0x29d: {  	v22 =	vadd.s32 v12, v50;
	v25 =	vadd.s32 v12, v51;
	[tilespmem:v41+s22+$0x0] =	vst.idx.msk $0xffff, v46;
	v41 =	vld [tilespmem:s29+$0x180];
	v43 =	vor.u32 $0x6, v21  }
0x29e: {  	v22 =	vor.u32 $0x3, v22;
	v25 =	vor.u32 $0x7, v25;
	v21 =	vadd.s32 v12, v38;
	v47 =	vld [tilespmem:s29+$0x70];
	[tilespmem:v19+s22+$0x0] =	vst.idx.msk $0xffff, v42  }
0x29f: {  	v19 =	vadd.s32 v13, v50;
	v42 =	vadd.s32 v13, v51;
	v21 =	vor.u32 $0x3, v21;
	[tilespmem:v40+s22+$0x0] =	vst.idx.msk $0xffff, v45;
	v40 =	vld [tilespmem:s26+$0xFFFFFFE0]  }
.Ltmp3:
0x2a0: {  	[tilespmem:v39+s22+$0x0] =	vst.idx.msk $0xffff, v44;
	v44 =	vor.u32 $0x3, v19;
	v46 =	vld [tilespmem:s29+$0xFFFFFF80];
	v19 =	vor.u32 $0x7, v42;
	v39 =	vadd.s32 v13, v38;
	(pc) =	sbr.rel @p0 .LBB2_8-.Ltmp3, $4  }
0x2a1: {  	v49 =	vadd.s32 v14, v51;
	v42 =	vadd.s32 v14, v50;
	v45 =	vld [tilespmem:s29+$0xFFFFFE80];
	v52 =	vor.u32 $0x3, v39;
	[tilespmem:v18+s22+$0x0] =	vst.idx.msk $0xffff, v48  }
0x2a2: {  	v53 =	vadd.s32 v14, v38;
	v39 =	vor.u32 $0x3, v42;
	[tilespmem:v43+s22+$0x0] =	vst.idx.msk $0xffff, v41;
	v41 =	vadd.s32 v13, v37;
	v42 =	vld [tilespmem:s26+$0xFFFFFEE0]  }
0x2a3: {  	v18 =	vmovc v44;
	v43 =	vor.u32 $0x7, v49;
	[tilespmem:v28+s22+$0x0] =	vst.idx.msk $0xffff, v47;
	v28 =	vor.u32 $0x3, v53;
	v47 =	vld [tilespmem:s29+$0x190];
	v48 =	vor.u32 $0x6, v41  }
0x2a4: {  	v44 =	vadd.s32 v15, v51;
	v41 =	vadd.s32 v15, v50;
	v49 =	vld [tilespmem:s29+$0x80];
	[tilespmem:v17+s22+$0x0] =	vst.idx.msk $0xffff, v27;
	v17 =	vmov v52  }
0x2a5: {  	_ =	sdelay $0x3  }
0x2a6: {  	[tilespmem:v36+s22+$0x0] =	vst.idx.msk $0xffff, v46  }
0x2a7: {  	[tilespmem:v35+s22+$0x0] =	vst.idx.msk $0xffff, v45;
	v27 =	vld [tilespmem:s29+$0xFFFFFF90]  }
0x2a8: {  	v35 =	vld [tilespmem:s29+$0xFFFFFE90];
	[tilespmem:v34+s22+$0x0] =	vst.idx.msk $0xffff, v49  }
0x2a9: {  	v34 =	vld [tilespmem:s29+$0x90];
	_ =	sdelay $0x1  }
0x2aa: {  	v62 =	vadd.s32 v14, v37;
	[tilespmem:v48+s22+$0x0] =	vst.idx.msk $0xffff, v47  }
0x2ab: {  	v36 =	vor.u32 $0x6, v62;
	v63 =	vld [tilespmem:s29+$0x1A0];
	[tilespmem:v33+s22+$0x0] =	vst.idx.msk $0xffff, v27  }
0x2ac: {  	[tilespmem:v32+s22+$0x0] =	vst.idx.msk $0xffff, v35;
	v27 =	vld [tilespmem:s29+$0xFFFFFFA0]  }
0x2ad: {  	v32 =	vld [tilespmem:s0+$0xFFFFFEA0];
	[tilespmem:v30+s22+$0x0] =	vst.idx.msk $0xffff, v34  }
0x2ae: {  	v30 =	vld [tilespmem:s0+$0xA0];
	_ =	sdelay $0x1  }
0x2af: {  	s1 =	sand.u32 $0x78, s10;
	[tilespmem:v36+s22+$0x0] =	vst.idx.msk $0xffff, v63;
	v36 =	vadd.s32 v15, v37  }
0x2b0: {  	v45 =	vmov s1;
	v37 =	vld [tilespmem:s0+$0x1B0];
	v33 =	vor.u32 $0x6, v36;
	[tilespmem:v31+s22+$0x0] =	vst.idx.msk $0xffff, v27  }
0x2b1: {  	v46 =	vshrl.u32 v45, $0x3;
	[tilespmem:v29+s22+$0x0] =	vst.idx.msk $0xffff, v32;
	v47 =	vld [tilespmem:s0+$0xFFFFFFB0]  }
0x2b2: {  	v27 =	vshll.u32 v46, v1;
	v48 =	vld [tilespmem:s0+$0xFFFFFEB0];
	[tilespmem:v26+s22+$0x0] =	vst.idx.msk $0xffff, v30  }
0x2b3: {  	v27 =	vbroadcast v27, $0x0;
	v26 =	vld [tilespmem:s0+$0xB0];
	_ =	sdelay $0x1  }
0x2b4: {  	[tilespmem:v33+s22+$0x0] =	vst.idx.msk $0xffff, v37;
	v12 =	vadd.s32 v12, v27  }
0x2b5: {  	v49 =	vld [tilespmem:s0+$0x1C0];
	v12 =	vor.u32 $0x7, v12;
	[tilespmem:v24+s22+$0x0] =	vst.idx.msk $0xffff, v47  }
0x2b6: {  	v24 =	vld [tilespmem:s0+$0xFFFFFFC0];
	[tilespmem:v20+s22+$0x0] =	vst.idx.msk $0xffff, v48  }
0x2b7: {  	v20 =	vld [tilespmem:s0+$0xFFFFFEC0];
	[tilespmem:v23+s22+$0x0] =	vst.idx.msk $0xffff, v26  }
0x2b8: {  	v23 =	vld [tilespmem:s0+$0xC0]  }
0x2b9: {  	[tilespmem:v9+s22+$0x0] =	vst.idx.msk $0xffff, v40  }
0x2ba: {  	v53 =	vld [tilespmem:s26+$0xE0];
	v50 =	vadd.s32 v13, v27;
	[tilespmem:v12+s22+$0x0] =	vst.idx.msk $0xffff, v49  }
0x2bb: {  	v12 =	vor.u32 $0x7, v50;
	v51 =	vld [tilespmem:s0+$0x1D0];
	[tilespmem:v25+s22+$0x0] =	vst.idx.msk $0xffff, v24  }
0x2bc: {  	v24 =	vld [tilespmem:s0+$0xFFFFFFD0];
	[tilespmem:v22+s22+$0x0] =	vst.idx.msk $0xffff, v20  }
0x2bd: {  	v52 =	vld [tilespmem:s0+$0xFFFFFED0];
	[tilespmem:v21+s22+$0x0] =	vst.idx.msk $0xffff, v23  }
0x2be: {  	[tilespmem:v8+s22+$0x0] =	vst.idx.msk $0xffff, v42;
	v54 =	vld [tilespmem:s0+$0xD0]  }
0x2bf: {  	v55 =	vld [tilespmem:s26+$0xFFFFFFF0];
	[tilespmem:v7+s22+$0x0] =	vst.idx.msk $0xffff, v53  }
0x2c0: {  	v58 =	vld [tilespmem:s26+$0xFFFFFEF0];
	v56 =	vadd.s32 v14, v27;
	[tilespmem:v12+s22+$0x0] =	vst.idx.msk $0xffff, v51  }
0x2c1: {  	v12 =	vor.u32 $0x7, v56;
	v13 =	vld [tilespmem:s0+$0x1E0];
	[tilespmem:v19+s22+$0x0] =	vst.idx.msk $0xffff, v24  }
0x2c2: {  	v57 =	vld [tilespmem:s0+$0xFFFFFFE0];
	[tilespmem:v18+s22+$0x0] =	vst.idx.msk $0xffff, v52  }
0x2c3: {  	v7 =	vld [tilespmem:s0+$0xFFFFFEE0];
	[tilespmem:v17+s22+$0x0] =	vst.idx.msk $0xffff, v54  }
0x2c4: {  	[tilespmem:v10+s22+$0x0] =	vst.idx.msk $0xffff, v55;
	v8 =	vld [tilespmem:s0+$0xE0]  }
0x2c5: {  	[tilespmem:v6+s22+$0x0] =	vst.idx.msk $0xffff, v58  }
0x2c6: {  	v62 =	vld [tilespmem:s26+$0xF0];
	v59 =	vadd.s32 v15, v27;
	[tilespmem:v12+s22+$0x0] =	vst.idx.msk $0xffff, v13  }
0x2c7: {  	v10 =	vor.u32 $0x7, v59;
	v12 =	vld [tilespmem:s0+$0x1F0];
	[tilespmem:v43+s22+$0x0] =	vst.idx.msk $0xffff, v57  }
0x2c8: {  	v60 =	vor.u32 $0x7, v44;
	v14 =	vld [tilespmem:s0+$0xFFFFFFF0];
	[tilespmem:v39+s22+$0x0] =	vst.idx.msk $0xffff, v7  }
0x2c9: {  	v61 =	vadd.s32 v15, v38;
	v7 =	vor.u32 $0x3, v41;
	v6 =	vld [tilespmem:s0+$0xFFFFFEF0];
	[tilespmem:v28+s22+$0x0] =	vst.idx.msk $0xffff, v8  }
0x2ca: {  	[tilespmem:v5+s22+$0x0] =	vst.idx.msk $0xffff, v16;
	v63 =	vor.u32 $0x3, v61;
	v5 =	vld [tilespmem:s0+$0xF0]  }
0x2cb: {  	[tilespmem:v11+s22+$0x0] =	vst.idx.msk $0xffff, v62  }
0x2cc: {  	[tilespmem:v10+s22+$0x0] =	vst.idx.msk $0xffff, v12  }
0x2cd: {  	[tilespmem:v60+s22+$0x0] =	vst.idx.msk $0xffff, v14  }
0x2ce: {  	[tilespmem:v7+s22+$0x0] =	vst.idx.msk $0xffff, v6  }
0x2cf: {  	[tilespmem:v63+s22+$0x0] =	vst.idx.msk $0xffff, v5  }
0x2d0: {  	s8 =	simm.s32 $0x12800;
	s9 =	rddreg [dreg:$0x5]  }
0x2d1: {  	[hbm4b:s9+s3] =	stream.linear.scatter [tilespmem:s8], [sflag:$0x4], $0x80, $0x38;
	[tilespmem:$0x16C00] =	vst v63  }
0x2d2: {  	s10 =	simm.s32 $0x12888;
	s11 =	sadd.s32 $0x10, s9  }
0x2d3: {  	[hbm4b:s11+s3] =	stream.linear.scatter [tilespmem:s10], [sflag:$0x4], $0x80, $0x38;
	[tilespmem:$0x16C00] =	vst v63  }
0x2d4: {  	s13 =	simm.s32 $0x12910;
	s15 =	simm.s32 $0x12998;
	s14 =	sadd.s32 $0x20, s9  }
0x2d5: {  	[hbm4b:s14+s3] =	stream.linear.scatter [tilespmem:s13], [sflag:$0x4], $0x80, $0x38;
	[tilespmem:$0x16C00] =	vst v63  }
0x2d6: {  	s25 =	simm.s32 $0x12A20;
	s28 =	simm.s32 $0x12AA8;
	s17 =	sadd.s32 $0x30, s9  }
0x2d7: {  	[hbm4b:s17+s3] =	stream.linear.scatter [tilespmem:s15], [sflag:$0x4], $0x80, $0x38;
	[tilespmem:$0x16C00] =	vst v63  }
0x2d8: {  	s30 =	simm.s32 $0x12B30;
	s5 =	simm.s32 $0x2200;
	s26 =	sadd.s32 $0x40, s9  }
0x2d9: {  	[hbm4b:s26+s3] =	stream.linear.scatter [tilespmem:s25], [sflag:$0x4], $0x80, $0x38;
	[tilespmem:$0x16C00] =	vst v63  }
0x2da: {  	s7 =	simm.s32 $0x12BB8;
	s0 =	simm.s32 $0x440;
	s29 =	sadd.s32 $0x50, s9  }
0x2db: {  	[hbm4b:s29+s3] =	stream.linear.scatter [tilespmem:s28], [sflag:$0x4], $0x80, $0x38;
	[tilespmem:$0x16C00] =	vst v63  }
0x2dc: {  	s31 =	sadd.s32 $0x60, s9;
	s8 =	sadd.s32 $0x70, s9;
	s1 =	sadd.s32 $0x1000, s9  }
0x2dd: {  	[hbm4b:s31+s3] =	stream.linear.scatter [tilespmem:s30], [sflag:$0x4], $0x80, $0x38;
	[tilespmem:$0x16C00] =	vst v63  }
.LBB2_10:
0x2de: {  	[hbm4b:s8+s3] =	stream.linear.scatter [tilespmem:s7], [sflag:$0x4], $0x80, $0x38;
	[tilespmem:$0x16C00] =	vst v63  }
0x2df: {  	s7 =	smov.u32 s0;
	s0 =	smov.u32 s5  }
0x2e0: {  	s9 =	sadd.s32 $0x1100, s5;
	s0 =	sshra.s32 s0, $0x2;
	s8 =	sadd.s32 $0x12800, s7  }
0x2e1: {  	[hbm4b:s1+s3] =	stream.linear.scatter [tilespmem:s8], [sflag:$0x4], $0x80, $0x38;
	[tilespmem:$0x16C00] =	vst v63  }
0x2e2: {  	p0 =	sne.s32 s5, $0xFF00;
	s5 =	sadd.s32 $0x12888, s7;
	s8 =	sadd.s32 $0x10, s1  }
0x2e3: {  	[hbm4b:s8+s3] =	stream.linear.scatter [tilespmem:s5], [sflag:$0x4], $0x80, $0x38;
	[tilespmem:$0x16C00] =	vst v63  }
0x2e4: {  	s5 =	sadd.s32 $0x12910, s7;
	s8 =	sadd.s32 $0x20, s1  }
0x2e5: {  	[hbm4b:s8+s3] =	stream.linear.scatter [tilespmem:s5], [sflag:$0x4], $0x80, $0x38;
	[tilespmem:$0x16C00] =	vst v63  }
0x2e6: {  	s5 =	sadd.s32 $0x12998, s7;
	s8 =	sadd.s32 $0x30, s1  }
0x2e7: {  	[hbm4b:s8+s3] =	stream.linear.scatter [tilespmem:s5], [sflag:$0x4], $0x80, $0x38;
	[tilespmem:$0x16C00] =	vst v63  }
0x2e8: {  	s5 =	sadd.s32 $0x12A20, s7;
	s8 =	sadd.s32 $0x40, s1  }
0x2e9: {  	[hbm4b:s8+s3] =	stream.linear.scatter [tilespmem:s5], [sflag:$0x4], $0x80, $0x38;
	[tilespmem:$0x16C00] =	vst v63  }
.Ltmp4:
0x2ea: {  	s5 =	sadd.s32 $0x12AA8, s7;
	s8 =	sadd.s32 $0x50, s1;
	(pc) =	sbr.rel @p0 .LBB2_10-.Ltmp4, $4  }
0x2eb: {  	[hbm4b:s8+s3] =	stream.linear.scatter [tilespmem:s5], [sflag:$0x4], $0x80, $0x38;
	[tilespmem:$0x16C00] =	vst v63  }
0x2ec: {  	s5 =	sadd.s32 $0x12B30, s7;
	s8 =	sadd.s32 $0x60, s1;
	s7 =	sadd.s32 $0x12BB8, s7  }
0x2ed: {  	[hbm4b:s8+s3] =	stream.linear.scatter [tilespmem:s5], [sflag:$0x4], $0x80, $0x38;
	[tilespmem:$0x16C00] =	vst v63  }
0x2ee: {  	s8 =	sadd.s32 $0x70, s1;
	s1 =	sadd.s32 $0x1000, s1;
	s5 =	smov.u32 s9  }
0x2ef: {  	[hbm4b:s8+s3] =	stream.linear.scatter [tilespmem:s7], [sflag:$0x4], $0x80, $0x38;
	[tilespmem:$0x16C00] =	vst v63  }
0x2f0: {  	s5 =	sadd.s32 $0x12800, s0  }
0x2f1: {  	[hbm4b:s1+s3] =	stream.linear.scatter [tilespmem:s5], [sflag:$0x4], $0x80, $0x38;
	[tilespmem:$0x16C00] =	vst v63  }
0x2f2: {  	s8 =	sadd.s32 $0x12888, s0;
	s9 =	sadd.s32 $0x10, s1  }
0x2f3: {  	[hbm4b:s9+s3] =	stream.linear.scatter [tilespmem:s8], [sflag:$0x4], $0x80, $0x38;
	[tilespmem:$0x16C00] =	vst v63  }
0x2f4: {  	s10 =	sadd.s32 $0x12910, s0;
	s11 =	sadd.s32 $0x20, s1  }
0x2f5: {  	[hbm4b:s11+s3] =	stream.linear.scatter [tilespmem:s10], [sflag:$0x4], $0x80, $0x38;
	[tilespmem:$0x16C00] =	vst v63  }
0x2f6: {  	s13 =	sadd.s32 $0x12998, s0;
	s14 =	sadd.s32 $0x30, s1  }
0x2f7: {  	[hbm4b:s14+s3] =	stream.linear.scatter [tilespmem:s13], [sflag:$0x4], $0x80, $0x38;
	[tilespmem:$0x16C00] =	vst v63  }
0x2f8: {  	s15 =	sadd.s32 $0x12A20, s0;
	s17 =	sadd.s32 $0x40, s1  }
0x2f9: {  	[hbm4b:s17+s3] =	stream.linear.scatter [tilespmem:s15], [sflag:$0x4], $0x80, $0x38;
	[tilespmem:$0x16C00] =	vst v63  }
0x2fa: {  	s25 =	sadd.s32 $0x12AA8, s0;
	s26 =	sadd.s32 $0x50, s1  }
0x2fb: {  	[hbm4b:s26+s3] =	stream.linear.scatter [tilespmem:s25], [sflag:$0x4], $0x80, $0x38;
	[tilespmem:$0x16C00] =	vst v63  }
0x2fc: {  	s28 =	sadd.s32 $0x12B30, s0;
	s29 =	sadd.s32 $0x60, s1  }
0x2fd: {  	[hbm4b:s29+s3] =	stream.linear.scatter [tilespmem:s28], [sflag:$0x4], $0x80, $0x38;
	[tilespmem:$0x16C00] =	vst v63  }
0x2fe: {  	s30 =	sadd.s32 $0x12BB8, s0;
	s31 =	sadd.s32 $0x70, s1;
	s26 =	simm.s32 $0x1  }
0x2ff: {  	[hbm4b:s31+s3] =	stream.linear.scatter [tilespmem:s30], [sflag:$0x4], $0x80, $0x38;
	[tilespmem:$0x16C00] =	vst v63  }
.LBB2_12:
0x300: {  	_ =	swait.ge [sflag:s23], $0x4000  }
0x301: {  	s0 =	sshll.u32 s26, $0x9;
	[sflag:s23] =	ssyncset.done $0x0  }
0x302: {  	s1 =	simm.s32 $0x6400;
	s0 =	sand.u32 $0x3FFFFE00, s0;
	[sflag:s23] =	ssyncadd.s32 $0xFFFFC000  }
0x303: {  	[tilespmem:s1], [sflag:$0x1] =	stream.indirect.gather [hbm4b:s4+s12], $0x40, s0, s12, $0xb8;
	[tilespmem:$0x16C00] =	vst v63  }
0x304: {  	s9 =	sshll.u32 s26, $0x2;
	s7 =	simm.s32 $0x8400;
	s5 =	sor.u32 $0x80, s0  }
0x305: {  	[tilespmem:s7], [sflag:$0x1] =	stream.indirect.gather [hbm4b:s4+s12], $0x40, s5, s12, $0xb8;
	[tilespmem:$0x16C00] =	vst v63  }
0x306: {  	s1 =	sor.u32 $0x2, s9;
	_ =	swait.ge [sflag:s24], $0x4000  }
0x307: {  	s10 =	sshll.u32 s1, $0x7;
	[sflag:s24] =	ssyncset.done $0x0  }
0x308: {  	s14 =	simm.s32 $0xC;
	s5 =	sand.u32 $0x3FFFFF00, s10;
	[sflag:s24] =	ssyncadd.s32 $0xFFFFC000  }
0x309: {  	[tilespmem:s16], [sflag:$0x2] =	stream.indirect.gather [hbm4b:s4+s12], $0x40, s5, s12, $0xb8;
	[tilespmem:$0x16C00] =	vst v63  }
0x30a: {  	s13 =	simm.s32 $0x0;
	s15 =	sand.u32 $0x78, s14;
	s0 =	sor.u32 $0x180, s0  }
0x30b: {  	v5 =	vmov s13;
	[tilespmem:s18], [sflag:$0x2] =	stream.indirect.gather [hbm4b:s4+s12], $0x40, s0, s12, $0xb8;
	[tilespmem:$0x16C00] =	vst v63  }
0x30c: {  	v5 =	vmul.u32 $0x2200, v5;
	v6 =	vmov s15;
	_ =	swait.ge [sflag:s19], $0x2000  }
0x30d: {  	v6 =	vshrl.u32 v6, $0x3;
	[sflag:s19] =	ssyncset.done $0x0  }
0x30e: {  	v9 =	vbroadcast v5, $0x0;
	v5 =	vshll.u32 v6, v1;
	[sflag:s19] =	ssyncadd.s32 $0xFFFFE000  }
0x30f: {  	v10 =	vbroadcast v5, $0x0;
	_ =	swait.ge [sflag:s19], $0x2000  }
0x310: {  	v5 =	vadd.s32 v0, v9;
	[sflag:s19] =	ssyncset.done $0x0  }
0x311: {  	s31 =	simm.s32 $0x6600;
	v6 =	vadd.s32 v5, v10;
	[sflag:s19] =	ssyncadd.s32 $0xFFFFE000  }
0x312: {  	s8 =	simm.s32 $0x8;
	s1 =	sshll.u32 s1, $0x12;
	v6 =	vor.u32 $0x4, v6;
	v7 =	vld [tilespmem:s31+$0x100]  }
0x313: {  	s9 =	sand.u32 $0x78, s8;
	s1 =	sor.u32 s6, s1  }
0x314: {  	s17 =	simm.s32 $0x4;
	v13 =	vmov s9;
	s1 =	sshrl.u32 s1, $0x3  }
0x315: {  	v13 =	vshrl.u32 v13, $0x3;
	s28 =	sadd.s32 s2, s1;
	s1 =	sand.u32 $0x70, s17  }
0x316: {  	s25 =	simm.s32 $0x0;
	v8 =	vadd.s32 v2, v9;
	v13 =	vshll.u32 v13, v1;
	v11 =	vmov s1  }
0x317: {  	s7 =	sand.u32 $0x70, s25;
	v13 =	vbroadcast v13, $0x0;
	v11 =	vshrl.u32 v11, $0x3;
	[tilespmem:v6+s20+$0x0] =	vst.idx.msk $0xffff, v7;
	v6 =	vadd.s32 v8, v10  }
0x318: {  	v11 =	vshll.u32 v11, v1;
	v7 =	vmov s7;
	v12 =	vld [tilespmem:s31+$0x110];
	v6 =	vor.u32 $0x4, v6  }
0x319: {  	v11 =	vbroadcast v11, $0x0;
	v7 =	vshrl.u32 v7, $0x3  }
0x31a: {  	v21 =	vadd.s32 v5, v13;
	v20 =	vld [tilespmem:s31+$0x0];
	v7 =	vshll.u32 v7, v1  }
0x31b: {  	v14 =	vbroadcast v7, $0x0;
	v7 =	vadd.s32 v5, v11  }
0x31c: {  	v15 =	vld [tilespmem:s31+$0xFFFFFF00];
	v16 =	vor.u32 $0x4, v7;
	v7 =	vadd.s32 v3, v9  }
0x31d: {  	v17 =	vld [tilespmem:s31+$0xFFFFFE00];
	v18 =	vadd.s32 v5, v14;
	[tilespmem:v6+s20+$0x0] =	vst.idx.msk $0xffff, v12;
	v6 =	vadd.s32 v7, v10  }
0x31e: {  	s11 =	sshll.u32 s26, $0x14;
	v12 =	vld [tilespmem:s31+$0x120];
	v19 =	vor.u32 $0x4, v6  }
0x31f: {  	s10 =	simm.s32 $0x1;
	s0 =	sor.u32 s6, s11;
	s11 =	simm.s32 $0x5;
	[tilespmem:v21+s20+$0x0] =	vst.idx.msk $0xffff, v20  }
0x320: {  	s25 =	simm.s32 $0xD;
	s1 =	sand.u32 $0x70, s10;
	v25 =	vadd.s32 v8, v13;
	s5 =	sand.u32 $0x70, s11;
	v22 =	vadd.s32 v8, v11;
	v21 =	vld [tilespmem:s31+$0x10]  }
0x321: {  	v23 =	vmov s5;
	v22 =	vor.u32 $0x4, v22;
	s7 =	sand.u32 $0x78, s25;
	v6 =	vmov s1;
	[tilespmem:v16+s20+$0x0] =	vst.idx.msk $0xffff, v15  }
0x322: {  	s13 =	simm.s32 $0x9;
	v20 =	vmov s7;
	v27 =	vshrl.u32 v6, $0x3;
	v6 =	vadd.s32 v4, v9;
	[tilespmem:v18+s20+$0x0] =	vst.idx.msk $0xffff, v17;
	v17 =	vld [tilespmem:s31+$0xFFFFFF10]  }
0x323: {  	s14 =	sand.u32 $0x78, s13;
	s11 =	simm.s32 $0x7;
	v24 =	vadd.s32 v8, v14;
	v15 =	vshrl.u32 v23, $0x3;
	v10 =	vadd.s32 v6, v10;
	v23 =	vld [tilespmem:s31+$0xFFFFFE10];
	[tilespmem:v19+s20+$0x0] =	vst.idx.msk $0xffff, v12  }
0x324: {  	v26 =	vmov s14;
	s5 =	sand.u32 $0x70, s11;
	v20 =	vshrl.u32 v20, $0x3;
	v10 =	vor.u32 $0x4, v10;
	v19 =	vld [tilespmem:s31+$0x130]  }
0x325: {  	v44 =	vmov s5;
	v20 =	vshll.u32 v20, v1;
	[tilespmem:v25+s20+$0x0] =	vst.idx.msk $0xffff, v21;
	v16 =	vshrl.u32 v26, $0x3  }
0x326: {  	s15 =	simm.s32 $0x2;
	s25 =	simm.s32 $0x1C;
	v9 =	vshll.u32 v27, v1;
	v26 =	vadd.s32 v7, v14;
	v27 =	vadd.s32 v7, v13  }
0x327: {  	s17 =	sand.u32 $0x70, s15;
	s7 =	sand.u32 $0x78, s25;
	v25 =	vadd.s32 v6, v14;
	v14 =	vld [tilespmem:s31+$0x20];
	v12 =	vadd.s32 v7, v11;
	[tilespmem:v22+s20+$0x0] =	vst.idx.msk $0xffff, v17;
	v17 =	vbroadcast v20, $0x0  }
0x328: {  	v42 =	vmov s7;
	v18 =	vmov s17;
	v12 =	vor.u32 $0x4, v12;
	[tilespmem:v24+s20+$0x0] =	vst.idx.msk $0xffff, v23;
	v22 =	vld [tilespmem:s31+$0xFFFFFF20]  }
0x329: {  	v9 =	vbroadcast v9, $0x0;
	v16 =	vshll.u32 v16, v1;
	v24 =	vld [tilespmem:s31+$0xFFFFFE20];
	[tilespmem:v10+s20+$0x0] =	vst.idx.msk $0xffff, v19;
	v10 =	vadd.s32 v5, v17  }
0x32a: {  	v15 =	vshll.u32 v15, v1;
	s17 =	simm.s32 $0x0;
	v16 =	vbroadcast v16, $0x0;
	v21 =	vld [tilespmem:s31+$0x140];
	v10 =	vor.u32 $0x5, v10  }
0x32b: {  	v15 =	vbroadcast v15, $0x0;
	v41 =	vmov s17;
	v11 =	vadd.s32 v6, v11  }
0x32c: {  	v28 =	vadd.s32 v5, v9;
	v11 =	vor.u32 $0x4, v11;
	v29 =	vadd.s32 v5, v16;
	[tilespmem:v27+s20+$0x0] =	vst.idx.msk $0xffff, v14  }
0x32d: {  	s8 =	simm.s32 $0x6;
	v20 =	vor.u32 $0x1, v28;
	v28 =	vadd.s32 v6, v13;
	v13 =	vadd.s32 v5, v15;
	[tilespmem:v12+s20+$0x0] =	vst.idx.msk $0xffff, v22  }
0x32e: {  	s1 =	sand.u32 $0x70, s8;
	v23 =	vadd.s32 v8, v9;
	v22 =	vor.u32 $0x1, v29;
	v29 =	vadd.s32 v7, v9;
	[tilespmem:v26+s20+$0x0] =	vst.idx.msk $0xffff, v24;
	v24 =	vld [tilespmem:s31+$0xFFFFFF30]  }
0x32f: {  	v19 =	vmov s1;
	v12 =	vor.u32 $0x5, v13;
	[tilespmem:v10+s20+$0x0] =	vst.idx.msk $0xffff, v21;
	v21 =	vor.u32 $0x1, v29;
	v29 =	vld [tilespmem:s31+$0xFFFFFE30]  }
0x330: {  	v32 =	vld [tilespmem:s31+$0x30];
	v13 =	vadd.s32 v8, v15;
	v9 =	vadd.s32 v6, v9;
	v10 =	vadd.s32 v8, v17  }
0x331: {  	v26 =	vor.u32 $0x5, v13;
	v13 =	vadd.s32 v8, v16;
	v27 =	vld [tilespmem:s31+$0x150];
	v10 =	vor.u32 $0x5, v10  }
0x332: {  	v14 =	vor.u32 $0x1, v9;
	v30 =	vor.u32 $0x1, v13;
	v13 =	vadd.s32 v7, v15  }
0x333: {  	v9 =	vadd.s32 v6, v16;
	v31 =	vor.u32 $0x5, v13;
	v13 =	vadd.s32 v7, v16;
	[tilespmem:v11+s20+$0x0] =	vst.idx.msk $0xffff, v24  }
0x334: {  	s9 =	simm.s32 $0xA;
	v15 =	vadd.s32 v6, v15;
	v33 =	vor.u32 $0x1, v13;
	v13 =	vor.u32 $0x1, v9;
	v9 =	vld [tilespmem:s31+$0xFFFFFF40];
	[tilespmem:v25+s20+$0x0] =	vst.idx.msk $0xffff, v29  }
0x335: {  	s1 =	sand.u32 $0x78, s9;
	[tilespmem:v28+s20+$0x0] =	vst.idx.msk $0xffff, v32;
	v11 =	vor.u32 $0x5, v15;
	v15 =	vshrl.u32 v18, $0x3;
	v18 =	vshrl.u32 v19, $0x3;
	v24 =	vld [tilespmem:s31+$0xFFFFFE40]  }
0x336: {  	s10 =	simm.s32 $0x3;
	v16 =	vmov s1;
	v18 =	vshll.u32 v18, v1;
	[tilespmem:v10+s20+$0x0] =	vst.idx.msk $0xffff, v27;
	v10 =	vadd.s32 v7, v17;
	v27 =	vld [tilespmem:s31+$0x40]  }
0x337: {  	s13 =	simm.s32 $0xB;
	s1 =	sand.u32 $0x70, s10;
	s10 =	simm.s32 $0x10;
	v15 =	vshll.u32 v15, v1;
	v19 =	vbroadcast v18, $0x0;
	v18 =	vld [tilespmem:s31+$0x160];
	v10 =	vor.u32 $0x5, v10  }
0x338: {  	s14 =	sand.u32 $0x78, s13;
	v41 =	vmul.u32 $0x2200, v41;
	v16 =	vshrl.u32 v16, $0x3;
	s13 =	sand.u32 $0x70, s10;
	v15 =	vbroadcast v15, $0x0  }
0x339: {  	v23 =	vor.u32 $0x1, v23;
	v16 =	vshll.u32 v16, v1;
	v53 =	vmov s13;
	[tilespmem:v12+s20+$0x0] =	vst.idx.msk $0xffff, v9  }
0x33a: {  	v16 =	vbroadcast v16, $0x0;
	v25 =	vmov s1;
	v28 =	vadd.s32 v5, v15;
	v12 =	vld [tilespmem:s31+$0xFFFFFF50];
	[tilespmem:v20+s20+$0x0] =	vst.idx.msk $0xffff, v24  }
0x33b: {  	s15 =	simm.s32 $0xE;
	v38 =	vshrl.u32 v25, $0x3;
	v29 =	vadd.s32 v5, v19;
	v36 =	vadd.s32 v8, v19;
	[tilespmem:v22+s20+$0x0] =	vst.idx.msk $0xffff, v27;
	v24 =	vld [tilespmem:s31+$0xFFFFFE50]  }
0x33c: {  	s1 =	sand.u32 $0x78, s15;
	v34 =	vor.u32 $0x2, v28;
	v35 =	vor.u32 $0x6, v29;
	[tilespmem:v10+s20+$0x0] =	vst.idx.msk $0xffff, v18;
	v10 =	vadd.s32 v6, v17;
	v22 =	vld [tilespmem:s31+$0x50]  }
0x33d: {  	v28 =	vadd.s32 v5, v16;
	v18 =	vmov s1;
	v20 =	vld [tilespmem:s31+$0x170];
	v10 =	vor.u32 $0x5, v10  }
0x33e: {  	v29 =	vadd.s32 v8, v15;
	v36 =	vor.u32 $0x6, v36;
	v18 =	vshrl.u32 v18, $0x3  }
0x33f: {  	v9 =	vmov s14;
	v37 =	vor.u32 $0x2, v28;
	v18 =	vshll.u32 v18, v1;
	[tilespmem:v26+s20+$0x0] =	vst.idx.msk $0xffff, v12  }
0x340: {  	v28 =	vadd.s32 v8, v16;
	v9 =	vshrl.u32 v9, $0x3;
	v39 =	vbroadcast v18, $0x0;
	v40 =	vld [tilespmem:s31+$0xFFFFFF60];
	[tilespmem:v23+s20+$0x0] =	vst.idx.msk $0xffff, v24  }
0x341: {  	v27 =	vadd.s32 v7, v15;
	v15 =	vadd.s32 v6, v15;
	v17 =	vor.u32 $0x2, v29;
	[tilespmem:v30+s20+$0x0] =	vst.idx.msk $0xffff, v22;
	v45 =	vld [tilespmem:s31+$0xFFFFFE60]  }
0x342: {  	v29 =	vor.u32 $0x2, v28;
	v28 =	vor.u32 $0x2, v27;
	[tilespmem:v10+s20+$0x0] =	vst.idx.msk $0xffff, v20;
	v10 =	vadd.s32 v5, v39;
	v30 =	vld [tilespmem:s31+$0x60]  }
0x343: {  	v25 =	vor.u32 $0x2, v15;
	v12 =	vadd.s32 v7, v19;
	v20 =	vld [tilespmem:s31+$0x180];
	v10 =	vor.u32 $0x6, v10  }
0x344: {  	v15 =	vshll.u32 v38, v1;
	v18 =	vor.u32 $0x6, v12;
	v12 =	vadd.s32 v7, v16  }
0x345: {  	v15 =	vbroadcast v15, $0x0;
	v27 =	vor.u32 $0x2, v12;
	v12 =	vadd.s32 v6, v16;
	[tilespmem:v31+s20+$0x0] =	vst.idx.msk $0xffff, v40  }
0x346: {  	v9 =	vshll.u32 v9, v1;
	v16 =	vshrl.u32 v44, $0x3;
	v24 =	vor.u32 $0x2, v12;
	v12 =	vld [tilespmem:s31+$0xFFFFFF70];
	[tilespmem:v21+s20+$0x0] =	vst.idx.msk $0xffff, v45  }
0x347: {  	v16 =	vshll.u32 v16, v1;
	v31 =	vbroadcast v9, $0x0;
	v9 =	vadd.s32 v5, v15;
	[tilespmem:v33+s20+$0x0] =	vst.idx.msk $0xffff, v30;
	v47 =	vld [tilespmem:s31+$0xFFFFFE70]  }
0x348: {  	v16 =	vbroadcast v16, $0x0;
	v22 =	vor.u32 $0x3, v9;
	v9 =	vadd.s32 v8, v39;
	[tilespmem:v10+s20+$0x0] =	vst.idx.msk $0xffff, v20;
	v30 =	vld [tilespmem:s31+$0x70]  }
0x349: {  	v19 =	vadd.s32 v6, v19;
	v48 =	vadd.s32 v7, v15;
	v46 =	vor.u32 $0x6, v9;
	v20 =	vld [tilespmem:s31+$0x190]  }
0x34a: {  	s11 =	simm.s32 $0x18;
	v51 =	vadd.s32 v6, v15;
	v26 =	vor.u32 $0x6, v19;
	v19 =	vadd.s32 v5, v16  }
0x34b: {  	s14 =	sand.u32 $0x78, s11;
	v52 =	vadd.s32 v6, v16;
	v23 =	vor.u32 $0x7, v19;
	v19 =	vadd.s32 v8, v15;
	[tilespmem:v11+s20+$0x0] =	vst.idx.msk $0xffff, v12  }
0x34c: {  	s8 =	simm.s32 $0x14;
	v54 =	vmov s14;
	v9 =	vadd.s32 v8, v16;
	v50 =	vadd.s32 v7, v31;
	v49 =	vld [tilespmem:s31+$0xFFFFFF80];
	[tilespmem:v14+s20+$0x0] =	vst.idx.msk $0xffff, v47  }
0x34d: {  	s9 =	sand.u32 $0x70, s8;
	v33 =	vshrl.u32 v53, $0x3;
	v10 =	vadd.s32 v5, v31;
	v12 =	vadd.s32 v7, v16;
	[tilespmem:v13+s20+$0x0] =	vst.idx.msk $0xffff, v30  }
0x34e: {  	v14 =	vshrl.u32 v42, $0x3;
	v13 =	vmov s9;
	[tilespmem:v46+s20+$0x0] =	vst.idx.msk $0xffff, v20;
	v20 =	vadd.s32 v7, v39;
	v16 =	vld [tilespmem:s31+$0x80]  }
0x34f: {  	v30 =	vbroadcast v41, $0x0;
	v14 =	vshll.u32 v14, v1;
	v15 =	vld [tilespmem:s31+$0x1A0];
	v20 =	vor.u32 $0x6, v20  }
0x350: {  	s0 =	sshrl.u32 s0, $0x3;
	v21 =	vor.u32 $0x3, v10;
	v38 =	vld [tilespmem:s31+$0xFFFFFE80];
	v13 =	vshrl.u32 v13, $0x3;
	v42 =	vbroadcast v14, $0x0  }
0x351: {  	s29 =	sadd.s32 s2, s0;
	s0 =	simm.s32 $0xF;
	v10 =	vor.u32 $0x3, v19;
	v14 =	vadd.s32 v0, v30;
	v13 =	vshll.u32 v13, v1;
	[tilespmem:v35+s20+$0x0] =	vst.idx.msk $0xffff, v49  }
0x352: {  	s30 =	simm.s32 $0x6A00;
	s0 =	sand.u32 $0x78, s0;
	v45 =	vbroadcast v13, $0x0;
	v13 =	vadd.s32 v6, v39;
	v44 =	vadd.s32 v14, v42;
	v43 =	vld [tilespmem:s31+$0xFFFFFF90]  }
0x353: {  	v46 =	vld [tilespmem:s30+$0x100];
	v55 =	vor.u32 $0x6, v13;
	v13 =	vmov s0;
	v44 =	vor.u32 $0x4, v44;
	[tilespmem:v37+s20+$0x0] =	vst.idx.msk $0xffff, v16  }
0x354: {  	v19 =	vor.u32 $0x7, v9;
	v9 =	vadd.s32 v8, v31;
	v13 =	vshrl.u32 v13, $0x3;
	[tilespmem:v20+s20+$0x0] =	vst.idx.msk $0xffff, v15;
	v37 =	vld [tilespmem:s31+$0x90]  }
0x355: {  	[tilespmem:v34+s20+$0x0] =	vst.idx.msk $0xffff, v38;
	v16 =	vshll.u32 v33, v1;
	v13 =	vshll.u32 v13, v1;
	v15 =	vshrl.u32 v54, $0x3;
	v20 =	vld [tilespmem:s31+$0x1B0]  }
0x356: {  	v56 =	vld [tilespmem:s31+$0xFFFFFE90];
	v38 =	vbroadcast v16, $0x0;
	v16 =	vadd.s32 v14, v45;
	v57 =	vshll.u32 v15, v1  }
0x357: {  	v58 =	vld [tilespmem:s30+$0xFFFFFF00];
	v15 =	vadd.s32 v2, v30;
	v59 =	vor.u32 $0x4, v16;
	[tilespmem:v36+s20+$0x0] =	vst.idx.msk $0xffff, v43;
	v43 =	vbroadcast v13, $0x0  }
0x358: {  	v60 =	vld [tilespmem:s30+$0xFFFFFE00];
	v47 =	vadd.s32 v14, v38;
	v16 =	vadd.s32 v15, v42;
	v33 =	vbroadcast v57, $0x0;
	[tilespmem:v44+s20+$0x0] =	vst.idx.msk $0xffff, v46  }
0x359: {  	v31 =	vadd.s32 v6, v31;
	v61 =	vor.u32 $0x4, v16;
	v44 =	vld [tilespmem:s30+$0x110];
	v5 =	vadd.s32 v5, v43;
	[tilespmem:v29+s20+$0x0] =	vst.idx.msk $0xffff, v37  }
0x35a: {  	v29 =	vld [tilespmem:s30+$0x0];
	[tilespmem:v55+s20+$0x0] =	vst.idx.msk $0xffff, v20;
	v63 =	vor.u32 $0x7, v5;
	v5 =	vor.u32 $0x3, v31;
	v31 =	vadd.s32 v14, v33  }
0x35b: {  	[tilespmem:v17+s20+$0x0] =	vst.idx.msk $0xffff, v56;
	v62 =	vld [tilespmem:s31+$0x1C0]  }
0x35c: {  	v9 =	vor.u32 $0x3, v9;
	v17 =	vadd.s32 v15, v45;
	v20 =	vor.u32 $0x7, v52;
	v52 =	vld [tilespmem:s31+$0xFFFFFFA0];
	[tilespmem:v59+s20+$0x0] =	vst.idx.msk $0xffff, v58  }
0x35d: {  	s17 =	simm.s32 $0x15;
	s15 =	simm.s32 $0x11;
	v11 =	vor.u32 $0x3, v48;
	v56 =	vor.u32 $0x4, v17;
	v17 =	vadd.s32 v3, v30;
	[tilespmem:v47+s20+$0x0] =	vst.idx.msk $0xffff, v60;
	v57 =	vld [tilespmem:s30+$0xFFFFFF10]  }
0x35e: {  	s1 =	sand.u32 $0x70, s17;
	v12 =	vor.u32 $0x7, v12;
	s0 =	sand.u32 $0x70, s15;
	v55 =	vadd.s32 v15, v38;
	v59 =	vadd.s32 v17, v42;
	v48 =	vld [tilespmem:s30+$0xFFFFFE10];
	[tilespmem:v61+s20+$0x0] =	vst.idx.msk $0xffff, v44  }
0x35f: {  	s5 =	simm.s32 $0x1D;
	v53 =	vmov s0;
	v54 =	vmov s1;
	v44 =	vor.u32 $0x4, v59;
	v46 =	vld [tilespmem:s30+$0x120];
	[tilespmem:v31+s20+$0x0] =	vst.idx.msk $0xffff, v29  }
0x360: {  	s7 =	sand.u32 $0x78, s5;
	v13 =	vor.u32 $0x3, v50;
	v16 =	vor.u32 $0x3, v51;
	v58 =	vadd.s32 v15, v33;
	[tilespmem:v63+s20+$0x0] =	vst.idx.msk $0xffff, v62;
	v62 =	vld [tilespmem:s30+$0x10]  }
0x361: {  	v37 =	vshrl.u32 v53, $0x3;
	v8 =	vadd.s32 v8, v43;
	v53 =	vmov s7;
	[tilespmem:v18+s20+$0x0] =	vst.idx.msk $0xffff, v52;
	v63 =	vld [tilespmem:s31+$0xFFFFFEA0]  }
0x362: {  	v7 =	vadd.s32 v7, v43;
	v6 =	vadd.s32 v6, v43;
	v8 =	vor.u32 $0x7, v8;
	[tilespmem:v56+s20+$0x0] =	vst.idx.msk $0xffff, v57;
	v29 =	vld [tilespmem:s31+$0x1D0]  }
0x363: {  	v37 =	vshll.u32 v37, v1;
	v18 =	vshrl.u32 v54, $0x3;
	v31 =	vadd.s32 v17, v45;
	v56 =	vld [tilespmem:s31+$0xA0];
	[tilespmem:v55+s20+$0x0] =	vst.idx.msk $0xffff, v48  }
0x364: {  	s25 =	simm.s32 $0x19;
	v31 =	vor.u32 $0x4, v31;
	v51 =	vshll.u32 v18, v1;
	v18 =	vadd.s32 v4, v30;
	v30 =	vld [tilespmem:s30+$0xFFFFFF20];
	[tilespmem:v44+s20+$0x0] =	vst.idx.msk $0xffff, v46  }
0x365: {  	s0 =	sand.u32 $0x78, s25;
	v7 =	vor.u32 $0x7, v7;
	v61 =	vadd.s32 v17, v38;
	v42 =	vadd.s32 v18, v42;
	v52 =	vld [tilespmem:s30+$0xFFFFFE20];
	[tilespmem:v58+s20+$0x0] =	vst.idx.msk $0xffff, v62  }
0x366: {  	s1 =	simm.s32 $0x12;
	v6 =	vor.u32 $0x7, v6;
	v60 =	vmov s0;
	v42 =	vor.u32 $0x4, v42;
	v44 =	vld [tilespmem:s30+$0x130];
	[tilespmem:v28+s20+$0x0] =	vst.idx.msk $0xffff, v63  }
0x367: {  	v34 =	vbroadcast v37, $0x0;
	v49 =	vadd.s32 v17, v33;
	s0 =	sand.u32 $0x70, s1;
	[tilespmem:v8+s20+$0x0] =	vst.idx.msk $0xffff, v29;
	v29 =	vshrl.u32 v53, $0x3;
	v55 =	vld [tilespmem:s30+$0x20]  }
0x368: {  	v32 =	vshrl.u32 v60, $0x3;
	v36 =	vmov s0;
	[tilespmem:v27+s20+$0x0] =	vst.idx.msk $0xffff, v56;
	v54 =	vld [tilespmem:s31+$0x1E0];
	v29 =	vshll.u32 v29, v1  }
0x369: {  	v50 =	vadd.s32 v14, v34;
	v45 =	vadd.s32 v18, v45;
	v27 =	vld [tilespmem:s31+$0xFFFFFFB0];
	[tilespmem:v31+s20+$0x0] =	vst.idx.msk $0xffff, v30;
	v29 =	vbroadcast v29, $0x0  }
0x36a: {  	v32 =	vshll.u32 v32, v1;
	v57 =	vadd.s32 v15, v34;
	v31 =	vor.u32 $0x4, v45;
	[tilespmem:v61+s20+$0x0] =	vst.idx.msk $0xffff, v52;
	v58 =	vld [tilespmem:s30+$0xFFFFFF30]  }
0x36b: {  	v32 =	vbroadcast v32, $0x0;
	v38 =	vadd.s32 v18, v38;
	v59 =	vld [tilespmem:s30+$0xFFFFFE30];
	[tilespmem:v42+s20+$0x0] =	vst.idx.msk $0xffff, v44;
	v60 =	vadd.s32 v14, v29  }
0x36c: {  	s8 =	simm.s32 $0x16;
	v40 =	vor.u32 $0x1, v57;
	v33 =	vadd.s32 v18, v33;
	v62 =	vld [tilespmem:s30+$0x140];
	v42 =	vor.u32 $0x5, v60;
	[tilespmem:v49+s20+$0x0] =	vst.idx.msk $0xffff, v55  }
0x36d: {  	s0 =	sand.u32 $0x70, s8;
	v28 =	vbroadcast v51, $0x0;
	v51 =	vadd.s32 v17, v34;
	v8 =	vor.u32 $0x1, v50;
	[tilespmem:v7+s20+$0x0] =	vst.idx.msk $0xffff, v54;
	v47 =	vld [tilespmem:s30+$0x30]  }
0x36e: {  	v30 =	vmov s0;
	v50 =	vadd.s32 v15, v32;
	v35 =	vor.u32 $0x1, v51;
	[tilespmem:v26+s20+$0x0] =	vst.idx.msk $0xffff, v27;
	v48 =	vld [tilespmem:s31+$0x1F0]  }
0x36f: {  	s9 =	simm.s32 $0x1A;
	v57 =	vld [tilespmem:s31+$0xFFFFFEB0];
	v61 =	vadd.s32 v14, v28;
	v43 =	vor.u32 $0x1, v50;
	v30 =	vshrl.u32 v30, $0x3;
	[tilespmem:v31+s20+$0x0] =	vst.idx.msk $0xffff, v58  }
0x370: {  	s0 =	sand.u32 $0x78, s9;
	v52 =	vadd.s32 v17, v32;
	v63 =	vor.u32 $0x5, v61;
	v30 =	vshll.u32 v30, v1;
	[tilespmem:v38+s20+$0x0] =	vst.idx.msk $0xffff, v59;
	v53 =	vld [tilespmem:s30+$0xFFFFFF40]  }
0x371: {  	v27 =	vmov s0;
	v55 =	vadd.s32 v15, v29;
	v31 =	vadd.s32 v17, v28;
	v54 =	vld [tilespmem:s30+$0xFFFFFE40];
	[tilespmem:v42+s20+$0x0] =	vst.idx.msk $0xffff, v62  }
0x372: {  	v26 =	vld [tilespmem:s31+$0xB0];
	v7 =	vadd.s32 v14, v32;
	v45 =	vor.u32 $0x5, v31;
	v31 =	vadd.s32 v18, v34;
	[tilespmem:v33+s20+$0x0] =	vst.idx.msk $0xffff, v47  }
0x373: {  	v56 =	vor.u32 $0x5, v55;
	v46 =	vor.u32 $0x1, v31;
	v31 =	vadd.s32 v18, v32;
	[tilespmem:v6+s20+$0x0] =	vst.idx.msk $0xffff, v48;
	v6 =	vld [tilespmem:s30+$0x150]  }
0x374: {  	[tilespmem:v25+s20+$0x0] =	vst.idx.msk $0xffff, v57;
	v58 =	vshrl.u32 v36, $0x3;
	v7 =	vor.u32 $0x1, v7;
	v36 =	vor.u32 $0x1, v31;
	v31 =	vld [tilespmem:s30+$0x40]  }
0x375: {  	s10 =	simm.s32 $0x13;
	v44 =	vor.u32 $0x1, v52;
	v49 =	vadd.s32 v15, v28;
	v27 =	vshrl.u32 v27, $0x3;
	[tilespmem:v63+s20+$0x0] =	vst.idx.msk $0xffff, v53;
	v63 =	vld [tilespmem:s31+$0xFFFFFFC0]  }
0x376: {  	s1 =	sand.u32 $0x70, s10;
	v60 =	vbroadcast v30, $0x0;
	v41 =	vor.u32 $0x5, v49;
	v28 =	vadd.s32 v18, v28;
	[tilespmem:v8+s20+$0x0] =	vst.idx.msk $0xffff, v54;
	v8 =	vld [tilespmem:s30+$0xFFFFFF50]  }
0x377: {  	v30 =	vmov s1;
	v27 =	vshll.u32 v27, v1;
	v28 =	vor.u32 $0x5, v28;
	[tilespmem:v24+s20+$0x0] =	vst.idx.msk $0xffff, v26;
	v61 =	vld [tilespmem:s30+$0xFFFFFE50]  }
0x378: {  	v27 =	vbroadcast v27, $0x0;
	v32 =	vshll.u32 v58, v1;
	[tilespmem:v56+s20+$0x0] =	vst.idx.msk $0xffff, v6;
	v6 =	vadd.s32 v17, v29;
	v56 =	vld [tilespmem:s31+$0xC0]  }
0x379: {  	s11 =	simm.s32 $0x17;
	v55 =	vadd.s32 v17, v60;
	v59 =	vbroadcast v32, $0x0;
	[tilespmem:v7+s20+$0x0] =	vst.idx.msk $0xffff, v31;
	v25 =	vld [tilespmem:s30+$0x160];
	v6 =	vor.u32 $0x5, v6  }
0x37a: {  	s0 =	sand.u32 $0x70, s11;
	v26 =	vadd.s32 v15, v60;
	v32 =	vor.u32 $0x6, v55;
	v7 =	vadd.s32 v14, v27;
	[tilespmem:v23+s20+$0x0] =	vst.idx.msk $0xffff, v63;
	v49 =	vld [tilespmem:s30+$0x50]  }
0x37b: {  	v62 =	vmov s0;
	v52 =	vadd.s32 v14, v59;
	v50 =	vor.u32 $0x2, v7;
	v7 =	vld [tilespmem:s31+$0xFFFFFEC0];
	[tilespmem:v41+s20+$0x0] =	vst.idx.msk $0xffff, v8  }
0x37c: {  	s13 =	simm.s32 $0x1B;
	v24 =	vadd.s32 v15, v59;
	v53 =	vadd.s32 v14, v60;
	v48 =	vor.u32 $0x2, v52;
	v58 =	vld [tilespmem:s31+$0xFFFFFFD0];
	[tilespmem:v40+s20+$0x0] =	vst.idx.msk $0xffff, v61  }
0x37d: {  	s14 =	sand.u32 $0x78, s13;
	v33 =	vor.u32 $0x2, v24;
	v8 =	vadd.s32 v15, v27;
	v41 =	vor.u32 $0x6, v26;
	v26 =	vld [tilespmem:s30+$0xFFFFFE60];
	[tilespmem:v21+s20+$0x0] =	vst.idx.msk $0xffff, v56  }
0x37e: {  	s15 =	simm.s32 $0x1E;
	v54 =	vmov s14;
	v24 =	vld [tilespmem:s30+$0xFFFFFF60];
	v31 =	vor.u32 $0x2, v8;
	v8 =	vadd.s32 v17, v59;
	[tilespmem:v6+s20+$0x0] =	vst.idx.msk $0xffff, v25  }
0x37f: {  	s0 =	sand.u32 $0x78, s15;
	v42 =	vor.u32 $0x6, v53;
	v21 =	vadd.s32 v18, v27;
	v6 =	vadd.s32 v18, v29;
	[tilespmem:v43+s20+$0x0] =	vst.idx.msk $0xffff, v49  }
0x380: {  	v25 =	vshrl.u32 v30, $0x3;
	v29 =	vmov s0;
	[tilespmem:v22+s20+$0x0] =	vst.idx.msk $0xffff, v7;
	v23 =	vld [tilespmem:s30+$0x170];
	v6 =	vor.u32 $0x5, v6  }
0x381: {  	s17 =	simm.s32 $0x0;
	v30 =	vor.u32 $0x2, v8;
	v22 =	vadd.s32 v18, v60;
	[tilespmem:v19+s20+$0x0] =	vst.idx.msk $0xffff, v58;
	v8 =	vshrl.u32 v29, $0x3;
	v57 =	vld [tilespmem:s30+$0x60]  }
0x382: {  	v63 =	vld [tilespmem:s31+$0xD0];
	v58 =	vmov s17;
	v29 =	vadd.s32 v17, v27;
	v7 =	vshll.u32 v8, v1;
	[tilespmem:v35+s20+$0x0] =	vst.idx.msk $0xffff, v26  }
0x383: {  	[tilespmem:v45+s20+$0x0] =	vst.idx.msk $0xffff, v24;
	v25 =	vshll.u32 v25, v1;
	v8 =	vadd.s32 v18, v59;
	v38 =	vbroadcast v7, $0x0;
	v59 =	vld [tilespmem:s30+$0xFFFFFE70]  }
0x384: {  	v29 =	vor.u32 $0x2, v29;
	v24 =	vor.u32 $0x2, v8;
	v7 =	vshrl.u32 v62, $0x3;
	v8 =	vld [tilespmem:s30+$0xFFFFFF70]  }
0x385: {  	v27 =	vld [tilespmem:s31+$0xFFFFFED0];
	v60 =	vbroadcast v25, $0x0;
	v7 =	vshll.u32 v7, v1;
	[tilespmem:v6+s20+$0x0] =	vst.idx.msk $0xffff, v23;
	v6 =	vadd.s32 v14, v38  }
0x386: {  	v26 =	vshrl.u32 v54, $0x3;
	v62 =	vbroadcast v7, $0x0;
	[tilespmem:v44+s20+$0x0] =	vst.idx.msk $0xffff, v57;
	v61 =	vld [tilespmem:s30+$0x180];
	v6 =	vor.u32 $0x6, v6  }
0x387: {  	v25 =	vor.u32 $0x2, v21;
	v7 =	vadd.s32 v14, v60;
	[tilespmem:v9+s20+$0x0] =	vst.idx.msk $0xffff, v63;
	v23 =	vshll.u32 v26, v1;
	v44 =	vld [tilespmem:s30+$0x70]  }
0x388: {  	v26 =	vor.u32 $0x6, v22;
	v22 =	vor.u32 $0x3, v7;
	v63 =	vld [tilespmem:s31+$0xE0];
	v19 =	vadd.s32 v14, v62;
	[tilespmem:v46+s20+$0x0] =	vst.idx.msk $0xffff, v59  }
0x389: {  	v40 =	vbroadcast v23, $0x0;
	v54 =	vadd.s32 v17, v62;
	v56 =	vadd.s32 v18, v62;
	[tilespmem:v28+s20+$0x0] =	vst.idx.msk $0xffff, v8;
	v51 =	vld [tilespmem:s30+$0xFFFFFE80]  }
0x38a: {  	[tilespmem:v10+s20+$0x0] =	vst.idx.msk $0xffff, v27;
	v23 =	vor.u32 $0x7, v19;
	v8 =	vadd.s32 v15, v60;
	v19 =	vadd.s32 v15, v62;
	v49 =	vld [tilespmem:s30+$0xFFFFFF80]  }
0x38b: {  	v53 =	vld [tilespmem:s31+$0xFFFFFFE0];
	v9 =	vor.u32 $0x7, v54;
	v7 =	vadd.s32 v14, v40;
	[tilespmem:v6+s20+$0x0] =	vst.idx.msk $0xffff, v61;
	v6 =	vadd.s32 v15, v38  }
0x38c: {  	s14 =	simm.s32 $0x1F;
	v21 =	vor.u32 $0x3, v7;
	v7 =	vadd.s32 v15, v40;
	[tilespmem:v36+s20+$0x0] =	vst.idx.msk $0xffff, v44;
	v10 =	vld [tilespmem:s30+$0x190];
	v52 =	vor.u32 $0x6, v6  }
0x38d: {  	s1 =	sand.u32 $0x78, s14;
	v28 =	vor.u32 $0x3, v8;
	v27 =	vor.u32 $0x3, v7;
	[tilespmem:v13+s20+$0x0] =	vst.idx.msk $0xffff, v63;
	v61 =	vadd.s32 v17, v38;
	v36 =	vld [tilespmem:s30+$0x80]  }
0x38e: {  	s25 =	simm.s32 $0x2C;
	v55 =	vld [tilespmem:s31+$0xFFFFFEE0];
	v13 =	vmov s1;
	v6 =	vadd.s32 v17, v60;
	v39 =	vor.u32 $0x6, v61;
	[tilespmem:v48+s20+$0x0] =	vst.idx.msk $0xffff, v51  }
0x38f: {  	s5 =	sand.u32 $0x78, s25;
	s7 =	simm.s32 $0x24;
	s9 =	simm.s32 $0x20;
	v8 =	vor.u32 $0x3, v6;
	v6 =	vadd.s32 v17, v40;
	[tilespmem:v42+s20+$0x0] =	vst.idx.msk $0xffff, v49;
	v42 =	vmul.u32 $0x2200, v58;
	v59 =	vld [tilespmem:s30+$0xFFFFFE90]  }
0x390: {  	s8 =	sand.u32 $0x70, s7;
	s11 =	sand.u32 $0x70, s9;
	[tilespmem:v12+s20+$0x0] =	vst.idx.msk $0xffff, v53;
	v7 =	vor.u32 $0x3, v6;
	v6 =	vadd.s32 v18, v60;
	v60 =	vmov s5  }
0x391: {  	v48 =	vmov s8;
	v51 =	vmov s11;
	v57 =	vld [tilespmem:s30+$0xFFFFFF90];
	v12 =	vshrl.u32 v60, $0x3;
	[tilespmem:v52+s20+$0x0] =	vst.idx.msk $0xffff, v10  }
0x392: {  	v49 =	vshrl.u32 v48, $0x3;
	v12 =	vshll.u32 v12, v1;
	[tilespmem:v50+s20+$0x0] =	vst.idx.msk $0xffff, v36;
	v36 =	vbroadcast v42, $0x0;
	v62 =	vld [tilespmem:s30+$0x1A0]  }
0x393: {  	[tilespmem:v11+s20+$0x0] =	vst.idx.msk $0xffff, v55;
	v11 =	vld [tilespmem:s31+$0xFFFFFFF0];
	v53 =	vshrl.u32 v51, $0x3;
	v54 =	vshll.u32 v49, v1;
	v37 =	vbroadcast v12, $0x0  }
0x394: {  	s10 =	simm.s32 $0x28;
	v13 =	vshrl.u32 v13, $0x3;
	v35 =	vshll.u32 v53, v1;
	v50 =	vld [tilespmem:s30+$0x90];
	v12 =	vadd.s32 v0, v36;
	[tilespmem:v33+s20+$0x0] =	vst.idx.msk $0xffff, v59  }
0x395: {  	s13 =	sand.u32 $0x78, s10;
	s0 =	simm.s32 $0x6E00;
	v35 =	vbroadcast v35, $0x0;
	v10 =	vor.u32 $0x7, v56;
	v56 =	vadd.s32 v12, v37;
	v60 =	vld [tilespmem:s30+$0xFFFFFEA0]  }
0x396: {  	v52 =	vmov s13;
	[tilespmem:v41+s20+$0x0] =	vst.idx.msk $0xffff, v57;
	v41 =	vbroadcast v54, $0x0;
	v57 =	vld [tilespmem:s0+$0x100];
	v42 =	vor.u32 $0x4, v56  }
0x397: {  	v58 =	vadd.s32 v18, v38;
	v59 =	vshrl.u32 v52, $0x3;
	v63 =	vadd.s32 v12, v35;
	[tilespmem:v39+s20+$0x0] =	vst.idx.msk $0xffff, v62;
	v62 =	vld [tilespmem:s0+$0xFFFFFE00]  }
0x398: {  	v34 =	vor.u32 $0x6, v58;
	[tilespmem:v20+s20+$0x0] =	vst.idx.msk $0xffff, v11;
	v38 =	vshll.u32 v59, v1;
	v11 =	vadd.s32 v12, v41;
	v39 =	vld [tilespmem:s30+$0x1B0]  }
0x399: {  	v45 =	vld [tilespmem:s0+$0xFFFFFF00];
	v20 =	vshll.u32 v13, v1;
	v38 =	vbroadcast v38, $0x0;
	v61 =	vor.u32 $0x4, v11;
	[tilespmem:v31+s20+$0x0] =	vst.idx.msk $0xffff, v50  }
0x39a: {  	v40 =	vadd.s32 v18, v40;
	v20 =	vbroadcast v20, $0x0;
	v13 =	vadd.s32 v2, v36;
	v55 =	vld [tilespmem:s30+$0xFFFFFFA0];
	[tilespmem:v30+s20+$0x0] =	vst.idx.msk $0xffff, v60  }
0x39b: {  	s25 =	simm.s32 $0x29;
	v19 =	vor.u32 $0x7, v19;
	v59 =	vld [tilespmem:s0+$0x0];
	v56 =	vadd.s32 v13, v37;
	v60 =	vadd.s32 v12, v38;
	[tilespmem:v42+s20+$0x0] =	vst.idx.msk $0xffff, v57  }
0x39c: {  	s8 =	sand.u32 $0x78, s25;
	v6 =	vor.u32 $0x3, v6;
	v14 =	vadd.s32 v14, v20;
	v42 =	vor.u32 $0x4, v56;
	v43 =	vld [tilespmem:s0+$0x110];
	[tilespmem:v63+s20+$0x0] =	vst.idx.msk $0xffff, v62  }
0x39d: {  	v52 =	vmov s8;
	v48 =	vadd.s32 v13, v35;
	v11 =	vor.u32 $0x3, v40;
	[tilespmem:v34+s20+$0x0] =	vst.idx.msk $0xffff, v39;
	v40 =	vld [tilespmem:s0+$0xFFFFFE10]  }
0x39e: {  	s15 =	simm.s32 $0x21;
	v17 =	vadd.s32 v17, v20;
	v58 =	vor.u32 $0x7, v14;
	v14 =	vadd.s32 v13, v41;
	[tilespmem:v61+s20+$0x0] =	vst.idx.msk $0xffff, v45;
	v39 =	vld [tilespmem:s30+$0x1C0]  }
0x39f: {  	s17 =	simm.s32 $0x25;
	s1 =	sand.u32 $0x70, s15;
	v15 =	vadd.s32 v15, v20;
	v17 =	vor.u32 $0x7, v17;
	v50 =	vor.u32 $0x4, v14;
	[tilespmem:v32+s20+$0x0] =	vst.idx.msk $0xffff, v55;
	v62 =	vld [tilespmem:s0+$0xFFFFFF10]  }
0x3a0: {  	s5 =	sand.u32 $0x70, s17;
	v31 =	vld [tilespmem:s31+$0xFFFFFEF0];
	v51 =	vadd.s32 v13, v38;
	v14 =	vadd.s32 v3, v36;
	v57 =	vmov s1;
	[tilespmem:v60+s20+$0x0] =	vst.idx.msk $0xffff, v59  }
0x3a1: {  	v30 =	vmov s5;
	v61 =	vshrl.u32 v57, $0x3;
	v57 =	vadd.s32 v14, v37;
	v53 =	vld [tilespmem:s0+$0x10];
	[tilespmem:v42+s20+$0x0] =	vst.idx.msk $0xffff, v43  }
0x3a2: {  	s11 =	simm.s32 $0x26;
	v30 =	vshrl.u32 v30, $0x3;
	v32 =	vshll.u32 v61, v1;
	v42 =	vor.u32 $0x4, v57;
	v43 =	vld [tilespmem:s0+$0x120];
	[tilespmem:v48+s20+$0x0] =	vst.idx.msk $0xffff, v40  }
0x3a3: {  	s5 =	sand.u32 $0x70, s11;
	v30 =	vshll.u32 v30, v1;
	v61 =	vadd.s32 v14, v35;
	v32 =	vbroadcast v32, $0x0;
	[tilespmem:v58+s20+$0x0] =	vst.idx.msk $0xffff, v39;
	v48 =	vld [tilespmem:s0+$0xFFFFFE20]  }
0x3a4: {  	v45 =	vmov s5;
	v60 =	vor.u32 $0x7, v15;
	[tilespmem:v50+s20+$0x0] =	vst.idx.msk $0xffff, v62;
	v58 =	vadd.s32 v14, v41;
	v59 =	vld [tilespmem:s30+$0x1D0]  }
0x3a5: {  	v63 =	vshrl.u32 v52, $0x3;
	[tilespmem:v16+s20+$0x0] =	vst.idx.msk $0xffff, v31;
	v15 =	vadd.s32 v12, v32;
	v62 =	vld [tilespmem:s0+$0xFFFFFF20];
	v44 =	vor.u32 $0x4, v58  }
0x3a6: {  	s9 =	simm.s32 $0x22;
	v49 =	vld [tilespmem:s30+$0xA0];
	v52 =	vadd.s32 v14, v38;
	v33 =	vor.u32 $0x1, v15;
	v15 =	vadd.s32 v4, v36;
	[tilespmem:v51+s20+$0x0] =	vst.idx.msk $0xffff, v53  }
0x3a7: {  	s10 =	simm.s32 $0x2D;
	s1 =	sand.u32 $0x70, s9;
	v30 =	vbroadcast v30, $0x0;
	v34 =	vshll.u32 v63, v1;
	v37 =	vadd.s32 v15, v37;
	v56 =	vld [tilespmem:s0+$0x20];
	[tilespmem:v42+s20+$0x0] =	vst.idx.msk $0xffff, v43  }
0x3a8: {  	v34 =	vbroadcast v34, $0x0;
	v37 =	vor.u32 $0x4, v37;
	v39 =	vmov s1;
	s1 =	sand.u32 $0x78, s10;
	v42 =	vld [tilespmem:s0+$0x130];
	[tilespmem:v61+s20+$0x0] =	vst.idx.msk $0xffff, v48  }
0x3a9: {  	v63 =	vadd.s32 v13, v32;
	v35 =	vadd.s32 v15, v35;
	v55 =	vmov s1;
	[tilespmem:v60+s20+$0x0] =	vst.idx.msk $0xffff, v59;
	v61 =	vld [tilespmem:s0+$0xFFFFFE30]  }
0x3aa: {  	v31 =	vor.u32 $0x1, v63;
	v16 =	vadd.s32 v15, v41;
	v43 =	vshrl.u32 v55, $0x3;
	[tilespmem:v44+s20+$0x0] =	vst.idx.msk $0xffff, v62;
	v46 =	vld [tilespmem:s30+$0x1E0]  }
0x3ab: {  	[tilespmem:v29+s20+$0x0] =	vst.idx.msk $0xffff, v49;
	v29 =	vadd.s32 v14, v34;
	v58 =	vor.u32 $0x4, v16;
	v57 =	vshll.u32 v43, v1;
	v60 =	vld [tilespmem:s0+$0xFFFFFF30]  }
0x3ac: {  	s17 =	simm.s32 $0x2B;
	v54 =	vld [tilespmem:s30+$0xFFFFFFB0];
	v38 =	vadd.s32 v15, v38;
	v16 =	vadd.s32 v12, v30;
	v44 =	vbroadcast v57, $0x0;
	[tilespmem:v52+s20+$0x0] =	vst.idx.msk $0xffff, v56  }
0x3ad: {  	s7 =	sand.u32 $0x78, s17;
	v47 =	vor.u32 $0x1, v29;
	v43 =	vld [tilespmem:s30+$0xFFFFFEB0];
	v48 =	vor.u32 $0x5, v16;
	v16 =	vadd.s32 v13, v30;
	[tilespmem:v37+s20+$0x0] =	vst.idx.msk $0xffff, v42  }
0x3ae: {  	v53 =	vmov s7;
	v59 =	vadd.s32 v12, v34;
	v62 =	vadd.s32 v12, v44;
	v52 =	vld [tilespmem:s0+$0x30];
	[tilespmem:v35+s20+$0x0] =	vst.idx.msk $0xffff, v61  }
0x3af: {  	v57 =	vadd.s32 v14, v30;
	v30 =	vadd.s32 v15, v30;
	v37 =	vor.u32 $0x5, v62;
	v63 =	vld [tilespmem:s0+$0x140];
	[tilespmem:v17+s20+$0x0] =	vst.idx.msk $0xffff, v46  }
0x3b0: {  	v56 =	vadd.s32 v14, v32;
	v49 =	vor.u32 $0x5, v57;
	v17 =	vadd.s32 v18, v20;
	[tilespmem:v58+s20+$0x0] =	vst.idx.msk $0xffff, v60;
	v58 =	vld [tilespmem:s0+$0xFFFFFE40]  }
0x3b1: {  	[tilespmem:v26+s20+$0x0] =	vst.idx.msk $0xffff, v54;
	v32 =	vadd.s32 v15, v32;
	v51 =	vor.u32 $0x5, v30;
	v20 =	vld [tilespmem:s30+$0x1F0];
	v17 =	vor.u32 $0x7, v17  }
0x3b2: {  	v30 =	vadd.s32 v15, v34;
	v42 =	vor.u32 $0x1, v59;
	v59 =	vshrl.u32 v39, $0x3;
	[tilespmem:v24+s20+$0x0] =	vst.idx.msk $0xffff, v43;
	v29 =	vld [tilespmem:s0+$0xFFFFFF40]  }
0x3b3: {  	v18 =	vor.u32 $0x5, v16;
	v16 =	vadd.s32 v13, v34;
	v34 =	vshll.u32 v59, v1;
	[tilespmem:v38+s20+$0x0] =	vst.idx.msk $0xffff, v52;
	v38 =	vld [tilespmem:s30+$0xFFFFFEC0]  }
0x3b4: {  	v41 =	vor.u32 $0x1, v30;
	v30 =	vadd.s32 v13, v44;
	v26 =	vbroadcast v34, $0x0;
	v61 =	vld [tilespmem:s0+$0x40];
	[tilespmem:v37+s20+$0x0] =	vst.idx.msk $0xffff, v63  }
0x3b5: {  	v50 =	vor.u32 $0x1, v32;
	v30 =	vor.u32 $0x5, v30;
	v24 =	vadd.s32 v14, v44;
	v60 =	vld [tilespmem:s0+$0x150];
	[tilespmem:v33+s20+$0x0] =	vst.idx.msk $0xffff, v58  }
0x3b6: {  	s13 =	simm.s32 $0x2A;
	v24 =	vor.u32 $0x5, v24;
	v46 =	vor.u32 $0x1, v56;
	v37 =	vld [tilespmem:s30+$0xB0];
	v63 =	vadd.s32 v12, v26;
	[tilespmem:v17+s20+$0x0] =	vst.idx.msk $0xffff, v20  }
0x3b7: {  	s15 =	simm.s32 $0x27;
	s1 =	sand.u32 $0x78, s13;
	v40 =	vor.u32 $0x1, v16;
	v55 =	vadd.s32 v15, v26;
	v35 =	vor.u32 $0x2, v63;
	[tilespmem:v48+s20+$0x0] =	vst.idx.msk $0xffff, v29;
	v57 =	vld [tilespmem:s0+$0xFFFFFE50]  }
0x3b8: {  	s5 =	sand.u32 $0x70, s15;
	v58 =	vadd.s32 v13, v26;
	v17 =	vmov s1;
	v20 =	vshrl.u32 v45, $0x3;
	[tilespmem:v22+s20+$0x0] =	vst.idx.msk $0xffff, v38;
	v62 =	vld [tilespmem:s0+$0xFFFFFF50]  }
0x3b9: {  	v45 =	vld [tilespmem:s30+$0xFFFFFFC0];
	v48 =	vmov s5;
	v17 =	vshrl.u32 v17, $0x3;
	v20 =	vshll.u32 v20, v1;
	[tilespmem:v42+s20+$0x0] =	vst.idx.msk $0xffff, v61  }
0x3ba: {  	s14 =	simm.s32 $0x23;
	v32 =	vor.u32 $0x2, v58;
	v43 =	vld [tilespmem:s30+$0xFFFFFED0];
	v20 =	vbroadcast v20, $0x0;
	v17 =	vshll.u32 v17, v1;
	[tilespmem:v30+s20+$0x0] =	vst.idx.msk $0xffff, v60  }
0x3bb: {  	s1 =	sand.u32 $0x70, s14;
	v22 =	vshrl.u32 v48, $0x3;
	[tilespmem:v25+s20+$0x0] =	vst.idx.msk $0xffff, v37;
	v25 =	vadd.s32 v14, v26;
	v17 =	vbroadcast v17, $0x0;
	v59 =	vld [tilespmem:s0+$0x160]  }
0x3bc: {  	v29 =	vmov s1;
	v61 =	vld [tilespmem:s0+$0x50];
	v22 =	vshll.u32 v22, v1;
	v36 =	vadd.s32 v12, v20;
	[tilespmem:v31+s20+$0x0] =	vst.idx.msk $0xffff, v57  }
0x3bd: {  	v56 =	vbroadcast v22, $0x0;
	v63 =	vadd.s32 v14, v20;
	v30 =	vadd.s32 v12, v17;
	[tilespmem:v18+s20+$0x0] =	vst.idx.msk $0xffff, v62;
	v54 =	vld [tilespmem:s0+$0xFFFFFE60]  }
0x3be: {  	v36 =	vor.u32 $0x6, v36;
	v60 =	vadd.s32 v13, v17;
	[tilespmem:v23+s20+$0x0] =	vst.idx.msk $0xffff, v45;
	v23 =	vadd.s32 v15, v20;
	v52 =	vld [tilespmem:s0+$0xFFFFFF60]  }
0x3bf: {  	s25 =	simm.s32 $0x2E;
	v34 =	vor.u32 $0x2, v30;
	v30 =	vadd.s32 v13, v20;
	v18 =	vld [tilespmem:s30+$0xC0];
	v62 =	vshrl.u32 v29, $0x3;
	[tilespmem:v28+s20+$0x0] =	vst.idx.msk $0xffff, v43  }
0x3c0: {  	s1 =	sand.u32 $0x78, s25;
	v29 =	vor.u32 $0x2, v25;
	v25 =	vadd.s32 v14, v17;
	v20 =	vadd.s32 v15, v44;
	v39 =	vld [tilespmem:s30+$0xFFFFFFD0];
	[tilespmem:v24+s20+$0x0] =	vst.idx.msk $0xffff, v59  }
0x3c1: {  	v26 =	vor.u32 $0x2, v25;
	[tilespmem:v40+s20+$0x0] =	vst.idx.msk $0xffff, v61;
	v57 =	vor.u32 $0x5, v20;
	v24 =	vmov s1;
	v25 =	vld [tilespmem:s0+$0x170]  }
0x3c2: {  	v31 =	vor.u32 $0x6, v63;
	v17 =	vadd.s32 v15, v17;
	v58 =	vld [tilespmem:s0+$0x60];
	v59 =	vshrl.u32 v24, $0x3;
	[tilespmem:v46+s20+$0x0] =	vst.idx.msk $0xffff, v54  }
0x3c3: {  	v16 =	vld [tilespmem:s31+$0xF0];
	v33 =	vor.u32 $0x6, v30;
	v24 =	vor.u32 $0x6, v23;
	v23 =	vshll.u32 v59, v1;
	[tilespmem:v49+s20+$0x0] =	vst.idx.msk $0xffff, v52  }
0x3c4: {  	v30 =	vor.u32 $0x2, v60;
	v60 =	vshll.u32 v62, v1;
	[tilespmem:v21+s20+$0x0] =	vst.idx.msk $0xffff, v18;
	v37 =	vbroadcast v23, $0x0;
	v62 =	vld [tilespmem:s0+$0xFFFFFF70]  }
0x3c5: {  	v44 =	vadd.s32 v15, v56;
	v20 =	vor.u32 $0x2, v55;
	v61 =	vshrl.u32 v53, $0x3;
	[tilespmem:v19+s20+$0x0] =	vst.idx.msk $0xffff, v39;
	v63 =	vld [tilespmem:s0+$0xFFFFFE70]  }
0x3c6: {  	v42 =	vld [tilespmem:s30+$0xFFFFFEE0];
	v19 =	vadd.s32 v13, v56;
	v49 =	vbroadcast v60, $0x0;
	v18 =	vadd.s32 v12, v37;
	[tilespmem:v57+s20+$0x0] =	vst.idx.msk $0xffff, v25  }
0x3c7: {  	v23 =	vshll.u32 v61, v1;
	v19 =	vor.u32 $0x7, v19;
	[tilespmem:v47+s20+$0x0] =	vst.idx.msk $0xffff, v58;
	v59 =	vor.u32 $0x6, v18;
	v58 =	vld [tilespmem:s0+$0x180]  }
0x3c8: {  	v38 =	vbroadcast v23, $0x0;
	v23 =	vor.u32 $0x2, v17;
	v17 =	vadd.s32 v12, v49;
	v60 =	vld [tilespmem:s0+$0x70]  }
0x3c9: {  	v61 =	vadd.s32 v14, v49;
	v57 =	vld [tilespmem:s30+$0xD0];
	v18 =	vadd.s32 v12, v56;
	v22 =	vor.u32 $0x3, v17;
	[tilespmem:v51+s20+$0x0] =	vst.idx.msk $0xffff, v62  }
0x3ca: {  	v17 =	vadd.s32 v12, v38;
	v39 =	vor.u32 $0x3, v61;
	v28 =	vadd.s32 v14, v38;
	[tilespmem:v50+s20+$0x0] =	vst.idx.msk $0xffff, v63;
	v46 =	vld [tilespmem:s0+$0xFFFFFF80]  }
0x3cb: {  	v25 =	vor.u32 $0x7, v18;
	v18 =	vadd.s32 v13, v49;
	v21 =	vor.u32 $0x3, v17;
	v45 =	vld [tilespmem:s0+$0xFFFFFE80]  }
0x3cc: {  	v40 =	vld [tilespmem:s30+$0xFFFFFFE0];
	v17 =	vadd.s32 v13, v38;
	v28 =	vor.u32 $0x3, v28;
	v63 =	vadd.s32 v13, v37;
	[tilespmem:v59+s20+$0x0] =	vst.idx.msk $0xffff, v58  }
0x3cd: {  	s15 =	simm.s32 $0x2F;
	v18 =	vor.u32 $0x3, v18;
	v62 =	vadd.s32 v14, v56;
	v48 =	vor.u32 $0x6, v63;
	[tilespmem:v41+s20+$0x0] =	vst.idx.msk $0xffff, v60;
	v47 =	vld [tilespmem:s0+$0x190]  }
0x3ce: {  	s10 =	simm.s32 $0x2F;
	s31 =	simm.s32 $0x6E00;
	s1 =	simm.s32 $0x8;
	v17 =	vor.u32 $0x3, v17;
	v43 =	vor.u32 $0x7, v62;
	v41 =	vadd.s32 v15, v49;
	v49 =	vld [tilespmem:s0+$0x80];
	[tilespmem:v27+s20+$0x0] =	vst.idx.msk $0xffff, v57  }
.LBB2_13:
0x3cf: {  	s1 =	sadd.s32 $0x4, s1;
	v27 =	vor.u32 $0x3, v41;
	[tilespmem:v36+s20+$0x0] =	vst.idx.msk $0xffff, v46;
	v41 =	vor.u32 $0x7, v44;
	v36 =	vadd.s32 v15, v38;
	s10 =	sadd.s32 $0x10, s10;
	v38 =	vld [tilespmem:s30+$0xE0]  }
0x3d0: {  	s5 =	sshrl.u32 s1, $0x5;
	s7 =	sadd.s32 $0xFFFFFFF5, s10;
	s8 =	sadd.s32 $0xFFFFFFFD, s10;
	[tilespmem:v35+s20+$0x0] =	vst.idx.msk $0xffff, v45;
	v44 =	vld [tilespmem:s0+$0xFFFFFF90];
	v36 =	vor.u32 $0x3, v36  }
0x3d1: {  	s9 =	sadd.s32 $0xFFFFFFF1, s10;
	v35 =	vmov s5;
	s5 =	sand.u32 $0x70, s7;
	s7 =	sand.u32 $0x78, s8;
	v45 =	vld [tilespmem:s0+$0xFFFFFE90];
	[tilespmem:v9+s20+$0x0] =	vst.idx.msk $0xffff, v40;
	v9 =	vmov v43  }
0x3d2: {  	s11 =	sadd.s32 $0xFFFFFFF9, s10;
	s8 =	sand.u32 $0x70, s9;
	s9 =	sadd.s32 $0xFFFFFFF2, s10;
	v43 =	vadd.s32 v14, v37;
	v35 =	vmul.u32 $0x2200, v35;
	v40 =	vmov s7;
	[tilespmem:v48+s20+$0x0] =	vst.idx.msk $0xffff, v47;
	v46 =	vld [tilespmem:s30+$0xFFFFFFF0]  }
0x3d3: {  	s11 =	sand.u32 $0x78, s11;
	v47 =	vmov s5;
	s5 =	sadd.s32 $0xFFFFFFF6, s10;
	s7 =	sadd.s32 $0xFFFFFFFA, s10;
	v43 =	vor.u32 $0x6, v43;
	v40 =	vshrl.u32 v40, $0x3;
	[tilespmem:v34+s20+$0x0] =	vst.idx.msk $0xffff, v49;
	v48 =	vld [tilespmem:s0+$0x1A0]  }
0x3d4: {  	s14 =	sand.u32 $0x70, s9;
	v47 =	vshrl.u32 v47, $0x3;
	s13 =	sand.u32 $0x70, s5;
	s7 =	sand.u32 $0x78, s7;
	v34 =	vbroadcast v35, $0x0;
	v35 =	vshll.u32 v40, v1;
	v40 =	vld [tilespmem:s0+$0x90];
	[tilespmem:v8+s20+$0x0] =	vst.idx.msk $0xffff, v42;
	v8 =	vmovc v39  }
0x3d5: {  	s9 =	sadd.s32 $0xFFFFFFF7, s10;
	s5 =	sadd.s32 $0xFFFFFFF3, s10;
	v39 =	vmov s8;
	v42 =	vmov s11;
	s11 =	sadd.s32 $0xFFFFFFFB, s10;
	v35 =	vbroadcast v35, $0x0;
	[tilespmem:v33+s20+$0x0] =	vst.idx.msk $0xffff, v44;
	v33 =	vld [tilespmem:s30+$0xFFFFFEF0]  }
0x3d6: {  	s25 =	sand.u32 $0x70, s9;
	s8 =	sand.u32 $0x70, s5;
	v47 =	vshll.u32 v47, v1;
	v39 =	vshrl.u32 v39, $0x3;
	s9 =	sand.u32 $0x78, s11;
	v44 =	vadd.s32 v0, v34;
	[tilespmem:v32+s20+$0x0] =	vst.idx.msk $0xffff, v45;
	v32 =	vld [tilespmem:s0+$0xFFFFFFA0]  }
0x3d7: {  	s5 =	sadd.s32 $0xFFFFFFF4, s10;
	s11 =	sadd.s32 $0xFFFFFFF8, s10;
	v42 =	vshrl.u32 v42, $0x3;
	v45 =	vbroadcast v47, $0x0;
	s0 =	sadd.s32 $0x400, s0;
	v47 =	vadd.s32 v44, v35;
	v49 =	vld [tilespmem:s31+$0xFFFFFEA0];
	[tilespmem:v7+s20+$0x0] =	vst.idx.msk $0xffff, v38;
	v7 =	vmovc v28  }
0x3d8: {  	s15 =	sand.u32 $0x78, s15;
	v37 =	vadd.s32 v15, v37;
	s17 =	sand.u32 $0x70, s5;
	s5 =	sadd.s32 $0xFFFFFFFC, s10;
	v28 =	vshll.u32 v39, v1;
	v38 =	vld [tilespmem:s0+$0x100];
	v39 =	vor.u32 $0x4, v47;
	[tilespmem:v43+s20+$0x0] =	vst.idx.msk $0xffff, v48  }
0x3d9: {  	p0 =	slt.u32 s1, $0x3C;
	v37 =	vor.u32 $0x6, v37;
	s11 =	sand.u32 $0x70, s11;
	v42 =	vshll.u32 v42, v1;
	s5 =	sand.u32 $0x78, s5;
	[tilespmem:v30+s20+$0x0] =	vst.idx.msk $0xffff, v40;
	v30 =	vld [tilespmem:s31+$0x1B0];
	v40 =	vmov s15  }
0x3da: {  	v42 =	vbroadcast v42, $0x0;
	v47 =	vbroadcast v28, $0x0;
	s15 =	smov.u32 s10;
	v43 =	vld [tilespmem:s0+$0xFFFFFE00];
	v28 =	vshrl.u32 v40, $0x3;
	[tilespmem:v10+s20+$0x0] =	vst.idx.msk $0xffff, v46;
	v10 =	vmovc v41  }
0x3db: {  	v40 =	vmov s14;
	v46 =	vadd.s32 v44, v45;
	v41 =	vld [tilespmem:s0+$0xFFFFFF00];
	[tilespmem:v31+s20+$0x0] =	vst.idx.msk $0xffff, v32;
	v28 =	vshll.u32 v28, v1  }
0x3dc: {  	v31 =	vadd.s32 v2, v34;
	v32 =	vor.u32 $0x4, v46;
	v46 =	vld [tilespmem:s0+$0x0];
	[tilespmem:v29+s20+$0x0] =	vst.idx.msk $0xffff, v49;
	v48 =	vbroadcast v28, $0x0  }
0x3dd: {  	v50 =	vmov s13;
	v49 =	vadd.s32 v44, v47;
	v29 =	vadd.s32 v31, v35;
	[tilespmem:v39+s20+$0x0] =	vst.idx.msk $0xffff, v38;
	v28 =	vld [tilespmem:s31+$0xA0]  }
0x3de: {  	v38 =	vadd.s32 v44, v42;
	v51 =	vor.u32 $0x4, v29;
	v39 =	vld [tilespmem:s0+$0x110];
	[tilespmem:v37+s20+$0x0] =	vst.idx.msk $0xffff, v30;
	v12 =	vadd.s32 v12, v48  }
0x3df: {  	v29 =	vadd.s32 v31, v45;
	v30 =	vadd.s32 v31, v47;
	v37 =	vld [tilespmem:s31+$0x1C0];
	v52 =	vor.u32 $0x7, v12;
	[tilespmem:v6+s20+$0x0] =	vst.idx.msk $0xffff, v33  }
0x3e0: {  	v54 =	vmov s7;
	v53 =	vadd.s32 v31, v42;
	v33 =	vor.u32 $0x4, v29;
	v6 =	vmovc v27;
	v29 =	vld [tilespmem:s31+$0xFFFFFFB0];
	[tilespmem:v5+s20+$0x0] =	vst.idx.msk $0xffff, v16;
	v5 =	vmovc v11  }
0x3e1: {  	v16 =	vshrl.u32 v40, $0x3;
	v40 =	vshrl.u32 v54, $0x3;
	v11 =	vmovc v36;
	[tilespmem:v32+s20+$0x0] =	vst.idx.msk $0xffff, v41;
	v32 =	vshrl.u32 v50, $0x3;
	v27 =	vld [tilespmem:s31+$0xFFFFFEB0];
	v12 =	vmovc v44  }
0x3e2: {  	v36 =	vadd.s32 v3, v34;
	v16 =	vshll.u32 v16, v1;
	[tilespmem:v49+s20+$0x0] =	vst.idx.msk $0xffff, v43;
	v43 =	vmov s8;
	v41 =	vld [tilespmem:s0+$0xFFFFFF10]  }
0x3e3: {  	v49 =	vbroadcast v16, $0x0;
	v16 =	vadd.s32 v36, v45;
	v44 =	vld [tilespmem:s0+$0xFFFFFE10];
	[tilespmem:v51+s20+$0x0] =	vst.idx.msk $0xffff, v39;
	v39 =	vadd.s32 v36, v35  }
0x3e4: {  	v50 =	vor.u32 $0x4, v16;
	v16 =	vadd.s32 v13, v48;
	v13 =	vmovc v31;
	v51 =	vld [tilespmem:s0+$0x120];
	v39 =	vor.u32 $0x4, v39;
	[tilespmem:v52+s20+$0x0] =	vst.idx.msk $0xffff, v37  }
0x3e5: {  	v37 =	vadd.s32 v36, v47;
	v52 =	vor.u32 $0x7, v16;
	[tilespmem:v38+s20+$0x0] =	vst.idx.msk $0xffff, v46;
	v38 =	vadd.s32 v36, v42;
	v46 =	vld [tilespmem:s31+$0x1D0]  }
0x3e6: {  	v40 =	vshll.u32 v40, v1;
	v31 =	vshll.u32 v32, v1;
	v16 =	vadd.s32 v12, v49;
	v32 =	vld [tilespmem:s0+$0x10]  }
0x3e7: {  	v55 =	vbroadcast v40, $0x0;
	v54 =	vor.u32 $0x1, v16;
	[tilespmem:v33+s20+$0x0] =	vst.idx.msk $0xffff, v41;
	v33 =	vbroadcast v31, $0x0;
	v16 =	vld [tilespmem:s30+$0xF0];
	s30 =	smov.u32 s31;
	s31 =	smov.u32 s0  }
0x3e8: {  	s7 =	sadd.s32 $0xFFFFFFFE, s10;
	v31 =	vadd.s32 v13, v49;
	[tilespmem:v30+s20+$0x0] =	vst.idx.msk $0xffff, v44;
	v30 =	vadd.s32 v4, v34;
	v34 =	vld [tilespmem:s0+$0xFFFFFF20];
	v44 =	vmov s25  }
0x3e9: {  	s7 =	sand.u32 $0x78, s7;
	v31 =	vor.u32 $0x1, v31;
	v40 =	vld [tilespmem:s0+$0xFFFFFE20];
	v41 =	vadd.s32 v30, v45;
	[tilespmem:v39+s20+$0x0] =	vst.idx.msk $0xffff, v51;
	v35 =	vadd.s32 v30, v35  }
0x3ea: {  	v45 =	vmov s7;
	v39 =	vld [tilespmem:s0+$0x130];
	v35 =	vor.u32 $0x4, v35;
	[tilespmem:v52+s20+$0x0] =	vst.idx.msk $0xffff, v46;
	v46 =	vadd.s32 v14, v48;
	v14 =	vmovc v36  }
0x3eb: {  	v36 =	vor.u32 $0x4, v41;
	[tilespmem:v53+s20+$0x0] =	vst.idx.msk $0xffff, v32;
	v32 =	vshrl.u32 v45, $0x3;
	v41 =	vld [tilespmem:s30+$0x1E0];
	v45 =	vor.u32 $0x7, v46  }
0x3ec: {  	v42 =	vadd.s32 v30, v42;
	v46 =	vadd.s32 v30, v47;
	v47 =	vld [tilespmem:s0+$0x20];
	v32 =	vshll.u32 v32, v1  }
0x3ed: {  	[tilespmem:v50+s20+$0x0] =	vst.idx.msk $0xffff, v34;
	v34 =	vadd.s32 v12, v33;
	v50 =	vadd.s32 v12, v55;
	v51 =	vbroadcast v32, $0x0  }
0x3ee: {  	[tilespmem:v37+s20+$0x0] =	vst.idx.msk $0xffff, v40;
	v32 =	vld [tilespmem:s0+$0xFFFFFF30];
	v34 =	vor.u32 $0x5, v34;
	v37 =	vadd.s32 v13, v33;
	v50 =	vor.u32 $0x1, v50  }
0x3ef: {  	v52 =	vadd.s32 v13, v55;
	v40 =	vld [tilespmem:s0+$0xFFFFFE30];
	v37 =	vor.u32 $0x5, v37;
	[tilespmem:v35+s20+$0x0] =	vst.idx.msk $0xffff, v39;
	v35 =	vadd.s32 v12, v51  }
0x3f0: {  	v52 =	vor.u32 $0x1, v52;
	v39 =	vadd.s32 v15, v48;
	v15 =	vmovc v30;
	v53 =	vld [tilespmem:s0+$0x140];
	v35 =	vor.u32 $0x5, v35;
	[tilespmem:v45+s20+$0x0] =	vst.idx.msk $0xffff, v41  }
0x3f1: {  	v30 =	vadd.s32 v14, v49;
	v41 =	vadd.s32 v14, v33;
	v45 =	vor.u32 $0x7, v39;
	[tilespmem:v38+s20+$0x0] =	vst.idx.msk $0xffff, v47;
	v38 =	vld [tilespmem:s30+$0x1F0]  }
0x3f2: {  	v39 =	vadd.s32 v14, v55;
	v47 =	vor.u32 $0x1, v30;
	v48 =	vor.u32 $0x5, v41;
	v30 =	vld [tilespmem:s0+$0x30];
	[tilespmem:v26+s20+$0x0] =	vst.idx.msk $0xffff, v28  }
0x3f3: {  	v41 =	vor.u32 $0x1, v39;
	v26 =	vadd.s32 v15, v49;
	v28 =	vadd.s32 v15, v33;
	[tilespmem:v36+s20+$0x0] =	vst.idx.msk $0xffff, v32;
	v49 =	vld [tilespmem:s30+$0xB0]  }
0x3f4: {  	v39 =	vor.u32 $0x1, v26;
	[tilespmem:v46+s20+$0x0] =	vst.idx.msk $0xffff, v40;
	v26 =	vld [tilespmem:s0+$0xFFFFFF40];
	v40 =	vor.u32 $0x5, v28;
	v28 =	vadd.s32 v15, v55  }
0x3f5: {  	v33 =	vshrl.u32 v43, $0x3;
	v36 =	vmov s9;
	v32 =	vld [tilespmem:s0+$0xFFFFFE40];
	v28 =	vor.u32 $0x1, v28;
	[tilespmem:v35+s20+$0x0] =	vst.idx.msk $0xffff, v53  }
0x3f6: {  	v43 =	vadd.s32 v13, v51;
	v36 =	vshrl.u32 v36, $0x3;
	v35 =	vshrl.u32 v44, $0x3;
	[tilespmem:v45+s20+$0x0] =	vst.idx.msk $0xffff, v38  }
0x3f7: {  	v33 =	vshll.u32 v33, v1;
	v35 =	vshll.u32 v35, v1;
	v38 =	vor.u32 $0x5, v43;
	[tilespmem:v42+s20+$0x0] =	vst.idx.msk $0xffff, v30;
	v30 =	vld [tilespmem:s0+$0x150]  }
0x3f8: {  	v42 =	vbroadcast v33, $0x0;
	v43 =	vbroadcast v35, $0x0;
	v35 =	vshll.u32 v36, v1;
	v33 =	vld [tilespmem:s0+$0x40];
	[tilespmem:v24+s20+$0x0] =	vst.idx.msk $0xffff, v29  }
0x3f9: {  	v44 =	vmov s11;
	v24 =	vmov s17;
	v45 =	vbroadcast v35, $0x0;
	[tilespmem:v34+s20+$0x0] =	vst.idx.msk $0xffff, v26;
	v46 =	vld [tilespmem:s30+$0xFFFFFFC0]  }
0x3fa: {  	v53 =	vmov s5;
	v26 =	vadd.s32 v12, v42;
	[tilespmem:v54+s20+$0x0] =	vst.idx.msk $0xffff, v32;
	v29 =	vld [tilespmem:s0+$0xFFFFFF50];
	v32 =	vadd.s32 v12, v43  }
0x3fb: {  	v35 =	vor.u32 $0x2, v26;
	v26 =	vadd.s32 v12, v45;
	v54 =	vld [tilespmem:s0+$0xFFFFFE50];
	v36 =	vor.u32 $0x6, v32;
	[tilespmem:v20+s20+$0x0] =	vst.idx.msk $0xffff, v27  }
0x3fc: {  	v20 =	vadd.s32 v13, v42;
	v34 =	vor.u32 $0x2, v26;
	v26 =	vadd.s32 v14, v51;
	[tilespmem:v38+s20+$0x0] =	vst.idx.msk $0xffff, v30;
	v27 =	vld [tilespmem:s30+$0xFFFFFEC0]  }
0x3fd: {  	v30 =	vadd.s32 v13, v43;
	v38 =	vadd.s32 v13, v45;
	v55 =	vor.u32 $0x5, v26;
	[tilespmem:v50+s20+$0x0] =	vst.idx.msk $0xffff, v33;
	v50 =	vld [tilespmem:s0+$0x160]  }
0x3fe: {  	v32 =	vor.u32 $0x2, v20;
	v33 =	vor.u32 $0x6, v30;
	v30 =	vor.u32 $0x2, v38;
	v56 =	vld [tilespmem:s0+$0x50];
	[tilespmem:v23+s20+$0x0] =	vst.idx.msk $0xffff, v49  }
0x3ff: {  	v20 =	vadd.s32 v14, v42;
	v38 =	vshrl.u32 v24, $0x3;
	v23 =	vadd.s32 v14, v43;
	[tilespmem:v37+s20+$0x0] =	vst.idx.msk $0xffff, v29;
	v49 =	vld [tilespmem:s30+$0xC0]  }
0x400: {  	v29 =	vor.u32 $0x2, v20;
	v20 =	vadd.s32 v14, v45;
	[tilespmem:v31+s20+$0x0] =	vst.idx.msk $0xffff, v54;
	v37 =	vld [tilespmem:s0+$0xFFFFFF60];
	v31 =	vor.u32 $0x6, v23  }
0x401: {  	s5 =	sadd.s32 $0xFFFFFFFF, s10;
	v24 =	vadd.s32 v15, v43;
	v23 =	vadd.s32 v15, v42;
	v26 =	vor.u32 $0x2, v20;
	v54 =	vld [tilespmem:s0+$0xFFFFFE60];
	[tilespmem:v25+s20+$0x0] =	vst.idx.msk $0xffff, v46  }
0x402: {  	s5 =	sand.u32 $0x78, s5;
	v20 =	vor.u32 $0x2, v23;
	v23 =	vadd.s32 v15, v45;
	v25 =	vadd.s32 v15, v51;
	[tilespmem:v55+s20+$0x0] =	vst.idx.msk $0xffff, v50;
	v42 =	vld [tilespmem:s30+$0xFFFFFFD0]  }
0x403: {  	v24 =	vor.u32 $0x6, v24;
	v45 =	vmov s5;
	v25 =	vor.u32 $0x5, v25;
	[tilespmem:v52+s20+$0x0] =	vst.idx.msk $0xffff, v56;
	v43 =	vld [tilespmem:s0+$0x170]  }
0x404: {  	v44 =	vshrl.u32 v44, $0x3;
	v23 =	vor.u32 $0x2, v23;
	v45 =	vshrl.u32 v45, $0x3;
	v46 =	vld [tilespmem:s0+$0x60];
	[tilespmem:v22+s20+$0x0] =	vst.idx.msk $0xffff, v27  }
0x405: {  	v22 =	vshll.u32 v38, v1;
	v27 =	vshrl.u32 v53, $0x3;
	[tilespmem:v48+s20+$0x0] =	vst.idx.msk $0xffff, v37;
	v37 =	vshll.u32 v45, v1;
	v48 =	vld [tilespmem:s30+$0xFFFFFED0]  }
0x406: {  	v38 =	vshll.u32 v44, v1;
	v27 =	vshll.u32 v27, v1;
	[tilespmem:v47+s20+$0x0] =	vst.idx.msk $0xffff, v54;
	v45 =	vld [tilespmem:s0+$0xFFFFFF70];
	v37 =	vbroadcast v37, $0x0  }
0x407: {  	v50 =	vbroadcast v22, $0x0;
	v51 =	vbroadcast v38, $0x0;
	v44 =	vld [tilespmem:s0+$0xFFFFFE70];
	[tilespmem:v21+s20+$0x0] =	vst.idx.msk $0xffff, v49  }
0x408: {  	v38 =	vbroadcast v27, $0x0;
	[tilespmem:v25+s20+$0x0] =	vst.idx.msk $0xffff, v43;
	v21 =	vadd.s32 v12, v37;
	v27 =	vld [tilespmem:s30+$0xD0]  }
0x409: {  	v22 =	vadd.s32 v12, v50;
	v25 =	vadd.s32 v12, v51;
	[tilespmem:v41+s20+$0x0] =	vst.idx.msk $0xffff, v46;
	v41 =	vld [tilespmem:s0+$0x180];
	v43 =	vor.u32 $0x6, v21  }
0x40a: {  	v22 =	vor.u32 $0x3, v22;
	v25 =	vor.u32 $0x7, v25;
	v21 =	vadd.s32 v12, v38;
	v47 =	vld [tilespmem:s0+$0x70];
	[tilespmem:v19+s20+$0x0] =	vst.idx.msk $0xffff, v42  }
0x40b: {  	v19 =	vadd.s32 v13, v50;
	v42 =	vadd.s32 v13, v51;
	v21 =	vor.u32 $0x3, v21;
	[tilespmem:v40+s20+$0x0] =	vst.idx.msk $0xffff, v45;
	v40 =	vld [tilespmem:s30+$0xFFFFFFE0]  }
.Ltmp5:
0x40c: {  	[tilespmem:v39+s20+$0x0] =	vst.idx.msk $0xffff, v44;
	v44 =	vor.u32 $0x3, v19;
	v46 =	vld [tilespmem:s0+$0xFFFFFF80];
	v19 =	vor.u32 $0x7, v42;
	v39 =	vadd.s32 v13, v38;
	(pc) =	sbr.rel @p0 .LBB2_13-.Ltmp5, $4  }
0x40d: {  	v49 =	vadd.s32 v14, v51;
	v42 =	vadd.s32 v14, v50;
	v45 =	vld [tilespmem:s0+$0xFFFFFE80];
	v52 =	vor.u32 $0x3, v39;
	[tilespmem:v18+s20+$0x0] =	vst.idx.msk $0xffff, v48  }
0x40e: {  	v53 =	vadd.s32 v14, v38;
	v39 =	vor.u32 $0x3, v42;
	[tilespmem:v43+s20+$0x0] =	vst.idx.msk $0xffff, v41;
	v41 =	vadd.s32 v13, v37;
	v42 =	vld [tilespmem:s30+$0xFFFFFEE0]  }
0x40f: {  	v18 =	vmovc v44;
	v43 =	vor.u32 $0x7, v49;
	[tilespmem:v28+s20+$0x0] =	vst.idx.msk $0xffff, v47;
	v28 =	vor.u32 $0x3, v53;
	v47 =	vld [tilespmem:s0+$0x190];
	v48 =	vor.u32 $0x6, v41  }
0x410: {  	v44 =	vadd.s32 v15, v51;
	v41 =	vadd.s32 v15, v50;
	v49 =	vld [tilespmem:s0+$0x80];
	[tilespmem:v17+s20+$0x0] =	vst.idx.msk $0xffff, v27;
	v17 =	vmov v52  }
0x411: {  	_ =	sdelay $0x3  }
0x412: {  	[tilespmem:v36+s20+$0x0] =	vst.idx.msk $0xffff, v46  }
0x413: {  	[tilespmem:v35+s20+$0x0] =	vst.idx.msk $0xffff, v45;
	v27 =	vld [tilespmem:s0+$0xFFFFFF90]  }
0x414: {  	v35 =	vld [tilespmem:s0+$0xFFFFFE90];
	[tilespmem:v34+s20+$0x0] =	vst.idx.msk $0xffff, v49  }
0x415: {  	v34 =	vld [tilespmem:s0+$0x90];
	_ =	sdelay $0x1  }
0x416: {  	v62 =	vadd.s32 v14, v37;
	[tilespmem:v48+s20+$0x0] =	vst.idx.msk $0xffff, v47  }
0x417: {  	v36 =	vor.u32 $0x6, v62;
	v63 =	vld [tilespmem:s0+$0x1A0];
	[tilespmem:v33+s20+$0x0] =	vst.idx.msk $0xffff, v27  }
0x418: {  	[tilespmem:v32+s20+$0x0] =	vst.idx.msk $0xffff, v35;
	v27 =	vld [tilespmem:s0+$0xFFFFFFA0]  }
0x419: {  	v32 =	vld [tilespmem:s31+$0xFFFFFEA0];
	[tilespmem:v30+s20+$0x0] =	vst.idx.msk $0xffff, v34  }
0x41a: {  	v30 =	vld [tilespmem:s31+$0xA0];
	_ =	sdelay $0x1  }
0x41b: {  	s5 =	sand.u32 $0x78, s15;
	[tilespmem:v36+s20+$0x0] =	vst.idx.msk $0xffff, v63;
	v36 =	vadd.s32 v15, v37  }
0x41c: {  	v45 =	vmov s5;
	v37 =	vld [tilespmem:s31+$0x1B0];
	v33 =	vor.u32 $0x6, v36;
	[tilespmem:v31+s20+$0x0] =	vst.idx.msk $0xffff, v27  }
0x41d: {  	v46 =	vshrl.u32 v45, $0x3;
	[tilespmem:v29+s20+$0x0] =	vst.idx.msk $0xffff, v32;
	v47 =	vld [tilespmem:s31+$0xFFFFFFB0]  }
0x41e: {  	v27 =	vshll.u32 v46, v1;
	v48 =	vld [tilespmem:s31+$0xFFFFFEB0];
	[tilespmem:v26+s20+$0x0] =	vst.idx.msk $0xffff, v30  }
0x41f: {  	v27 =	vbroadcast v27, $0x0;
	v26 =	vld [tilespmem:s31+$0xB0];
	_ =	sdelay $0x1  }
0x420: {  	[tilespmem:v33+s20+$0x0] =	vst.idx.msk $0xffff, v37;
	v12 =	vadd.s32 v12, v27  }
0x421: {  	v49 =	vld [tilespmem:s31+$0x1C0];
	v12 =	vor.u32 $0x7, v12;
	[tilespmem:v24+s20+$0x0] =	vst.idx.msk $0xffff, v47  }
0x422: {  	v24 =	vld [tilespmem:s31+$0xFFFFFFC0];
	[tilespmem:v20+s20+$0x0] =	vst.idx.msk $0xffff, v48  }
0x423: {  	v20 =	vld [tilespmem:s31+$0xFFFFFEC0];
	[tilespmem:v23+s20+$0x0] =	vst.idx.msk $0xffff, v26  }
0x424: {  	v23 =	vld [tilespmem:s31+$0xC0]  }
0x425: {  	[tilespmem:v9+s20+$0x0] =	vst.idx.msk $0xffff, v40  }
0x426: {  	v53 =	vld [tilespmem:s30+$0xE0];
	v50 =	vadd.s32 v13, v27;
	[tilespmem:v12+s20+$0x0] =	vst.idx.msk $0xffff, v49  }
0x427: {  	v12 =	vor.u32 $0x7, v50;
	v51 =	vld [tilespmem:s31+$0x1D0];
	[tilespmem:v25+s20+$0x0] =	vst.idx.msk $0xffff, v24  }
0x428: {  	v24 =	vld [tilespmem:s31+$0xFFFFFFD0];
	[tilespmem:v22+s20+$0x0] =	vst.idx.msk $0xffff, v20  }
0x429: {  	v52 =	vld [tilespmem:s31+$0xFFFFFED0];
	[tilespmem:v21+s20+$0x0] =	vst.idx.msk $0xffff, v23  }
0x42a: {  	[tilespmem:v8+s20+$0x0] =	vst.idx.msk $0xffff, v42;
	v54 =	vld [tilespmem:s31+$0xD0]  }
0x42b: {  	v55 =	vld [tilespmem:s30+$0xFFFFFFF0];
	[tilespmem:v7+s20+$0x0] =	vst.idx.msk $0xffff, v53  }
0x42c: {  	v58 =	vld [tilespmem:s30+$0xFFFFFEF0];
	v56 =	vadd.s32 v14, v27;
	[tilespmem:v12+s20+$0x0] =	vst.idx.msk $0xffff, v51  }
0x42d: {  	v12 =	vor.u32 $0x7, v56;
	v13 =	vld [tilespmem:s31+$0x1E0];
	[tilespmem:v19+s20+$0x0] =	vst.idx.msk $0xffff, v24  }
0x42e: {  	v57 =	vld [tilespmem:s31+$0xFFFFFFE0];
	[tilespmem:v18+s20+$0x0] =	vst.idx.msk $0xffff, v52  }
0x42f: {  	v7 =	vld [tilespmem:s31+$0xFFFFFEE0];
	[tilespmem:v17+s20+$0x0] =	vst.idx.msk $0xffff, v54  }
0x430: {  	[tilespmem:v10+s20+$0x0] =	vst.idx.msk $0xffff, v55;
	v8 =	vld [tilespmem:s31+$0xE0]  }
0x431: {  	[tilespmem:v6+s20+$0x0] =	vst.idx.msk $0xffff, v58  }
0x432: {  	v62 =	vld [tilespmem:s30+$0xF0];
	v59 =	vadd.s32 v15, v27;
	[tilespmem:v12+s20+$0x0] =	vst.idx.msk $0xffff, v13  }
0x433: {  	v10 =	vor.u32 $0x7, v59;
	v12 =	vld [tilespmem:s31+$0x1F0];
	[tilespmem:v43+s20+$0x0] =	vst.idx.msk $0xffff, v57  }
0x434: {  	v60 =	vor.u32 $0x7, v44;
	v14 =	vld [tilespmem:s31+$0xFFFFFFF0];
	[tilespmem:v39+s20+$0x0] =	vst.idx.msk $0xffff, v7  }
0x435: {  	v61 =	vadd.s32 v15, v38;
	v7 =	vor.u32 $0x3, v41;
	v6 =	vld [tilespmem:s31+$0xFFFFFEF0];
	[tilespmem:v28+s20+$0x0] =	vst.idx.msk $0xffff, v8  }
0x436: {  	[tilespmem:v5+s20+$0x0] =	vst.idx.msk $0xffff, v16;
	v63 =	vor.u32 $0x3, v61;
	v5 =	vld [tilespmem:s31+$0xF0]  }
0x437: {  	[tilespmem:v11+s20+$0x0] =	vst.idx.msk $0xffff, v62  }
0x438: {  	[tilespmem:v10+s20+$0x0] =	vst.idx.msk $0xffff, v12  }
0x439: {  	[tilespmem:v60+s20+$0x0] =	vst.idx.msk $0xffff, v14  }
0x43a: {  	[tilespmem:v7+s20+$0x0] =	vst.idx.msk $0xffff, v6  }
0x43b: {  	s7 =	simm.s32 $0xE400;
	[tilespmem:v63+s20+$0x0] =	vst.idx.msk $0xffff, v5  }
0x43c: {  	[hbm4b:s29+s3] =	stream.linear.scatter [tilespmem:s7], [sflag:$0x3], $0x80, $0x38;
	[tilespmem:$0x16C00] =	vst v63  }
0x43d: {  	s8 =	simm.s32 $0xE488;
	s1 =	sadd.s32 $0x10, s29  }
0x43e: {  	[hbm4b:s1+s3] =	stream.linear.scatter [tilespmem:s8], [sflag:$0x3], $0x80, $0x38;
	[tilespmem:$0x16C00] =	vst v63  }
0x43f: {  	s9 =	simm.s32 $0xE510;
	s10 =	sadd.s32 $0x20, s29;
	s11 =	simm.s32 $0xE598  }
0x440: {  	[hbm4b:s10+s3] =	stream.linear.scatter [tilespmem:s9], [sflag:$0x3], $0x80, $0x38;
	[tilespmem:$0x16C00] =	vst v63  }
0x441: {  	s13 =	sadd.s32 $0x30, s29;
	s14 =	simm.s32 $0xE620;
	s15 =	sadd.s32 $0x40, s29  }
0x442: {  	[hbm4b:s13+s3] =	stream.linear.scatter [tilespmem:s11], [sflag:$0x3], $0x80, $0x38;
	[tilespmem:$0x16C00] =	vst v63  }
0x443: {  	s17 =	simm.s32 $0xE6A8;
	s25 =	sadd.s32 $0x50, s29;
	s5 =	simm.s32 $0x2200  }
0x444: {  	[hbm4b:s15+s3] =	stream.linear.scatter [tilespmem:s14], [sflag:$0x3], $0x80, $0x38;
	[tilespmem:$0x16C00] =	vst v63  }
0x445: {  	s30 =	simm.s32 $0xE730;
	s0 =	simm.s32 $0x440;
	s31 =	sadd.s32 $0x60, s29  }
0x446: {  	[hbm4b:s25+s3] =	stream.linear.scatter [tilespmem:s17], [sflag:$0x3], $0x80, $0x38;
	[tilespmem:$0x16C00] =	vst v63  }
0x447: {  	s7 =	simm.s32 $0xE7B8;
	s8 =	sadd.s32 $0x70, s29;
	s1 =	sadd.s32 $0x1000, s29  }
0x448: {  	[hbm4b:s31+s3] =	stream.linear.scatter [tilespmem:s30], [sflag:$0x3], $0x80, $0x38;
	[tilespmem:$0x16C00] =	vst v63  }
.LBB2_15:
0x449: {  	[hbm4b:s8+s3] =	stream.linear.scatter [tilespmem:s7], [sflag:$0x3], $0x80, $0x38;
	[tilespmem:$0x16C00] =	vst v63  }
0x44a: {  	s7 =	smov.u32 s0;
	s0 =	smov.u32 s5  }
0x44b: {  	s9 =	sadd.s32 $0x1100, s5;
	s0 =	sshra.s32 s0, $0x2;
	s8 =	sadd.s32 $0xE400, s7  }
0x44c: {  	[hbm4b:s1+s3] =	stream.linear.scatter [tilespmem:s8], [sflag:$0x3], $0x80, $0x38;
	[tilespmem:$0x16C00] =	vst v63  }
0x44d: {  	p0 =	sne.s32 s5, $0xFF00;
	s5 =	sadd.s32 $0xE488, s7;
	s8 =	sadd.s32 $0x10, s1  }
0x44e: {  	[hbm4b:s8+s3] =	stream.linear.scatter [tilespmem:s5], [sflag:$0x3], $0x80, $0x38;
	[tilespmem:$0x16C00] =	vst v63  }
0x44f: {  	s5 =	sadd.s32 $0xE510, s7;
	s8 =	sadd.s32 $0x20, s1  }
0x450: {  	[hbm4b:s8+s3] =	stream.linear.scatter [tilespmem:s5], [sflag:$0x3], $0x80, $0x38;
	[tilespmem:$0x16C00] =	vst v63  }
0x451: {  	s5 =	sadd.s32 $0xE598, s7;
	s8 =	sadd.s32 $0x30, s1  }
0x452: {  	[hbm4b:s8+s3] =	stream.linear.scatter [tilespmem:s5], [sflag:$0x3], $0x80, $0x38;
	[tilespmem:$0x16C00] =	vst v63  }
0x453: {  	s5 =	sadd.s32 $0xE620, s7;
	s8 =	sadd.s32 $0x40, s1  }
0x454: {  	[hbm4b:s8+s3] =	stream.linear.scatter [tilespmem:s5], [sflag:$0x3], $0x80, $0x38;
	[tilespmem:$0x16C00] =	vst v63  }
.Ltmp6:
0x455: {  	s5 =	sadd.s32 $0xE6A8, s7;
	s8 =	sadd.s32 $0x50, s1;
	(pc) =	sbr.rel @p0 .LBB2_15-.Ltmp6, $4  }
0x456: {  	[hbm4b:s8+s3] =	stream.linear.scatter [tilespmem:s5], [sflag:$0x3], $0x80, $0x38;
	[tilespmem:$0x16C00] =	vst v63  }
0x457: {  	s5 =	sadd.s32 $0xE730, s7;
	s8 =	sadd.s32 $0x60, s1;
	s7 =	sadd.s32 $0xE7B8, s7  }
0x458: {  	[hbm4b:s8+s3] =	stream.linear.scatter [tilespmem:s5], [sflag:$0x3], $0x80, $0x38;
	[tilespmem:$0x16C00] =	vst v63  }
0x459: {  	s8 =	sadd.s32 $0x70, s1;
	s1 =	sadd.s32 $0x1000, s1;
	s5 =	smov.u32 s9  }
0x45a: {  	[hbm4b:s8+s3] =	stream.linear.scatter [tilespmem:s7], [sflag:$0x3], $0x80, $0x38;
	[tilespmem:$0x16C00] =	vst v63  }
0x45b: {  	s5 =	sadd.s32 $0xE400, s0  }
0x45c: {  	[hbm4b:s1+s3] =	stream.linear.scatter [tilespmem:s5], [sflag:$0x3], $0x80, $0x38;
	[tilespmem:$0x16C00] =	vst v63  }
0x45d: {  	s25 =	sadd.s32 $0xE488, s0;
	s31 =	sadd.s32 $0x10, s1  }
0x45e: {  	[hbm4b:s31+s3] =	stream.linear.scatter [tilespmem:s25], [sflag:$0x3], $0x80, $0x38;
	[tilespmem:$0x16C00] =	vst v63  }
0x45f: {  	s7 =	sadd.s32 $0xE510, s0;
	s8 =	sadd.s32 $0x20, s1  }
0x460: {  	[hbm4b:s8+s3] =	stream.linear.scatter [tilespmem:s7], [sflag:$0x3], $0x80, $0x38;
	[tilespmem:$0x16C00] =	vst v63  }
0x461: {  	s9 =	sadd.s32 $0xE598, s0;
	s10 =	sadd.s32 $0x30, s1  }
0x462: {  	[hbm4b:s10+s3] =	stream.linear.scatter [tilespmem:s9], [sflag:$0x3], $0x80, $0x38;
	[tilespmem:$0x16C00] =	vst v63  }
0x463: {  	s11 =	sadd.s32 $0xE620, s0;
	s13 =	sadd.s32 $0x40, s1  }
0x464: {  	[hbm4b:s13+s3] =	stream.linear.scatter [tilespmem:s11], [sflag:$0x3], $0x80, $0x38;
	[tilespmem:$0x16C00] =	vst v63  }
0x465: {  	s14 =	sadd.s32 $0xE6A8, s0;
	s15 =	sadd.s32 $0x50, s1;
	s17 =	sadd.s32 $0xE730, s0  }
0x466: {  	[hbm4b:s15+s3] =	stream.linear.scatter [tilespmem:s14], [sflag:$0x3], $0x80, $0x38;
	[tilespmem:$0x16C00] =	vst v63  }
0x467: {  	s5 =	sadd.s32 $0x70, s1;
	s25 =	sadd.s32 $0x60, s1;
	s8 =	simm.s32 $0xC  }
0x468: {  	[hbm4b:s25+s3] =	stream.linear.scatter [tilespmem:s17], [sflag:$0x3], $0x80, $0x38;
	[tilespmem:$0x16C00] =	vst v63  }
0x469: {  	s31 =	sadd.s32 $0xE7B8, s0;
	s7 =	simm.s32 $0x0;
	s9 =	sand.u32 $0x78, s8  }
0x46a: {  	v5 =	vmov s7;
	[hbm4b:s5+s3] =	stream.linear.scatter [tilespmem:s31], [sflag:$0x3], $0x80, $0x38;
	[tilespmem:$0x16C00] =	vst v63  }
0x46b: {  	v5 =	vmul.u32 $0x2200, v5;
	v6 =	vmov s9;
	_ =	swait.ge [sflag:s21], $0x2000  }
0x46c: {  	v6 =	vshrl.u32 v6, $0x3;
	[sflag:s21] =	ssyncset.done $0x0  }
0x46d: {  	v9 =	vbroadcast v5, $0x0;
	v5 =	vshll.u32 v6, v1;
	[sflag:s21] =	ssyncadd.s32 $0xFFFFE000  }
0x46e: {  	v10 =	vbroadcast v5, $0x0;
	_ =	swait.ge [sflag:s21], $0x2000  }
0x46f: {  	v5 =	vadd.s32 v0, v9;
	[sflag:s21] =	ssyncset.done $0x0  }
0x470: {  	s30 =	simm.s32 $0xA600;
	v6 =	vadd.s32 v5, v10;
	[sflag:s21] =	ssyncadd.s32 $0xFFFFE000  }
0x471: {  	s10 =	simm.s32 $0x4;
	v6 =	vor.u32 $0x4, v6;
	v7 =	vld [tilespmem:s30+$0x100]  }
0x472: {  	s1 =	sand.u32 $0x70, s10;
	s14 =	simm.s32 $0x8  }
0x473: {  	v11 =	vmov s1;
	s15 =	sand.u32 $0x78, s14  }
0x474: {  	v11 =	vshrl.u32 v11, $0x3;
	v13 =	vmov s15  }
0x475: {  	s11 =	simm.s32 $0x0;
	v8 =	vadd.s32 v2, v9;
	v11 =	vshll.u32 v11, v1;
	v13 =	vshrl.u32 v13, $0x3  }
0x476: {  	s13 =	sand.u32 $0x70, s11;
	v13 =	vshll.u32 v13, v1;
	[tilespmem:v6+s22+$0x0] =	vst.idx.msk $0xffff, v7;
	v6 =	vadd.s32 v8, v10  }
0x477: {  	v13 =	vbroadcast v13, $0x0;
	v7 =	vmov s13;
	v12 =	vld [tilespmem:s30+$0x110];
	v6 =	vor.u32 $0x4, v6  }
0x478: {  	v11 =	vbroadcast v11, $0x0;
	v7 =	vshrl.u32 v7, $0x3  }
0x479: {  	v21 =	vadd.s32 v5, v13;
	v20 =	vld [tilespmem:s30+$0x0];
	v7 =	vshll.u32 v7, v1  }
0x47a: {  	v14 =	vbroadcast v7, $0x0;
	v7 =	vadd.s32 v5, v11  }
0x47b: {  	v15 =	vld [tilespmem:s30+$0xFFFFFF00];
	v16 =	vor.u32 $0x4, v7;
	v7 =	vadd.s32 v3, v9  }
0x47c: {  	v17 =	vld [tilespmem:s30+$0xFFFFFE00];
	v18 =	vadd.s32 v5, v14;
	[tilespmem:v6+s22+$0x0] =	vst.idx.msk $0xffff, v12;
	v6 =	vadd.s32 v7, v10  }
0x47d: {  	v12 =	vld [tilespmem:s30+$0x120];
	v19 =	vor.u32 $0x4, v6  }
0x47e: {  	s17 =	simm.s32 $0x1;
	s25 =	simm.s32 $0x5;
	[tilespmem:v21+s22+$0x0] =	vst.idx.msk $0xffff, v20  }
0x47f: {  	s11 =	simm.s32 $0xD;
	s1 =	sand.u32 $0x70, s17;
	v22 =	vadd.s32 v8, v11;
	s5 =	sand.u32 $0x70, s25;
	v25 =	vadd.s32 v8, v13;
	v21 =	vld [tilespmem:s30+$0x10]  }
0x480: {  	v22 =	vor.u32 $0x4, v22;
	v23 =	vmov s5;
	s13 =	sand.u32 $0x78, s11;
	v6 =	vmov s1;
	[tilespmem:v16+s22+$0x0] =	vst.idx.msk $0xffff, v15  }
0x481: {  	s31 =	simm.s32 $0x9;
	v20 =	vmov s13;
	v27 =	vshrl.u32 v6, $0x3;
	v6 =	vadd.s32 v4, v9;
	[tilespmem:v18+s22+$0x0] =	vst.idx.msk $0xffff, v17;
	v17 =	vld [tilespmem:s30+$0xFFFFFF10]  }
0x482: {  	s9 =	simm.s32 $0x2;
	s8 =	sand.u32 $0x78, s31;
	v24 =	vadd.s32 v8, v14;
	v15 =	vshrl.u32 v23, $0x3;
	v10 =	vadd.s32 v6, v10;
	v23 =	vld [tilespmem:s30+$0xFFFFFE10];
	[tilespmem:v19+s22+$0x0] =	vst.idx.msk $0xffff, v12  }
0x483: {  	s10 =	sand.u32 $0x70, s9;
	s9 =	simm.s32 $0x0;
	v26 =	vmov s8;
	v20 =	vshrl.u32 v20, $0x3;
	v10 =	vor.u32 $0x4, v10;
	v19 =	vld [tilespmem:s30+$0x130]  }
0x484: {  	v41 =	vmov s9;
	v20 =	vshll.u32 v20, v1;
	[tilespmem:v25+s22+$0x0] =	vst.idx.msk $0xffff, v21;
	v16 =	vshrl.u32 v26, $0x3  }
0x485: {  	s25 =	simm.s32 $0x7;
	v9 =	vshll.u32 v27, v1;
	v26 =	vadd.s32 v7, v14;
	v27 =	vadd.s32 v7, v13  }
0x486: {  	s5 =	sand.u32 $0x70, s25;
	v25 =	vadd.s32 v6, v14;
	v14 =	vld [tilespmem:s30+$0x20];
	v12 =	vadd.s32 v7, v11;
	[tilespmem:v22+s22+$0x0] =	vst.idx.msk $0xffff, v17;
	v17 =	vbroadcast v20, $0x0  }
0x487: {  	v41 =	vmul.u32 $0x2200, v41;
	v44 =	vmov s5;
	v12 =	vor.u32 $0x4, v12;
	[tilespmem:v24+s22+$0x0] =	vst.idx.msk $0xffff, v23;
	v22 =	vld [tilespmem:s30+$0xFFFFFF20]  }
0x488: {  	v9 =	vbroadcast v9, $0x0;
	v16 =	vshll.u32 v16, v1;
	v24 =	vld [tilespmem:s30+$0xFFFFFE20];
	[tilespmem:v10+s22+$0x0] =	vst.idx.msk $0xffff, v19;
	v10 =	vadd.s32 v5, v17  }
0x489: {  	v15 =	vshll.u32 v15, v1;
	v16 =	vbroadcast v16, $0x0;
	v21 =	vld [tilespmem:s30+$0x140];
	v10 =	vor.u32 $0x5, v10  }
0x48a: {  	v18 =	vmov s10;
	v15 =	vbroadcast v15, $0x0;
	v11 =	vadd.s32 v6, v11  }
0x48b: {  	v28 =	vadd.s32 v5, v9;
	v11 =	vor.u32 $0x4, v11;
	v29 =	vadd.s32 v5, v16;
	[tilespmem:v27+s22+$0x0] =	vst.idx.msk $0xffff, v14  }
0x48c: {  	s14 =	simm.s32 $0x6;
	v20 =	vor.u32 $0x1, v28;
	v28 =	vadd.s32 v6, v13;
	v13 =	vadd.s32 v5, v15;
	[tilespmem:v12+s22+$0x0] =	vst.idx.msk $0xffff, v22  }
0x48d: {  	s1 =	sand.u32 $0x70, s14;
	v23 =	vadd.s32 v8, v9;
	v22 =	vor.u32 $0x1, v29;
	v29 =	vadd.s32 v7, v9;
	[tilespmem:v26+s22+$0x0] =	vst.idx.msk $0xffff, v24;
	v24 =	vld [tilespmem:s30+$0xFFFFFF30]  }
0x48e: {  	v19 =	vmov s1;
	v12 =	vor.u32 $0x5, v13;
	[tilespmem:v10+s22+$0x0] =	vst.idx.msk $0xffff, v21;
	v21 =	vor.u32 $0x1, v29;
	v29 =	vld [tilespmem:s30+$0xFFFFFE30]  }
0x48f: {  	v32 =	vld [tilespmem:s30+$0x30];
	v13 =	vadd.s32 v8, v15;
	v9 =	vadd.s32 v6, v9;
	v10 =	vadd.s32 v8, v17  }
0x490: {  	v26 =	vor.u32 $0x5, v13;
	v13 =	vadd.s32 v8, v16;
	v27 =	vld [tilespmem:s30+$0x150];
	v10 =	vor.u32 $0x5, v10  }
0x491: {  	v14 =	vor.u32 $0x1, v9;
	v30 =	vor.u32 $0x1, v13;
	v13 =	vadd.s32 v7, v15  }
0x492: {  	v9 =	vadd.s32 v6, v16;
	v31 =	vor.u32 $0x5, v13;
	v13 =	vadd.s32 v7, v16;
	[tilespmem:v11+s22+$0x0] =	vst.idx.msk $0xffff, v24  }
0x493: {  	s10 =	simm.s32 $0x1C;
	v15 =	vadd.s32 v6, v15;
	v33 =	vor.u32 $0x1, v13;
	v13 =	vor.u32 $0x1, v9;
	v9 =	vld [tilespmem:s30+$0xFFFFFF40];
	[tilespmem:v25+s22+$0x0] =	vst.idx.msk $0xffff, v29  }
0x494: {  	s15 =	simm.s32 $0xA;
	s11 =	sand.u32 $0x78, s10;
	[tilespmem:v28+s22+$0x0] =	vst.idx.msk $0xffff, v32;
	v11 =	vor.u32 $0x5, v15;
	v15 =	vshrl.u32 v18, $0x3;
	v18 =	vshrl.u32 v19, $0x3;
	v24 =	vld [tilespmem:s30+$0xFFFFFE40]  }
0x495: {  	v42 =	vmov s11;
	s1 =	sand.u32 $0x78, s15;
	v18 =	vshll.u32 v18, v1;
	[tilespmem:v10+s22+$0x0] =	vst.idx.msk $0xffff, v27;
	v10 =	vadd.s32 v7, v17;
	v27 =	vld [tilespmem:s30+$0x40]  }
0x496: {  	s17 =	simm.s32 $0x3;
	s31 =	simm.s32 $0xB;
	s15 =	simm.s32 $0x10;
	v16 =	vmov s1;
	v19 =	vbroadcast v18, $0x0;
	v18 =	vld [tilespmem:s30+$0x160];
	v10 =	vor.u32 $0x5, v10  }
0x497: {  	v23 =	vor.u32 $0x1, v23;
	s25 =	sand.u32 $0x70, s15;
	s1 =	sand.u32 $0x70, s17;
	s17 =	simm.s32 $0x18;
	v16 =	vshrl.u32 v16, $0x3;
	v15 =	vshll.u32 v15, v1  }
0x498: {  	s7 =	sand.u32 $0x78, s31;
	v53 =	vmov s25;
	s31 =	sand.u32 $0x78, s17;
	v16 =	vshll.u32 v16, v1;
	v15 =	vbroadcast v15, $0x0;
	[tilespmem:v12+s22+$0x0] =	vst.idx.msk $0xffff, v9  }
0x499: {  	v54 =	vmov s31;
	v16 =	vbroadcast v16, $0x0;
	v25 =	vmov s1;
	v12 =	vld [tilespmem:s30+$0xFFFFFF50];
	[tilespmem:v20+s22+$0x0] =	vst.idx.msk $0xffff, v24  }
0x49a: {  	s8 =	simm.s32 $0xE;
	v38 =	vshrl.u32 v25, $0x3;
	v28 =	vadd.s32 v5, v15;
	v29 =	vadd.s32 v5, v19;
	[tilespmem:v22+s22+$0x0] =	vst.idx.msk $0xffff, v27;
	v24 =	vld [tilespmem:s30+$0xFFFFFE50]  }
0x49b: {  	s1 =	sand.u32 $0x78, s8;
	v36 =	vadd.s32 v8, v19;
	v34 =	vor.u32 $0x2, v28;
	[tilespmem:v10+s22+$0x0] =	vst.idx.msk $0xffff, v18;
	v10 =	vadd.s32 v6, v17;
	v22 =	vld [tilespmem:s30+$0x50]  }
0x49c: {  	v35 =	vor.u32 $0x6, v29;
	v18 =	vmov s1;
	v20 =	vld [tilespmem:s30+$0x170];
	v10 =	vor.u32 $0x5, v10  }
0x49d: {  	v28 =	vadd.s32 v5, v16;
	v29 =	vadd.s32 v8, v15;
	v18 =	vshrl.u32 v18, $0x3  }
0x49e: {  	v9 =	vmov s7;
	v37 =	vor.u32 $0x2, v28;
	v18 =	vshll.u32 v18, v1;
	[tilespmem:v26+s22+$0x0] =	vst.idx.msk $0xffff, v12  }
0x49f: {  	v28 =	vadd.s32 v8, v16;
	v9 =	vshrl.u32 v9, $0x3;
	v39 =	vbroadcast v18, $0x0;
	v40 =	vld [tilespmem:s30+$0xFFFFFF60];
	[tilespmem:v23+s22+$0x0] =	vst.idx.msk $0xffff, v24  }
0x4a0: {  	v27 =	vadd.s32 v7, v15;
	v15 =	vadd.s32 v6, v15;
	v17 =	vor.u32 $0x2, v29;
	[tilespmem:v30+s22+$0x0] =	vst.idx.msk $0xffff, v22;
	v45 =	vld [tilespmem:s30+$0xFFFFFE60]  }
0x4a1: {  	v29 =	vor.u32 $0x2, v28;
	v28 =	vor.u32 $0x2, v27;
	[tilespmem:v10+s22+$0x0] =	vst.idx.msk $0xffff, v20;
	v10 =	vadd.s32 v5, v39;
	v30 =	vld [tilespmem:s30+$0x60]  }
0x4a2: {  	v25 =	vor.u32 $0x2, v15;
	v12 =	vadd.s32 v7, v19;
	v20 =	vld [tilespmem:s30+$0x180];
	v10 =	vor.u32 $0x6, v10  }
0x4a3: {  	v15 =	vshll.u32 v38, v1;
	v18 =	vor.u32 $0x6, v12;
	v12 =	vadd.s32 v7, v16  }
0x4a4: {  	v15 =	vbroadcast v15, $0x0;
	v27 =	vor.u32 $0x2, v12;
	v12 =	vadd.s32 v6, v16;
	[tilespmem:v31+s22+$0x0] =	vst.idx.msk $0xffff, v40  }
0x4a5: {  	v9 =	vshll.u32 v9, v1;
	v16 =	vshrl.u32 v44, $0x3;
	v24 =	vor.u32 $0x2, v12;
	v12 =	vld [tilespmem:s30+$0xFFFFFF70];
	[tilespmem:v21+s22+$0x0] =	vst.idx.msk $0xffff, v45  }
0x4a6: {  	v16 =	vshll.u32 v16, v1;
	v31 =	vbroadcast v9, $0x0;
	v9 =	vadd.s32 v5, v15;
	[tilespmem:v33+s22+$0x0] =	vst.idx.msk $0xffff, v30;
	v47 =	vld [tilespmem:s30+$0xFFFFFE70]  }
0x4a7: {  	v16 =	vbroadcast v16, $0x0;
	v22 =	vor.u32 $0x3, v9;
	v9 =	vadd.s32 v8, v39;
	[tilespmem:v10+s22+$0x0] =	vst.idx.msk $0xffff, v20;
	v30 =	vld [tilespmem:s30+$0x70]  }
0x4a8: {  	v19 =	vadd.s32 v6, v19;
	v48 =	vadd.s32 v7, v15;
	v46 =	vor.u32 $0x6, v9;
	v20 =	vld [tilespmem:s30+$0x190]  }
0x4a9: {  	v51 =	vadd.s32 v6, v15;
	v26 =	vor.u32 $0x6, v19;
	v19 =	vadd.s32 v5, v16  }
0x4aa: {  	v52 =	vadd.s32 v6, v16;
	v23 =	vor.u32 $0x7, v19;
	v19 =	vadd.s32 v8, v15;
	[tilespmem:v11+s22+$0x0] =	vst.idx.msk $0xffff, v12  }
0x4ab: {  	s13 =	simm.s32 $0x14;
	v36 =	vor.u32 $0x6, v36;
	v9 =	vadd.s32 v8, v16;
	v50 =	vadd.s32 v7, v31;
	v49 =	vld [tilespmem:s30+$0xFFFFFF80];
	[tilespmem:v14+s22+$0x0] =	vst.idx.msk $0xffff, v47  }
0x4ac: {  	s14 =	sand.u32 $0x70, s13;
	v33 =	vshrl.u32 v53, $0x3;
	v10 =	vadd.s32 v5, v31;
	v12 =	vadd.s32 v7, v16;
	[tilespmem:v13+s22+$0x0] =	vst.idx.msk $0xffff, v30  }
0x4ad: {  	v14 =	vshrl.u32 v42, $0x3;
	v13 =	vmov s14;
	[tilespmem:v46+s22+$0x0] =	vst.idx.msk $0xffff, v20;
	v20 =	vadd.s32 v7, v39;
	v16 =	vld [tilespmem:s30+$0x80]  }
0x4ae: {  	v30 =	vbroadcast v41, $0x0;
	v14 =	vshll.u32 v14, v1;
	v15 =	vld [tilespmem:s30+$0x1A0];
	v20 =	vor.u32 $0x6, v20  }
0x4af: {  	v21 =	vor.u32 $0x3, v10;
	v38 =	vld [tilespmem:s30+$0xFFFFFE80];
	v13 =	vshrl.u32 v13, $0x3;
	v42 =	vbroadcast v14, $0x0  }
0x4b0: {  	s0 =	simm.s32 $0xF;
	v10 =	vor.u32 $0x3, v19;
	v14 =	vadd.s32 v0, v30;
	v13 =	vshll.u32 v13, v1;
	[tilespmem:v35+s22+$0x0] =	vst.idx.msk $0xffff, v49  }
0x4b1: {  	s29 =	simm.s32 $0xAA00;
	s0 =	sand.u32 $0x78, s0;
	v45 =	vbroadcast v13, $0x0;
	v13 =	vadd.s32 v6, v39;
	v44 =	vadd.s32 v14, v42;
	v43 =	vld [tilespmem:s30+$0xFFFFFF90]  }
0x4b2: {  	v46 =	vld [tilespmem:s29+$0x100];
	v55 =	vor.u32 $0x6, v13;
	v13 =	vmov s0;
	v44 =	vor.u32 $0x4, v44;
	[tilespmem:v37+s22+$0x0] =	vst.idx.msk $0xffff, v16  }
0x4b3: {  	v19 =	vor.u32 $0x7, v9;
	v9 =	vadd.s32 v8, v31;
	v13 =	vshrl.u32 v13, $0x3;
	[tilespmem:v20+s22+$0x0] =	vst.idx.msk $0xffff, v15;
	v37 =	vld [tilespmem:s30+$0x90]  }
0x4b4: {  	[tilespmem:v34+s22+$0x0] =	vst.idx.msk $0xffff, v38;
	v16 =	vshll.u32 v33, v1;
	v13 =	vshll.u32 v13, v1;
	v15 =	vshrl.u32 v54, $0x3;
	v20 =	vld [tilespmem:s30+$0x1B0]  }
0x4b5: {  	v56 =	vld [tilespmem:s30+$0xFFFFFE90];
	v38 =	vbroadcast v16, $0x0;
	v16 =	vadd.s32 v14, v45;
	v57 =	vshll.u32 v15, v1  }
0x4b6: {  	v58 =	vld [tilespmem:s29+$0xFFFFFF00];
	v15 =	vadd.s32 v2, v30;
	v59 =	vor.u32 $0x4, v16;
	[tilespmem:v36+s22+$0x0] =	vst.idx.msk $0xffff, v43;
	v43 =	vbroadcast v13, $0x0  }
0x4b7: {  	v60 =	vld [tilespmem:s29+$0xFFFFFE00];
	v47 =	vadd.s32 v14, v38;
	v16 =	vadd.s32 v15, v42;
	v33 =	vbroadcast v57, $0x0;
	[tilespmem:v44+s22+$0x0] =	vst.idx.msk $0xffff, v46  }
0x4b8: {  	v31 =	vadd.s32 v6, v31;
	v61 =	vor.u32 $0x4, v16;
	v44 =	vld [tilespmem:s29+$0x110];
	v5 =	vadd.s32 v5, v43;
	[tilespmem:v29+s22+$0x0] =	vst.idx.msk $0xffff, v37  }
0x4b9: {  	v29 =	vld [tilespmem:s29+$0x0];
	[tilespmem:v55+s22+$0x0] =	vst.idx.msk $0xffff, v20;
	v63 =	vor.u32 $0x7, v5;
	v5 =	vor.u32 $0x3, v31;
	v31 =	vadd.s32 v14, v33  }
0x4ba: {  	[tilespmem:v17+s22+$0x0] =	vst.idx.msk $0xffff, v56;
	v62 =	vld [tilespmem:s30+$0x1C0]  }
0x4bb: {  	v9 =	vor.u32 $0x3, v9;
	v17 =	vadd.s32 v15, v45;
	v20 =	vor.u32 $0x7, v52;
	v52 =	vld [tilespmem:s30+$0xFFFFFFA0];
	[tilespmem:v59+s22+$0x0] =	vst.idx.msk $0xffff, v58  }
0x4bc: {  	s8 =	simm.s32 $0x15;
	s7 =	simm.s32 $0x11;
	v11 =	vor.u32 $0x3, v48;
	v56 =	vor.u32 $0x4, v17;
	v17 =	vadd.s32 v3, v30;
	[tilespmem:v47+s22+$0x0] =	vst.idx.msk $0xffff, v60;
	v57 =	vld [tilespmem:s29+$0xFFFFFF10]  }
0x4bd: {  	s1 =	sand.u32 $0x70, s8;
	v12 =	vor.u32 $0x7, v12;
	s0 =	sand.u32 $0x70, s7;
	v55 =	vadd.s32 v15, v38;
	v59 =	vadd.s32 v17, v42;
	v48 =	vld [tilespmem:s29+$0xFFFFFE10];
	[tilespmem:v61+s22+$0x0] =	vst.idx.msk $0xffff, v44  }
0x4be: {  	s11 =	simm.s32 $0x1D;
	v53 =	vmov s0;
	v54 =	vmov s1;
	v44 =	vor.u32 $0x4, v59;
	v46 =	vld [tilespmem:s29+$0x120];
	[tilespmem:v31+s22+$0x0] =	vst.idx.msk $0xffff, v29  }
0x4bf: {  	s13 =	sand.u32 $0x78, s11;
	v13 =	vor.u32 $0x3, v50;
	v16 =	vor.u32 $0x3, v51;
	v58 =	vadd.s32 v15, v33;
	[tilespmem:v63+s22+$0x0] =	vst.idx.msk $0xffff, v62;
	v62 =	vld [tilespmem:s29+$0x10]  }
0x4c0: {  	v37 =	vshrl.u32 v53, $0x3;
	v8 =	vadd.s32 v8, v43;
	v53 =	vmov s13;
	[tilespmem:v18+s22+$0x0] =	vst.idx.msk $0xffff, v52;
	v63 =	vld [tilespmem:s30+$0xFFFFFEA0]  }
0x4c1: {  	v7 =	vadd.s32 v7, v43;
	v6 =	vadd.s32 v6, v43;
	v8 =	vor.u32 $0x7, v8;
	[tilespmem:v56+s22+$0x0] =	vst.idx.msk $0xffff, v57;
	v29 =	vld [tilespmem:s30+$0x1D0]  }
0x4c2: {  	v37 =	vshll.u32 v37, v1;
	v18 =	vshrl.u32 v54, $0x3;
	v31 =	vadd.s32 v17, v45;
	v56 =	vld [tilespmem:s30+$0xA0];
	[tilespmem:v55+s22+$0x0] =	vst.idx.msk $0xffff, v48  }
0x4c3: {  	s9 =	simm.s32 $0x19;
	v31 =	vor.u32 $0x4, v31;
	v51 =	vshll.u32 v18, v1;
	v18 =	vadd.s32 v4, v30;
	v30 =	vld [tilespmem:s29+$0xFFFFFF20];
	[tilespmem:v44+s22+$0x0] =	vst.idx.msk $0xffff, v46  }
0x4c4: {  	s0 =	sand.u32 $0x78, s9;
	v7 =	vor.u32 $0x7, v7;
	v61 =	vadd.s32 v17, v38;
	v42 =	vadd.s32 v18, v42;
	v52 =	vld [tilespmem:s29+$0xFFFFFE20];
	[tilespmem:v58+s22+$0x0] =	vst.idx.msk $0xffff, v62  }
0x4c5: {  	s10 =	simm.s32 $0x12;
	v6 =	vor.u32 $0x7, v6;
	v60 =	vmov s0;
	v42 =	vor.u32 $0x4, v42;
	v44 =	vld [tilespmem:s29+$0x130];
	[tilespmem:v28+s22+$0x0] =	vst.idx.msk $0xffff, v63  }
0x4c6: {  	v34 =	vbroadcast v37, $0x0;
	v49 =	vadd.s32 v17, v33;
	s0 =	sand.u32 $0x70, s10;
	[tilespmem:v8+s22+$0x0] =	vst.idx.msk $0xffff, v29;
	v29 =	vshrl.u32 v53, $0x3;
	v55 =	vld [tilespmem:s29+$0x20]  }
0x4c7: {  	v32 =	vshrl.u32 v60, $0x3;
	v36 =	vmov s0;
	[tilespmem:v27+s22+$0x0] =	vst.idx.msk $0xffff, v56;
	v54 =	vld [tilespmem:s30+$0x1E0];
	v29 =	vshll.u32 v29, v1  }
0x4c8: {  	v50 =	vadd.s32 v14, v34;
	v45 =	vadd.s32 v18, v45;
	v27 =	vld [tilespmem:s30+$0xFFFFFFB0];
	[tilespmem:v31+s22+$0x0] =	vst.idx.msk $0xffff, v30;
	v29 =	vbroadcast v29, $0x0  }
0x4c9: {  	v32 =	vshll.u32 v32, v1;
	v57 =	vadd.s32 v15, v34;
	v31 =	vor.u32 $0x4, v45;
	[tilespmem:v61+s22+$0x0] =	vst.idx.msk $0xffff, v52;
	v58 =	vld [tilespmem:s29+$0xFFFFFF30]  }
0x4ca: {  	v32 =	vbroadcast v32, $0x0;
	v38 =	vadd.s32 v18, v38;
	v59 =	vld [tilespmem:s29+$0xFFFFFE30];
	[tilespmem:v42+s22+$0x0] =	vst.idx.msk $0xffff, v44;
	v60 =	vadd.s32 v14, v29  }
0x4cb: {  	s14 =	simm.s32 $0x16;
	v40 =	vor.u32 $0x1, v57;
	v33 =	vadd.s32 v18, v33;
	v62 =	vld [tilespmem:s29+$0x140];
	v42 =	vor.u32 $0x5, v60;
	[tilespmem:v49+s22+$0x0] =	vst.idx.msk $0xffff, v55  }
0x4cc: {  	s0 =	sand.u32 $0x70, s14;
	v28 =	vbroadcast v51, $0x0;
	v51 =	vadd.s32 v17, v34;
	v8 =	vor.u32 $0x1, v50;
	[tilespmem:v7+s22+$0x0] =	vst.idx.msk $0xffff, v54;
	v47 =	vld [tilespmem:s29+$0x30]  }
0x4cd: {  	v30 =	vmov s0;
	v50 =	vadd.s32 v15, v32;
	v35 =	vor.u32 $0x1, v51;
	[tilespmem:v26+s22+$0x0] =	vst.idx.msk $0xffff, v27;
	v48 =	vld [tilespmem:s30+$0x1F0]  }
0x4ce: {  	s15 =	simm.s32 $0x1A;
	v57 =	vld [tilespmem:s30+$0xFFFFFEB0];
	v61 =	vadd.s32 v14, v28;
	v43 =	vor.u32 $0x1, v50;
	v30 =	vshrl.u32 v30, $0x3;
	[tilespmem:v31+s22+$0x0] =	vst.idx.msk $0xffff, v58  }
0x4cf: {  	s0 =	sand.u32 $0x78, s15;
	v52 =	vadd.s32 v17, v32;
	v63 =	vor.u32 $0x5, v61;
	v30 =	vshll.u32 v30, v1;
	[tilespmem:v38+s22+$0x0] =	vst.idx.msk $0xffff, v59;
	v53 =	vld [tilespmem:s29+$0xFFFFFF40]  }
0x4d0: {  	v27 =	vmov s0;
	v55 =	vadd.s32 v15, v29;
	v31 =	vadd.s32 v17, v28;
	v54 =	vld [tilespmem:s29+$0xFFFFFE40];
	[tilespmem:v42+s22+$0x0] =	vst.idx.msk $0xffff, v62  }
0x4d1: {  	v26 =	vld [tilespmem:s30+$0xB0];
	v7 =	vadd.s32 v14, v32;
	v45 =	vor.u32 $0x5, v31;
	v31 =	vadd.s32 v18, v34;
	[tilespmem:v33+s22+$0x0] =	vst.idx.msk $0xffff, v47  }
0x4d2: {  	v56 =	vor.u32 $0x5, v55;
	v46 =	vor.u32 $0x1, v31;
	v31 =	vadd.s32 v18, v32;
	[tilespmem:v6+s22+$0x0] =	vst.idx.msk $0xffff, v48;
	v6 =	vld [tilespmem:s29+$0x150]  }
0x4d3: {  	[tilespmem:v25+s22+$0x0] =	vst.idx.msk $0xffff, v57;
	v58 =	vshrl.u32 v36, $0x3;
	v7 =	vor.u32 $0x1, v7;
	v36 =	vor.u32 $0x1, v31;
	v31 =	vld [tilespmem:s29+$0x40]  }
0x4d4: {  	s17 =	simm.s32 $0x13;
	v44 =	vor.u32 $0x1, v52;
	v49 =	vadd.s32 v15, v28;
	v27 =	vshrl.u32 v27, $0x3;
	[tilespmem:v63+s22+$0x0] =	vst.idx.msk $0xffff, v53;
	v63 =	vld [tilespmem:s30+$0xFFFFFFC0]  }
0x4d5: {  	s1 =	sand.u32 $0x70, s17;
	v60 =	vbroadcast v30, $0x0;
	v41 =	vor.u32 $0x5, v49;
	v28 =	vadd.s32 v18, v28;
	[tilespmem:v8+s22+$0x0] =	vst.idx.msk $0xffff, v54;
	v8 =	vld [tilespmem:s29+$0xFFFFFF50]  }
0x4d6: {  	v30 =	vmov s1;
	v27 =	vshll.u32 v27, v1;
	v28 =	vor.u32 $0x5, v28;
	[tilespmem:v24+s22+$0x0] =	vst.idx.msk $0xffff, v26;
	v61 =	vld [tilespmem:s29+$0xFFFFFE50]  }
0x4d7: {  	v27 =	vbroadcast v27, $0x0;
	v32 =	vshll.u32 v58, v1;
	[tilespmem:v56+s22+$0x0] =	vst.idx.msk $0xffff, v6;
	v6 =	vadd.s32 v17, v29;
	v56 =	vld [tilespmem:s30+$0xC0]  }
0x4d8: {  	s25 =	simm.s32 $0x17;
	v55 =	vadd.s32 v17, v60;
	v59 =	vbroadcast v32, $0x0;
	[tilespmem:v7+s22+$0x0] =	vst.idx.msk $0xffff, v31;
	v25 =	vld [tilespmem:s29+$0x160];
	v6 =	vor.u32 $0x5, v6  }
0x4d9: {  	s0 =	sand.u32 $0x70, s25;
	v26 =	vadd.s32 v15, v60;
	v32 =	vor.u32 $0x6, v55;
	v7 =	vadd.s32 v14, v27;
	[tilespmem:v23+s22+$0x0] =	vst.idx.msk $0xffff, v63;
	v49 =	vld [tilespmem:s29+$0x50]  }
0x4da: {  	v62 =	vmov s0;
	v52 =	vadd.s32 v14, v59;
	v50 =	vor.u32 $0x2, v7;
	v7 =	vld [tilespmem:s30+$0xFFFFFEC0];
	[tilespmem:v41+s22+$0x0] =	vst.idx.msk $0xffff, v8  }
0x4db: {  	s31 =	simm.s32 $0x1B;
	v24 =	vadd.s32 v15, v59;
	v53 =	vadd.s32 v14, v60;
	v48 =	vor.u32 $0x2, v52;
	v58 =	vld [tilespmem:s30+$0xFFFFFFD0];
	[tilespmem:v40+s22+$0x0] =	vst.idx.msk $0xffff, v61  }
0x4dc: {  	s5 =	sand.u32 $0x78, s31;
	v33 =	vor.u32 $0x2, v24;
	v8 =	vadd.s32 v15, v27;
	v41 =	vor.u32 $0x6, v26;
	v26 =	vld [tilespmem:s29+$0xFFFFFE60];
	[tilespmem:v21+s22+$0x0] =	vst.idx.msk $0xffff, v56  }
0x4dd: {  	s7 =	simm.s32 $0x1E;
	v54 =	vmov s5;
	v24 =	vld [tilespmem:s29+$0xFFFFFF60];
	v31 =	vor.u32 $0x2, v8;
	v8 =	vadd.s32 v17, v59;
	[tilespmem:v6+s22+$0x0] =	vst.idx.msk $0xffff, v25  }
0x4de: {  	s0 =	sand.u32 $0x78, s7;
	v42 =	vor.u32 $0x6, v53;
	v21 =	vadd.s32 v18, v27;
	v6 =	vadd.s32 v18, v29;
	[tilespmem:v43+s22+$0x0] =	vst.idx.msk $0xffff, v49  }
0x4df: {  	v25 =	vshrl.u32 v30, $0x3;
	v29 =	vmov s0;
	[tilespmem:v22+s22+$0x0] =	vst.idx.msk $0xffff, v7;
	v23 =	vld [tilespmem:s29+$0x170];
	v6 =	vor.u32 $0x5, v6  }
0x4e0: {  	s8 =	simm.s32 $0x0;
	v30 =	vor.u32 $0x2, v8;
	v22 =	vadd.s32 v18, v60;
	[tilespmem:v19+s22+$0x0] =	vst.idx.msk $0xffff, v58;
	v8 =	vshrl.u32 v29, $0x3;
	v57 =	vld [tilespmem:s29+$0x60]  }
0x4e1: {  	v63 =	vld [tilespmem:s30+$0xD0];
	v58 =	vmov s8;
	v29 =	vadd.s32 v17, v27;
	v7 =	vshll.u32 v8, v1;
	[tilespmem:v35+s22+$0x0] =	vst.idx.msk $0xffff, v26  }
0x4e2: {  	[tilespmem:v45+s22+$0x0] =	vst.idx.msk $0xffff, v24;
	v25 =	vshll.u32 v25, v1;
	v8 =	vadd.s32 v18, v59;
	v38 =	vbroadcast v7, $0x0;
	v59 =	vld [tilespmem:s29+$0xFFFFFE70]  }
0x4e3: {  	v29 =	vor.u32 $0x2, v29;
	v24 =	vor.u32 $0x2, v8;
	v7 =	vshrl.u32 v62, $0x3;
	v8 =	vld [tilespmem:s29+$0xFFFFFF70]  }
0x4e4: {  	v27 =	vld [tilespmem:s30+$0xFFFFFED0];
	v60 =	vbroadcast v25, $0x0;
	v7 =	vshll.u32 v7, v1;
	[tilespmem:v6+s22+$0x0] =	vst.idx.msk $0xffff, v23;
	v6 =	vadd.s32 v14, v38  }
0x4e5: {  	v26 =	vshrl.u32 v54, $0x3;
	v62 =	vbroadcast v7, $0x0;
	[tilespmem:v44+s22+$0x0] =	vst.idx.msk $0xffff, v57;
	v61 =	vld [tilespmem:s29+$0x180];
	v6 =	vor.u32 $0x6, v6  }
0x4e6: {  	v25 =	vor.u32 $0x2, v21;
	v7 =	vadd.s32 v14, v60;
	[tilespmem:v9+s22+$0x0] =	vst.idx.msk $0xffff, v63;
	v23 =	vshll.u32 v26, v1;
	v44 =	vld [tilespmem:s29+$0x70]  }
0x4e7: {  	v26 =	vor.u32 $0x6, v22;
	v22 =	vor.u32 $0x3, v7;
	v63 =	vld [tilespmem:s30+$0xE0];
	v19 =	vadd.s32 v14, v62;
	[tilespmem:v46+s22+$0x0] =	vst.idx.msk $0xffff, v59  }
0x4e8: {  	v40 =	vbroadcast v23, $0x0;
	v54 =	vadd.s32 v17, v62;
	v56 =	vadd.s32 v18, v62;
	[tilespmem:v28+s22+$0x0] =	vst.idx.msk $0xffff, v8;
	v51 =	vld [tilespmem:s29+$0xFFFFFE80]  }
0x4e9: {  	[tilespmem:v10+s22+$0x0] =	vst.idx.msk $0xffff, v27;
	v23 =	vor.u32 $0x7, v19;
	v8 =	vadd.s32 v15, v60;
	v19 =	vadd.s32 v15, v62;
	v49 =	vld [tilespmem:s29+$0xFFFFFF80]  }
0x4ea: {  	v53 =	vld [tilespmem:s30+$0xFFFFFFE0];
	v9 =	vor.u32 $0x7, v54;
	v7 =	vadd.s32 v14, v40;
	[tilespmem:v6+s22+$0x0] =	vst.idx.msk $0xffff, v61;
	v6 =	vadd.s32 v15, v38  }
0x4eb: {  	s31 =	simm.s32 $0x1F;
	v21 =	vor.u32 $0x3, v7;
	v7 =	vadd.s32 v15, v40;
	[tilespmem:v36+s22+$0x0] =	vst.idx.msk $0xffff, v44;
	v10 =	vld [tilespmem:s29+$0x190];
	v52 =	vor.u32 $0x6, v6  }
0x4ec: {  	s1 =	sand.u32 $0x78, s31;
	v28 =	vor.u32 $0x3, v8;
	v27 =	vor.u32 $0x3, v7;
	[tilespmem:v13+s22+$0x0] =	vst.idx.msk $0xffff, v63;
	v61 =	vadd.s32 v17, v38;
	v36 =	vld [tilespmem:s29+$0x80]  }
0x4ed: {  	s9 =	simm.s32 $0x2C;
	v55 =	vld [tilespmem:s30+$0xFFFFFEE0];
	v13 =	vmov s1;
	v6 =	vadd.s32 v17, v60;
	v39 =	vor.u32 $0x6, v61;
	[tilespmem:v48+s22+$0x0] =	vst.idx.msk $0xffff, v51  }
0x4ee: {  	s11 =	simm.s32 $0x24;
	s10 =	sand.u32 $0x78, s9;
	s14 =	simm.s32 $0x20;
	v8 =	vor.u32 $0x3, v6;
	v6 =	vadd.s32 v17, v40;
	[tilespmem:v42+s22+$0x0] =	vst.idx.msk $0xffff, v49;
	v42 =	vmul.u32 $0x2200, v58;
	v59 =	vld [tilespmem:s29+$0xFFFFFE90]  }
0x4ef: {  	s13 =	sand.u32 $0x70, s11;
	s17 =	sand.u32 $0x70, s14;
	[tilespmem:v12+s22+$0x0] =	vst.idx.msk $0xffff, v53;
	v7 =	vor.u32 $0x3, v6;
	v6 =	vadd.s32 v18, v60;
	v60 =	vmov s10  }
0x4f0: {  	v48 =	vmov s13;
	v51 =	vmov s17;
	v57 =	vld [tilespmem:s29+$0xFFFFFF90];
	v12 =	vshrl.u32 v60, $0x3;
	[tilespmem:v52+s22+$0x0] =	vst.idx.msk $0xffff, v10  }
0x4f1: {  	v49 =	vshrl.u32 v48, $0x3;
	v12 =	vshll.u32 v12, v1;
	[tilespmem:v50+s22+$0x0] =	vst.idx.msk $0xffff, v36;
	v36 =	vbroadcast v42, $0x0;
	v62 =	vld [tilespmem:s29+$0x1A0]  }
0x4f2: {  	[tilespmem:v11+s22+$0x0] =	vst.idx.msk $0xffff, v55;
	v11 =	vld [tilespmem:s30+$0xFFFFFFF0];
	v53 =	vshrl.u32 v51, $0x3;
	v54 =	vshll.u32 v49, v1;
	v37 =	vbroadcast v12, $0x0  }
0x4f3: {  	s15 =	simm.s32 $0x28;
	v13 =	vshrl.u32 v13, $0x3;
	v35 =	vshll.u32 v53, v1;
	v50 =	vld [tilespmem:s29+$0x90];
	v12 =	vadd.s32 v0, v36;
	[tilespmem:v33+s22+$0x0] =	vst.idx.msk $0xffff, v59  }
0x4f4: {  	s25 =	sand.u32 $0x78, s15;
	s0 =	simm.s32 $0xAE00;
	v35 =	vbroadcast v35, $0x0;
	v10 =	vor.u32 $0x7, v56;
	v56 =	vadd.s32 v12, v37;
	v60 =	vld [tilespmem:s29+$0xFFFFFEA0]  }
0x4f5: {  	v52 =	vmov s25;
	[tilespmem:v41+s22+$0x0] =	vst.idx.msk $0xffff, v57;
	v41 =	vbroadcast v54, $0x0;
	v57 =	vld [tilespmem:s0+$0x100];
	v42 =	vor.u32 $0x4, v56  }
0x4f6: {  	v58 =	vadd.s32 v18, v38;
	v59 =	vshrl.u32 v52, $0x3;
	v63 =	vadd.s32 v12, v35;
	[tilespmem:v39+s22+$0x0] =	vst.idx.msk $0xffff, v62;
	v62 =	vld [tilespmem:s0+$0xFFFFFE00]  }
0x4f7: {  	v34 =	vor.u32 $0x6, v58;
	[tilespmem:v20+s22+$0x0] =	vst.idx.msk $0xffff, v11;
	v38 =	vshll.u32 v59, v1;
	v11 =	vadd.s32 v12, v41;
	v39 =	vld [tilespmem:s29+$0x1B0]  }
0x4f8: {  	v45 =	vld [tilespmem:s0+$0xFFFFFF00];
	v20 =	vshll.u32 v13, v1;
	v38 =	vbroadcast v38, $0x0;
	v61 =	vor.u32 $0x4, v11;
	[tilespmem:v31+s22+$0x0] =	vst.idx.msk $0xffff, v50  }
0x4f9: {  	v40 =	vadd.s32 v18, v40;
	v20 =	vbroadcast v20, $0x0;
	v13 =	vadd.s32 v2, v36;
	v55 =	vld [tilespmem:s29+$0xFFFFFFA0];
	[tilespmem:v30+s22+$0x0] =	vst.idx.msk $0xffff, v60  }
0x4fa: {  	s8 =	simm.s32 $0x29;
	v19 =	vor.u32 $0x7, v19;
	v59 =	vld [tilespmem:s0+$0x0];
	v56 =	vadd.s32 v13, v37;
	v60 =	vadd.s32 v12, v38;
	[tilespmem:v42+s22+$0x0] =	vst.idx.msk $0xffff, v57  }
0x4fb: {  	s9 =	sand.u32 $0x78, s8;
	v6 =	vor.u32 $0x3, v6;
	v14 =	vadd.s32 v14, v20;
	v42 =	vor.u32 $0x4, v56;
	v43 =	vld [tilespmem:s0+$0x110];
	[tilespmem:v63+s22+$0x0] =	vst.idx.msk $0xffff, v62  }
0x4fc: {  	v52 =	vmov s9;
	v48 =	vadd.s32 v13, v35;
	v11 =	vor.u32 $0x3, v40;
	[tilespmem:v34+s22+$0x0] =	vst.idx.msk $0xffff, v39;
	v40 =	vld [tilespmem:s0+$0xFFFFFE10]  }
0x4fd: {  	s5 =	simm.s32 $0x21;
	v17 =	vadd.s32 v17, v20;
	v58 =	vor.u32 $0x7, v14;
	v14 =	vadd.s32 v13, v41;
	[tilespmem:v61+s22+$0x0] =	vst.idx.msk $0xffff, v45;
	v39 =	vld [tilespmem:s29+$0x1C0]  }
0x4fe: {  	s7 =	simm.s32 $0x25;
	s1 =	sand.u32 $0x70, s5;
	v15 =	vadd.s32 v15, v20;
	v17 =	vor.u32 $0x7, v17;
	v50 =	vor.u32 $0x4, v14;
	[tilespmem:v32+s22+$0x0] =	vst.idx.msk $0xffff, v55;
	v62 =	vld [tilespmem:s0+$0xFFFFFF10]  }
0x4ff: {  	s5 =	sand.u32 $0x70, s7;
	v31 =	vld [tilespmem:s30+$0xFFFFFEF0];
	v51 =	vadd.s32 v13, v38;
	v14 =	vadd.s32 v3, v36;
	v57 =	vmov s1;
	[tilespmem:v60+s22+$0x0] =	vst.idx.msk $0xffff, v59  }
0x500: {  	v30 =	vmov s5;
	v61 =	vshrl.u32 v57, $0x3;
	v57 =	vadd.s32 v14, v37;
	v53 =	vld [tilespmem:s0+$0x10];
	[tilespmem:v42+s22+$0x0] =	vst.idx.msk $0xffff, v43  }
0x501: {  	s13 =	simm.s32 $0x26;
	v30 =	vshrl.u32 v30, $0x3;
	v32 =	vshll.u32 v61, v1;
	v42 =	vor.u32 $0x4, v57;
	v43 =	vld [tilespmem:s0+$0x120];
	[tilespmem:v48+s22+$0x0] =	vst.idx.msk $0xffff, v40  }
0x502: {  	s5 =	sand.u32 $0x70, s13;
	v30 =	vshll.u32 v30, v1;
	v61 =	vadd.s32 v14, v35;
	v32 =	vbroadcast v32, $0x0;
	[tilespmem:v58+s22+$0x0] =	vst.idx.msk $0xffff, v39;
	v48 =	vld [tilespmem:s0+$0xFFFFFE20]  }
0x503: {  	v45 =	vmov s5;
	v60 =	vor.u32 $0x7, v15;
	[tilespmem:v50+s22+$0x0] =	vst.idx.msk $0xffff, v62;
	v58 =	vadd.s32 v14, v41;
	v59 =	vld [tilespmem:s29+$0x1D0]  }
0x504: {  	v63 =	vshrl.u32 v52, $0x3;
	[tilespmem:v16+s22+$0x0] =	vst.idx.msk $0xffff, v31;
	v15 =	vadd.s32 v12, v32;
	v62 =	vld [tilespmem:s0+$0xFFFFFF20];
	v44 =	vor.u32 $0x4, v58  }
0x505: {  	s10 =	simm.s32 $0x22;
	v49 =	vld [tilespmem:s29+$0xA0];
	v52 =	vadd.s32 v14, v38;
	v33 =	vor.u32 $0x1, v15;
	v15 =	vadd.s32 v4, v36;
	[tilespmem:v51+s22+$0x0] =	vst.idx.msk $0xffff, v53  }
0x506: {  	s11 =	simm.s32 $0x2D;
	s1 =	sand.u32 $0x70, s10;
	v30 =	vbroadcast v30, $0x0;
	v34 =	vshll.u32 v63, v1;
	v37 =	vadd.s32 v15, v37;
	v56 =	vld [tilespmem:s0+$0x20];
	[tilespmem:v42+s22+$0x0] =	vst.idx.msk $0xffff, v43  }
0x507: {  	v34 =	vbroadcast v34, $0x0;
	v37 =	vor.u32 $0x4, v37;
	v39 =	vmov s1;
	s1 =	sand.u32 $0x78, s11;
	v42 =	vld [tilespmem:s0+$0x130];
	[tilespmem:v61+s22+$0x0] =	vst.idx.msk $0xffff, v48  }
0x508: {  	v63 =	vadd.s32 v13, v32;
	v35 =	vadd.s32 v15, v35;
	v55 =	vmov s1;
	[tilespmem:v60+s22+$0x0] =	vst.idx.msk $0xffff, v59;
	v61 =	vld [tilespmem:s0+$0xFFFFFE30]  }
0x509: {  	v31 =	vor.u32 $0x1, v63;
	v16 =	vadd.s32 v15, v41;
	v43 =	vshrl.u32 v55, $0x3;
	[tilespmem:v44+s22+$0x0] =	vst.idx.msk $0xffff, v62;
	v46 =	vld [tilespmem:s29+$0x1E0]  }
0x50a: {  	[tilespmem:v29+s22+$0x0] =	vst.idx.msk $0xffff, v49;
	v29 =	vadd.s32 v14, v34;
	v58 =	vor.u32 $0x4, v16;
	v57 =	vshll.u32 v43, v1;
	v60 =	vld [tilespmem:s0+$0xFFFFFF30]  }
0x50b: {  	s25 =	simm.s32 $0x2B;
	v54 =	vld [tilespmem:s29+$0xFFFFFFB0];
	v38 =	vadd.s32 v15, v38;
	v16 =	vadd.s32 v12, v30;
	v44 =	vbroadcast v57, $0x0;
	[tilespmem:v52+s22+$0x0] =	vst.idx.msk $0xffff, v56  }
0x50c: {  	s7 =	sand.u32 $0x78, s25;
	v47 =	vor.u32 $0x1, v29;
	v43 =	vld [tilespmem:s29+$0xFFFFFEB0];
	v48 =	vor.u32 $0x5, v16;
	v16 =	vadd.s32 v13, v30;
	[tilespmem:v37+s22+$0x0] =	vst.idx.msk $0xffff, v42  }
0x50d: {  	v53 =	vmov s7;
	v59 =	vadd.s32 v12, v34;
	v62 =	vadd.s32 v12, v44;
	v52 =	vld [tilespmem:s0+$0x30];
	[tilespmem:v35+s22+$0x0] =	vst.idx.msk $0xffff, v61  }
0x50e: {  	v57 =	vadd.s32 v14, v30;
	v30 =	vadd.s32 v15, v30;
	v37 =	vor.u32 $0x5, v62;
	v63 =	vld [tilespmem:s0+$0x140];
	[tilespmem:v17+s22+$0x0] =	vst.idx.msk $0xffff, v46  }
0x50f: {  	v56 =	vadd.s32 v14, v32;
	v49 =	vor.u32 $0x5, v57;
	v17 =	vadd.s32 v18, v20;
	[tilespmem:v58+s22+$0x0] =	vst.idx.msk $0xffff, v60;
	v58 =	vld [tilespmem:s0+$0xFFFFFE40]  }
0x510: {  	[tilespmem:v26+s22+$0x0] =	vst.idx.msk $0xffff, v54;
	v32 =	vadd.s32 v15, v32;
	v51 =	vor.u32 $0x5, v30;
	v20 =	vld [tilespmem:s29+$0x1F0];
	v17 =	vor.u32 $0x7, v17  }
0x511: {  	v30 =	vadd.s32 v15, v34;
	v42 =	vor.u32 $0x1, v59;
	v59 =	vshrl.u32 v39, $0x3;
	[tilespmem:v24+s22+$0x0] =	vst.idx.msk $0xffff, v43;
	v29 =	vld [tilespmem:s0+$0xFFFFFF40]  }
0x512: {  	v18 =	vor.u32 $0x5, v16;
	v16 =	vadd.s32 v13, v34;
	v34 =	vshll.u32 v59, v1;
	[tilespmem:v38+s22+$0x0] =	vst.idx.msk $0xffff, v52;
	v38 =	vld [tilespmem:s29+$0xFFFFFEC0]  }
0x513: {  	v41 =	vor.u32 $0x1, v30;
	v30 =	vadd.s32 v13, v44;
	v26 =	vbroadcast v34, $0x0;
	v61 =	vld [tilespmem:s0+$0x40];
	[tilespmem:v37+s22+$0x0] =	vst.idx.msk $0xffff, v63  }
0x514: {  	v50 =	vor.u32 $0x1, v32;
	v30 =	vor.u32 $0x5, v30;
	v24 =	vadd.s32 v14, v44;
	v60 =	vld [tilespmem:s0+$0x150];
	[tilespmem:v33+s22+$0x0] =	vst.idx.msk $0xffff, v58  }
0x515: {  	s14 =	simm.s32 $0x2A;
	v24 =	vor.u32 $0x5, v24;
	v46 =	vor.u32 $0x1, v56;
	v37 =	vld [tilespmem:s29+$0xB0];
	v63 =	vadd.s32 v12, v26;
	[tilespmem:v17+s22+$0x0] =	vst.idx.msk $0xffff, v20  }
0x516: {  	s17 =	simm.s32 $0x27;
	s1 =	sand.u32 $0x78, s14;
	v40 =	vor.u32 $0x1, v16;
	v55 =	vadd.s32 v15, v26;
	v35 =	vor.u32 $0x2, v63;
	[tilespmem:v48+s22+$0x0] =	vst.idx.msk $0xffff, v29;
	v57 =	vld [tilespmem:s0+$0xFFFFFE50]  }
0x517: {  	s5 =	sand.u32 $0x70, s17;
	v58 =	vadd.s32 v13, v26;
	v17 =	vmov s1;
	v20 =	vshrl.u32 v45, $0x3;
	[tilespmem:v22+s22+$0x0] =	vst.idx.msk $0xffff, v38;
	v62 =	vld [tilespmem:s0+$0xFFFFFF50]  }
0x518: {  	v45 =	vld [tilespmem:s29+$0xFFFFFFC0];
	v48 =	vmov s5;
	v17 =	vshrl.u32 v17, $0x3;
	v20 =	vshll.u32 v20, v1;
	[tilespmem:v42+s22+$0x0] =	vst.idx.msk $0xffff, v61  }
0x519: {  	s15 =	simm.s32 $0x23;
	v32 =	vor.u32 $0x2, v58;
	v43 =	vld [tilespmem:s29+$0xFFFFFED0];
	v20 =	vbroadcast v20, $0x0;
	v17 =	vshll.u32 v17, v1;
	[tilespmem:v30+s22+$0x0] =	vst.idx.msk $0xffff, v60  }
0x51a: {  	s1 =	sand.u32 $0x70, s15;
	v22 =	vshrl.u32 v48, $0x3;
	[tilespmem:v25+s22+$0x0] =	vst.idx.msk $0xffff, v37;
	v25 =	vadd.s32 v14, v26;
	v17 =	vbroadcast v17, $0x0;
	v59 =	vld [tilespmem:s0+$0x160]  }
0x51b: {  	v29 =	vmov s1;
	v61 =	vld [tilespmem:s0+$0x50];
	v22 =	vshll.u32 v22, v1;
	v36 =	vadd.s32 v12, v20;
	[tilespmem:v31+s22+$0x0] =	vst.idx.msk $0xffff, v57  }
0x51c: {  	v56 =	vbroadcast v22, $0x0;
	v63 =	vadd.s32 v14, v20;
	v30 =	vadd.s32 v12, v17;
	[tilespmem:v18+s22+$0x0] =	vst.idx.msk $0xffff, v62;
	v54 =	vld [tilespmem:s0+$0xFFFFFE60]  }
0x51d: {  	v36 =	vor.u32 $0x6, v36;
	v60 =	vadd.s32 v13, v17;
	[tilespmem:v23+s22+$0x0] =	vst.idx.msk $0xffff, v45;
	v23 =	vadd.s32 v15, v20;
	v52 =	vld [tilespmem:s0+$0xFFFFFF60]  }
0x51e: {  	s31 =	simm.s32 $0x2E;
	v34 =	vor.u32 $0x2, v30;
	v30 =	vadd.s32 v13, v20;
	v18 =	vld [tilespmem:s29+$0xC0];
	v62 =	vshrl.u32 v29, $0x3;
	[tilespmem:v28+s22+$0x0] =	vst.idx.msk $0xffff, v43  }
0x51f: {  	s1 =	sand.u32 $0x78, s31;
	v29 =	vor.u32 $0x2, v25;
	v25 =	vadd.s32 v14, v17;
	v20 =	vadd.s32 v15, v44;
	v39 =	vld [tilespmem:s29+$0xFFFFFFD0];
	[tilespmem:v24+s22+$0x0] =	vst.idx.msk $0xffff, v59  }
0x520: {  	v26 =	vor.u32 $0x2, v25;
	[tilespmem:v40+s22+$0x0] =	vst.idx.msk $0xffff, v61;
	v57 =	vor.u32 $0x5, v20;
	v24 =	vmov s1;
	v25 =	vld [tilespmem:s0+$0x170]  }
0x521: {  	v31 =	vor.u32 $0x6, v63;
	v17 =	vadd.s32 v15, v17;
	v58 =	vld [tilespmem:s0+$0x60];
	v59 =	vshrl.u32 v24, $0x3;
	[tilespmem:v46+s22+$0x0] =	vst.idx.msk $0xffff, v54  }
0x522: {  	v16 =	vld [tilespmem:s30+$0xF0];
	v33 =	vor.u32 $0x6, v30;
	v24 =	vor.u32 $0x6, v23;
	v23 =	vshll.u32 v59, v1;
	[tilespmem:v49+s22+$0x0] =	vst.idx.msk $0xffff, v52  }
0x523: {  	v30 =	vor.u32 $0x2, v60;
	v60 =	vshll.u32 v62, v1;
	[tilespmem:v21+s22+$0x0] =	vst.idx.msk $0xffff, v18;
	v37 =	vbroadcast v23, $0x0;
	v62 =	vld [tilespmem:s0+$0xFFFFFF70]  }
0x524: {  	v44 =	vadd.s32 v15, v56;
	v20 =	vor.u32 $0x2, v55;
	v61 =	vshrl.u32 v53, $0x3;
	[tilespmem:v19+s22+$0x0] =	vst.idx.msk $0xffff, v39;
	v63 =	vld [tilespmem:s0+$0xFFFFFE70]  }
0x525: {  	v42 =	vld [tilespmem:s29+$0xFFFFFEE0];
	v19 =	vadd.s32 v13, v56;
	v49 =	vbroadcast v60, $0x0;
	v18 =	vadd.s32 v12, v37;
	[tilespmem:v57+s22+$0x0] =	vst.idx.msk $0xffff, v25  }
0x526: {  	v23 =	vshll.u32 v61, v1;
	v19 =	vor.u32 $0x7, v19;
	[tilespmem:v47+s22+$0x0] =	vst.idx.msk $0xffff, v58;
	v59 =	vor.u32 $0x6, v18;
	v58 =	vld [tilespmem:s0+$0x180]  }
0x527: {  	v38 =	vbroadcast v23, $0x0;
	v23 =	vor.u32 $0x2, v17;
	v17 =	vadd.s32 v12, v49;
	v60 =	vld [tilespmem:s0+$0x70]  }
0x528: {  	v61 =	vadd.s32 v14, v49;
	v57 =	vld [tilespmem:s29+$0xD0];
	v18 =	vadd.s32 v12, v56;
	v22 =	vor.u32 $0x3, v17;
	[tilespmem:v51+s22+$0x0] =	vst.idx.msk $0xffff, v62  }
0x529: {  	v17 =	vadd.s32 v12, v38;
	v39 =	vor.u32 $0x3, v61;
	v28 =	vadd.s32 v14, v38;
	[tilespmem:v50+s22+$0x0] =	vst.idx.msk $0xffff, v63;
	v46 =	vld [tilespmem:s0+$0xFFFFFF80]  }
0x52a: {  	v25 =	vor.u32 $0x7, v18;
	v18 =	vadd.s32 v13, v49;
	v21 =	vor.u32 $0x3, v17;
	v45 =	vld [tilespmem:s0+$0xFFFFFE80]  }
0x52b: {  	v40 =	vld [tilespmem:s29+$0xFFFFFFE0];
	v17 =	vadd.s32 v13, v38;
	v28 =	vor.u32 $0x3, v28;
	v63 =	vadd.s32 v13, v37;
	[tilespmem:v59+s22+$0x0] =	vst.idx.msk $0xffff, v58  }
0x52c: {  	s10 =	simm.s32 $0x2F;
	v18 =	vor.u32 $0x3, v18;
	v62 =	vadd.s32 v14, v56;
	v48 =	vor.u32 $0x6, v63;
	[tilespmem:v41+s22+$0x0] =	vst.idx.msk $0xffff, v60;
	v47 =	vld [tilespmem:s0+$0x190]  }
0x52d: {  	s30 =	simm.s32 $0xAE00;
	s15 =	simm.s32 $0x2F;
	s1 =	simm.s32 $0x8;
	v17 =	vor.u32 $0x3, v17;
	v43 =	vor.u32 $0x7, v62;
	v41 =	vadd.s32 v15, v49;
	v49 =	vld [tilespmem:s0+$0x80];
	[tilespmem:v27+s22+$0x0] =	vst.idx.msk $0xffff, v57  }
.LBB2_17:
0x52e: {  	s1 =	sadd.s32 $0x4, s1;
	v27 =	vor.u32 $0x3, v41;
	[tilespmem:v36+s22+$0x0] =	vst.idx.msk $0xffff, v46;
	v41 =	vor.u32 $0x7, v44;
	v36 =	vadd.s32 v15, v38;
	s10 =	sadd.s32 $0x10, s10;
	v38 =	vld [tilespmem:s29+$0xE0]  }
0x52f: {  	s5 =	sshrl.u32 s1, $0x5;
	s7 =	sadd.s32 $0xFFFFFFF5, s10;
	s8 =	sadd.s32 $0xFFFFFFFD, s10;
	[tilespmem:v35+s22+$0x0] =	vst.idx.msk $0xffff, v45;
	v44 =	vld [tilespmem:s0+$0xFFFFFF90];
	v36 =	vor.u32 $0x3, v36  }
0x530: {  	s9 =	sadd.s32 $0xFFFFFFF1, s10;
	v35 =	vmov s5;
	s5 =	sand.u32 $0x70, s7;
	s7 =	sand.u32 $0x78, s8;
	v45 =	vld [tilespmem:s0+$0xFFFFFE90];
	[tilespmem:v9+s22+$0x0] =	vst.idx.msk $0xffff, v40;
	v9 =	vmov v43  }
0x531: {  	s11 =	sadd.s32 $0xFFFFFFF9, s10;
	s9 =	sand.u32 $0x70, s9;
	s8 =	sadd.s32 $0xFFFFFFF2, s10;
	v43 =	vadd.s32 v14, v37;
	v35 =	vmul.u32 $0x2200, v35;
	v40 =	vmov s7;
	[tilespmem:v48+s22+$0x0] =	vst.idx.msk $0xffff, v47;
	v46 =	vld [tilespmem:s29+$0xFFFFFFF0]  }
0x532: {  	v47 =	vmov s5;
	s5 =	sadd.s32 $0xFFFFFFF6, s10;
	s7 =	sand.u32 $0x78, s11;
	s11 =	sadd.s32 $0xFFFFFFFA, s10;
	v43 =	vor.u32 $0x6, v43;
	v40 =	vshrl.u32 v40, $0x3;
	[tilespmem:v34+s22+$0x0] =	vst.idx.msk $0xffff, v49;
	v48 =	vld [tilespmem:s0+$0x1A0]  }
0x533: {  	s14 =	sand.u32 $0x70, s8;
	v47 =	vshrl.u32 v47, $0x3;
	s13 =	sand.u32 $0x70, s5;
	s8 =	sand.u32 $0x78, s11;
	v34 =	vbroadcast v35, $0x0;
	v35 =	vshll.u32 v40, v1;
	v40 =	vld [tilespmem:s0+$0x90];
	[tilespmem:v8+s22+$0x0] =	vst.idx.msk $0xffff, v42;
	v8 =	vmovc v39  }
0x534: {  	s5 =	sadd.s32 $0xFFFFFFF3, s10;
	s11 =	sadd.s32 $0xFFFFFFFB, s10;
	v39 =	vmov s9;
	s9 =	sadd.s32 $0xFFFFFFF7, s10;
	v42 =	vmov s7;
	v35 =	vbroadcast v35, $0x0;
	[tilespmem:v33+s22+$0x0] =	vst.idx.msk $0xffff, v44;
	v33 =	vld [tilespmem:s29+$0xFFFFFEF0]  }
0x535: {  	s7 =	sand.u32 $0x70, s5;
	v47 =	vshll.u32 v47, v1;
	v39 =	vshrl.u32 v39, $0x3;
	s25 =	sand.u32 $0x70, s9;
	s9 =	sand.u32 $0x78, s11;
	v44 =	vadd.s32 v0, v34;
	[tilespmem:v32+s22+$0x0] =	vst.idx.msk $0xffff, v45;
	v32 =	vld [tilespmem:s0+$0xFFFFFFA0]  }
0x536: {  	s5 =	sadd.s32 $0xFFFFFFF4, s10;
	s11 =	sadd.s32 $0xFFFFFFF8, s10;
	v42 =	vshrl.u32 v42, $0x3;
	v45 =	vbroadcast v47, $0x0;
	s0 =	sadd.s32 $0x400, s0;
	v47 =	vadd.s32 v44, v35;
	v49 =	vld [tilespmem:s30+$0xFFFFFEA0];
	[tilespmem:v7+s22+$0x0] =	vst.idx.msk $0xffff, v38;
	v7 =	vmovc v28  }
0x537: {  	s15 =	sand.u32 $0x78, s15;
	s17 =	sadd.s32 $0xFFFFFFFC, s10;
	v37 =	vadd.s32 v15, v37;
	s5 =	sand.u32 $0x70, s5;
	v28 =	vshll.u32 v39, v1;
	v38 =	vld [tilespmem:s0+$0x100];
	v39 =	vor.u32 $0x4, v47;
	[tilespmem:v43+s22+$0x0] =	vst.idx.msk $0xffff, v48  }
0x538: {  	p0 =	slt.u32 s1, $0x3C;
	s17 =	sand.u32 $0x78, s17;
	v37 =	vor.u32 $0x6, v37;
	s11 =	sand.u32 $0x70, s11;
	v42 =	vshll.u32 v42, v1;
	[tilespmem:v30+s22+$0x0] =	vst.idx.msk $0xffff, v40;
	v30 =	vld [tilespmem:s30+$0x1B0];
	v40 =	vmov s15  }
0x539: {  	v42 =	vbroadcast v42, $0x0;
	v47 =	vbroadcast v28, $0x0;
	s15 =	smov.u32 s10;
	v43 =	vld [tilespmem:s0+$0xFFFFFE00];
	v28 =	vshrl.u32 v40, $0x3;
	[tilespmem:v10+s22+$0x0] =	vst.idx.msk $0xffff, v46;
	v10 =	vmovc v41  }
0x53a: {  	v40 =	vmov s14;
	v46 =	vadd.s32 v44, v45;
	v41 =	vld [tilespmem:s0+$0xFFFFFF00];
	[tilespmem:v31+s22+$0x0] =	vst.idx.msk $0xffff, v32;
	v28 =	vshll.u32 v28, v1  }
0x53b: {  	v31 =	vadd.s32 v2, v34;
	v32 =	vor.u32 $0x4, v46;
	v46 =	vld [tilespmem:s0+$0x0];
	[tilespmem:v29+s22+$0x0] =	vst.idx.msk $0xffff, v49;
	v48 =	vbroadcast v28, $0x0  }
0x53c: {  	v50 =	vmov s13;
	v49 =	vadd.s32 v44, v47;
	v29 =	vadd.s32 v31, v35;
	[tilespmem:v39+s22+$0x0] =	vst.idx.msk $0xffff, v38;
	v28 =	vld [tilespmem:s30+$0xA0]  }
0x53d: {  	v38 =	vadd.s32 v44, v42;
	v51 =	vor.u32 $0x4, v29;
	v39 =	vld [tilespmem:s0+$0x110];
	[tilespmem:v37+s22+$0x0] =	vst.idx.msk $0xffff, v30;
	v12 =	vadd.s32 v12, v48  }
0x53e: {  	v29 =	vadd.s32 v31, v45;
	v30 =	vadd.s32 v31, v47;
	v37 =	vld [tilespmem:s30+$0x1C0];
	v52 =	vor.u32 $0x7, v12;
	[tilespmem:v6+s22+$0x0] =	vst.idx.msk $0xffff, v33  }
0x53f: {  	v54 =	vmov s8;
	v53 =	vadd.s32 v31, v42;
	v33 =	vor.u32 $0x4, v29;
	v6 =	vmovc v27;
	v29 =	vld [tilespmem:s30+$0xFFFFFFB0];
	[tilespmem:v5+s22+$0x0] =	vst.idx.msk $0xffff, v16;
	v5 =	vmovc v11  }
0x540: {  	v16 =	vshrl.u32 v40, $0x3;
	v40 =	vshrl.u32 v54, $0x3;
	v11 =	vmovc v36;
	[tilespmem:v32+s22+$0x0] =	vst.idx.msk $0xffff, v41;
	v32 =	vshrl.u32 v50, $0x3;
	v27 =	vld [tilespmem:s30+$0xFFFFFEB0];
	v12 =	vmovc v44  }
0x541: {  	v36 =	vadd.s32 v3, v34;
	v16 =	vshll.u32 v16, v1;
	[tilespmem:v49+s22+$0x0] =	vst.idx.msk $0xffff, v43;
	v43 =	vmov s7;
	v41 =	vld [tilespmem:s0+$0xFFFFFF10]  }
0x542: {  	v49 =	vbroadcast v16, $0x0;
	v16 =	vadd.s32 v36, v45;
	v44 =	vld [tilespmem:s0+$0xFFFFFE10];
	[tilespmem:v51+s22+$0x0] =	vst.idx.msk $0xffff, v39;
	v39 =	vadd.s32 v36, v35  }
0x543: {  	v50 =	vor.u32 $0x4, v16;
	v16 =	vadd.s32 v13, v48;
	v13 =	vmovc v31;
	v51 =	vld [tilespmem:s0+$0x120];
	v39 =	vor.u32 $0x4, v39;
	[tilespmem:v52+s22+$0x0] =	vst.idx.msk $0xffff, v37  }
0x544: {  	v37 =	vadd.s32 v36, v47;
	v52 =	vor.u32 $0x7, v16;
	[tilespmem:v38+s22+$0x0] =	vst.idx.msk $0xffff, v46;
	v38 =	vadd.s32 v36, v42;
	v46 =	vld [tilespmem:s30+$0x1D0]  }
0x545: {  	v40 =	vshll.u32 v40, v1;
	v31 =	vshll.u32 v32, v1;
	v16 =	vadd.s32 v12, v49;
	v32 =	vld [tilespmem:s0+$0x10]  }
0x546: {  	v55 =	vbroadcast v40, $0x0;
	v54 =	vor.u32 $0x1, v16;
	[tilespmem:v33+s22+$0x0] =	vst.idx.msk $0xffff, v41;
	v33 =	vbroadcast v31, $0x0;
	v16 =	vld [tilespmem:s29+$0xF0];
	s29 =	smov.u32 s30;
	s30 =	smov.u32 s0  }
0x547: {  	s7 =	sadd.s32 $0xFFFFFFFE, s10;
	v31 =	vadd.s32 v13, v49;
	[tilespmem:v30+s22+$0x0] =	vst.idx.msk $0xffff, v44;
	v30 =	vadd.s32 v4, v34;
	v34 =	vld [tilespmem:s0+$0xFFFFFF20];
	v44 =	vmov s25  }
0x548: {  	s7 =	sand.u32 $0x78, s7;
	v31 =	vor.u32 $0x1, v31;
	v40 =	vld [tilespmem:s0+$0xFFFFFE20];
	v41 =	vadd.s32 v30, v45;
	[tilespmem:v39+s22+$0x0] =	vst.idx.msk $0xffff, v51;
	v35 =	vadd.s32 v30, v35  }
0x549: {  	v45 =	vmov s7;
	v39 =	vld [tilespmem:s0+$0x130];
	v35 =	vor.u32 $0x4, v35;
	[tilespmem:v52+s22+$0x0] =	vst.idx.msk $0xffff, v46;
	v46 =	vadd.s32 v14, v48;
	v14 =	vmovc v36  }
0x54a: {  	v36 =	vor.u32 $0x4, v41;
	[tilespmem:v53+s22+$0x0] =	vst.idx.msk $0xffff, v32;
	v32 =	vshrl.u32 v45, $0x3;
	v41 =	vld [tilespmem:s29+$0x1E0];
	v45 =	vor.u32 $0x7, v46  }
0x54b: {  	v42 =	vadd.s32 v30, v42;
	v46 =	vadd.s32 v30, v47;
	v47 =	vld [tilespmem:s0+$0x20];
	v32 =	vshll.u32 v32, v1  }
0x54c: {  	[tilespmem:v50+s22+$0x0] =	vst.idx.msk $0xffff, v34;
	v34 =	vadd.s32 v12, v33;
	v50 =	vadd.s32 v12, v55;
	v51 =	vbroadcast v32, $0x0  }
0x54d: {  	[tilespmem:v37+s22+$0x0] =	vst.idx.msk $0xffff, v40;
	v32 =	vld [tilespmem:s0+$0xFFFFFF30];
	v34 =	vor.u32 $0x5, v34;
	v37 =	vadd.s32 v13, v33;
	v50 =	vor.u32 $0x1, v50  }
0x54e: {  	v52 =	vadd.s32 v13, v55;
	v40 =	vld [tilespmem:s0+$0xFFFFFE30];
	v37 =	vor.u32 $0x5, v37;
	[tilespmem:v35+s22+$0x0] =	vst.idx.msk $0xffff, v39;
	v35 =	vadd.s32 v12, v51  }
0x54f: {  	v52 =	vor.u32 $0x1, v52;
	v39 =	vadd.s32 v15, v48;
	v15 =	vmovc v30;
	v53 =	vld [tilespmem:s0+$0x140];
	v35 =	vor.u32 $0x5, v35;
	[tilespmem:v45+s22+$0x0] =	vst.idx.msk $0xffff, v41  }
0x550: {  	v30 =	vadd.s32 v14, v49;
	v41 =	vadd.s32 v14, v33;
	v45 =	vor.u32 $0x7, v39;
	[tilespmem:v38+s22+$0x0] =	vst.idx.msk $0xffff, v47;
	v38 =	vld [tilespmem:s29+$0x1F0]  }
0x551: {  	v39 =	vadd.s32 v14, v55;
	v47 =	vor.u32 $0x1, v30;
	v48 =	vor.u32 $0x5, v41;
	v30 =	vld [tilespmem:s0+$0x30];
	[tilespmem:v26+s22+$0x0] =	vst.idx.msk $0xffff, v28  }
0x552: {  	v41 =	vor.u32 $0x1, v39;
	v26 =	vadd.s32 v15, v49;
	v28 =	vadd.s32 v15, v33;
	[tilespmem:v36+s22+$0x0] =	vst.idx.msk $0xffff, v32;
	v49 =	vld [tilespmem:s29+$0xB0]  }
0x553: {  	v39 =	vor.u32 $0x1, v26;
	[tilespmem:v46+s22+$0x0] =	vst.idx.msk $0xffff, v40;
	v26 =	vld [tilespmem:s0+$0xFFFFFF40];
	v40 =	vor.u32 $0x5, v28;
	v28 =	vadd.s32 v15, v55  }
0x554: {  	v33 =	vshrl.u32 v43, $0x3;
	v36 =	vmov s9;
	v32 =	vld [tilespmem:s0+$0xFFFFFE40];
	v28 =	vor.u32 $0x1, v28;
	[tilespmem:v35+s22+$0x0] =	vst.idx.msk $0xffff, v53  }
0x555: {  	v43 =	vadd.s32 v13, v51;
	v36 =	vshrl.u32 v36, $0x3;
	v35 =	vshrl.u32 v44, $0x3;
	[tilespmem:v45+s22+$0x0] =	vst.idx.msk $0xffff, v38  }
0x556: {  	v33 =	vshll.u32 v33, v1;
	v35 =	vshll.u32 v35, v1;
	v38 =	vor.u32 $0x5, v43;
	[tilespmem:v42+s22+$0x0] =	vst.idx.msk $0xffff, v30;
	v30 =	vld [tilespmem:s0+$0x150]  }
0x557: {  	v42 =	vbroadcast v33, $0x0;
	v43 =	vbroadcast v35, $0x0;
	v35 =	vshll.u32 v36, v1;
	v33 =	vld [tilespmem:s0+$0x40];
	[tilespmem:v24+s22+$0x0] =	vst.idx.msk $0xffff, v29  }
0x558: {  	v44 =	vmov s11;
	v24 =	vmov s5;
	v45 =	vbroadcast v35, $0x0;
	[tilespmem:v34+s22+$0x0] =	vst.idx.msk $0xffff, v26;
	v46 =	vld [tilespmem:s29+$0xFFFFFFC0]  }
0x559: {  	v53 =	vmov s17;
	v26 =	vadd.s32 v12, v42;
	[tilespmem:v54+s22+$0x0] =	vst.idx.msk $0xffff, v32;
	v29 =	vld [tilespmem:s0+$0xFFFFFF50];
	v32 =	vadd.s32 v12, v43  }
0x55a: {  	v35 =	vor.u32 $0x2, v26;
	v26 =	vadd.s32 v12, v45;
	v54 =	vld [tilespmem:s0+$0xFFFFFE50];
	v36 =	vor.u32 $0x6, v32;
	[tilespmem:v20+s22+$0x0] =	vst.idx.msk $0xffff, v27  }
0x55b: {  	v20 =	vadd.s32 v13, v42;
	v34 =	vor.u32 $0x2, v26;
	v26 =	vadd.s32 v14, v51;
	[tilespmem:v38+s22+$0x0] =	vst.idx.msk $0xffff, v30;
	v27 =	vld [tilespmem:s29+$0xFFFFFEC0]  }
0x55c: {  	v30 =	vadd.s32 v13, v43;
	v38 =	vadd.s32 v13, v45;
	v55 =	vor.u32 $0x5, v26;
	[tilespmem:v50+s22+$0x0] =	vst.idx.msk $0xffff, v33;
	v50 =	vld [tilespmem:s0+$0x160]  }
0x55d: {  	v32 =	vor.u32 $0x2, v20;
	v33 =	vor.u32 $0x6, v30;
	v30 =	vor.u32 $0x2, v38;
	v56 =	vld [tilespmem:s0+$0x50];
	[tilespmem:v23+s22+$0x0] =	vst.idx.msk $0xffff, v49  }
0x55e: {  	v20 =	vadd.s32 v14, v42;
	v38 =	vshrl.u32 v24, $0x3;
	v23 =	vadd.s32 v14, v43;
	[tilespmem:v37+s22+$0x0] =	vst.idx.msk $0xffff, v29;
	v49 =	vld [tilespmem:s29+$0xC0]  }
0x55f: {  	v29 =	vor.u32 $0x2, v20;
	v20 =	vadd.s32 v14, v45;
	[tilespmem:v31+s22+$0x0] =	vst.idx.msk $0xffff, v54;
	v37 =	vld [tilespmem:s0+$0xFFFFFF60];
	v31 =	vor.u32 $0x6, v23  }
0x560: {  	s5 =	sadd.s32 $0xFFFFFFFF, s10;
	v24 =	vadd.s32 v15, v43;
	v23 =	vadd.s32 v15, v42;
	v26 =	vor.u32 $0x2, v20;
	v54 =	vld [tilespmem:s0+$0xFFFFFE60];
	[tilespmem:v25+s22+$0x0] =	vst.idx.msk $0xffff, v46  }
0x561: {  	s5 =	sand.u32 $0x78, s5;
	v20 =	vor.u32 $0x2, v23;
	v23 =	vadd.s32 v15, v45;
	v25 =	vadd.s32 v15, v51;
	[tilespmem:v55+s22+$0x0] =	vst.idx.msk $0xffff, v50;
	v42 =	vld [tilespmem:s29+$0xFFFFFFD0]  }
0x562: {  	v24 =	vor.u32 $0x6, v24;
	v45 =	vmov s5;
	v25 =	vor.u32 $0x5, v25;
	[tilespmem:v52+s22+$0x0] =	vst.idx.msk $0xffff, v56;
	v43 =	vld [tilespmem:s0+$0x170]  }
0x563: {  	v44 =	vshrl.u32 v44, $0x3;
	v23 =	vor.u32 $0x2, v23;
	v45 =	vshrl.u32 v45, $0x3;
	v46 =	vld [tilespmem:s0+$0x60];
	[tilespmem:v22+s22+$0x0] =	vst.idx.msk $0xffff, v27  }
0x564: {  	v22 =	vshll.u32 v38, v1;
	v27 =	vshrl.u32 v53, $0x3;
	[tilespmem:v48+s22+$0x0] =	vst.idx.msk $0xffff, v37;
	v37 =	vshll.u32 v45, v1;
	v48 =	vld [tilespmem:s29+$0xFFFFFED0]  }
0x565: {  	v38 =	vshll.u32 v44, v1;
	v27 =	vshll.u32 v27, v1;
	[tilespmem:v47+s22+$0x0] =	vst.idx.msk $0xffff, v54;
	v45 =	vld [tilespmem:s0+$0xFFFFFF70];
	v37 =	vbroadcast v37, $0x0  }
0x566: {  	v50 =	vbroadcast v22, $0x0;
	v51 =	vbroadcast v38, $0x0;
	v44 =	vld [tilespmem:s0+$0xFFFFFE70];
	[tilespmem:v21+s22+$0x0] =	vst.idx.msk $0xffff, v49  }
0x567: {  	v38 =	vbroadcast v27, $0x0;
	[tilespmem:v25+s22+$0x0] =	vst.idx.msk $0xffff, v43;
	v21 =	vadd.s32 v12, v37;
	v27 =	vld [tilespmem:s29+$0xD0]  }
0x568: {  	v22 =	vadd.s32 v12, v50;
	v25 =	vadd.s32 v12, v51;
	[tilespmem:v41+s22+$0x0] =	vst.idx.msk $0xffff, v46;
	v41 =	vld [tilespmem:s0+$0x180];
	v43 =	vor.u32 $0x6, v21  }
0x569: {  	v22 =	vor.u32 $0x3, v22;
	v25 =	vor.u32 $0x7, v25;
	v21 =	vadd.s32 v12, v38;
	v47 =	vld [tilespmem:s0+$0x70];
	[tilespmem:v19+s22+$0x0] =	vst.idx.msk $0xffff, v42  }
0x56a: {  	v19 =	vadd.s32 v13, v50;
	v42 =	vadd.s32 v13, v51;
	v21 =	vor.u32 $0x3, v21;
	[tilespmem:v40+s22+$0x0] =	vst.idx.msk $0xffff, v45;
	v40 =	vld [tilespmem:s29+$0xFFFFFFE0]  }
.Ltmp7:
0x56b: {  	[tilespmem:v39+s22+$0x0] =	vst.idx.msk $0xffff, v44;
	v44 =	vor.u32 $0x3, v19;
	v46 =	vld [tilespmem:s0+$0xFFFFFF80];
	v19 =	vor.u32 $0x7, v42;
	v39 =	vadd.s32 v13, v38;
	(pc) =	sbr.rel @p0 .LBB2_17-.Ltmp7, $4  }
0x56c: {  	v49 =	vadd.s32 v14, v51;
	v42 =	vadd.s32 v14, v50;
	v45 =	vld [tilespmem:s0+$0xFFFFFE80];
	v52 =	vor.u32 $0x3, v39;
	[tilespmem:v18+s22+$0x0] =	vst.idx.msk $0xffff, v48  }
0x56d: {  	v53 =	vadd.s32 v14, v38;
	v39 =	vor.u32 $0x3, v42;
	[tilespmem:v43+s22+$0x0] =	vst.idx.msk $0xffff, v41;
	v41 =	vadd.s32 v13, v37;
	v42 =	vld [tilespmem:s29+$0xFFFFFEE0]  }
0x56e: {  	v18 =	vmovc v44;
	v43 =	vor.u32 $0x7, v49;
	[tilespmem:v28+s22+$0x0] =	vst.idx.msk $0xffff, v47;
	v28 =	vor.u32 $0x3, v53;
	v47 =	vld [tilespmem:s0+$0x190];
	v48 =	vor.u32 $0x6, v41  }
0x56f: {  	v44 =	vadd.s32 v15, v51;
	v41 =	vadd.s32 v15, v50;
	v49 =	vld [tilespmem:s0+$0x80];
	[tilespmem:v17+s22+$0x0] =	vst.idx.msk $0xffff, v27;
	v17 =	vmov v52  }
0x570: {  	_ =	sdelay $0x3  }
0x571: {  	[tilespmem:v36+s22+$0x0] =	vst.idx.msk $0xffff, v46  }
0x572: {  	[tilespmem:v35+s22+$0x0] =	vst.idx.msk $0xffff, v45;
	v27 =	vld [tilespmem:s0+$0xFFFFFF90]  }
0x573: {  	v35 =	vld [tilespmem:s0+$0xFFFFFE90];
	[tilespmem:v34+s22+$0x0] =	vst.idx.msk $0xffff, v49  }
0x574: {  	v34 =	vld [tilespmem:s0+$0x90];
	_ =	sdelay $0x1  }
0x575: {  	v62 =	vadd.s32 v14, v37;
	[tilespmem:v48+s22+$0x0] =	vst.idx.msk $0xffff, v47  }
0x576: {  	v36 =	vor.u32 $0x6, v62;
	v63 =	vld [tilespmem:s0+$0x1A0];
	[tilespmem:v33+s22+$0x0] =	vst.idx.msk $0xffff, v27  }
0x577: {  	[tilespmem:v32+s22+$0x0] =	vst.idx.msk $0xffff, v35;
	v27 =	vld [tilespmem:s0+$0xFFFFFFA0]  }
0x578: {  	v32 =	vld [tilespmem:s30+$0xFFFFFEA0];
	[tilespmem:v30+s22+$0x0] =	vst.idx.msk $0xffff, v34  }
0x579: {  	v30 =	vld [tilespmem:s30+$0xA0];
	_ =	sdelay $0x1  }
0x57a: {  	s7 =	sand.u32 $0x78, s15;
	[tilespmem:v36+s22+$0x0] =	vst.idx.msk $0xffff, v63;
	v36 =	vadd.s32 v15, v37  }
0x57b: {  	v45 =	vmov s7;
	v37 =	vld [tilespmem:s30+$0x1B0];
	v33 =	vor.u32 $0x6, v36;
	[tilespmem:v31+s22+$0x0] =	vst.idx.msk $0xffff, v27  }
0x57c: {  	v46 =	vshrl.u32 v45, $0x3;
	[tilespmem:v29+s22+$0x0] =	vst.idx.msk $0xffff, v32;
	v47 =	vld [tilespmem:s30+$0xFFFFFFB0]  }
0x57d: {  	v27 =	vshll.u32 v46, v1;
	v48 =	vld [tilespmem:s30+$0xFFFFFEB0];
	[tilespmem:v26+s22+$0x0] =	vst.idx.msk $0xffff, v30  }
0x57e: {  	v27 =	vbroadcast v27, $0x0;
	v26 =	vld [tilespmem:s30+$0xB0];
	_ =	sdelay $0x1  }
0x57f: {  	[tilespmem:v33+s22+$0x0] =	vst.idx.msk $0xffff, v37;
	v12 =	vadd.s32 v12, v27  }
0x580: {  	v49 =	vld [tilespmem:s30+$0x1C0];
	v12 =	vor.u32 $0x7, v12;
	[tilespmem:v24+s22+$0x0] =	vst.idx.msk $0xffff, v47  }
0x581: {  	v24 =	vld [tilespmem:s30+$0xFFFFFFC0];
	[tilespmem:v20+s22+$0x0] =	vst.idx.msk $0xffff, v48  }
0x582: {  	v20 =	vld [tilespmem:s30+$0xFFFFFEC0];
	[tilespmem:v23+s22+$0x0] =	vst.idx.msk $0xffff, v26  }
0x583: {  	v23 =	vld [tilespmem:s30+$0xC0]  }
0x584: {  	[tilespmem:v9+s22+$0x0] =	vst.idx.msk $0xffff, v40  }
0x585: {  	v53 =	vld [tilespmem:s29+$0xE0];
	v50 =	vadd.s32 v13, v27;
	[tilespmem:v12+s22+$0x0] =	vst.idx.msk $0xffff, v49  }
0x586: {  	v12 =	vor.u32 $0x7, v50;
	v51 =	vld [tilespmem:s30+$0x1D0];
	[tilespmem:v25+s22+$0x0] =	vst.idx.msk $0xffff, v24  }
0x587: {  	v24 =	vld [tilespmem:s30+$0xFFFFFFD0];
	[tilespmem:v22+s22+$0x0] =	vst.idx.msk $0xffff, v20  }
0x588: {  	v52 =	vld [tilespmem:s30+$0xFFFFFED0];
	[tilespmem:v21+s22+$0x0] =	vst.idx.msk $0xffff, v23  }
0x589: {  	[tilespmem:v8+s22+$0x0] =	vst.idx.msk $0xffff, v42;
	v54 =	vld [tilespmem:s30+$0xD0]  }
0x58a: {  	v55 =	vld [tilespmem:s29+$0xFFFFFFF0];
	[tilespmem:v7+s22+$0x0] =	vst.idx.msk $0xffff, v53  }
0x58b: {  	v58 =	vld [tilespmem:s29+$0xFFFFFEF0];
	v56 =	vadd.s32 v14, v27;
	[tilespmem:v12+s22+$0x0] =	vst.idx.msk $0xffff, v51  }
0x58c: {  	v12 =	vor.u32 $0x7, v56;
	v13 =	vld [tilespmem:s30+$0x1E0];
	[tilespmem:v19+s22+$0x0] =	vst.idx.msk $0xffff, v24  }
0x58d: {  	v57 =	vld [tilespmem:s30+$0xFFFFFFE0];
	[tilespmem:v18+s22+$0x0] =	vst.idx.msk $0xffff, v52  }
0x58e: {  	v7 =	vld [tilespmem:s30+$0xFFFFFEE0];
	[tilespmem:v17+s22+$0x0] =	vst.idx.msk $0xffff, v54  }
0x58f: {  	[tilespmem:v10+s22+$0x0] =	vst.idx.msk $0xffff, v55;
	v8 =	vld [tilespmem:s30+$0xE0]  }
0x590: {  	[tilespmem:v6+s22+$0x0] =	vst.idx.msk $0xffff, v58  }
0x591: {  	v62 =	vld [tilespmem:s29+$0xF0];
	v59 =	vadd.s32 v15, v27;
	[tilespmem:v12+s22+$0x0] =	vst.idx.msk $0xffff, v13  }
0x592: {  	v10 =	vor.u32 $0x7, v59;
	v12 =	vld [tilespmem:s30+$0x1F0];
	[tilespmem:v43+s22+$0x0] =	vst.idx.msk $0xffff, v57  }
0x593: {  	v60 =	vor.u32 $0x7, v44;
	v14 =	vld [tilespmem:s30+$0xFFFFFFF0];
	[tilespmem:v39+s22+$0x0] =	vst.idx.msk $0xffff, v7  }
0x594: {  	v61 =	vadd.s32 v15, v38;
	v7 =	vor.u32 $0x3, v41;
	v6 =	vld [tilespmem:s30+$0xFFFFFEF0];
	[tilespmem:v28+s22+$0x0] =	vst.idx.msk $0xffff, v8  }
0x595: {  	[tilespmem:v5+s22+$0x0] =	vst.idx.msk $0xffff, v16;
	v63 =	vor.u32 $0x3, v61;
	v5 =	vld [tilespmem:s30+$0xF0]  }
0x596: {  	[tilespmem:v11+s22+$0x0] =	vst.idx.msk $0xffff, v62  }
0x597: {  	[tilespmem:v10+s22+$0x0] =	vst.idx.msk $0xffff, v12  }
0x598: {  	[tilespmem:v60+s22+$0x0] =	vst.idx.msk $0xffff, v14  }
0x599: {  	[tilespmem:v7+s22+$0x0] =	vst.idx.msk $0xffff, v6  }
0x59a: {  	s8 =	simm.s32 $0x12800;
	[tilespmem:v63+s22+$0x0] =	vst.idx.msk $0xffff, v5  }
0x59b: {  	[hbm4b:s28+s3] =	stream.linear.scatter [tilespmem:s8], [sflag:$0x4], $0x80, $0x38;
	[tilespmem:$0x16C00] =	vst v63  }
0x59c: {  	s9 =	simm.s32 $0x12888;
	s1 =	sadd.s32 $0x10, s28  }
0x59d: {  	[hbm4b:s1+s3] =	stream.linear.scatter [tilespmem:s9], [sflag:$0x4], $0x80, $0x38;
	[tilespmem:$0x16C00] =	vst v63  }
0x59e: {  	s10 =	simm.s32 $0x12910;
	s11 =	sadd.s32 $0x20, s28;
	s13 =	simm.s32 $0x12998  }
0x59f: {  	[hbm4b:s11+s3] =	stream.linear.scatter [tilespmem:s10], [sflag:$0x4], $0x80, $0x38;
	[tilespmem:$0x16C00] =	vst v63  }
0x5a0: {  	s14 =	sadd.s32 $0x30, s28;
	s15 =	simm.s32 $0x12A20;
	s17 =	sadd.s32 $0x40, s28  }
0x5a1: {  	[hbm4b:s14+s3] =	stream.linear.scatter [tilespmem:s13], [sflag:$0x4], $0x80, $0x38;
	[tilespmem:$0x16C00] =	vst v63  }
0x5a2: {  	s25 =	simm.s32 $0x12AA8;
	s31 =	sadd.s32 $0x60, s28;
	s5 =	simm.s32 $0x2200  }
0x5a3: {  	[hbm4b:s17+s3] =	stream.linear.scatter [tilespmem:s15], [sflag:$0x4], $0x80, $0x38;
	[tilespmem:$0x16C00] =	vst v63  }
0x5a4: {  	s7 =	simm.s32 $0x12BB8;
	s29 =	sadd.s32 $0x50, s28;
	s0 =	simm.s32 $0x440  }
0x5a5: {  	[hbm4b:s29+s3] =	stream.linear.scatter [tilespmem:s25], [sflag:$0x4], $0x80, $0x38;
	[tilespmem:$0x16C00] =	vst v63  }
0x5a6: {  	s30 =	simm.s32 $0x12B30;
	s8 =	sadd.s32 $0x70, s28;
	s1 =	sadd.s32 $0x1000, s28  }
0x5a7: {  	[hbm4b:s31+s3] =	stream.linear.scatter [tilespmem:s30], [sflag:$0x4], $0x80, $0x38;
	[tilespmem:$0x16C00] =	vst v63  }
.LBB2_19:
0x5a8: {  	[hbm4b:s8+s3] =	stream.linear.scatter [tilespmem:s7], [sflag:$0x4], $0x80, $0x38;
	[tilespmem:$0x16C00] =	vst v63  }
0x5a9: {  	s7 =	smov.u32 s0;
	s0 =	smov.u32 s5  }
0x5aa: {  	s9 =	sadd.s32 $0x1100, s5;
	s0 =	sshra.s32 s0, $0x2;
	s8 =	sadd.s32 $0x12800, s7  }
0x5ab: {  	[hbm4b:s1+s3] =	stream.linear.scatter [tilespmem:s8], [sflag:$0x4], $0x80, $0x38;
	[tilespmem:$0x16C00] =	vst v63  }
0x5ac: {  	p0 =	sne.s32 s5, $0xFF00;
	s5 =	sadd.s32 $0x12888, s7;
	s8 =	sadd.s32 $0x10, s1  }
0x5ad: {  	[hbm4b:s8+s3] =	stream.linear.scatter [tilespmem:s5], [sflag:$0x4], $0x80, $0x38;
	[tilespmem:$0x16C00] =	vst v63  }
0x5ae: {  	s5 =	sadd.s32 $0x12910, s7;
	s8 =	sadd.s32 $0x20, s1  }
0x5af: {  	[hbm4b:s8+s3] =	stream.linear.scatter [tilespmem:s5], [sflag:$0x4], $0x80, $0x38;
	[tilespmem:$0x16C00] =	vst v63  }
0x5b0: {  	s5 =	sadd.s32 $0x12998, s7;
	s8 =	sadd.s32 $0x30, s1  }
0x5b1: {  	[hbm4b:s8+s3] =	stream.linear.scatter [tilespmem:s5], [sflag:$0x4], $0x80, $0x38;
	[tilespmem:$0x16C00] =	vst v63  }
0x5b2: {  	s5 =	sadd.s32 $0x12A20, s7;
	s8 =	sadd.s32 $0x40, s1  }
0x5b3: {  	[hbm4b:s8+s3] =	stream.linear.scatter [tilespmem:s5], [sflag:$0x4], $0x80, $0x38;
	[tilespmem:$0x16C00] =	vst v63  }
.Ltmp8:
0x5b4: {  	s5 =	sadd.s32 $0x12AA8, s7;
	s8 =	sadd.s32 $0x50, s1;
	(pc) =	sbr.rel @p0 .LBB2_19-.Ltmp8, $4  }
0x5b5: {  	[hbm4b:s8+s3] =	stream.linear.scatter [tilespmem:s5], [sflag:$0x4], $0x80, $0x38;
	[tilespmem:$0x16C00] =	vst v63  }
0x5b6: {  	s5 =	sadd.s32 $0x12B30, s7;
	s8 =	sadd.s32 $0x60, s1;
	s7 =	sadd.s32 $0x12BB8, s7  }
0x5b7: {  	[hbm4b:s8+s3] =	stream.linear.scatter [tilespmem:s5], [sflag:$0x4], $0x80, $0x38;
	[tilespmem:$0x16C00] =	vst v63  }
0x5b8: {  	s8 =	sadd.s32 $0x70, s1;
	s1 =	sadd.s32 $0x1000, s1;
	s5 =	smov.u32 s9  }
0x5b9: {  	[hbm4b:s8+s3] =	stream.linear.scatter [tilespmem:s7], [sflag:$0x4], $0x80, $0x38;
	[tilespmem:$0x16C00] =	vst v63  }
0x5ba: {  	s5 =	sadd.s32 $0x12800, s0  }
0x5bb: {  	[hbm4b:s1+s3] =	stream.linear.scatter [tilespmem:s5], [sflag:$0x4], $0x80, $0x38;
	[tilespmem:$0x16C00] =	vst v63  }
0x5bc: {  	s7 =	sadd.s32 $0x12888, s0;
	s8 =	sadd.s32 $0x10, s1  }
0x5bd: {  	[hbm4b:s8+s3] =	stream.linear.scatter [tilespmem:s7], [sflag:$0x4], $0x80, $0x38;
	[tilespmem:$0x16C00] =	vst v63  }
0x5be: {  	s9 =	sadd.s32 $0x12910, s0;
	s10 =	sadd.s32 $0x20, s1  }
0x5bf: {  	[hbm4b:s10+s3] =	stream.linear.scatter [tilespmem:s9], [sflag:$0x4], $0x80, $0x38;
	[tilespmem:$0x16C00] =	vst v63  }
0x5c0: {  	s11 =	sadd.s32 $0x12998, s0;
	s13 =	sadd.s32 $0x30, s1  }
0x5c1: {  	[hbm4b:s13+s3] =	stream.linear.scatter [tilespmem:s11], [sflag:$0x4], $0x80, $0x38;
	[tilespmem:$0x16C00] =	vst v63  }
0x5c2: {  	s14 =	sadd.s32 $0x12A20, s0;
	s15 =	sadd.s32 $0x40, s1;
	s26 =	sadd.s32 $0x1, s26  }
0x5c3: {  	[hbm4b:s15+s3] =	stream.linear.scatter [tilespmem:s14], [sflag:$0x4], $0x80, $0x38;
	[tilespmem:$0x16C00] =	vst v63  }
0x5c4: {  	s17 =	sadd.s32 $0x12AA8, s0;
	s25 =	sadd.s32 $0x50, s1;
	p0 =	sne.s32 s26, $0x32  }
0x5c5: {  	[hbm4b:s25+s3] =	stream.linear.scatter [tilespmem:s17], [sflag:$0x4], $0x80, $0x38;
	[tilespmem:$0x16C00] =	vst v63  }
.Ltmp9:
0x5c6: {  	_ = 	snop;
	(pc) =	sbr.rel @p0 .LBB2_12-.Ltmp9, $4  }
0x5c7: {  	s28 =	sadd.s32 $0x12B30, s0;
	s29 =	sadd.s32 $0x60, s1  }
0x5c8: {  	[hbm4b:s29+s3] =	stream.linear.scatter [tilespmem:s28], [sflag:$0x4], $0x80, $0x38;
	[tilespmem:$0x16C00] =	vst v63  }
0x5c9: {  	s30 =	sadd.s32 $0x12BB8, s0;
	s31 =	sadd.s32 $0x70, s1  }
0x5ca: {  	[hbm4b:s31+s3] =	stream.linear.scatter [tilespmem:s30], [sflag:$0x4], $0x80, $0x38;
	[tilespmem:$0x16C00] =	vst v63  }
0x5cb: {  	_ =	swait.ge [sflag:s23], $0x4000  }
0x5cc: {  	[sflag:s23] =	ssyncset.done $0x0  }
0x5cd: {  	[sflag:s23] =	ssyncadd.s32 $0xFFFFC000  }
0x5ce: {  	_ =	swait.ge [sflag:s24], $0x4000  }
0x5cf: {  	s1 =	rddreg [dreg:$0x7]  }
0x5d0: {  	s0 =	rddreg [dreg:$0x6];
	s1 =	sadd.s32 $0x1, s1  }
0x5d1: {  	p0 =	sne.s32 s1, s0  }
.Ltmp10:
0x5d2: {  	_ = 	snop;
	(pc) =	sbr.rel @p0 .LBB2_1-.Ltmp10, $3  }
0x5d3: {  	_ =	sdelay $0x1  }
0x5d4: {  	[sflag:s24] =	ssyncset.done $0x0  }
0x5d5: {  	[sflag:s24] =	ssyncadd.s32 $0xFFFFC000  }
0x5d6: {  	_ =	sfence.sel $0x180000  }
0x5d7: {  	[bflag:$0x0] =	sbarrier.arrive $0xFFFF  }
0x5d8: {  	_ =	strace $0x9000004A  }
0x5d9: {  	s0 =	stileid.u32;
	[bflag:$0x2] =	sbarrier.arrive $0xFFFF  }
0x5da: {  	p0 =	sne.s32 s0, $0x0;
	s0 =	rddreg [dreg:$0x2]  }
0x5db: {  	s0 =	sadd.s32 @!p0 $0x100000, s0  }
0x5dc: {  	[sflag:s0] =	ssyncadd.tile.s32 @!p0 $0x1;
	_ =	shalt  }
.Lfunc_end2:
_tile_overlayer_lowered:
.L_overlay_start_2:
0x5dd: {  	(tag) =	ssettag $0x2  }
0x5de: {  	s0 =	rddreg [dreg:$0x0];
	s2 =	stileid.u32  }
0x5df: {  	s1 =	rddreg [dreg:$0x1];
	p0 =	sne.s32 s2, $0x0  }
0x5e0: {  	s3 =	rddreg [dreg:$0x2];
	[bflag:$0x3] =	sbarrier.arrive $0xFFFF;
	s2 =	simm.s32 @!p0 $0x1C05  }
0x5e1: {  	[timem:s3], [sflag:s2] =	dma.local @!p0 [hbm:s0], s1  }
0x5e2: {  	s0 =	simm.s32 @!p0 $0x5  }
0x5e3: {  	_ =	swait.ge @!p0 [sflag:s0], s1  }
0x5e4: {  	s1 =	ssub.s32 @!p0 $0x0, s1;
	[sflag:s0] =	ssyncset.done @!p0 $0x0  }
0x5e5: {  	[sflag:s0] =	ssyncadd.s32 @!p0 s1  }
0x5e6: {  	[bflag:$0x3] =	sbarrier.arrive $0xFFFF  }
0x5e7: {  	_ =	shalt  }

// kernel: sparse-core-data-format-call.cloned.1.call-start
scs
called_computation_lowered:
.L_overlay_start_0:
0x0: {  	s2 =	sld [smem:$0x3FD9]  }
0x1: {  	s3 =	sld [smem:$0x3FFE];
	_ =	sdelay $0x1  }
0x2: {  	s1 =	srdreg.scid  }
0x3: {  	s0 =	sand.u32 $0x1, s1  }
0x4: {  	s18 =	sshll.u32 s0, $0xA;
	s2 =	sadd.s32 s3, s2  }
0x5: {  	s2 =	sadd.s32 s2, s18  }
0x6: {  	[smem:$0x3FC6] =	sst s2  }
0x7: {  	_ = 	snop  }
0x8: {  	s2 =	sld [smem:$0x3FC8];
	(tm) =	ssettm $0x1  }
0x9: {  	s19 =	sld [smem:$0x3FFB];
	_ =	sdelay $0x3  }
0xa: {  	_ =	strace s19  }
0xb: {  	s3 =	sld [smem:$0x3FFC];
	_ =	sdelay $0x3  }
0xc: {  	_ =	strace s3  }
0xd: {  	s3 =	sld [smem:$0x3FFD];
	_ =	sdelay $0x3  }
0xe: {  	_ =	strace s3  }
0xf: {  	_ =	strace $0x8FFFFFFF  }
0x10: {  	s20 =	sld [smem:$0x3FDB];
	_ =	sdelay $0x1  }
0x11: {  	s4 =	simm.s32 $_scs_section_size  }
0x12: {  	s5 =	simm.s32 $_size__tile_overlayer_lowered;
	s6 =	simm.s32 $_tile_overlayer_lowered  }
0x13: {  	s23 =	simm.s32 $0x1BFF;
	s22 =	sshll.u32 s6, $0x1;
	s3 =	sadd.s32 s4, s20  }
0x14: {  	s7 =	simm.s32 $0x0;
	s21 =	sshll.u32 s5, $0x1;
	s5 =	sadd.s32 s22, s3  }
0x15: {  	[timem:s7], [sflag:s23] =	dma.local [hbm:s5], s21  }
0x16: {  	_ =	swait.ge [sflag:s23], s21  }
0x17: {  	s4 =	ssub.s32 $0x0, s21;
	[sflag:s23] =	ssyncset.done $0x0  }
0x18: {  	[sflag:s23] =	ssyncadd.s32 s4;
	_ =	sdelay $0x1  }
0x19: {  	s24 =	simm.s32 $0x1B8B  }
0x1a: {  	_ =	swait.ge [sflag:s24], $0x1  }
0x1b: {  	[sflag:s24] =	ssyncset.done $0x0  }
0x1c: {  	s26 =	simm.s32 $0x1B8E;
	s25 =	sld [smem:$0x3FFE];
	[sflag:s24] =	ssyncadd.s32 $0xFFFFFFFF  }
0x1d: {  	s27 =	simm.s32 $execute0_lowered;
	[smem:$0x3FD2] =	sst s26  }
0x1e: {  	s5 =	sshll.u32 s27, $0x1;
	_ =	strace $0x80000046;
	[dreg:$0x1] =	wrdreg $0xFFFFFFFF  }
0x1f: {  	s28 =	simm.s32 $_size_execute0_lowered;
	s3 =	sadd.s32 s3, s5;
	[dreg:$0x0] =	wrdreg $0x0  }
0x20: {  	s5 =	sshll.u32 s28, $0x1;
	[dreg:$0x2] =	wrdreg s3  }
0x21: {  	[dreg:$0x3] =	wrdreg s5  }
0x22: {  	[dreg:$0x4] =	wrdreg $0xC0  }
0x23: {  	_ =	task [dreg:s7], $0x5FFFF  }
0x24: {  	[dreg:$0x1] =	wrdreg $0xFFFFFFFF  }
0x25: {  	[dreg:$0x0] =	wrdreg $0x60  }
0x26: {  	[dreg:$0x2] =	wrdreg s2  }
0x27: {  	[dreg:$0x3] =	wrdreg s25  }
0x28: {  	[dreg:$0x4] =	wrdreg $0x9  }
0x29: {  	_ =	task.clear_ibuf [dreg:s7], $0x5FFFF;
	_ =	strace $0x90000046  }
0x2a: {  	s29 =	simm.s32 $0x9;
	_ =	strace $0x80000048  }
0x2b: {  	_ =	swait.ge [sflag:s29], $0x1  }
0x2c: {  	[sflag:s29] =	ssyncadd.s32 $0xFFFFFFFF  }
0x2d: {  	_ =	strace $0x90000048  }
0x2e: {  	_ =	sfence  }
0x2f: {  	s30 =	sld [smem:$0x0];
	_ =	sdelay $0x2  }
0x30: {  	s31 =	sshll.u32 s1, $0xD;
	s1 =	sshrl.u32 s1, $0x2  }
0x31: {  	s3 =	sand.u32 $0x4000, s31;
	s1 =	sadd.s32 s1, s30  }
0x32: {  	s0 =	sor.u32 s3, s0;
	s1 =	sshll.u32 s1, $0x11  }
0x33: {  	s0 =	sor.u32 s1, s0  }
0x34: {  	s0 =	sadd.s32 $0x8F2B, s0  }
0x35: {  	[sflag:s0] =	ssyncadd.remote.s32 $0x1  }
0x36: {  	_ =	sfence.sel $0xFFFF  }
0x37: {  	[dreg:$0x0] =	wrdreg $0xFFFFFFFF;
	(pc) =	sbr.abs _section_cstart, $3  }
0x38: {  	[dreg:$0x1] =	wrdreg $0xFFFFFFFF  }
0x39: {  	_ =	task.clear_ibuf [dreg:s7], $0x2FFFF;
	_ =	strace $0x9FFFFFFF  }
0x3a: {  	(tm) =	ssettm $0x7FFFFFFF  }
0x3b: {  	_ =	shalt  }
tec
execute0_lowered:
.L_overlay_start_1:
0x0: {  	(tag) =	ssettag $0x1  }
0x1: {  	s0 =	srdreg.scid;
	s2 =	rddreg [dreg:$0x0]  }
0x2: {  	s5 =	rddreg [dreg:$0x1];
	s1 =	stileid.u32  }
0x3: {  	s4 =	simm.s32 $0x1;
	s6 =	simm.s32 $0x2;
	s15 =	simm.s32 $0x0  }
0x4: {  	p0 =	por $0x0, $0x0;
	s8 =	simm.s32 $0x80;
	s0 =	sshll.u32 s0, $0x4  }
0x5: {  	s14 =	simm.s32 $0x0;
	s9 =	simm.s32 $0x0;
	s3 =	sand.u32 $0x10, s0  }
.Ltmp0:
0x6: {  	s10 =	simm.s32 $0x0;
	s3 =	sor.u32 s1, s3;
	(pc) =	sbr.rel .LBB1_1-.Ltmp0, $4  }
0x7: {  	s0 =	rddreg [dreg:$0x2];
	_ =	strace $0x80000047;
	s3 =	sshll.u32 s3, $0x7  }
0x8: {  	s12 =	simm.s32 $0x0;
	[sflag:s4] =	ssyncpa.u1 $0x0;
	s7 =	ssub.s32 $0xF4200, s3  }
0x9: {  	s13 =	simm.s32 $0x0;
	[sflag:s6] =	ssyncpa.u1 $0x0;
	s6 =	sshrl.u32 s7, $0xC  }
0xa: {  	s5 =	sadd.s32 $0xA00, s5;
	s11 =	smov.u32 s3;
	s7 =	sadd.s32 $0x2, s6  }
.LBB1_5:
0xb: {  	p1 =	slt.u32 s13, $0x2  }
0xc: {  	s17 =	smov.u32 s15;
	p2 =	sgt.s32 @!p1 s15, $0xF41C0;
	s16 =	sshra.s32 @!p1 s15, $0x1F  }
0xd: {  	p3 =	sgt.s32 @!p1 s14, $0x40;
	s18 =	sshra.s32 @!p1 s14, $0x1F;
	p2 =	por !p2, p1  }
0xe: {  	s15 =	sand.u32 @!p1 s16, s15;
	p3 =	por !p3, p1;
	s16 =	smov.u32 s14  }
0xf: {  	s14 =	sand.u32 @!p1 s18, s14;
	s17 =	simm.s32 @p2 $0xF41C0;
	s16 =	simm.s32 @p3 $0x40  }
0x10: {  	s15 =	ssub.s32 @!p1 s17, s15;
	s14 =	ssub.s32 @!p1 s16, s14  }
0x11: {  	s18 =	smov.u32 s12;
	s16 =	sadd.s32 @!p1 $0xFFF0BE40, s15;
	s17 =	sadd.s32 @!p1 $0xFFFFFFC0, s14  }
0x12: {  	s15 =	ssub.s32 @!p1 $0xF4240, s15;
	p2 =	sgt.s32 @!p1 s16, $0x7F;
	p3 =	sgt.s32 @!p1 s17, $0x3F  }
0x13: {  	s14 =	ssub.s32 @!p1 $0x80, s14;
	p2 =	por !p2, p1;
	p3 =	por !p3, p1  }
0x14: {  	s16 =	sadd.s32 $0x1000, s11;
	s15 =	simm.s32 @!p2 $0x0;
	s14 =	simm.s32 @!p3 $0x0  }
0x15: {  	p2 =	sgt.s32 s16, $0xF423F;
	s14 =	smul.u32 @!p1 s14, s15;
	s15 =	sadd.s32 $0x40, s12  }
0x16: {  	s18 =	smov.u32 @p2 s15  }
0x17: {  	s16 =	smov.u32 @p2 s3;
	p2 =	sgt.s32 s18, $0x3F  }
0x18: {  	s18 =	simm.s32 @p2 $0x0;
	p2 =	sne.s32 s13, s7  }
.Ltmp1:
0x19: {  	p0 =	por !p0, !p0;
	s17 =	simm.s32 @!p1 $0x2;
	(pc) =	sbr.rel @!p2 .LBB1_6-.Ltmp1, $4  }
0x1a: {  	s15 =	smov.u32 s9;
	s9 =	smov.u32 s11;
	s14 =	sand.u32 @!p1 $0x3FFFFFFF, s14  }
0x1b: {  	s11 =	smov.u32 s16;
	_ =	swait.ge @!p1 [sflag:s17], s14;
	s19 =	ssub.s32 @!p1 $0x0, s14  }
0x1c: {  	s14 =	smov.u32 s10;
	s13 =	sadd.s32 $0x1, s13;
	[sflag:s17] =	ssyncset.done @!p1 $0x0  }
0x1d: {  	s10 =	smov.u32 s12;
	s12 =	smov.u32 s18;
	[sflag:s17] =	ssyncadd.s32 @!p1 s19  }
.LBB1_1:
0x1e: {  	p1 =	sgt.u32 s13, s6  }
0x1f: {  	s16 =	sshrl.u32 @!p1 s12, $0x3  }
0x20: {  	s17 =	sshll.u32 @!p1 s11, $0x3;
	s16 =	smul.u32 @!p1 $0x7A1400, s16  }
0x21: {  	s18 =	sshll.u32 @!p1 s12, $0x7;
	s17 =	sand.u32 @!p1 $0xFFFFFC00, s17  }
0x22: {  	s16 =	sadd.s32 @!p1 s16, s17;
	s17 =	sand.u32 @!p1 $0x380, s18  }
0x23: {  	s18 =	sand.u32 @!p1 $0x7F, s11;
	s16 =	sor.u32 @!p1 s17, s16  }
0x24: {  	s17 =	sor.u32 @!p1 s18, s16  }
0x25: {  	s18 =	smulhi.u32 @!p1 $0x218D6287, s17;
	_ =	sdelay $0x1  }
0x26: {  	s16 =	smulhi.u32 @!p1 $0x218D6287, s16;
	s18 =	sshrl.u32 @!p1 s18, $0x11  }
0x27: {  	s18 =	smul.u32 @!p1 $0xF4280, s18  }
0x28: {  	s19 =	sxor.u32 @!p1 $0xFFFFFFFF, s13;
	s16 =	sshrl.u32 @!p1 s16, $0x11  }
0x29: {  	s19 =	sshll.u32 @!p1 s19, $0xD;
	s16 =	sand.u32 @!p1 $0x3F, s16;
	s17 =	ssub.s32 @!p1 s17, s18  }
0x2a: {  	s16 =	smul.u32 @!p1 $0x1E850, s16;
	s18 =	sshrl.u32 @!p1 s17, $0x3;
	s17 =	sand.u32 @!p1 $0x7, s17  }
0x2b: {  	s19 =	sand.u32 @!p1 $0x2000, s19;
	s18 =	sadd.s32 @!p1 s2, s18;
	s17 =	sshll.u32 @!p1 s17, $0x12  }
0x2c: {  	s16 =	sadd.s32 @!p1 s16, s18;
	s17 =	sor.u32 @!p1 $0x400, s17;
	s18 =	simm.s32 @!p1 $0x7A1400  }
0x2d: {  	[tilespmem:s19], [sflag:$0x1] =	stream.strided.gather @!p1 [hbm4b:s16+s17], $0x2000, s18, s17, $0x38;
	[tilespmem:$0x8100] =	vst v63  }
0x2e: {  	p1 =	seq.s32 s13, $0x0  }
0x2f: {  	p2 =	sge.u32 @!p1 s13, s7  }
0x30: {  	p1 =	por p1, p2  }
.Ltmp2:
0x31: {  	_ = 	snop;
	(pc) =	sbr.rel @p1 .LBB1_5-.Ltmp2, $1  }
0x32: {  	_ =	sdelay $0x3  }
0x33: {  	s16 =	simm.s32 $0x1  }
0x34: {  	_ =	swait.ge [sflag:s4], $0x2000;
	s16 =	simm.s32 @!p0 $0x0  }
0x35: {  	[sflag:s4] =	ssyncset.done $0x0;
	s17 =	sshll.u32 s16, $0xD  }
0x36: {  	[sflag:s4] =	ssyncadd.s32 $0xFFFFE000;
	s17 =	sor.u32 $0x40, s17  }
0x37: {  	s16 =	smul.u32 $0x8200, s16;
	v0 =	vld [tilespmem:s17+$0x30]  }
0x38: {  	v1 =	vld [tilespmem:s17+$0xFFFFFFD0]  }
0x39: {  	s16 =	sshrl.u32 s16, $0x2;
	v5 =	vld [tilespmem:s17+$0xFFFFFFE0]  }
0x3a: {  	v6 =	vld [tilespmem:s17+$0xFFFFFFF0];
	s19 =	sor.u32 $0x4000, s16  }
0x3b: {  	s31 =	sand.u32 $0x1, s13;
	v4 =	vld [tilespmem:s17+$0x0];
	s18 =	sadd.s32 $0x0, s19  }
0x3c: {  	v3 =	vld [tilespmem:s17+$0x10];
	s16 =	smul.u32 $0x8200, s31;
	[tilespmem:s18+$0x1C70 ss:$0x41] =	vst.msk $0xffff, v0  }
0x3d: {  	v2 =	vld [tilespmem:s17+$0x20];
	[tilespmem:s18+$0x410 ss:$0x41] =	vst.msk $0xffff, v1  }
0x3e: {  	s16 =	sshrl.u32 s16, $0x2;
	v1 =	vld [tilespmem:s17+$0xFFFFFFC0];
	[tilespmem:s18+$0x820 ss:$0x41] =	vst.msk $0xffff, v5;
	s17 =	sadd.s32 $0x80, s17  }
0x3f: {  	s20 =	simm.s32 $0x4;
	s21 =	simm.s32 $0x8;
	s16 =	sor.u32 $0x4000, s16;
	[tilespmem:s18+$0xC30 ss:$0x41] =	vst.msk $0xffff, v6;
	v0 =	vld [tilespmem:s17+$0x30]  }
.LBB1_3:
0x40: {  	p1 =	sne.s32 s21, $0xFC;
	v5 =	vld [tilespmem:s17+$0xFFFFFFD0];
	[tilespmem:s18+$0x1040 ss:$0x41] =	vst.msk $0xffff, v4  }
0x41: {  	v6 =	vld [tilespmem:s17+$0xFFFFFFE0];
	[tilespmem:s18+$0x1450 ss:$0x41] =	vst.msk $0xffff, v3  }
0x42: {  	s22 =	sshra.s32 s20, $0x2;
	s20 =	smov.u32 s21;
	v7 =	vld [tilespmem:s17+$0xFFFFFFF0];
	[tilespmem:s18+$0x1860 ss:$0x41] =	vst.msk $0xffff, v2  }
.Ltmp3:
0x43: {  	v4 =	vld [tilespmem:s17+$0x0];
	[tilespmem:s18+$0x0 ss:$0x41] =	vst.msk $0xffff, v1;
	s18 =	sadd.s32 s22, s19;
	(pc) =	sbr.rel @p1 .LBB1_3-.Ltmp3, $4  }
0x44: {  	v3 =	vld [tilespmem:s17+$0x10];
	[tilespmem:s18+$0x1C70 ss:$0x41] =	vst.msk $0xffff, v0  }
0x45: {  	[tilespmem:s18+$0x410 ss:$0x41] =	vst.msk $0xffff, v5;
	v2 =	vld [tilespmem:s17+$0x20]  }
0x46: {  	v1 =	vld [tilespmem:s17+$0xFFFFFFC0];
	[tilespmem:s18+$0x820 ss:$0x41] =	vst.msk $0xffff, v6;
	s17 =	sadd.s32 $0x80, s17  }
0x47: {  	s21 =	sadd.s32 $0x4, s21;
	v0 =	vld [tilespmem:s17+$0x30];
	[tilespmem:s18+$0xC30 ss:$0x41] =	vst.msk $0xffff, v7  }
0x48: {  	s21 =	sshll.u32 s9, $0x7;
	s22 =	sshll.u32 s10, $0x3;
	s20 =	sshra.s32 s20, $0x2  }
0x49: {  	p1 =	sgt.s32 s9, $0xF41C0;
	s30 =	sshra.s32 s9, $0x1F;
	s25 =	sshra.s32 s10, $0x1F  }
0x4a: {  	v5 =	vld [tilespmem:s17+$0xFFFFFFD0];
	s28 =	sshrl.u32 s10, $0x3;
	s23 =	sand.u32 $0xFFFFFC00, s21;
	s22 =	sand.u32 $0xFFFFFC00, s22  }
0x4b: {  	[tilespmem:s18+$0x1040 ss:$0x41] =	vst.msk $0xffff, v4;
	v58 =	vld [tilespmem:s17+$0xFFFFFFE0];
	s21 =	sand.u32 $0x380, s21;
	s19 =	sadd.s32 s20, s19;
	s22 =	sadd.s32 s22, s23  }
0x4c: {  	v59 =	vld [tilespmem:s17+$0xFFFFFFF0];
	[tilespmem:s18+$0x1450 ss:$0x41] =	vst.msk $0xffff, v3;
	s29 =	sor.u32 s21, s22;
	s21 =	smov.u32 s9;
	s22 =	sand.u32 s30, s9  }
0x4d: {  	v60 =	vld [tilespmem:s17+$0x0];
	[tilespmem:s18+$0x1860 ss:$0x41] =	vst.msk $0xffff, v2;
	s30 =	sand.u32 $0x7, s10;
	s20 =	sshrl.u32 s29, $0x7;
	s21 =	simm.s32 @!p1 $0xF41C0  }
0x4e: {  	v61 =	vld [tilespmem:s17+$0x10];
	[tilespmem:s18+$0x0 ss:$0x41] =	vst.msk $0xffff, v1;
	p1 =	sgt.s32 s10, $0x40;
	s24 =	ssub.s32 s21, s22;
	s21 =	smov.u32 s10  }
0x4f: {  	v62 =	vld [tilespmem:s17+$0x20];
	[tilespmem:s19+$0x1C70 ss:$0x41] =	vst.msk $0xffff, v0;
	s31 =	smulhi.u32 $0x218DEF5, s20;
	s22 =	sand.u32 s25, s10;
	s21 =	simm.s32 @!p1 $0x40  }
0x50: {  	v63 =	vld [tilespmem:s17+$0xFFFFFFC0];
	[tilespmem:s19+$0x410 ss:$0x41] =	vst.msk $0xffff, v5;
	s26 =	sadd.s32 $0xFFF0BE40, s24;
	s17 =	ssub.s32 $0xF4240, s24;
	s21 =	ssub.s32 s21, s22  }
0x51: {  	[tilespmem:s19+$0x820 ss:$0x41] =	vst.msk $0xffff, v58;
	s23 =	sshrl.u32 s31, $0xD;
	p1 =	sgt.s32 s26, $0x7F;
	s27 =	sadd.s32 $0xFFFFFFC0, s21  }
0x52: {  	[tilespmem:s19+$0xC30 ss:$0x41] =	vst.msk $0xffff, v59;
	s23 =	smul.u32 $0xF4240, s23;
	s18 =	ssub.s32 $0x80, s21;
	p2 =	sgt.s32 s27, $0x3F  }
.Ltmp4:
0x53: {  	[tilespmem:s19+$0x1040 ss:$0x41] =	vst.msk $0xffff, v60;
	s17 =	simm.s32 @p1 $0x0;
	s18 =	simm.s32 @p2 $0x0;
	(pc) =	sbr.rel .LBB1_5-.Ltmp4, $4  }
0x54: {  	s29 =	sand.u32 $0xF, s28;
	[tilespmem:s19+$0x1450 ss:$0x41] =	vst.msk $0xffff, v61;
	s20 =	ssub.s32 s20, s23;
	s17 =	smul.u32 s18, s17  }
0x55: {  	[tilespmem:s19+$0x1860 ss:$0x41] =	vst.msk $0xffff, v62;
	s21 =	sshll.u32 s30, $0x12;
	s20 =	sshll.u32 s20, $0x4;
	s18 =	sadd.s32 s5, s29  }
0x56: {  	[tilespmem:s19+$0x0 ss:$0x41] =	vst.msk $0xffff, v63;
	s31 =	sor.u32 $0x40, s21;
	s18 =	sadd.s32 s20, s18;
	s17 =	sand.u32 $0x3FFFFFFF, s17  }
0x57: {  	[hbm4b:s18+s31] =	stream.strided.scatter [tilespmem:s16], [sflag:$0x2], s17, s8, s31, $0x18;
	[tilespmem:$0x8100] =	vst v63  }
.LBB1_6:
0x58: {  	_ =	sfence.sel $0x180000  }
0x59: {  	s2 =	simm.s32 $0x1;
	[bflag:$0x0] =	sbarrier.arrive $0xFFFF  }
0x5a: {  	s31 =	simm.s32 $0x2;
	[sflag:s2] =	ssyncpa.u1 $0x1  }
0x5b: {  	[sflag:s31] =	ssyncpa.u1 $0x1  }
0x5c: {  	p0 =	sne.s32 s1, $0x0;
	_ =	strace $0x90000047  }
0x5d: {  	s0 =	sadd.s32 @!p0 $0x100000, s0;
	[bflag:$0x2] =	sbarrier.arrive $0xFFFF  }
0x5e: {  	[sflag:s0] =	ssyncadd.tile.s32 @!p0 $0x1;
	_ =	shalt  }
.Lfunc_end1:
_tile_overlayer_lowered:
.L_overlay_start_2:
0x5f: {  	(tag) =	ssettag $0x2  }
0x60: {  	s0 =	rddreg [dreg:$0x0];
	s2 =	stileid.u32  }
0x61: {  	s1 =	rddreg [dreg:$0x1];
	p0 =	sne.s32 s2, $0x0  }
0x62: {  	s3 =	rddreg [dreg:$0x2];
	[bflag:$0x3] =	sbarrier.arrive $0xFFFF;
	s2 =	simm.s32 @!p0 $0x1C01  }
0x63: {  	[timem:s3], [sflag:s2] =	dma.local @!p0 [hbm:s0], s1  }
0x64: {  	s0 =	simm.s32 @!p0 $0x1  }
0x65: {  	_ =	swait.ge @!p0 [sflag:s0], s1  }
0x66: {  	s1 =	ssub.s32 @!p0 $0x0, s1;
	[sflag:s0] =	ssyncset.done @!p0 $0x0  }
0x67: {  	[sflag:s0] =	ssyncadd.s32 @!p0 s1  }
0x68: {  	[bflag:$0x3] =	sbarrier.arrive $0xFFFF  }
0x69: {  	_ =	shalt  }

</sc_bundles>
